<compile_context>
chip_gen: v7x
topology: tpu7x:2x2x1
jax: 0.10.2.dev20260603
libtpu: 0.0.44.dev20260713+nightly
codegen_flags: <defaults>
</compile_context>

<pallas_src>
import jax
import jax.numpy as jnp
from jax import lax
from jax.experimental import pallas as pl
from jax.experimental.pallas import tpu as pltpu
from jax.experimental.pallas import tpu_sc as plsc

N = 10000
E = 320000
D_SENT = 768
HID = 128
NCORES = 2
NSUB = 16
NTILES = NCORES * NSUB
EPT = E // NTILES
BATCH = 128
CH = 4
NB = 80
PAD = NB * BATCH - EPT
ROWS_PT = N // NSUB
NS = 10112
S_PT = NS // NSUB
BN = 1000


def _sc_edge_body(h_hbm, asrc_hbm, adst_hbm, srcp_hbm, dstp_hbm,
                  out_hbm, s_hbm,
                  srcw, dstw, rowbuf, exbuf, asw, adw, acc_sh, s_sh,
                  sem, sem2):
    cid = lax.axis_index("c")
    sid = lax.axis_index("s")
    wid = cid * NSUB + sid

    z16 = jnp.zeros((16,), jnp.float32)
    lane = lax.iota(jnp.int32, 16)

    def _zrow(r, c2):
        for c in range(HID // 16):
            rowbuf[r, pl.ds(c * 16, 16)] = z16
        return c2
    lax.fori_loop(0, BATCH, _zrow, 0)
    for c in range(BATCH // 16):
        exbuf[pl.ds(c * 16, 16)] = z16
    base = sid * ROWS_PT
    off = 0
    for sz in (128, 128, 128, 128, ROWS_PT - 512):
        pltpu.sync_copy(rowbuf.at[pl.ds(0, sz)],
                        acc_sh.at[pl.ds(base + off, sz)])
        off += sz
    sbase = sid * S_PT
    soff = 0
    for sz in (128, 128, 128, 128, S_PT - 512):
        pltpu.sync_copy(exbuf.at[pl.ds(0, sz)],
                        s_sh.at[pl.ds(sbase + soff, sz)])
        soff += sz
    plsc.subcore_barrier()

    def _window(w, c1):
        pltpu.sync_copy(srcp_hbm.at[wid, pl.ds(w * CH, CH)], srcw)
        pltpu.sync_copy(dstp_hbm.at[wid, pl.ds(w * CH, CH)], dstw)

        def _batch(jj, c2):
            j = w * CH + jj
            cp1 = pltpu.async_copy(h_hbm.at[srcw.at[jj]], rowbuf, sem)
            cp2 = pltpu.async_copy(asrc_hbm.at[srcw.at[jj]], asw, sem2)
            cp3 = pltpu.async_copy(adst_hbm.at[dstw.at[jj]], adw, sem2)
            cp2.wait()
            cp3.wait()
            exs = []
            for k in range(BATCH // 16):
                e = asw[pl.ds(k * 16, 16)] + adw[pl.ds(k * 16, 16)]
                e = jnp.maximum(e, jnp.full((16,), 0.2, jnp.float32) * e)
                ex = jnp.exp(e)
                valid = (jnp.full((16,), 0, jnp.int32) + j * BATCH
                         + k * 16 + lane) < EPT
                ex = jnp.where(valid, ex, z16)
                exbuf[pl.ds(k * 16, 16)] = ex
                exs.append(ex)
            cp1.wait()
            for k in range(BATCH // 16):
                exk = exs[k]

                def _row(l, c3, exk=exk, k=k):
                    r = k * 16 + l
                    spl = jnp.take_along_axis(
                        exk, jnp.full((16,), l, jnp.int32), axis=0,
                        mode="promise_in_bounds")
                    for c in range(HID // 16):
                        rowbuf[r, pl.ds(c * 16, 16)] = (
                            rowbuf[r, pl.ds(c * 16, 16)] * spl)
                    return c3
                lax.fori_loop(0, 16, _row, 0)
            pltpu.sync_copy(rowbuf, acc_sh.at[dstw.at[jj]], add=True)
            pltpu.sync_copy(exbuf, s_sh.at[dstw.at[jj]], add=True)
            return c2
        lax.fori_loop(0, CH, _batch, 0)
        return c1
    lax.fori_loop(0, NB // CH, _window, 0)

    plsc.subcore_barrier()
    pltpu.sync_copy(acc_sh.at[pl.ds(base, ROWS_PT)],
                    out_hbm.at[cid, pl.ds(base, ROWS_PT)])
    pltpu.sync_copy(s_sh.at[pl.ds(sbase, S_PT)],
                    s_hbm.at[cid, pl.ds(sbase, S_PT)])


_sc_edge = pl.kernel(
    _sc_edge_body,
    out_type=[jax.ShapeDtypeStruct((NCORES, N, HID), jnp.float32),
              jax.ShapeDtypeStruct((NCORES, NS), jnp.float32)],
    mesh=plsc.VectorSubcoreMesh(core_axis_name="c", subcore_axis_name="s"),
    scratch_types=[
        pltpu.VMEM((CH, BATCH), jnp.int32),
        pltpu.VMEM((CH, BATCH), jnp.int32),
        pltpu.VMEM((BATCH, HID), jnp.float32),
        pltpu.VMEM((BATCH,), jnp.float32),
        pltpu.VMEM((BATCH,), jnp.float32),
        pltpu.VMEM((BATCH,), jnp.float32),
        pltpu.VMEM_SHARED((N, HID), jnp.float32),
        pltpu.VMEM_SHARED((NS,), jnp.float32),
        pltpu.SemaphoreType.DMA,
        pltpu.SemaphoreType.DMA,
    ],
    compiler_params=pltpu.CompilerParams(use_tc_tiling_on_sc=False),
)


def _tc1_body(x_ref, sent_ref, w1_ref, as_w_ref, ad_w_ref,
              h_ref, as_ref, ad_ref):
    w1 = w1_ref[...]
    c1 = jnp.dot(sent_ref[...], w1[D_SENT:], preferred_element_type=jnp.float32)
    h = jnp.dot(x_ref[...], w1[:D_SENT], preferred_element_type=jnp.float32) + c1
    h_ref[...] = h
    as_ref[...] = jnp.dot(h, as_w_ref[...], preferred_element_type=jnp.float32)
    ad_ref[...] = jnp.dot(h, ad_w_ref[...], preferred_element_type=jnp.float32)


_tc1 = pl.pallas_call(
    _tc1_body,
    grid=(N // BN,),
    in_specs=[
        pl.BlockSpec((BN, D_SENT), lambda i: (i, 0)),
        pl.BlockSpec((1, D_SENT), lambda i: (0, 0)),
        pl.BlockSpec((2 * D_SENT, HID), lambda i: (0, 0)),
        pl.BlockSpec((HID, 1), lambda i: (0, 0)),
        pl.BlockSpec((HID, 1), lambda i: (0, 0)),
    ],
    out_specs=[
        pl.BlockSpec((BN, HID), lambda i: (i, 0)),
        pl.BlockSpec((BN, 1), lambda i: (i, 0)),
        pl.BlockSpec((BN, 1), lambda i: (i, 0)),
    ],
    out_shape=[
        jax.ShapeDtypeStruct((N, HID), jnp.float32),
        jax.ShapeDtypeStruct((N, 1), jnp.float32),
        jax.ShapeDtypeStruct((N, 1), jnp.float32),
    ],
)


def _tc2_body(p_ref, s_ref, b1_ref, w2_ref, as_w_ref, ad_w_ref,
              h_ref, as_ref, ad_ref):
    s = s_ref[0] + s_ref[1]
    g = (p_ref[0] + p_ref[1]) / (s + 1e-16) + b1_ref[...]
    g = jnp.where(g > 0, g, jnp.exp(g) - 1.0)
    h = jnp.dot(g, w2_ref[...], preferred_element_type=jnp.float32)
    h_ref[...] = h
    as_ref[...] = jnp.dot(h, as_w_ref[...], preferred_element_type=jnp.float32)
    ad_ref[...] = jnp.dot(h, ad_w_ref[...], preferred_element_type=jnp.float32)


_tc2 = pl.pallas_call(
    _tc2_body,
    grid=(N // BN,),
    in_specs=[
        pl.BlockSpec((NCORES, BN, HID), lambda i: (0, i, 0)),
        pl.BlockSpec((NCORES, BN, 1), lambda i: (0, i, 0)),
        pl.BlockSpec((1, HID), lambda i: (0, 0)),
        pl.BlockSpec((HID, HID), lambda i: (0, 0)),
        pl.BlockSpec((HID, 1), lambda i: (0, 0)),
        pl.BlockSpec((HID, 1), lambda i: (0, 0)),
    ],
    out_specs=[
        pl.BlockSpec((BN, HID), lambda i: (i, 0)),
        pl.BlockSpec((BN, 1), lambda i: (i, 0)),
        pl.BlockSpec((BN, 1), lambda i: (i, 0)),
    ],
    out_shape=[
        jax.ShapeDtypeStruct((N, HID), jnp.float32),
        jax.ShapeDtypeStruct((N, 1), jnp.float32),
        jax.ShapeDtypeStruct((N, 1), jnp.float32),
    ],
)


def _tc3_body(p_ref, s_ref, b2_ref, out_ref):
    s = s_ref[0] + s_ref[1]
    out_ref[...] = (p_ref[0] + p_ref[1]) / (s + 1e-16) + b2_ref[...]


_tc3 = pl.pallas_call(
    _tc3_body,
    grid=(N // BN,),
    in_specs=[
        pl.BlockSpec((NCORES, BN, HID), lambda i: (0, i, 0)),
        pl.BlockSpec((NCORES, BN, 1), lambda i: (0, i, 0)),
        pl.BlockSpec((1, HID), lambda i: (0, 0)),
    ],
    out_specs=pl.BlockSpec((BN, HID), lambda i: (i, 0)),
    out_shape=jax.ShapeDtypeStruct((N, HID), jnp.float32),
)


def kernel(x, sentence_embedding, W1, a_src1, a_dst1, b1,
           W2, a_src2, a_dst2, b2, edge_index):
    pad = jnp.broadcast_to(jnp.arange(PAD, dtype=jnp.int32), (NTILES, PAD))
    src = jnp.concatenate([edge_index[0].reshape(NTILES, EPT), pad], axis=1)
    dst = jnp.concatenate([edge_index[1].reshape(NTILES, EPT), pad], axis=1)
    srcp = src.reshape(NTILES, NB, BATCH)
    dstp = dst.reshape(NTILES, NB, BATCH)

    sent2 = sentence_embedding.reshape(1, D_SENT)
    h1, as1, ad1 = _tc1(x, sent2, W1,
                        a_src1.reshape(HID, 1), a_dst1.reshape(HID, 1))
    p1, s1 = _sc_edge(h1, as1.reshape(N), ad1.reshape(N), srcp, dstp)
    s1r = s1[:, :N].reshape(NCORES, N, 1)
    h2, as2, ad2 = _tc2(p1, s1r, b1.reshape(1, HID), W2,
                        a_src2.reshape(HID, 1), a_dst2.reshape(HID, 1))
    p2, s2 = _sc_edge(h2, as2.reshape(N), ad2.reshape(N), srcp, dstp)
    s2r = s2[:, :N].reshape(NCORES, N, 1)
    return _tc3(p2, s2r, b2.reshape(1, HID))

# --- scband reference (transcript-rebuilt; emitter-appended) ---
"""Pipeline reference for scband-gatwith-sentence-embedding-3221225472737 (READ-ONLY COPY).

The authoritative reference and input builder live on the scoring server;
editing this copy changes nothing except your own understanding.
"""

import jax, jax.numpy as jnp
import numpy as np

N = 10000
E = 320000
D_SENT = 768
HID = 128
OUT = 128


def setup_inputs(seed: int = 0):
    key = jax.random.key(seed)
    ks = jax.random.split(key, 12)
    x = jax.random.normal(ks[0], (N, D_SENT), dtype=jnp.float32)
    edge_index = jax.random.randint(ks[1], (2, E), 0, N, dtype=jnp.int32)
    sentence_embedding = jax.random.normal(ks[2], (D_SENT,), dtype=jnp.float32)
    W1 = jax.random.normal(ks[3], (2 * D_SENT, HID), dtype=jnp.float32) * 0.02
    a_src1 = jax.random.normal(ks[4], (HID,), dtype=jnp.float32) * 0.1
    a_dst1 = jax.random.normal(ks[5], (HID,), dtype=jnp.float32) * 0.1
    b1 = jnp.zeros((HID,), dtype=jnp.float32)
    W2 = jax.random.normal(ks[6], (HID, OUT), dtype=jnp.float32) * 0.05
    a_src2 = jax.random.normal(ks[7], (OUT,), dtype=jnp.float32) * 0.1
    a_dst2 = jax.random.normal(ks[8], (OUT,), dtype=jnp.float32) * 0.1
    b2 = jnp.zeros((OUT,), dtype=jnp.float32)
    return {"x": x, "sentence_embedding": sentence_embedding, "W1": W1, "a_src1": a_src1, "a_dst1": a_dst1, "b1": b1, "W2": W2, "a_src2": a_src2, "a_dst2": a_dst2, "b2": b2, "edge_index": edge_index}


def _gat_conv(x, edge_index, W, a_src, a_dst, b):
    # PyG GATConv, heads=1, concat, add_self_loops=False, eval mode (dropout off)
    n = x.shape[0]
    h = x @ W                      # [n, C]
    src = edge_index[0]
    dst = edge_index[1]
    alpha_src = h @ a_src          # [n]
    alpha_dst = h @ a_dst          # [n]
    e = alpha_src[src] + alpha_dst[dst]           # gather per edge
    e = jax.nn.leaky_relu(e, negative_slope=0.2)
    m = jax.ops.segment_max(e, dst, num_segments=n)
    m = jnp.where(jnp.isneginf(m), 0.0, m)
    ex = jnp.exp(e - m[dst])
    s = jax.ops.segment_sum(ex, dst, num_segments=n)
    coef = ex / (s[dst] + 1e-16)                  # softmax over incoming edges
    out = jax.ops.segment_sum(coef[:, None] * h[src], dst, num_segments=n)
    return out + b


def reference(x, sentence_embedding, W1, a_src1, a_dst1, b1, W2, a_src2, a_dst2, b2, edge_index):
    sent_rep = jnp.tile(sentence_embedding[None, :], (x.shape[0], 1))
    x_cat = jnp.concatenate([x, sent_rep], axis=1)
    h = _gat_conv(x_cat, edge_index, W1, a_src1, a_dst1, b1)
    h = jax.nn.elu(h)
    out = _gat_conv(h, edge_index, W2, a_src2, a_dst2, b2)
    return out

if __name__ == "__main__":
    import jax
    _d = setup_inputs()
    print(jax.jit(kernel)(*tuple(_d.values())))

</pallas_src>

<mosaic_0001>
#map = affine_map<(d0, d1) -> (0, 0)>
#map1 = affine_map<(d0, d1) -> (0)>
#map2 = affine_map<(d0, d1) -> (0, 0, 0)>
module attributes {stable_mosaic.version = 14 : i64} {
  func.func @_sc_edge_body(%arg0: i32, %arg1: i32, %arg2: memref<10000x128xf32, #tpu.memory_space<hbm>>, %arg3: memref<10000xf32, #tpu.memory_space<hbm>>, %arg4: memref<10000xf32, #tpu.memory_space<hbm>>, %arg5: memref<32x80x128xi32, #tpu.memory_space<hbm>>, %arg6: memref<32x80x128xi32, #tpu.memory_space<hbm>>, %arg7: memref<2x10000x128xf32, #tpu.memory_space<hbm>>, %arg8: memref<2x10112xf32, #tpu.memory_space<hbm>>, %arg9: memref<4x128xi32, #tpu.memory_space<vmem>>, %arg10: memref<4x128xi32, #tpu.memory_space<vmem>>, %arg11: memref<128x128xf32, #tpu.memory_space<vmem>>, %arg12: memref<128xf32, #tpu.memory_space<vmem>>, %arg13: memref<128xf32, #tpu.memory_space<vmem>>, %arg14: memref<128xf32, #tpu.memory_space<vmem>>, %arg15: memref<10000x128xf32, #tpu.memory_space<vmem_shared>>, %arg16: memref<10112xf32, #tpu.memory_space<vmem_shared>>, %arg17: memref<!tpu.dma_semaphore, #tpu.memory_space<semaphore_mem>>, %arg18: memref<!tpu.dma_semaphore, #tpu.memory_space<semaphore_mem>>) attributes {dimension_semantics = [#tpu.dimension_semantics<core_parallel>, #tpu.dimension_semantics<subcore_parallel>], iteration_bounds = array<i64: 2, 16>, scalar_prefetch = 0 : i64, scratch_operands = 10 : i64, tpu.core_type = #tpu.core_type<sc_vector_subcore>, window_params = [{transform_indices = #map}, {transform_indices = #map1}, {transform_indices = #map1}, {transform_indices = #map2}, {transform_indices = #map2}, {transform_indices = #map2}, {transform_indices = #map}]} {
    %mul3A = arith.constant 16 : i32
    %mul3A_0 = arith.muli %arg0, %mul3A : i32
    %add3A = arith.addi %mul3A_0, %arg1 : i32
    %broadcast_in_dim3A = arith.constant 0.000000e+00 : f32
    %broadcast_in_dim3A_1 = vector.broadcast %broadcast_in_dim3A : f32 to vector<16xf32>
    %iota3A = tpu.iota {dimensions = array<i32: 0>} : vector<16xi32>
    %scan3A = arith.constant 0 : i32
    %scan3A_2 = arith.constant 0 : i32
    %scan3A_3 = arith.constant 128 : i32
    %scan3A_4 = arith.addi %scan3A_2, %scan3A_3 : i32
    %scan3A_5 = arith.constant 1 : i32
    scf.for %scan3A_69 = %scan3A_2 to %scan3A_4 step %scan3A_5  : i32 {
      %swap3A_70 = arith.index_cast %scan3A_69 : i32 to index
      %swap3A_71 = arith.constant 0 : index
      %swap3A_72 = tpu.vector_load %arg11[%swap3A_70, %swap3A_71] {strides = array<i32>} : memref<128x128xf32, #tpu.memory_space<vmem>>, vector<1x16xf32>,
      %swap3A_73 = vector.shape_cast %swap3A_72 : vector<1x16xf32> to vector<16xf32>
      %swap3A_74 = vector.shape_cast %broadcast_in_dim3A_1 : vector<16xf32> to vector<1x16xf32>
      tpu.vector_store %arg11[%swap3A_70, %swap3A_71], %swap3A_74 {strides = array<i32>} : memref<128x128xf32, #tpu.memory_space<vmem>>, vector<1x16xf32>,
      %swap3A_75 = arith.index_cast %scan3A_69 : i32 to index
      %swap3A_76 = arith.constant 16 : index
      %swap3A_77 = tpu.vector_load %arg11[%swap3A_75, %swap3A_76] {strides = array<i32>} : memref<128x128xf32, #tpu.memory_space<vmem>>, vector<1x16xf32>,
      %swap3A_78 = vector.shape_cast %swap3A_77 : vector<1x16xf32> to vector<16xf32>
      %swap3A_79 = vector.shape_cast %broadcast_in_dim3A_1 : vector<16xf32> to vector<1x16xf32>
      tpu.vector_store %arg11[%swap3A_75, %swap3A_76], %swap3A_79 {strides = array<i32>} : memref<128x128xf32, #tpu.memory_space<vmem>>, vector<1x16xf32>,
      %swap3A_80 = arith.index_cast %scan3A_69 : i32 to index
      %swap3A_81 = arith.constant 32 : index
      %swap3A_82 = tpu.vector_load %arg11[%swap3A_80, %swap3A_81] {strides = array<i32>} : memref<128x128xf32, #tpu.memory_space<vmem>>, vector<1x16xf32>,
      %swap3A_83 = vector.shape_cast %swap3A_82 : vector<1x16xf32> to vector<16xf32>
      %swap3A_84 = vector.shape_cast %broadcast_in_dim3A_1 : vector<16xf32> to vector<1x16xf32>
      tpu.vector_store %arg11[%swap3A_80, %swap3A_81], %swap3A_84 {strides = array<i32>} : memref<128x128xf32, #tpu.memory_space<vmem>>, vector<1x16xf32>,
      %swap3A_85 = arith.index_cast %scan3A_69 : i32 to index
      %swap3A_86 = arith.constant 48 : index
      %swap3A_87 = tpu.vector_load %arg11[%swap3A_85, %swap3A_86] {strides = array<i32>} : memref<128x128xf32, #tpu.memory_space<vmem>>, vector<1x16xf32>,
      %swap3A_88 = vector.shape_cast %swap3A_87 : vector<1x16xf32> to vector<16xf32>
      %swap3A_89 = vector.shape_cast %broadcast_in_dim3A_1 : vector<16xf32> to vector<1x16xf32>
      tpu.vector_store %arg11[%swap3A_85, %swap3A_86], %swap3A_89 {strides = array<i32>} : memref<128x128xf32, #tpu.memory_space<vmem>>, vector<1x16xf32>,
      %swap3A_90 = arith.index_cast %scan3A_69 : i32 to index
      %swap3A_91 = arith.constant 64 : index
      %swap3A_92 = tpu.vector_load %arg11[%swap3A_90, %swap3A_91] {strides = array<i32>} : memref<128x128xf32, #tpu.memory_space<vmem>>, vector<1x16xf32>,
      %swap3A_93 = vector.shape_cast %swap3A_92 : vector<1x16xf32> to vector<16xf32>
      %swap3A_94 = vector.shape_cast %broadcast_in_dim3A_1 : vector<16xf32> to vector<1x16xf32>
      tpu.vector_store %arg11[%swap3A_90, %swap3A_91], %swap3A_94 {strides = array<i32>} : memref<128x128xf32, #tpu.memory_space<vmem>>, vector<1x16xf32>,
      %swap3A_95 = arith.index_cast %scan3A_69 : i32 to index
      %swap3A_96 = arith.constant 80 : index
      %swap3A_97 = tpu.vector_load %arg11[%swap3A_95, %swap3A_96] {strides = array<i32>} : memref<128x128xf32, #tpu.memory_space<vmem>>, vector<1x16xf32>,
      %swap3A_98 = vector.shape_cast %swap3A_97 : vector<1x16xf32> to vector<16xf32>
      %swap3A_99 = vector.shape_cast %broadcast_in_dim3A_1 : vector<16xf32> to vector<1x16xf32>
      tpu.vector_store %arg11[%swap3A_95, %swap3A_96], %swap3A_99 {strides = array<i32>} : memref<128x128xf32, #tpu.memory_space<vmem>>, vector<1x16xf32>,
      %swap3A_100 = arith.index_cast %scan3A_69 : i32 to index
      %swap3A_101 = arith.constant 96 : index
      %swap3A_102 = tpu.vector_load %arg11[%swap3A_100, %swap3A_101] {strides = array<i32>} : memref<128x128xf32, #tpu.memory_space<vmem>>, vector<1x16xf32>,
      %swap3A_103 = vector.shape_cast %swap3A_102 : vector<1x16xf32> to vector<16xf32>
      %swap3A_104 = vector.shape_cast %broadcast_in_dim3A_1 : vector<16xf32> to vector<1x16xf32>
      tpu.vector_store %arg11[%swap3A_100, %swap3A_101], %swap3A_104 {strides = array<i32>} : memref<128x128xf32, #tpu.memory_space<vmem>>, vector<1x16xf32>,
      %swap3A_105 = arith.index_cast %scan3A_69 : i32 to index
      %swap3A_106 = arith.constant 112 : index
      %swap3A_107 = tpu.vector_load %arg11[%swap3A_105, %swap3A_106] {strides = array<i32>} : memref<128x128xf32, #tpu.memory_space<vmem>>, vector<1x16xf32>,
      %swap3A_108 = vector.shape_cast %swap3A_107 : vector<1x16xf32> to vector<16xf32>
      %swap3A_109 = vector.shape_cast %broadcast_in_dim3A_1 : vector<16xf32> to vector<1x16xf32>
      tpu.vector_store %arg11[%swap3A_105, %swap3A_106], %swap3A_109 {strides = array<i32>} : memref<128x128xf32, #tpu.memory_space<vmem>>, vector<1x16xf32>,
    }
    %scan3A_6 = arith.constant 128 : i32
    %swap3A = arith.constant 0 : index
    %swap3A_7 = tpu.vector_load %arg12[%swap3A] {strides = array<i32>} : memref<128xf32, #tpu.memory_space<vmem>>, vector<16xf32>,
    %swap3A_8 = vector.shape_cast %swap3A_7 : vector<16xf32> to vector<16xf32>
    %swap3A_9 = vector.shape_cast %broadcast_in_dim3A_1 : vector<16xf32> to vector<16xf32>
    tpu.vector_store %arg12[%swap3A], %swap3A_9 {strides = array<i32>} : memref<128xf32, #tpu.memory_space<vmem>>, vector<16xf32>,
    %swap3A_10 = arith.constant 16 : index
    %swap3A_11 = tpu.vector_load %arg12[%swap3A_10] {strides = array<i32>} : memref<128xf32, #tpu.memory_space<vmem>>, vector<16xf32>,
    %swap3A_12 = vector.shape_cast %swap3A_11 : vector<16xf32> to vector<16xf32>
    %swap3A_13 = vector.shape_cast %broadcast_in_dim3A_1 : vector<16xf32> to vector<16xf32>
    tpu.vector_store %arg12[%swap3A_10], %swap3A_13 {strides = array<i32>} : memref<128xf32, #tpu.memory_space<vmem>>, vector<16xf32>,
    %swap3A_14 = arith.constant 32 : index
    %swap3A_15 = tpu.vector_load %arg12[%swap3A_14] {strides = array<i32>} : memref<128xf32, #tpu.memory_space<vmem>>, vector<16xf32>,
    %swap3A_16 = vector.shape_cast %swap3A_15 : vector<16xf32> to vector<16xf32>
    %swap3A_17 = vector.shape_cast %broadcast_in_dim3A_1 : vector<16xf32> to vector<16xf32>
    tpu.vector_store %arg12[%swap3A_14], %swap3A_17 {strides = array<i32>} : memref<128xf32, #tpu.memory_space<vmem>>, vector<16xf32>,
    %swap3A_18 = arith.constant 48 : index
    %swap3A_19 = tpu.vector_load %arg12[%swap3A_18] {strides = array<i32>} : memref<128xf32, #tpu.memory_space<vmem>>, vector<16xf32>,
    %swap3A_20 = vector.shape_cast %swap3A_19 : vector<16xf32> to vector<16xf32>
    %swap3A_21 = vector.shape_cast %broadcast_in_dim3A_1 : vector<16xf32> to vector<16xf32>
    tpu.vector_store %arg12[%swap3A_18], %swap3A_21 {strides = array<i32>} : memref<128xf32, #tpu.memory_space<vmem>>, vector<16xf32>,
    %swap3A_22 = arith.constant 64 : index
    %swap3A_23 = tpu.vector_load %arg12[%swap3A_22] {strides = array<i32>} : memref<128xf32, #tpu.memory_space<vmem>>, vector<16xf32>,
    %swap3A_24 = vector.shape_cast %swap3A_23 : vector<16xf32> to vector<16xf32>
    %swap3A_25 = vector.shape_cast %broadcast_in_dim3A_1 : vector<16xf32> to vector<16xf32>
    tpu.vector_store %arg12[%swap3A_22], %swap3A_25 {strides = array<i32>} : memref<128xf32, #tpu.memory_space<vmem>>, vector<16xf32>,
    %swap3A_26 = arith.constant 80 : index
    %swap3A_27 = tpu.vector_load %arg12[%swap3A_26] {strides = array<i32>} : memref<128xf32, #tpu.memory_space<vmem>>, vector<16xf32>,
    %swap3A_28 = vector.shape_cast %swap3A_27 : vector<16xf32> to vector<16xf32>
    %swap3A_29 = vector.shape_cast %broadcast_in_dim3A_1 : vector<16xf32> to vector<16xf32>
    tpu.vector_store %arg12[%swap3A_26], %swap3A_29 {strides = array<i32>} : memref<128xf32, #tpu.memory_space<vmem>>, vector<16xf32>,
    %swap3A_30 = arith.constant 96 : index
    %swap3A_31 = tpu.vector_load %arg12[%swap3A_30] {strides = array<i32>} : memref<128xf32, #tpu.memory_space<vmem>>, vector<16xf32>,
    %swap3A_32 = vector.shape_cast %swap3A_31 : vector<16xf32> to vector<16xf32>
    %swap3A_33 = vector.shape_cast %broadcast_in_dim3A_1 : vector<16xf32> to vector<16xf32>
    tpu.vector_store %arg12[%swap3A_30], %swap3A_33 {strides = array<i32>} : memref<128xf32, #tpu.memory_space<vmem>>, vector<16xf32>,
    %swap3A_34 = arith.constant 112 : index
    %swap3A_35 = tpu.vector_load %arg12[%swap3A_34] {strides = array<i32>} : memref<128xf32, #tpu.memory_space<vmem>>, vector<16xf32>,
    %swap3A_36 = vector.shape_cast %swap3A_35 : vector<16xf32> to vector<16xf32>
    %swap3A_37 = vector.shape_cast %broadcast_in_dim3A_1 : vector<16xf32> to vector<16xf32>
    tpu.vector_store %arg12[%swap3A_34], %swap3A_37 {strides = array<i32>} : memref<128xf32, #tpu.memory_space<vmem>>, vector<16xf32>,
    %mul3A_38 = arith.constant 625 : i32
    %mul3A_39 = arith.muli %arg1, %mul3A_38 : i32
    %add3A_40 = arith.constant 0 : i32
    %add3A_41 = arith.addi %mul3A_39, %add3A_40 : i32
    "tpu.region"() ({
      %run_scoped3A = tpu.sem_alloc : memref<!tpu.dma_semaphore, #tpu.memory_space<semaphore_mem>>
      %dma_start3A = arith.constant 0 : i32
      %dma_start3A_69 = arith.constant 0 : i32
      %dma_start3A_70 = tpu.memref_slice %arg11[%dma_start3A, %dma_start3A_69] : memref<128x128xf32, #tpu.memory_space<vmem>> -> memref<128x128xf32, #tpu.memory_space<vmem>>
      %dma_start3A_71 = arith.constant 0 : i32
      %dma_start3A_72 = tpu.memref_slice %arg15[%add3A_41, %dma_start3A_71] : memref<10000x128xf32, #tpu.memory_space<vmem_shared>> -> memref<128x128xf32, #tpu.memory_space<vmem_shared>>
      %dma_start3A_73 = arith.constant 0 : i32
      %dma_start3A_74 = tpu.memref_slice %arg15[%add3A_41, %dma_start3A_73] : memref<10000x128xf32, #tpu.memory_space<vmem_shared>> -> memref<128x128xf32, #tpu.memory_space<vmem_shared>>
      %dma_start3A_75 = arith.constant 0 : i32
      %dma_start3A_76 = arith.constant 0 : i32
      %dma_start3A_77 = tpu.memref_slice %arg11[%dma_start3A_75, %dma_start3A_76] : memref<128x128xf32, #tpu.memory_space<vmem>> -> memref<128x128xf32, #tpu.memory_space<vmem>>
      tpu.enqueue_dma source(%dma_start3A_77 : memref<128x128xf32, #tpu.memory_space<vmem>>) target(%dma_start3A_74 : memref<128x128xf32, #tpu.memory_space<vmem_shared>>) target_semaphore(%run_scoped3A : memref<!tpu.dma_semaphore, #tpu.memory_space<semaphore_mem>>)
      %dma_wait3A = arith.constant 0 : i32
      %dma_wait3A_78 = arith.constant 0 : i32
      %dma_wait3A_79 = tpu.memref_slice %arg11[%dma_wait3A, %dma_wait3A_78] : memref<128x128xf32, #tpu.memory_space<vmem>> -> memref<128x128xf32, #tpu.memory_space<vmem>>
      %dma_wait3A_80 = arith.constant 0 : i32
      %dma_wait3A_81 = tpu.memref_slice %arg15[%add3A_41, %dma_wait3A_80] : memref<10000x128xf32, #tpu.memory_space<vmem_shared>> -> memref<128x128xf32, #tpu.memory_space<vmem_shared>>
      %dma_wait3A_82 = arith.constant 0 : i32
      %dma_wait3A_83 = tpu.memref_slice %arg15[%add3A_41, %dma_wait3A_82] : memref<10000x128xf32, #tpu.memory_space<vmem_shared>> -> memref<128x128xf32, #tpu.memory_space<vmem_shared>>
      %dma_wait3A_84 = arith.constant 0 : i32
      %dma_wait3A_85 = arith.constant 0 : i32
      %dma_wait3A_86 = tpu.memref_slice %arg11[%dma_wait3A_84, %dma_wait3A_85] : memref<128x128xf32, #tpu.memory_space<vmem>> -> memref<128x128xf32, #tpu.memory_space<vmem>>
      tpu.wait_dma2 semaphore(%run_scoped3A : memref<!tpu.dma_semaphore, #tpu.memory_space<semaphore_mem>>) src(%dma_wait3A_86 : memref<128x128xf32, #tpu.memory_space<vmem>>) dst(%dma_wait3A_83 : memref<128x128xf32, #tpu.memory_space<vmem_shared>>)
      tpu.yield
    }) : () -> ()
    %add3A_42 = arith.constant 128 : i32
    %add3A_43 = arith.addi %mul3A_39, %add3A_42 : i32
    "tpu.region"() ({
      %run_scoped3A = tpu.sem_alloc : memref<!tpu.dma_semaphore, #tpu.memory_space<semaphore_mem>>
      %dma_start3A = arith.constant 0 : i32
      %dma_start3A_69 = arith.constant 0 : i32
      %dma_start3A_70 = tpu.memref_slice %arg11[%dma_start3A, %dma_start3A_69] : memref<128x128xf32, #tpu.memory_space<vmem>> -> memref<128x128xf32, #tpu.memory_space<vmem>>
      %dma_start3A_71 = arith.constant 0 : i32
      %dma_start3A_72 = tpu.memref_slice %arg15[%add3A_43, %dma_start3A_71] : memref<10000x128xf32, #tpu.memory_space<vmem_shared>> -> memref<128x128xf32, #tpu.memory_space<vmem_shared>>
      %dma_start3A_73 = arith.constant 0 : i32
      %dma_start3A_74 = tpu.memref_slice %arg15[%add3A_43, %dma_start3A_73] : memref<10000x128xf32, #tpu.memory_space<vmem_shared>> -> memref<128x128xf32, #tpu.memory_space<vmem_shared>>
      %dma_start3A_75 = arith.constant 0 : i32
      %dma_start3A_76 = arith.constant 0 : i32
      %dma_start3A_77 = tpu.memref_slice %arg11[%dma_start3A_75, %dma_start3A_76] : memref<128x128xf32, #tpu.memory_space<vmem>> -> memref<128x128xf32, #tpu.memory_space<vmem>>
      tpu.enqueue_dma source(%dma_start3A_77 : memref<128x128xf32, #tpu.memory_space<vmem>>) target(%dma_start3A_74 : memref<128x128xf32, #tpu.memory_space<vmem_shared>>) target_semaphore(%run_scoped3A : memref<!tpu.dma_semaphore, #tpu.memory_space<semaphore_mem>>)
      %dma_wait3A = arith.constant 0 : i32
      %dma_wait3A_78 = arith.constant 0 : i32
      %dma_wait3A_79 = tpu.memref_slice %arg11[%dma_wait3A, %dma_wait3A_78] : memref<128x128xf32, #tpu.memory_space<vmem>> -> memref<128x128xf32, #tpu.memory_space<vmem>>
      %dma_wait3A_80 = arith.constant 0 : i32
      %dma_wait3A_81 = tpu.memref_slice %arg15[%add3A_43, %dma_wait3A_80] : memref<10000x128xf32, #tpu.memory_space<vmem_shared>> -> memref<128x128xf32, #tpu.memory_space<vmem_shared>>
      %dma_wait3A_82 = arith.constant 0 : i32
      %dma_wait3A_83 = tpu.memref_slice %arg15[%add3A_43, %dma_wait3A_82] : memref<10000x128xf32, #tpu.memory_space<vmem_shared>> -> memref<128x128xf32, #tpu.memory_space<vmem_shared>>
      %dma_wait3A_84 = arith.constant 0 : i32
      %dma_wait3A_85 = arith.constant 0 : i32
      %dma_wait3A_86 = tpu.memref_slice %arg11[%dma_wait3A_84, %dma_wait3A_85] : memref<128x128xf32, #tpu.memory_space<vmem>> -> memref<128x128xf32, #tpu.memory_space<vmem>>
      tpu.wait_dma2 semaphore(%run_scoped3A : memref<!tpu.dma_semaphore, #tpu.memory_space<semaphore_mem>>) src(%dma_wait3A_86 : memref<128x128xf32, #tpu.memory_space<vmem>>) dst(%dma_wait3A_83 : memref<128x128xf32, #tpu.memory_space<vmem_shared>>)
      tpu.yield
    }) : () -> ()
    %add3A_44 = arith.constant 256 : i32
    %add3A_45 = arith.addi %mul3A_39, %add3A_44 : i32
    "tpu.region"() ({
      %run_scoped3A = tpu.sem_alloc : memref<!tpu.dma_semaphore, #tpu.memory_space<semaphore_mem>>
      %dma_start3A = arith.constant 0 : i32
      %dma_start3A_69 = arith.constant 0 : i32
      %dma_start3A_70 = tpu.memref_slice %arg11[%dma_start3A, %dma_start3A_69] : memref<128x128xf32, #tpu.memory_space<vmem>> -> memref<128x128xf32, #tpu.memory_space<vmem>>
      %dma_start3A_71 = arith.constant 0 : i32
      %dma_start3A_72 = tpu.memref_slice %arg15[%add3A_45, %dma_start3A_71] : memref<10000x128xf32, #tpu.memory_space<vmem_shared>> -> memref<128x128xf32, #tpu.memory_space<vmem_shared>>
      %dma_start3A_73 = arith.constant 0 : i32
      %dma_start3A_74 = tpu.memref_slice %arg15[%add3A_45, %dma_start3A_73] : memref<10000x128xf32, #tpu.memory_space<vmem_shared>> -> memref<128x128xf32, #tpu.memory_space<vmem_shared>>
      %dma_start3A_75 = arith.constant 0 : i32
      %dma_start3A_76 = arith.constant 0 : i32
      %dma_start3A_77 = tpu.memref_slice %arg11[%dma_start3A_75, %dma_start3A_76] : memref<128x128xf32, #tpu.memory_space<vmem>> -> memref<128x128xf32, #tpu.memory_space<vmem>>
      tpu.enqueue_dma source(%dma_start3A_77 : memref<128x128xf32, #tpu.memory_space<vmem>>) target(%dma_start3A_74 : memref<128x128xf32, #tpu.memory_space<vmem_shared>>) target_semaphore(%run_scoped3A : memref<!tpu.dma_semaphore, #tpu.memory_space<semaphore_mem>>)
      %dma_wait3A = arith.constant 0 : i32
      %dma_wait3A_78 = arith.constant 0 : i32
      %dma_wait3A_79 = tpu.memref_slice %arg11[%dma_wait3A, %dma_wait3A_78] : memref<128x128xf32, #tpu.memory_space<vmem>> -> memref<128x128xf32, #tpu.memory_space<vmem>>
      %dma_wait3A_80 = arith.constant 0 : i32
      %dma_wait3A_81 = tpu.memref_slice %arg15[%add3A_45, %dma_wait3A_80] : memref<10000x128xf32, #tpu.memory_space<vmem_shared>> -> memref<128x128xf32, #tpu.memory_space<vmem_shared>>
      %dma_wait3A_82 = arith.constant 0 : i32
      %dma_wait3A_83 = tpu.memref_slice %arg15[%add3A_45, %dma_wait3A_82] : memref<10000x128xf32, #tpu.memory_space<vmem_shared>> -> memref<128x128xf32, #tpu.memory_space<vmem_shared>>
      %dma_wait3A_84 = arith.constant 0 : i32
      %dma_wait3A_85 = arith.constant 0 : i32
      %dma_wait3A_86 = tpu.memref_slice %arg11[%dma_wait3A_84, %dma_wait3A_85] : memref<128x128xf32, #tpu.memory_space<vmem>> -> memref<128x128xf32, #tpu.memory_space<vmem>>
      tpu.wait_dma2 semaphore(%run_scoped3A : memref<!tpu.dma_semaphore, #tpu.memory_space<semaphore_mem>>) src(%dma_wait3A_86 : memref<128x128xf32, #tpu.memory_space<vmem>>) dst(%dma_wait3A_83 : memref<128x128xf32, #tpu.memory_space<vmem_shared>>)
      tpu.yield
    }) : () -> ()
    %add3A_46 = arith.constant 384 : i32
    %add3A_47 = arith.addi %mul3A_39, %add3A_46 : i32
    "tpu.region"() ({
      %run_scoped3A = tpu.sem_alloc : memref<!tpu.dma_semaphore, #tpu.memory_space<semaphore_mem>>
      %dma_start3A = arith.constant 0 : i32
      %dma_start3A_69 = arith.constant 0 : i32
      %dma_start3A_70 = tpu.memref_slice %arg11[%dma_start3A, %dma_start3A_69] : memref<128x128xf32, #tpu.memory_space<vmem>> -> memref<128x128xf32, #tpu.memory_space<vmem>>
      %dma_start3A_71 = arith.constant 0 : i32
      %dma_start3A_72 = tpu.memref_slice %arg15[%add3A_47, %dma_start3A_71] : memref<10000x128xf32, #tpu.memory_space<vmem_shared>> -> memref<128x128xf32, #tpu.memory_space<vmem_shared>>
      %dma_start3A_73 = arith.constant 0 : i32
      %dma_start3A_74 = tpu.memref_slice %arg15[%add3A_47, %dma_start3A_73] : memref<10000x128xf32, #tpu.memory_space<vmem_shared>> -> memref<128x128xf32, #tpu.memory_space<vmem_shared>>
      %dma_start3A_75 = arith.constant 0 : i32
      %dma_start3A_76 = arith.constant 0 : i32
      %dma_start3A_77 = tpu.memref_slice %arg11[%dma_start3A_75, %dma_start3A_76] : memref<128x128xf32, #tpu.memory_space<vmem>> -> memref<128x128xf32, #tpu.memory_space<vmem>>
      tpu.enqueue_dma source(%dma_start3A_77 : memref<128x128xf32, #tpu.memory_space<vmem>>) target(%dma_start3A_74 : memref<128x128xf32, #tpu.memory_space<vmem_shared>>) target_semaphore(%run_scoped3A : memref<!tpu.dma_semaphore, #tpu.memory_space<semaphore_mem>>)
      %dma_wait3A = arith.constant 0 : i32
      %dma_wait3A_78 = arith.constant 0 : i32
      %dma_wait3A_79 = tpu.memref_slice %arg11[%dma_wait3A, %dma_wait3A_78] : memref<128x128xf32, #tpu.memory_space<vmem>> -> memref<128x128xf32, #tpu.memory_space<vmem>>
      %dma_wait3A_80 = arith.constant 0 : i32
      %dma_wait3A_81 = tpu.memref_slice %arg15[%add3A_47, %dma_wait3A_80] : memref<10000x128xf32, #tpu.memory_space<vmem_shared>> -> memref<128x128xf32, #tpu.memory_space<vmem_shared>>
      %dma_wait3A_82 = arith.constant 0 : i32
      %dma_wait3A_83 = tpu.memref_slice %arg15[%add3A_47, %dma_wait3A_82] : memref<10000x128xf32, #tpu.memory_space<vmem_shared>> -> memref<128x128xf32, #tpu.memory_space<vmem_shared>>
      %dma_wait3A_84 = arith.constant 0 : i32
      %dma_wait3A_85 = arith.constant 0 : i32
      %dma_wait3A_86 = tpu.memref_slice %arg11[%dma_wait3A_84, %dma_wait3A_85] : memref<128x128xf32, #tpu.memory_space<vmem>> -> memref<128x128xf32, #tpu.memory_space<vmem>>
      tpu.wait_dma2 semaphore(%run_scoped3A : memref<!tpu.dma_semaphore, #tpu.memory_space<semaphore_mem>>) src(%dma_wait3A_86 : memref<128x128xf32, #tpu.memory_space<vmem>>) dst(%dma_wait3A_83 : memref<128x128xf32, #tpu.memory_space<vmem_shared>>)
      tpu.yield
    }) : () -> ()
    %add3A_48 = arith.constant 512 : i32
    %add3A_49 = arith.addi %mul3A_39, %add3A_48 : i32
    "tpu.region"() ({
      %run_scoped3A = tpu.sem_alloc : memref<!tpu.dma_semaphore, #tpu.memory_space<semaphore_mem>>
      %dma_start3A = arith.constant 0 : i32
      %dma_start3A_69 = arith.constant 0 : i32
      %dma_start3A_70 = tpu.memref_slice %arg11[%dma_start3A, %dma_start3A_69] : memref<128x128xf32, #tpu.memory_space<vmem>> -> memref<113x128xf32, #tpu.memory_space<vmem>>
      %dma_start3A_71 = arith.constant 0 : i32
      %dma_start3A_72 = tpu.memref_slice %arg15[%add3A_49, %dma_start3A_71] : memref<10000x128xf32, #tpu.memory_space<vmem_shared>> -> memref<113x128xf32, #tpu.memory_space<vmem_shared>>
      %dma_start3A_73 = arith.constant 0 : i32
      %dma_start3A_74 = tpu.memref_slice %arg15[%add3A_49, %dma_start3A_73] : memref<10000x128xf32, #tpu.memory_space<vmem_shared>> -> memref<113x128xf32, #tpu.memory_space<vmem_shared>>
      %dma_start3A_75 = arith.constant 0 : i32
      %dma_start3A_76 = arith.constant 0 : i32
      %dma_start3A_77 = tpu.memref_slice %arg11[%dma_start3A_75, %dma_start3A_76] : memref<128x128xf32, #tpu.memory_space<vmem>> -> memref<113x128xf32, #tpu.memory_space<vmem>>
      tpu.enqueue_dma source(%dma_start3A_77 : memref<113x128xf32, #tpu.memory_space<vmem>>) target(%dma_start3A_74 : memref<113x128xf32, #tpu.memory_space<vmem_shared>>) target_semaphore(%run_scoped3A : memref<!tpu.dma_semaphore, #tpu.memory_space<semaphore_mem>>)
      %dma_wait3A = arith.constant 0 : i32
      %dma_wait3A_78 = arith.constant 0 : i32
      %dma_wait3A_79 = tpu.memref_slice %arg11[%dma_wait3A, %dma_wait3A_78] : memref<128x128xf32, #tpu.memory_space<vmem>> -> memref<113x128xf32, #tpu.memory_space<vmem>>
      %dma_wait3A_80 = arith.constant 0 : i32
      %dma_wait3A_81 = tpu.memref_slice %arg15[%add3A_49, %dma_wait3A_80] : memref<10000x128xf32, #tpu.memory_space<vmem_shared>> -> memref<113x128xf32, #tpu.memory_space<vmem_shared>>
      %dma_wait3A_82 = arith.constant 0 : i32
      %dma_wait3A_83 = tpu.memref_slice %arg15[%add3A_49, %dma_wait3A_82] : memref<10000x128xf32, #tpu.memory_space<vmem_shared>> -> memref<113x128xf32, #tpu.memory_space<vmem_shared>>
      %dma_wait3A_84 = arith.constant 0 : i32
      %dma_wait3A_85 = arith.constant 0 : i32
      %dma_wait3A_86 = tpu.memref_slice %arg11[%dma_wait3A_84, %dma_wait3A_85] : memref<128x128xf32, #tpu.memory_space<vmem>> -> memref<113x128xf32, #tpu.memory_space<vmem>>
      tpu.wait_dma2 semaphore(%run_scoped3A : memref<!tpu.dma_semaphore, #tpu.memory_space<semaphore_mem>>) src(%dma_wait3A_86 : memref<113x128xf32, #tpu.memory_space<vmem>>) dst(%dma_wait3A_83 : memref<113x128xf32, #tpu.memory_space<vmem_shared>>)
      tpu.yield
    }) : () -> ()
    %mul3A_50 = arith.constant 632 : i32
    %mul3A_51 = arith.muli %arg1, %mul3A_50 : i32
    %add3A_52 = arith.constant 0 : i32
    %add3A_53 = arith.addi %mul3A_51, %add3A_52 : i32
    "tpu.region"() ({
      %run_scoped3A = tpu.sem_alloc : memref<!tpu.dma_semaphore, #tpu.memory_space<semaphore_mem>>
      %dma_start3A = arith.constant 0 : i32
      %dma_start3A_69 = tpu.memref_slice %arg12[%dma_start3A] : memref<128xf32, #tpu.memory_space<vmem>> -> memref<128xf32, #tpu.memory_space<vmem>>
      %dma_start3A_70 = tpu.memref_slice %arg16[%add3A_53] : memref<10112xf32, #tpu.memory_space<vmem_shared>> -> memref<128xf32, #tpu.memory_space<vmem_shared>>
      %dma_start3A_71 = tpu.memref_slice %arg16[%add3A_53] : memref<10112xf32, #tpu.memory_space<vmem_shared>> -> memref<128xf32, #tpu.memory_space<vmem_shared>>
      %dma_start3A_72 = arith.constant 0 : i32
      %dma_start3A_73 = tpu.memref_slice %arg12[%dma_start3A_72] : memref<128xf32, #tpu.memory_space<vmem>> -> memref<128xf32, #tpu.memory_space<vmem>>
      tpu.enqueue_dma source(%dma_start3A_73 : memref<128xf32, #tpu.memory_space<vmem>>) target(%dma_start3A_71 : memref<128xf32, #tpu.memory_space<vmem_shared>>) target_semaphore(%run_scoped3A : memref<!tpu.dma_semaphore, #tpu.memory_space<semaphore_mem>>)
      %dma_wait3A = arith.constant 0 : i32
      %dma_wait3A_74 = tpu.memref_slice %arg12[%dma_wait3A] : memref<128xf32, #tpu.memory_space<vmem>> -> memref<128xf32, #tpu.memory_space<vmem>>
      %dma_wait3A_75 = tpu.memref_slice %arg16[%add3A_53] : memref<10112xf32, #tpu.memory_space<vmem_shared>> -> memref<128xf32, #tpu.memory_space<vmem_shared>>
      %dma_wait3A_76 = tpu.memref_slice %arg16[%add3A_53] : memref<10112xf32, #tpu.memory_space<vmem_shared>> -> memref<128xf32, #tpu.memory_space<vmem_shared>>
      %dma_wait3A_77 = arith.constant 0 : i32
      %dma_wait3A_78 = tpu.memref_slice %arg12[%dma_wait3A_77] : memref<128xf32, #tpu.memory_space<vmem>> -> memref<128xf32, #tpu.memory_space<vmem>>
      tpu.wait_dma2 semaphore(%run_scoped3A : memref<!tpu.dma_semaphore, #tpu.memory_space<semaphore_mem>>) src(%dma_wait3A_78 : memref<128xf32, #tpu.memory_space<vmem>>) dst(%dma_wait3A_76 : memref<128xf32, #tpu.memory_space<vmem_shared>>)
      tpu.yield
    }) : () -> ()
    %add3A_54 = arith.constant 128 : i32
    %add3A_55 = arith.addi %mul3A_51, %add3A_54 : i32
    "tpu.region"() ({
      %run_scoped3A = tpu.sem_alloc : memref<!tpu.dma_semaphore, #tpu.memory_space<semaphore_mem>>
      %dma_start3A = arith.constant 0 : i32
      %dma_start3A_69 = tpu.memref_slice %arg12[%dma_start3A] : memref<128xf32, #tpu.memory_space<vmem>> -> memref<128xf32, #tpu.memory_space<vmem>>
      %dma_start3A_70 = tpu.memref_slice %arg16[%add3A_55] : memref<10112xf32, #tpu.memory_space<vmem_shared>> -> memref<128xf32, #tpu.memory_space<vmem_shared>>
      %dma_start3A_71 = tpu.memref_slice %arg16[%add3A_55] : memref<10112xf32, #tpu.memory_space<vmem_shared>> -> memref<128xf32, #tpu.memory_space<vmem_shared>>
      %dma_start3A_72 = arith.constant 0 : i32
      %dma_start3A_73 = tpu.memref_slice %arg12[%dma_start3A_72] : memref<128xf32, #tpu.memory_space<vmem>> -> memref<128xf32, #tpu.memory_space<vmem>>
      tpu.enqueue_dma source(%dma_start3A_73 : memref<128xf32, #tpu.memory_space<vmem>>) target(%dma_start3A_71 : memref<128xf32, #tpu.memory_space<vmem_shared>>) target_semaphore(%run_scoped3A : memref<!tpu.dma_semaphore, #tpu.memory_space<semaphore_mem>>)
      %dma_wait3A = arith.constant 0 : i32
      %dma_wait3A_74 = tpu.memref_slice %arg12[%dma_wait3A] : memref<128xf32, #tpu.memory_space<vmem>> -> memref<128xf32, #tpu.memory_space<vmem>>
      %dma_wait3A_75 = tpu.memref_slice %arg16[%add3A_55] : memref<10112xf32, #tpu.memory_space<vmem_shared>> -> memref<128xf32, #tpu.memory_space<vmem_shared>>
      %dma_wait3A_76 = tpu.memref_slice %arg16[%add3A_55] : memref<10112xf32, #tpu.memory_space<vmem_shared>> -> memref<128xf32, #tpu.memory_space<vmem_shared>>
      %dma_wait3A_77 = arith.constant 0 : i32
      %dma_wait3A_78 = tpu.memref_slice %arg12[%dma_wait3A_77] : memref<128xf32, #tpu.memory_space<vmem>> -> memref<128xf32, #tpu.memory_space<vmem>>
      tpu.wait_dma2 semaphore(%run_scoped3A : memref<!tpu.dma_semaphore, #tpu.memory_space<semaphore_mem>>) src(%dma_wait3A_78 : memref<128xf32, #tpu.memory_space<vmem>>) dst(%dma_wait3A_76 : memref<128xf32, #tpu.memory_space<vmem_shared>>)
      tpu.yield
    }) : () -> ()
    %add3A_56 = arith.constant 256 : i32
    %add3A_57 = arith.addi %mul3A_51, %add3A_56 : i32
    "tpu.region"() ({
      %run_scoped3A = tpu.sem_alloc : memref<!tpu.dma_semaphore, #tpu.memory_space<semaphore_mem>>
      %dma_start3A = arith.constant 0 : i32
      %dma_start3A_69 = tpu.memref_slice %arg12[%dma_start3A] : memref<128xf32, #tpu.memory_space<vmem>> -> memref<128xf32, #tpu.memory_space<vmem>>
      %dma_start3A_70 = tpu.memref_slice %arg16[%add3A_57] : memref<10112xf32, #tpu.memory_space<vmem_shared>> -> memref<128xf32, #tpu.memory_space<vmem_shared>>
      %dma_start3A_71 = tpu.memref_slice %arg16[%add3A_57] : memref<10112xf32, #tpu.memory_space<vmem_shared>> -> memref<128xf32, #tpu.memory_space<vmem_shared>>
      %dma_start3A_72 = arith.constant 0 : i32
      %dma_start3A_73 = tpu.memref_slice %arg12[%dma_start3A_72] : memref<128xf32, #tpu.memory_space<vmem>> -> memref<128xf32, #tpu.memory_space<vmem>>
      tpu.enqueue_dma source(%dma_start3A_73 : memref<128xf32, #tpu.memory_space<vmem>>) target(%dma_start3A_71 : memref<128xf32, #tpu.memory_space<vmem_shared>>) target_semaphore(%run_scoped3A : memref<!tpu.dma_semaphore, #tpu.memory_space<semaphore_mem>>)
      %dma_wait3A = arith.constant 0 : i32
      %dma_wait3A_74 = tpu.memref_slice %arg12[%dma_wait3A] : memref<128xf32, #tpu.memory_space<vmem>> -> memref<128xf32, #tpu.memory_space<vmem>>
      %dma_wait3A_75 = tpu.memref_slice %arg16[%add3A_57] : memref<10112xf32, #tpu.memory_space<vmem_shared>> -> memref<128xf32, #tpu.memory_space<vmem_shared>>
      %dma_wait3A_76 = tpu.memref_slice %arg16[%add3A_57] : memref<10112xf32, #tpu.memory_space<vmem_shared>> -> memref<128xf32, #tpu.memory_space<vmem_shared>>
      %dma_wait3A_77 = arith.constant 0 : i32
      %dma_wait3A_78 = tpu.memref_slice %arg12[%dma_wait3A_77] : memref<128xf32, #tpu.memory_space<vmem>> -> memref<128xf32, #tpu.memory_space<vmem>>
      tpu.wait_dma2 semaphore(%run_scoped3A : memref<!tpu.dma_semaphore, #tpu.memory_space<semaphore_mem>>) src(%dma_wait3A_78 : memref<128xf32, #tpu.memory_space<vmem>>) dst(%dma_wait3A_76 : memref<128xf32, #tpu.memory_space<vmem_shared>>)
      tpu.yield
    }) : () -> ()
    %add3A_58 = arith.constant 384 : i32
    %add3A_59 = arith.addi %mul3A_51, %add3A_58 : i32
    "tpu.region"() ({
      %run_scoped3A = tpu.sem_alloc : memref<!tpu.dma_semaphore, #tpu.memory_space<semaphore_mem>>
      %dma_start3A = arith.constant 0 : i32
      %dma_start3A_69 = tpu.memref_slice %arg12[%dma_start3A] : memref<128xf32, #tpu.memory_space<vmem>> -> memref<128xf32, #tpu.memory_space<vmem>>
      %dma_start3A_70 = tpu.memref_slice %arg16[%add3A_59] : memref<10112xf32, #tpu.memory_space<vmem_shared>> -> memref<128xf32, #tpu.memory_space<vmem_shared>>
      %dma_start3A_71 = tpu.memref_slice %arg16[%add3A_59] : memref<10112xf32, #tpu.memory_space<vmem_shared>> -> memref<128xf32, #tpu.memory_space<vmem_shared>>
      %dma_start3A_72 = arith.constant 0 : i32
      %dma_start3A_73 = tpu.memref_slice %arg12[%dma_start3A_72] : memref<128xf32, #tpu.memory_space<vmem>> -> memref<128xf32, #tpu.memory_space<vmem>>
      tpu.enqueue_dma source(%dma_start3A_73 : memref<128xf32, #tpu.memory_space<vmem>>) target(%dma_start3A_71 : memref<128xf32, #tpu.memory_space<vmem_shared>>) target_semaphore(%run_scoped3A : memref<!tpu.dma_semaphore, #tpu.memory_space<semaphore_mem>>)
      %dma_wait3A = arith.constant 0 : i32
      %dma_wait3A_74 = tpu.memref_slice %arg12[%dma_wait3A] : memref<128xf32, #tpu.memory_space<vmem>> -> memref<128xf32, #tpu.memory_space<vmem>>
      %dma_wait3A_75 = tpu.memref_slice %arg16[%add3A_59] : memref<10112xf32, #tpu.memory_space<vmem_shared>> -> memref<128xf32, #tpu.memory_space<vmem_shared>>
      %dma_wait3A_76 = tpu.memref_slice %arg16[%add3A_59] : memref<10112xf32, #tpu.memory_space<vmem_shared>> -> memref<128xf32, #tpu.memory_space<vmem_shared>>
      %dma_wait3A_77 = arith.constant 0 : i32
      %dma_wait3A_78 = tpu.memref_slice %arg12[%dma_wait3A_77] : memref<128xf32, #tpu.memory_space<vmem>> -> memref<128xf32, #tpu.memory_space<vmem>>
      tpu.wait_dma2 semaphore(%run_scoped3A : memref<!tpu.dma_semaphore, #tpu.memory_space<semaphore_mem>>) src(%dma_wait3A_78 : memref<128xf32, #tpu.memory_space<vmem>>) dst(%dma_wait3A_76 : memref<128xf32, #tpu.memory_space<vmem_shared>>)
      tpu.yield
    }) : () -> ()
    %add3A_60 = arith.constant 512 : i32
    %add3A_61 = arith.addi %mul3A_51, %add3A_60 : i32
    "tpu.region"() ({
      %run_scoped3A = tpu.sem_alloc : memref<!tpu.dma_semaphore, #tpu.memory_space<semaphore_mem>>
      %dma_start3A = arith.constant 0 : i32
      %dma_start3A_69 = tpu.memref_slice %arg12[%dma_start3A] : memref<128xf32, #tpu.memory_space<vmem>> -> memref<120xf32, #tpu.memory_space<vmem>>
      %dma_start3A_70 = tpu.memref_slice %arg16[%add3A_61] : memref<10112xf32, #tpu.memory_space<vmem_shared>> -> memref<120xf32, #tpu.memory_space<vmem_shared>>
      %dma_start3A_71 = tpu.memref_slice %arg16[%add3A_61] : memref<10112xf32, #tpu.memory_space<vmem_shared>> -> memref<120xf32, #tpu.memory_space<vmem_shared>>
      %dma_start3A_72 = arith.constant 0 : i32
      %dma_start3A_73 = tpu.memref_slice %arg12[%dma_start3A_72] : memref<128xf32, #tpu.memory_space<vmem>> -> memref<120xf32, #tpu.memory_space<vmem>>
      tpu.enqueue_dma source(%dma_start3A_73 : memref<120xf32, #tpu.memory_space<vmem>>) target(%dma_start3A_71 : memref<120xf32, #tpu.memory_space<vmem_shared>>) target_semaphore(%run_scoped3A : memref<!tpu.dma_semaphore, #tpu.memory_space<semaphore_mem>>)
      %dma_wait3A = arith.constant 0 : i32
      %dma_wait3A_74 = tpu.memref_slice %arg12[%dma_wait3A] : memref<128xf32, #tpu.memory_space<vmem>> -> memref<120xf32, #tpu.memory_space<vmem>>
      %dma_wait3A_75 = tpu.memref_slice %arg16[%add3A_61] : memref<10112xf32, #tpu.memory_space<vmem_shared>> -> memref<120xf32, #tpu.memory_space<vmem_shared>>
      %dma_wait3A_76 = tpu.memref_slice %arg16[%add3A_61] : memref<10112xf32, #tpu.memory_space<vmem_shared>> -> memref<120xf32, #tpu.memory_space<vmem_shared>>
      %dma_wait3A_77 = arith.constant 0 : i32
      %dma_wait3A_78 = tpu.memref_slice %arg12[%dma_wait3A_77] : memref<128xf32, #tpu.memory_space<vmem>> -> memref<120xf32, #tpu.memory_space<vmem>>
      tpu.wait_dma2 semaphore(%run_scoped3A : memref<!tpu.dma_semaphore, #tpu.memory_space<semaphore_mem>>) src(%dma_wait3A_78 : memref<120xf32, #tpu.memory_space<vmem>>) dst(%dma_wait3A_76 : memref<120xf32, #tpu.memory_space<vmem_shared>>)
      tpu.yield
    }) : () -> ()
    %barrier3A = arith.constant 0 : index
    tpu.barrier barrier_id(%barrier3A)
    %scan3A_62 = arith.constant 0 : i32
    %scan3A_63 = arith.constant 0 : i32
    %scan3A_64 = arith.constant 20 : i32
    %scan3A_65 = arith.addi %scan3A_63, %scan3A_64 : i32
    %scan3A_66 = arith.constant 1 : i32
    scf.for %scan3A_69 = %scan3A_63 to %scan3A_65 step %scan3A_66  : i32 {
      %mul3A_70 = arith.constant 4 : i32
      %mul3A_71 = arith.muli %scan3A_69, %mul3A_70 : i32
      "tpu.region"() ({
        %run_scoped3A = tpu.sem_alloc : memref<!tpu.dma_semaphore, #tpu.memory_space<semaphore_mem>>
        %dma_start3A = arith.constant 0 : i32
        %dma_start3A_80 = tpu.memref_slice %arg5[%add3A, %mul3A_71, %dma_start3A] : memref<32x80x128xi32, #tpu.memory_space<hbm>> -> memref<1x4x128xi32, #tpu.memory_space<hbm>>
        %dma_start3A_81 = tpu.memref_squeeze %dma_start3A_80 : memref<1x4x128xi32, #tpu.memory_space<hbm>> -> memref<4x128xi32, #tpu.memory_space<hbm>>
        %dma_start3A_82 = arith.constant 0 : i32
        %dma_start3A_83 = tpu.memref_slice %arg5[%add3A, %mul3A_71, %dma_start3A_82] : memref<32x80x128xi32, #tpu.memory_space<hbm>> -> memref<1x4x128xi32, #tpu.memory_space<hbm>>
        %dma_start3A_84 = tpu.memref_squeeze %dma_start3A_83 : memref<1x4x128xi32, #tpu.memory_space<hbm>> -> memref<4x128xi32, #tpu.memory_space<hbm>>
        tpu.enqueue_dma source(%dma_start3A_84 : memref<4x128xi32, #tpu.memory_space<hbm>>) target(%arg9 : memref<4x128xi32, #tpu.memory_space<vmem>>) target_semaphore(%run_scoped3A : memref<!tpu.dma_semaphore, #tpu.memory_space<semaphore_mem>>)
        %dma_wait3A = arith.constant 0 : i32
        %dma_wait3A_85 = tpu.memref_slice %arg5[%add3A, %mul3A_71, %dma_wait3A] : memref<32x80x128xi32, #tpu.memory_space<hbm>> -> memref<1x4x128xi32, #tpu.memory_space<hbm>>
        %dma_wait3A_86 = tpu.memref_squeeze %dma_wait3A_85 : memref<1x4x128xi32, #tpu.memory_space<hbm>> -> memref<4x128xi32, #tpu.memory_space<hbm>>
        %dma_wait3A_87 = arith.constant 0 : i32
        %dma_wait3A_88 = tpu.memref_slice %arg5[%add3A, %mul3A_71, %dma_wait3A_87] : memref<32x80x128xi32, #tpu.memory_space<hbm>> -> memref<1x4x128xi32, #tpu.memory_space<hbm>>
        %dma_wait3A_89 = tpu.memref_squeeze %dma_wait3A_88 : memref<1x4x128xi32, #tpu.memory_space<hbm>> -> memref<4x128xi32, #tpu.memory_space<hbm>>
        tpu.wait_dma2 semaphore(%run_scoped3A : memref<!tpu.dma_semaphore, #tpu.memory_space<semaphore_mem>>) src(%dma_wait3A_89 : memref<4x128xi32, #tpu.memory_space<hbm>>) dst(%arg9 : memref<4x128xi32, #tpu.memory_space<vmem>>)
        tpu.yield
      }) : () -> ()
      %mul3A_72 = arith.constant 4 : i32
      %mul3A_73 = arith.muli %scan3A_69, %mul3A_72 : i32
      "tpu.region"() ({
        %run_scoped3A = tpu.sem_alloc : memref<!tpu.dma_semaphore, #tpu.memory_space<semaphore_mem>>
        %dma_start3A = arith.constant 0 : i32
        %dma_start3A_80 = tpu.memref_slice %arg6[%add3A, %mul3A_73, %dma_start3A] : memref<32x80x128xi32, #tpu.memory_space<hbm>> -> memref<1x4x128xi32, #tpu.memory_space<hbm>>
        %dma_start3A_81 = tpu.memref_squeeze %dma_start3A_80 : memref<1x4x128xi32, #tpu.memory_space<hbm>> -> memref<4x128xi32, #tpu.memory_space<hbm>>
        %dma_start3A_82 = arith.constant 0 : i32
        %dma_start3A_83 = tpu.memref_slice %arg6[%add3A, %mul3A_73, %dma_start3A_82] : memref<32x80x128xi32, #tpu.memory_space<hbm>> -> memref<1x4x128xi32, #tpu.memory_space<hbm>>
        %dma_start3A_84 = tpu.memref_squeeze %dma_start3A_83 : memref<1x4x128xi32, #tpu.memory_space<hbm>> -> memref<4x128xi32, #tpu.memory_space<hbm>>
        tpu.enqueue_dma source(%dma_start3A_84 : memref<4x128xi32, #tpu.memory_space<hbm>>) target(%arg10 : memref<4x128xi32, #tpu.memory_space<vmem>>) target_semaphore(%run_scoped3A : memref<!tpu.dma_semaphore, #tpu.memory_space<semaphore_mem>>)
        %dma_wait3A = arith.constant 0 : i32
        %dma_wait3A_85 = tpu.memref_slice %arg6[%add3A, %mul3A_73, %dma_wait3A] : memref<32x80x128xi32, #tpu.memory_space<hbm>> -> memref<1x4x128xi32, #tpu.memory_space<hbm>>
        %dma_wait3A_86 = tpu.memref_squeeze %dma_wait3A_85 : memref<1x4x128xi32, #tpu.memory_space<hbm>> -> memref<4x128xi32, #tpu.memory_space<hbm>>
        %dma_wait3A_87 = arith.constant 0 : i32
        %dma_wait3A_88 = tpu.memref_slice %arg6[%add3A, %mul3A_73, %dma_wait3A_87] : memref<32x80x128xi32, #tpu.memory_space<hbm>> -> memref<1x4x128xi32, #tpu.memory_space<hbm>>
        %dma_wait3A_89 = tpu.memref_squeeze %dma_wait3A_88 : memref<1x4x128xi32, #tpu.memory_space<hbm>> -> memref<4x128xi32, #tpu.memory_space<hbm>>
        tpu.wait_dma2 semaphore(%run_scoped3A : memref<!tpu.dma_semaphore, #tpu.memory_space<semaphore_mem>>) src(%dma_wait3A_89 : memref<4x128xi32, #tpu.memory_space<hbm>>) dst(%arg10 : memref<4x128xi32, #tpu.memory_space<vmem>>)
        tpu.yield
      }) : () -> ()
      %scan3A_74 = arith.constant 0 : i32
      %scan3A_75 = arith.constant 0 : i32
      %scan3A_76 = arith.constant 4 : i32
      %scan3A_77 = arith.addi %scan3A_75, %scan3A_76 : i32
      %scan3A_78 = arith.constant 1 : i32
      scf.for %scan3A_80 = %scan3A_75 to %scan3A_77 step %scan3A_78  : i32 {
        %mul3A_81 = arith.constant 4 : i32
        %mul3A_82 = arith.muli %scan3A_69, %mul3A_81 : i32
        %add3A_83 = arith.addi %mul3A_82, %scan3A_80 : i32
        %dma_start3A = arith.constant 0 : i32
        %dma_start3A_84 = tpu.memref_slice %arg9[%scan3A_80, %dma_start3A] : memref<4x128xi32, #tpu.memory_space<vmem>> -> memref<1x128xi32, #tpu.memory_space<vmem>>
        %dma_start3A_85 = tpu.memref_squeeze %dma_start3A_84 : memref<1x128xi32, #tpu.memory_space<vmem>> -> memref<128xi32, #tpu.memory_space<vmem>>
        %dma_start3A_86 = arith.constant 0 : i32
        %dma_start3A_87 = arith.constant 0 : i32
        %dma_start3A_88 = tpu.memref_slice %arg2[%dma_start3A_86, %dma_start3A_87] : memref<10000x128xf32, #tpu.memory_space<hbm>> -> memref<10000x128xf32, #tpu.memory_space<hbm>>
        tpu.enqueue_indirect_dma source(%dma_start3A_88 : memref<10000x128xf32, #tpu.memory_space<hbm>>) target(%arg11 : memref<128x128xf32, #tpu.memory_space<vmem>>) offsets(%dma_start3A_85 : memref<128xi32, #tpu.memory_space<vmem>>) semaphore(%arg17 : memref<!tpu.dma_semaphore, #tpu.memory_space<semaphore_mem>>)
        %dma_start3A_89 = arith.constant 0 : i32
        %dma_start3A_90 = tpu.memref_slice %arg9[%scan3A_80, %dma_start3A_89] : memref<4x128xi32, #tpu.memory_space<vmem>> -> memref<1x128xi32, #tpu.memory_space<vmem>>
        %dma_start3A_91 = tpu.memref_squeeze %dma_start3A_90 : memref<1x128xi32, #tpu.memory_space<vmem>> -> memref<128xi32, #tpu.memory_space<vmem>>
        %dma_start3A_92 = arith.constant 0 : i32
        %dma_start3A_93 = tpu.memref_slice %arg3[%dma_start3A_92] : memref<10000xf32, #tpu.memory_space<hbm>> -> memref<10000xf32, #tpu.memory_space<hbm>>
        tpu.enqueue_indirect_dma source(%dma_start3A_93 : memref<10000xf32, #tpu.memory_space<hbm>>) target(%arg13 : memref<128xf32, #tpu.memory_space<vmem>>) offsets(%dma_start3A_91 : memref<128xi32, #tpu.memory_space<vmem>>) semaphore(%arg18 : memref<!tpu.dma_semaphore, #tpu.memory_space<semaphore_mem>>)
        %dma_start3A_94 = arith.constant 0 : i32
        %dma_start3A_95 = tpu.memref_slice %arg10[%scan3A_80, %dma_start3A_94] : memref<4x128xi32, #tpu.memory_space<vmem>> -> memref<1x128xi32, #tpu.memory_space<vmem>>
        %dma_start3A_96 = tpu.memref_squeeze %dma_start3A_95 : memref<1x128xi32, #tpu.memory_space<vmem>> -> memref<128xi32, #tpu.memory_space<vmem>>
        %dma_start3A_97 = arith.constant 0 : i32
        %dma_start3A_98 = tpu.memref_slice %arg4[%dma_start3A_97] : memref<10000xf32, #tpu.memory_space<hbm>> -> memref<10000xf32, #tpu.memory_space<hbm>>
        tpu.enqueue_indirect_dma source(%dma_start3A_98 : memref<10000xf32, #tpu.memory_space<hbm>>) target(%arg14 : memref<128xf32, #tpu.memory_space<vmem>>) offsets(%dma_start3A_96 : memref<128xi32, #tpu.memory_space<vmem>>) semaphore(%arg18 : memref<!tpu.dma_semaphore, #tpu.memory_space<semaphore_mem>>)
        %dma_wait3A = arith.constant 0 : i32
        %dma_wait3A_99 = tpu.memref_slice %arg9[%scan3A_80, %dma_wait3A] : memref<4x128xi32, #tpu.memory_space<vmem>> -> memref<1x128xi32, #tpu.memory_space<vmem>>
        %dma_wait3A_100 = tpu.memref_squeeze %dma_wait3A_99 : memref<1x128xi32, #tpu.memory_space<vmem>> -> memref<128xi32, #tpu.memory_space<vmem>>
        %dma_wait3A_101 = arith.constant 0 : i32
        %dma_wait3A_102 = tpu.memref_slice %arg3[%dma_wait3A_101] : memref<10000xf32, #tpu.memory_space<hbm>> -> memref<10000xf32, #tpu.memory_space<hbm>>
        tpu.wait_indirect_dma semaphore(%arg18 : memref<!tpu.dma_semaphore, #tpu.memory_space<semaphore_mem>>) src(%dma_wait3A_102 : memref<10000xf32, #tpu.memory_space<hbm>>) dst(%arg13 : memref<128xf32, #tpu.memory_space<vmem>>)
        %dma_wait3A_103 = arith.constant 0 : i32
        %dma_wait3A_104 = tpu.memref_slice %arg10[%scan3A_80, %dma_wait3A_103] : memref<4x128xi32, #tpu.memory_space<vmem>> -> memref<1x128xi32, #tpu.memory_space<vmem>>
        %dma_wait3A_105 = tpu.memref_squeeze %dma_wait3A_104 : memref<1x128xi32, #tpu.memory_space<vmem>> -> memref<128xi32, #tpu.memory_space<vmem>>
        %dma_wait3A_106 = arith.constant 0 : i32
        %dma_wait3A_107 = tpu.memref_slice %arg4[%dma_wait3A_106] : memref<10000xf32, #tpu.memory_space<hbm>> -> memref<10000xf32, #tpu.memory_space<hbm>>
        tpu.wait_indirect_dma semaphore(%arg18 : memref<!tpu.dma_semaphore, #tpu.memory_space<semaphore_mem>>) src(%dma_wait3A_107 : memref<10000xf32, #tpu.memory_space<hbm>>) dst(%arg14 : memref<128xf32, #tpu.memory_space<vmem>>)
        %get3A = arith.constant 0 : index
        %get3A_108 = tpu.vector_load %arg13[%get3A] {strides = array<i32>} : memref<128xf32, #tpu.memory_space<vmem>>, vector<16xf32>,
        %get3A_109 = vector.shape_cast %get3A_108 : vector<16xf32> to vector<16xf32>
        %get3A_110 = arith.constant 0 : index
        %get3A_111 = tpu.vector_load %arg14[%get3A_110] {strides = array<i32>} : memref<128xf32, #tpu.memory_space<vmem>>, vector<16xf32>,
        %get3A_112 = vector.shape_cast %get3A_111 : vector<16xf32> to vector<16xf32>
        %add3A_113 = arith.addf %get3A_109, %get3A_112 : vector<16xf32>
        %broadcast_in_dim3A_114 = arith.constant 2.000000e-01 : f32
        %broadcast_in_dim3A_115 = vector.broadcast %broadcast_in_dim3A_114 : f32 to vector<16xf32>
        %mul3A_116 = arith.mulf %broadcast_in_dim3A_115, %add3A_113 : vector<16xf32>
        %max3A = arith.maximumf %add3A_113, %mul3A_116 : vector<16xf32>
        %exp3A = math.exp %max3A : vector<16xf32>
        %broadcast_in_dim3A_117 = arith.constant 0 : i32
        %broadcast_in_dim3A_118 = vector.broadcast %broadcast_in_dim3A_117 : i32 to vector<16xi32>
        %mul3A_119 = arith.constant 128 : i32
        %mul3A_120 = arith.muli %add3A_83, %mul3A_119 : i32
        %add3A_121 = vector.broadcast %mul3A_120 : i32 to vector<16xi32>
        %add3A_122 = arith.addi %broadcast_in_dim3A_118, %add3A_121 : vector<16xi32>
        %add3A_123 = arith.constant 0 : i32
        %add3A_124 = vector.broadcast %add3A_123 : i32 to vector<16xi32>
        %add3A_125 = arith.addi %add3A_122, %add3A_124 : vector<16xi32>
        %add3A_126 = arith.addi %add3A_125, %iota3A : vector<16xi32>
        %lt3A = arith.constant 10000 : i32
        %lt3A_127 = vector.broadcast %lt3A : i32 to vector<16xi32>
        %lt3A_128 = arith.cmpi slt, %add3A_126, %lt3A_127 : vector<16xi32>
        %select_n3A = arith.select %lt3A_128, %exp3A, %broadcast_in_dim3A_1 : vector<16xi1>, vector<16xf32>
        %swap3A_129 = arith.constant 0 : index
        %swap3A_130 = tpu.vector_load %arg12[%swap3A_129] {strides = array<i32>} : memref<128xf32, #tpu.memory_space<vmem>>, vector<16xf32>,
        %swap3A_131 = vector.shape_cast %swap3A_130 : vector<16xf32> to vector<16xf32>
        %swap3A_132 = vector.shape_cast %select_n3A : vector<16xf32> to vector<16xf32>
        tpu.vector_store %arg12[%swap3A_129], %swap3A_132 {strides = array<i32>} : memref<128xf32, #tpu.memory_space<vmem>>, vector<16xf32>,
        %get3A_133 = arith.constant 16 : index
        %get3A_134 = tpu.vector_load %arg13[%get3A_133] {strides = array<i32>} : memref<128xf32, #tpu.memory_space<vmem>>, vector<16xf32>,
        %get3A_135 = vector.shape_cast %get3A_134 : vector<16xf32> to vector<16xf32>
        %get3A_136 = arith.constant 16 : index
        %get3A_137 = tpu.vector_load %arg14[%get3A_136] {strides = array<i32>} : memref<128xf32, #tpu.memory_space<vmem>>, vector<16xf32>,
        %get3A_138 = vector.shape_cast %get3A_137 : vector<16xf32> to vector<16xf32>
        %add3A_139 = arith.addf %get3A_135, %get3A_138 : vector<16xf32>
        %broadcast_in_dim3A_140 = arith.constant 2.000000e-01 : f32
        %broadcast_in_dim3A_141 = vector.broadcast %broadcast_in_dim3A_140 : f32 to vector<16xf32>
        %mul3A_142 = arith.mulf %broadcast_in_dim3A_141, %add3A_139 : vector<16xf32>
        %max3A_143 = arith.maximumf %add3A_139, %mul3A_142 : vector<16xf32>
        %exp3A_144 = math.exp %max3A_143 : vector<16xf32>
        %broadcast_in_dim3A_145 = arith.constant 0 : i32
        %broadcast_in_dim3A_146 = vector.broadcast %broadcast_in_dim3A_145 : i32 to vector<16xi32>
        %mul3A_147 = arith.constant 128 : i32
        %mul3A_148 = arith.muli %add3A_83, %mul3A_147 : i32
        %add3A_149 = vector.broadcast %mul3A_148 : i32 to vector<16xi32>
        %add3A_150 = arith.addi %broadcast_in_dim3A_146, %add3A_149 : vector<16xi32>
        %add3A_151 = arith.constant 16 : i32
        %add3A_152 = vector.broadcast %add3A_151 : i32 to vector<16xi32>
        %add3A_153 = arith.addi %add3A_150, %add3A_152 : vector<16xi32>
        %add3A_154 = arith.addi %add3A_153, %iota3A : vector<16xi32>
        %lt3A_155 = arith.constant 10000 : i32
        %lt3A_156 = vector.broadcast %lt3A_155 : i32 to vector<16xi32>
        %lt3A_157 = arith.cmpi slt, %add3A_154, %lt3A_156 : vector<16xi32>
        %select_n3A_158 = arith.select %lt3A_157, %exp3A_144, %broadcast_in_dim3A_1 : vector<16xi1>, vector<16xf32>
        %swap3A_159 = arith.constant 16 : index
        %swap3A_160 = tpu.vector_load %arg12[%swap3A_159] {strides = array<i32>} : memref<128xf32, #tpu.memory_space<vmem>>, vector<16xf32>,
        %swap3A_161 = vector.shape_cast %swap3A_160 : vector<16xf32> to vector<16xf32>
        %swap3A_162 = vector.shape_cast %select_n3A_158 : vector<16xf32> to vector<16xf32>
        tpu.vector_store %arg12[%swap3A_159], %swap3A_162 {strides = array<i32>} : memref<128xf32, #tpu.memory_space<vmem>>, vector<16xf32>,
        %get3A_163 = arith.constant 32 : index
        %get3A_164 = tpu.vector_load %arg13[%get3A_163] {strides = array<i32>} : memref<128xf32, #tpu.memory_space<vmem>>, vector<16xf32>,
        %get3A_165 = vector.shape_cast %get3A_164 : vector<16xf32> to vector<16xf32>
        %get3A_166 = arith.constant 32 : index
        %get3A_167 = tpu.vector_load %arg14[%get3A_166] {strides = array<i32>} : memref<128xf32, #tpu.memory_space<vmem>>, vector<16xf32>,
        %get3A_168 = vector.shape_cast %get3A_167 : vector<16xf32> to vector<16xf32>
        %add3A_169 = arith.addf %get3A_165, %get3A_168 : vector<16xf32>
        %broadcast_in_dim3A_170 = arith.constant 2.000000e-01 : f32
        %broadcast_in_dim3A_171 = vector.broadcast %broadcast_in_dim3A_170 : f32 to vector<16xf32>
        %mul3A_172 = arith.mulf %broadcast_in_dim3A_171, %add3A_169 : vector<16xf32>
        %max3A_173 = arith.maximumf %add3A_169, %mul3A_172 : vector<16xf32>
        %exp3A_174 = math.exp %max3A_173 : vector<16xf32>
        %broadcast_in_dim3A_175 = arith.constant 0 : i32
        %broadcast_in_dim3A_176 = vector.broadcast %broadcast_in_dim3A_175 : i32 to vector<16xi32>
        %mul3A_177 = arith.constant 128 : i32
        %mul3A_178 = arith.muli %add3A_83, %mul3A_177 : i32
        %add3A_179 = vector.broadcast %mul3A_178 : i32 to vector<16xi32>
        %add3A_180 = arith.addi %broadcast_in_dim3A_176, %add3A_179 : vector<16xi32>
        %add3A_181 = arith.constant 32 : i32
        %add3A_182 = vector.broadcast %add3A_181 : i32 to vector<16xi32>
        %add3A_183 = arith.addi %add3A_180, %add3A_182 : vector<16xi32>
        %add3A_184 = arith.addi %add3A_183, %iota3A : vector<16xi32>
        %lt3A_185 = arith.constant 10000 : i32
        %lt3A_186 = vector.broadcast %lt3A_185 : i32 to vector<16xi32>
        %lt3A_187 = arith.cmpi slt, %add3A_184, %lt3A_186 : vector<16xi32>
        %select_n3A_188 = arith.select %lt3A_187, %exp3A_174, %broadcast_in_dim3A_1 : vector<16xi1>, vector<16xf32>
        %swap3A_189 = arith.constant 32 : index
        %swap3A_190 = tpu.vector_load %arg12[%swap3A_189] {strides = array<i32>} : memref<128xf32, #tpu.memory_space<vmem>>, vector<16xf32>,
        %swap3A_191 = vector.shape_cast %swap3A_190 : vector<16xf32> to vector<16xf32>
        %swap3A_192 = vector.shape_cast %select_n3A_188 : vector<16xf32> to vector<16xf32>
        tpu.vector_store %arg12[%swap3A_189], %swap3A_192 {strides = array<i32>} : memref<128xf32, #tpu.memory_space<vmem>>, vector<16xf32>,
        %get3A_193 = arith.constant 48 : index
        %get3A_194 = tpu.vector_load %arg13[%get3A_193] {strides = array<i32>} : memref<128xf32, #tpu.memory_space<vmem>>, vector<16xf32>,
        %get3A_195 = vector.shape_cast %get3A_194 : vector<16xf32> to vector<16xf32>
        %get3A_196 = arith.constant 48 : index
        %get3A_197 = tpu.vector_load %arg14[%get3A_196] {strides = array<i32>} : memref<128xf32, #tpu.memory_space<vmem>>, vector<16xf32>,
        %get3A_198 = vector.shape_cast %get3A_197 : vector<16xf32> to vector<16xf32>
        %add3A_199 = arith.addf %get3A_195, %get3A_198 : vector<16xf32>
        %broadcast_in_dim3A_200 = arith.constant 2.000000e-01 : f32
        %broadcast_in_dim3A_201 = vector.broadcast %broadcast_in_dim3A_200 : f32 to vector<16xf32>
        %mul3A_202 = arith.mulf %broadcast_in_dim3A_201, %add3A_199 : vector<16xf32>
        %max3A_203 = arith.maximumf %add3A_199, %mul3A_202 : vector<16xf32>
        %exp3A_204 = math.exp %max3A_203 : vector<16xf32>
        %broadcast_in_dim3A_205 = arith.constant 0 : i32
        %broadcast_in_dim3A_206 = vector.broadcast %broadcast_in_dim3A_205 : i32 to vector<16xi32>
        %mul3A_207 = arith.constant 128 : i32
        %mul3A_208 = arith.muli %add3A_83, %mul3A_207 : i32
        %add3A_209 = vector.broadcast %mul3A_208 : i32 to vector<16xi32>
        %add3A_210 = arith.addi %broadcast_in_dim3A_206, %add3A_209 : vector<16xi32>
        %add3A_211 = arith.constant 48 : i32
        %add3A_212 = vector.broadcast %add3A_211 : i32 to vector<16xi32>
        %add3A_213 = arith.addi %add3A_210, %add3A_212 : vector<16xi32>
        %add3A_214 = arith.addi %add3A_213, %iota3A : vector<16xi32>
        %lt3A_215 = arith.constant 10000 : i32
        %lt3A_216 = vector.broadcast %lt3A_215 : i32 to vector<16xi32>
        %lt3A_217 = arith.cmpi slt, %add3A_214, %lt3A_216 : vector<16xi32>
        %select_n3A_218 = arith.select %lt3A_217, %exp3A_204, %broadcast_in_dim3A_1 : vector<16xi1>, vector<16xf32>
        %swap3A_219 = arith.constant 48 : index
        %swap3A_220 = tpu.vector_load %arg12[%swap3A_219] {strides = array<i32>} : memref<128xf32, #tpu.memory_space<vmem>>, vector<16xf32>,
        %swap3A_221 = vector.shape_cast %swap3A_220 : vector<16xf32> to vector<16xf32>
        %swap3A_222 = vector.shape_cast %select_n3A_218 : vector<16xf32> to vector<16xf32>
        tpu.vector_store %arg12[%swap3A_219], %swap3A_222 {strides = array<i32>} : memref<128xf32, #tpu.memory_space<vmem>>, vector<16xf32>,
        %get3A_223 = arith.constant 64 : index
        %get3A_224 = tpu.vector_load %arg13[%get3A_223] {strides = array<i32>} : memref<128xf32, #tpu.memory_space<vmem>>, vector<16xf32>,
        %get3A_225 = vector.shape_cast %get3A_224 : vector<16xf32> to vector<16xf32>
        %get3A_226 = arith.constant 64 : index
        %get3A_227 = tpu.vector_load %arg14[%get3A_226] {strides = array<i32>} : memref<128xf32, #tpu.memory_space<vmem>>, vector<16xf32>,
        %get3A_228 = vector.shape_cast %get3A_227 : vector<16xf32> to vector<16xf32>
        %add3A_229 = arith.addf %get3A_225, %get3A_228 : vector<16xf32>
        %broadcast_in_dim3A_230 = arith.constant 2.000000e-01 : f32
        %broadcast_in_dim3A_231 = vector.broadcast %broadcast_in_dim3A_230 : f32 to vector<16xf32>
        %mul3A_232 = arith.mulf %broadcast_in_dim3A_231, %add3A_229 : vector<16xf32>
        %max3A_233 = arith.maximumf %add3A_229, %mul3A_232 : vector<16xf32>
        %exp3A_234 = math.exp %max3A_233 : vector<16xf32>
        %broadcast_in_dim3A_235 = arith.constant 0 : i32
        %broadcast_in_dim3A_236 = vector.broadcast %broadcast_in_dim3A_235 : i32 to vector<16xi32>
        %mul3A_237 = arith.constant 128 : i32
        %mul3A_238 = arith.muli %add3A_83, %mul3A_237 : i32
        %add3A_239 = vector.broadcast %mul3A_238 : i32 to vector<16xi32>
        %add3A_240 = arith.addi %broadcast_in_dim3A_236, %add3A_239 : vector<16xi32>
        %add3A_241 = arith.constant 64 : i32
        %add3A_242 = vector.broadcast %add3A_241 : i32 to vector<16xi32>
        %add3A_243 = arith.addi %add3A_240, %add3A_242 : vector<16xi32>
        %add3A_244 = arith.addi %add3A_243, %iota3A : vector<16xi32>
        %lt3A_245 = arith.constant 10000 : i32
        %lt3A_246 = vector.broadcast %lt3A_245 : i32 to vector<16xi32>
        %lt3A_247 = arith.cmpi slt, %add3A_244, %lt3A_246 : vector<16xi32>
        %select_n3A_248 = arith.select %lt3A_247, %exp3A_234, %broadcast_in_dim3A_1 : vector<16xi1>, vector<16xf32>
        %swap3A_249 = arith.constant 64 : index
        %swap3A_250 = tpu.vector_load %arg12[%swap3A_249] {strides = array<i32>} : memref<128xf32, #tpu.memory_space<vmem>>, vector<16xf32>,
        %swap3A_251 = vector.shape_cast %swap3A_250 : vector<16xf32> to vector<16xf32>
        %swap3A_252 = vector.shape_cast %select_n3A_248 : vector<16xf32> to vector<16xf32>
        tpu.vector_store %arg12[%swap3A_249], %swap3A_252 {strides = array<i32>} : memref<128xf32, #tpu.memory_space<vmem>>, vector<16xf32>,
        %get3A_253 = arith.constant 80 : index
        %get3A_254 = tpu.vector_load %arg13[%get3A_253] {strides = array<i32>} : memref<128xf32, #tpu.memory_space<vmem>>, vector<16xf32>,
        %get3A_255 = vector.shape_cast %get3A_254 : vector<16xf32> to vector<16xf32>
        %get3A_256 = arith.constant 80 : index
        %get3A_257 = tpu.vector_load %arg14[%get3A_256] {strides = array<i32>} : memref<128xf32, #tpu.memory_space<vmem>>, vector<16xf32>,
        %get3A_258 = vector.shape_cast %get3A_257 : vector<16xf32> to vector<16xf32>
        %add3A_259 = arith.addf %get3A_255, %get3A_258 : vector<16xf32>
        %broadcast_in_dim3A_260 = arith.constant 2.000000e-01 : f32
        %broadcast_in_dim3A_261 = vector.broadcast %broadcast_in_dim3A_260 : f32 to vector<16xf32>
        %mul3A_262 = arith.mulf %broadcast_in_dim3A_261, %add3A_259 : vector<16xf32>
        %max3A_263 = arith.maximumf %add3A_259, %mul3A_262 : vector<16xf32>
        %exp3A_264 = math.exp %max3A_263 : vector<16xf32>
        %broadcast_in_dim3A_265 = arith.constant 0 : i32
        %broadcast_in_dim3A_266 = vector.broadcast %broadcast_in_dim3A_265 : i32 to vector<16xi32>
        %mul3A_267 = arith.constant 128 : i32
        %mul3A_268 = arith.muli %add3A_83, %mul3A_267 : i32
        %add3A_269 = vector.broadcast %mul3A_268 : i32 to vector<16xi32>
        %add3A_270 = arith.addi %broadcast_in_dim3A_266, %add3A_269 : vector<16xi32>
        %add3A_271 = arith.constant 80 : i32
        %add3A_272 = vector.broadcast %add3A_271 : i32 to vector<16xi32>
        %add3A_273 = arith.addi %add3A_270, %add3A_272 : vector<16xi32>
        %add3A_274 = arith.addi %add3A_273, %iota3A : vector<16xi32>
        %lt3A_275 = arith.constant 10000 : i32
        %lt3A_276 = vector.broadcast %lt3A_275 : i32 to vector<16xi32>
        %lt3A_277 = arith.cmpi slt, %add3A_274, %lt3A_276 : vector<16xi32>
        %select_n3A_278 = arith.select %lt3A_277, %exp3A_264, %broadcast_in_dim3A_1 : vector<16xi1>, vector<16xf32>
        %swap3A_279 = arith.constant 80 : index
        %swap3A_280 = tpu.vector_load %arg12[%swap3A_279] {strides = array<i32>} : memref<128xf32, #tpu.memory_space<vmem>>, vector<16xf32>,
        %swap3A_281 = vector.shape_cast %swap3A_280 : vector<16xf32> to vector<16xf32>
        %swap3A_282 = vector.shape_cast %select_n3A_278 : vector<16xf32> to vector<16xf32>
        tpu.vector_store %arg12[%swap3A_279], %swap3A_282 {strides = array<i32>} : memref<128xf32, #tpu.memory_space<vmem>>, vector<16xf32>,
        %get3A_283 = arith.constant 96 : index
        %get3A_284 = tpu.vector_load %arg13[%get3A_283] {strides = array<i32>} : memref<128xf32, #tpu.memory_space<vmem>>, vector<16xf32>,
        %get3A_285 = vector.shape_cast %get3A_284 : vector<16xf32> to vector<16xf32>
        %get3A_286 = arith.constant 96 : index
        %get3A_287 = tpu.vector_load %arg14[%get3A_286] {strides = array<i32>} : memref<128xf32, #tpu.memory_space<vmem>>, vector<16xf32>,
        %get3A_288 = vector.shape_cast %get3A_287 : vector<16xf32> to vector<16xf32>
        %add3A_289 = arith.addf %get3A_285, %get3A_288 : vector<16xf32>
        %broadcast_in_dim3A_290 = arith.constant 2.000000e-01 : f32
        %broadcast_in_dim3A_291 = vector.broadcast %broadcast_in_dim3A_290 : f32 to vector<16xf32>
        %mul3A_292 = arith.mulf %broadcast_in_dim3A_291, %add3A_289 : vector<16xf32>
        %max3A_293 = arith.maximumf %add3A_289, %mul3A_292 : vector<16xf32>
        %exp3A_294 = math.exp %max3A_293 : vector<16xf32>
        %broadcast_in_dim3A_295 = arith.constant 0 : i32
        %broadcast_in_dim3A_296 = vector.broadcast %broadcast_in_dim3A_295 : i32 to vector<16xi32>
        %mul3A_297 = arith.constant 128 : i32
        %mul3A_298 = arith.muli %add3A_83, %mul3A_297 : i32
        %add3A_299 = vector.broadcast %mul3A_298 : i32 to vector<16xi32>
        %add3A_300 = arith.addi %broadcast_in_dim3A_296, %add3A_299 : vector<16xi32>
        %add3A_301 = arith.constant 96 : i32
        %add3A_302 = vector.broadcast %add3A_301 : i32 to vector<16xi32>
        %add3A_303 = arith.addi %add3A_300, %add3A_302 : vector<16xi32>
        %add3A_304 = arith.addi %add3A_303, %iota3A : vector<16xi32>
        %lt3A_305 = arith.constant 10000 : i32
        %lt3A_306 = vector.broadcast %lt3A_305 : i32 to vector<16xi32>
        %lt3A_307 = arith.cmpi slt, %add3A_304, %lt3A_306 : vector<16xi32>
        %select_n3A_308 = arith.select %lt3A_307, %exp3A_294, %broadcast_in_dim3A_1 : vector<16xi1>, vector<16xf32>
        %swap3A_309 = arith.constant 96 : index
        %swap3A_310 = tpu.vector_load %arg12[%swap3A_309] {strides = array<i32>} : memref<128xf32, #tpu.memory_space<vmem>>, vector<16xf32>,
        %swap3A_311 = vector.shape_cast %swap3A_310 : vector<16xf32> to vector<16xf32>
        %swap3A_312 = vector.shape_cast %select_n3A_308 : vector<16xf32> to vector<16xf32>
        tpu.vector_store %arg12[%swap3A_309], %swap3A_312 {strides = array<i32>} : memref<128xf32, #tpu.memory_space<vmem>>, vector<16xf32>,
        %get3A_313 = arith.constant 112 : index
        %get3A_314 = tpu.vector_load %arg13[%get3A_313] {strides = array<i32>} : memref<128xf32, #tpu.memory_space<vmem>>, vector<16xf32>,
        %get3A_315 = vector.shape_cast %get3A_314 : vector<16xf32> to vector<16xf32>
        %get3A_316 = arith.constant 112 : index
        %get3A_317 = tpu.vector_load %arg14[%get3A_316] {strides = array<i32>} : memref<128xf32, #tpu.memory_space<vmem>>, vector<16xf32>,
        %get3A_318 = vector.shape_cast %get3A_317 : vector<16xf32> to vector<16xf32>
        %add3A_319 = arith.addf %get3A_315, %get3A_318 : vector<16xf32>
        %broadcast_in_dim3A_320 = arith.constant 2.000000e-01 : f32
        %broadcast_in_dim3A_321 = vector.broadcast %broadcast_in_dim3A_320 : f32 to vector<16xf32>
        %mul3A_322 = arith.mulf %broadcast_in_dim3A_321, %add3A_319 : vector<16xf32>
        %max3A_323 = arith.maximumf %add3A_319, %mul3A_322 : vector<16xf32>
        %exp3A_324 = math.exp %max3A_323 : vector<16xf32>
        %broadcast_in_dim3A_325 = arith.constant 0 : i32
        %broadcast_in_dim3A_326 = vector.broadcast %broadcast_in_dim3A_325 : i32 to vector<16xi32>
        %mul3A_327 = arith.constant 128 : i32
        %mul3A_328 = arith.muli %add3A_83, %mul3A_327 : i32
        %add3A_329 = vector.broadcast %mul3A_328 : i32 to vector<16xi32>
        %add3A_330 = arith.addi %broadcast_in_dim3A_326, %add3A_329 : vector<16xi32>
        %add3A_331 = arith.constant 112 : i32
        %add3A_332 = vector.broadcast %add3A_331 : i32 to vector<16xi32>
        %add3A_333 = arith.addi %add3A_330, %add3A_332 : vector<16xi32>
        %add3A_334 = arith.addi %add3A_333, %iota3A : vector<16xi32>
        %lt3A_335 = arith.constant 10000 : i32
        %lt3A_336 = vector.broadcast %lt3A_335 : i32 to vector<16xi32>
        %lt3A_337 = arith.cmpi slt, %add3A_334, %lt3A_336 : vector<16xi32>
        %select_n3A_338 = arith.select %lt3A_337, %exp3A_324, %broadcast_in_dim3A_1 : vector<16xi1>, vector<16xf32>
        %swap3A_339 = arith.constant 112 : index
        %swap3A_340 = tpu.vector_load %arg12[%swap3A_339] {strides = array<i32>} : memref<128xf32, #tpu.memory_space<vmem>>, vector<16xf32>,
        %swap3A_341 = vector.shape_cast %swap3A_340 : vector<16xf32> to vector<16xf32>
        %swap3A_342 = vector.shape_cast %select_n3A_338 : vector<16xf32> to vector<16xf32>
        tpu.vector_store %arg12[%swap3A_339], %swap3A_342 {strides = array<i32>} : memref<128xf32, #tpu.memory_space<vmem>>, vector<16xf32>,
        %dma_wait3A_343 = arith.constant 0 : i32
        %dma_wait3A_344 = tpu.memref_slice %arg9[%scan3A_80, %dma_wait3A_343] : memref<4x128xi32, #tpu.memory_space<vmem>> -> memref<1x128xi32, #tpu.memory_space<vmem>>
        %dma_wait3A_345 = tpu.memref_squeeze %dma_wait3A_344 : memref<1x128xi32, #tpu.memory_space<vmem>> -> memref<128xi32, #tpu.memory_space<vmem>>
        %dma_wait3A_346 = arith.constant 0 : i32
        %dma_wait3A_347 = arith.constant 0 : i32
        %dma_wait3A_348 = tpu.memref_slice %arg2[%dma_wait3A_346, %dma_wait3A_347] : memref<10000x128xf32, #tpu.memory_space<hbm>> -> memref<10000x128xf32, #tpu.memory_space<hbm>>
        tpu.wait_indirect_dma semaphore(%arg17 : memref<!tpu.dma_semaphore, #tpu.memory_space<semaphore_mem>>) src(%dma_wait3A_348 : memref<10000x128xf32, #tpu.memory_space<hbm>>) dst(%arg11 : memref<128x128xf32, #tpu.memory_space<vmem>>)
        %scan3A_349 = arith.constant 0 : i32
        %scan3A_350 = arith.constant 0 : i32
        %scan3A_351 = arith.constant 16 : i32
        %scan3A_352 = arith.addi %scan3A_350, %scan3A_351 : i32
        %scan3A_353 = arith.constant 1 : i32
        scf.for %scan3A_397 = %scan3A_350 to %scan3A_352 step %scan3A_353  : i32 {
          %add3A_398 = arith.constant 0 : i32
          %add3A_399 = arith.addi %add3A_398, %scan3A_397 : i32
          %broadcast_in_dim3A_400 = vector.broadcast %scan3A_397 : i32 to vector<16xi32>
          %reshape3A = vector.shape_cast %broadcast_in_dim3A_400 : vector<16xi32> to vector<16x1xi32>
          %gather3A = vector.shape_cast %reshape3A : vector<16x1xi32> to vector<16xi32>
          %gather3A_401 = tpu.dynamic_gather %select_n3A[%gather3A] in [0] : vector<16xf32>, vector<16xi32> -> vector<16xf32>
          %get3A_402 = arith.index_cast %add3A_399 : i32 to index
          %get3A_403 = arith.constant 0 : index
          %get3A_404 = tpu.vector_load %arg11[%get3A_402, %get3A_403] {strides = array<i32>} : memref<128x128xf32, #tpu.memory_space<vmem>>, vector<1x16xf32>,
          %get3A_405 = vector.shape_cast %get3A_404 : vector<1x16xf32> to vector<16xf32>
          %mul3A_406 = arith.mulf %get3A_405, %gather3A_401 : vector<16xf32>
          %swap3A_407 = arith.index_cast %add3A_399 : i32 to index
          %swap3A_408 = arith.constant 0 : index
          %swap3A_409 = tpu.vector_load %arg11[%swap3A_407, %swap3A_408] {strides = array<i32>} : memref<128x128xf32, #tpu.memory_space<vmem>>, vector<1x16xf32>,
          %swap3A_410 = vector.shape_cast %swap3A_409 : vector<1x16xf32> to vector<16xf32>
          %swap3A_411 = vector.shape_cast %mul3A_406 : vector<16xf32> to vector<1x16xf32>
          tpu.vector_store %arg11[%swap3A_407, %swap3A_408], %swap3A_411 {strides = array<i32>} : memref<128x128xf32, #tpu.memory_space<vmem>>, vector<1x16xf32>,
          %get3A_412 = arith.index_cast %add3A_399 : i32 to index
          %get3A_413 = arith.constant 16 : index
          %get3A_414 = tpu.vector_load %arg11[%get3A_412, %get3A_413] {strides = array<i32>} : memref<128x128xf32, #tpu.memory_space<vmem>>, vector<1x16xf32>,
          %get3A_415 = vector.shape_cast %get3A_414 : vector<1x16xf32> to vector<16xf32>
          %mul3A_416 = arith.mulf %get3A_415, %gather3A_401 : vector<16xf32>
          %swap3A_417 = arith.index_cast %add3A_399 : i32 to index
          %swap3A_418 = arith.constant 16 : index
          %swap3A_419 = tpu.vector_load %arg11[%swap3A_417, %swap3A_418] {strides = array<i32>} : memref<128x128xf32, #tpu.memory_space<vmem>>, vector<1x16xf32>,
          %swap3A_420 = vector.shape_cast %swap3A_419 : vector<1x16xf32> to vector<16xf32>
          %swap3A_421 = vector.shape_cast %mul3A_416 : vector<16xf32> to vector<1x16xf32>
          tpu.vector_store %arg11[%swap3A_417, %swap3A_418], %swap3A_421 {strides = array<i32>} : memref<128x128xf32, #tpu.memory_space<vmem>>, vector<1x16xf32>,
          %get3A_422 = arith.index_cast %add3A_399 : i32 to index
          %get3A_423 = arith.constant 32 : index
          %get3A_424 = tpu.vector_load %arg11[%get3A_422, %get3A_423] {strides = array<i32>} : memref<128x128xf32, #tpu.memory_space<vmem>>, vector<1x16xf32>,
          %get3A_425 = vector.shape_cast %get3A_424 : vector<1x16xf32> to vector<16xf32>
          %mul3A_426 = arith.mulf %get3A_425, %gather3A_401 : vector<16xf32>
          %swap3A_427 = arith.index_cast %add3A_399 : i32 to index
          %swap3A_428 = arith.constant 32 : index
          %swap3A_429 = tpu.vector_load %arg11[%swap3A_427, %swap3A_428] {strides = array<i32>} : memref<128x128xf32, #tpu.memory_space<vmem>>, vector<1x16xf32>,
          %swap3A_430 = vector.shape_cast %swap3A_429 : vector<1x16xf32> to vector<16xf32>
          %swap3A_431 = vector.shape_cast %mul3A_426 : vector<16xf32> to vector<1x16xf32>
          tpu.vector_store %arg11[%swap3A_427, %swap3A_428], %swap3A_431 {strides = array<i32>} : memref<128x128xf32, #tpu.memory_space<vmem>>, vector<1x16xf32>,
          %get3A_432 = arith.index_cast %add3A_399 : i32 to index
          %get3A_433 = arith.constant 48 : index
          %get3A_434 = tpu.vector_load %arg11[%get3A_432, %get3A_433] {strides = array<i32>} : memref<128x128xf32, #tpu.memory_space<vmem>>, vector<1x16xf32>,
          %get3A_435 = vector.shape_cast %get3A_434 : vector<1x16xf32> to vector<16xf32>
          %mul3A_436 = arith.mulf %get3A_435, %gather3A_401 : vector<16xf32>
          %swap3A_437 = arith.index_cast %add3A_399 : i32 to index
          %swap3A_438 = arith.constant 48 : index
          %swap3A_439 = tpu.vector_load %arg11[%swap3A_437, %swap3A_438] {strides = array<i32>} : memref<128x128xf32, #tpu.memory_space<vmem>>, vector<1x16xf32>,
          %swap3A_440 = vector.shape_cast %swap3A_439 : vector<1x16xf32> to vector<16xf32>
          %swap3A_441 = vector.shape_cast %mul3A_436 : vector<16xf32> to vector<1x16xf32>
          tpu.vector_store %arg11[%swap3A_437, %swap3A_438], %swap3A_441 {strides = array<i32>} : memref<128x128xf32, #tpu.memory_space<vmem>>, vector<1x16xf32>,
          %get3A_442 = arith.index_cast %add3A_399 : i32 to index
          %get3A_443 = arith.constant 64 : index
          %get3A_444 = tpu.vector_load %arg11[%get3A_442, %get3A_443] {strides = array<i32>} : memref<128x128xf32, #tpu.memory_space<vmem>>, vector<1x16xf32>,
          %get3A_445 = vector.shape_cast %get3A_444 : vector<1x16xf32> to vector<16xf32>
          %mul3A_446 = arith.mulf %get3A_445, %gather3A_401 : vector<16xf32>
          %swap3A_447 = arith.index_cast %add3A_399 : i32 to index
          %swap3A_448 = arith.constant 64 : index
          %swap3A_449 = tpu.vector_load %arg11[%swap3A_447, %swap3A_448] {strides = array<i32>} : memref<128x128xf32, #tpu.memory_space<vmem>>, vector<1x16xf32>,
          %swap3A_450 = vector.shape_cast %swap3A_449 : vector<1x16xf32> to vector<16xf32>
          %swap3A_451 = vector.shape_cast %mul3A_446 : vector<16xf32> to vector<1x16xf32>
          tpu.vector_store %arg11[%swap3A_447, %swap3A_448], %swap3A_451 {strides = array<i32>} : memref<128x128xf32, #tpu.memory_space<vmem>>, vector<1x16xf32>,
          %get3A_452 = arith.index_cast %add3A_399 : i32 to index
          %get3A_453 = arith.constant 80 : index
          %get3A_454 = tpu.vector_load %arg11[%get3A_452, %get3A_453] {strides = array<i32>} : memref<128x128xf32, #tpu.memory_space<vmem>>, vector<1x16xf32>,
          %get3A_455 = vector.shape_cast %get3A_454 : vector<1x16xf32> to vector<16xf32>
          %mul3A_456 = arith.mulf %get3A_455, %gather3A_401 : vector<16xf32>
          %swap3A_457 = arith.index_cast %add3A_399 : i32 to index
          %swap3A_458 = arith.constant 80 : index
          %swap3A_459 = tpu.vector_load %arg11[%swap3A_457, %swap3A_458] {strides = array<i32>} : memref<128x128xf32, #tpu.memory_space<vmem>>, vector<1x16xf32>,
          %swap3A_460 = vector.shape_cast %swap3A_459 : vector<1x16xf32> to vector<16xf32>
          %swap3A_461 = vector.shape_cast %mul3A_456 : vector<16xf32> to vector<1x16xf32>
          tpu.vector_store %arg11[%swap3A_457, %swap3A_458], %swap3A_461 {strides = array<i32>} : memref<128x128xf32, #tpu.memory_space<vmem>>, vector<1x16xf32>,
          %get3A_462 = arith.index_cast %add3A_399 : i32 to index
          %get3A_463 = arith.constant 96 : index
          %get3A_464 = tpu.vector_load %arg11[%get3A_462, %get3A_463] {strides = array<i32>} : memref<128x128xf32, #tpu.memory_space<vmem>>, vector<1x16xf32>,
          %get3A_465 = vector.shape_cast %get3A_464 : vector<1x16xf32> to vector<16xf32>
          %mul3A_466 = arith.mulf %get3A_465, %gather3A_401 : vector<16xf32>
          %swap3A_467 = arith.index_cast %add3A_399 : i32 to index
          %swap3A_468 = arith.constant 96 : index
          %swap3A_469 = tpu.vector_load %arg11[%swap3A_467, %swap3A_468] {strides = array<i32>} : memref<128x128xf32, #tpu.memory_space<vmem>>, vector<1x16xf32>,
          %swap3A_470 = vector.shape_cast %swap3A_469 : vector<1x16xf32> to vector<16xf32>
          %swap3A_471 = vector.shape_cast %mul3A_466 : vector<16xf32> to vector<1x16xf32>
          tpu.vector_store %arg11[%swap3A_467, %swap3A_468], %swap3A_471 {strides = array<i32>} : memref<128x128xf32, #tpu.memory_space<vmem>>, vector<1x16xf32>,
          %get3A_472 = arith.index_cast %add3A_399 : i32 to index
          %get3A_473 = arith.constant 112 : index
          %get3A_474 = tpu.vector_load %arg11[%get3A_472, %get3A_473] {strides = array<i32>} : memref<128x128xf32, #tpu.memory_space<vmem>>, vector<1x16xf32>,
          %get3A_475 = vector.shape_cast %get3A_474 : vector<1x16xf32> to vector<16xf32>
          %mul3A_476 = arith.mulf %get3A_475, %gather3A_401 : vector<16xf32>
          %swap3A_477 = arith.index_cast %add3A_399 : i32 to index
          %swap3A_478 = arith.constant 112 : index
          %swap3A_479 = tpu.vector_load %arg11[%swap3A_477, %swap3A_478] {strides = array<i32>} : memref<128x128xf32, #tpu.memory_space<vmem>>, vector<1x16xf32>,
          %swap3A_480 = vector.shape_cast %swap3A_479 : vector<1x16xf32> to vector<16xf32>
          %swap3A_481 = vector.shape_cast %mul3A_476 : vector<16xf32> to vector<1x16xf32>
          tpu.vector_store %arg11[%swap3A_477, %swap3A_478], %swap3A_481 {strides = array<i32>} : memref<128x128xf32, #tpu.memory_space<vmem>>, vector<1x16xf32>,
        }
        %scan3A_354 = arith.constant 16 : i32
        %scan3A_355 = arith.constant 0 : i32
        %scan3A_356 = arith.constant 0 : i32
        %scan3A_357 = arith.constant 16 : i32
        %scan3A_358 = arith.addi %scan3A_356, %scan3A_357 : i32
        %scan3A_359 = arith.constant 1 : i32
        scf.for %scan3A_397 = %scan3A_356 to %scan3A_358 step %scan3A_359  : i32 {
          %add3A_398 = arith.constant 16 : i32
          %add3A_399 = arith.addi %add3A_398, %scan3A_397 : i32
          %broadcast_in_dim3A_400 = vector.broadcast %scan3A_397 : i32 to vector<16xi32>
          %reshape3A = vector.shape_cast %broadcast_in_dim3A_400 : vector<16xi32> to vector<16x1xi32>
          %gather3A = vector.shape_cast %reshape3A : vector<16x1xi32> to vector<16xi32>
          %gather3A_401 = tpu.dynamic_gather %select_n3A_158[%gather3A] in [0] : vector<16xf32>, vector<16xi32> -> vector<16xf32>
          %get3A_402 = arith.index_cast %add3A_399 : i32 to index
          %get3A_403 = arith.constant 0 : index
          %get3A_404 = tpu.vector_load %arg11[%get3A_402, %get3A_403] {strides = array<i32>} : memref<128x128xf32, #tpu.memory_space<vmem>>, vector<1x16xf32>,
          %get3A_405 = vector.shape_cast %get3A_404 : vector<1x16xf32> to vector<16xf32>
          %mul3A_406 = arith.mulf %get3A_405, %gather3A_401 : vector<16xf32>
          %swap3A_407 = arith.index_cast %add3A_399 : i32 to index
          %swap3A_408 = arith.constant 0 : index
          %swap3A_409 = tpu.vector_load %arg11[%swap3A_407, %swap3A_408] {strides = array<i32>} : memref<128x128xf32, #tpu.memory_space<vmem>>, vector<1x16xf32>,
          %swap3A_410 = vector.shape_cast %swap3A_409 : vector<1x16xf32> to vector<16xf32>
          %swap3A_411 = vector.shape_cast %mul3A_406 : vector<16xf32> to vector<1x16xf32>
          tpu.vector_store %arg11[%swap3A_407, %swap3A_408], %swap3A_411 {strides = array<i32>} : memref<128x128xf32, #tpu.memory_space<vmem>>, vector<1x16xf32>,
          %get3A_412 = arith.index_cast %add3A_399 : i32 to index
          %get3A_413 = arith.constant 16 : index
          %get3A_414 = tpu.vector_load %arg11[%get3A_412, %get3A_413] {strides = array<i32>} : memref<128x128xf32, #tpu.memory_space<vmem>>, vector<1x16xf32>,
          %get3A_415 = vector.shape_cast %get3A_414 : vector<1x16xf32> to vector<16xf32>
          %mul3A_416 = arith.mulf %get3A_415, %gather3A_401 : vector<16xf32>
          %swap3A_417 = arith.index_cast %add3A_399 : i32 to index
          %swap3A_418 = arith.constant 16 : index
          %swap3A_419 = tpu.vector_load %arg11[%swap3A_417, %swap3A_418] {strides = array<i32>} : memref<128x128xf32, #tpu.memory_space<vmem>>, vector<1x16xf32>,
          %swap3A_420 = vector.shape_cast %swap3A_419 : vector<1x16xf32> to vector<16xf32>
          %swap3A_421 = vector.shape_cast %mul3A_416 : vector<16xf32> to vector<1x16xf32>
          tpu.vector_store %arg11[%swap3A_417, %swap3A_418], %swap3A_421 {strides = array<i32>} : memref<128x128xf32, #tpu.memory_space<vmem>>, vector<1x16xf32>,
          %get3A_422 = arith.index_cast %add3A_399 : i32 to index
          %get3A_423 = arith.constant 32 : index
          %get3A_424 = tpu.vector_load %arg11[%get3A_422, %get3A_423] {strides = array<i32>} : memref<128x128xf32, #tpu.memory_space<vmem>>, vector<1x16xf32>,
          %get3A_425 = vector.shape_cast %get3A_424 : vector<1x16xf32> to vector<16xf32>
          %mul3A_426 = arith.mulf %get3A_425, %gather3A_401 : vector<16xf32>
          %swap3A_427 = arith.index_cast %add3A_399 : i32 to index
          %swap3A_428 = arith.constant 32 : index
          %swap3A_429 = tpu.vector_load %arg11[%swap3A_427, %swap3A_428] {strides = array<i32>} : memref<128x128xf32, #tpu.memory_space<vmem>>, vector<1x16xf32>,
          %swap3A_430 = vector.shape_cast %swap3A_429 : vector<1x16xf32> to vector<16xf32>
          %swap3A_431 = vector.shape_cast %mul3A_426 : vector<16xf32> to vector<1x16xf32>
          tpu.vector_store %arg11[%swap3A_427, %swap3A_428], %swap3A_431 {strides = array<i32>} : memref<128x128xf32, #tpu.memory_space<vmem>>, vector<1x16xf32>,
          %get3A_432 = arith.index_cast %add3A_399 : i32 to index
          %get3A_433 = arith.constant 48 : index
          %get3A_434 = tpu.vector_load %arg11[%get3A_432, %get3A_433] {strides = array<i32>} : memref<128x128xf32, #tpu.memory_space<vmem>>, vector<1x16xf32>,
          %get3A_435 = vector.shape_cast %get3A_434 : vector<1x16xf32> to vector<16xf32>
          %mul3A_436 = arith.mulf %get3A_435, %gather3A_401 : vector<16xf32>
          %swap3A_437 = arith.index_cast %add3A_399 : i32 to index
          %swap3A_438 = arith.constant 48 : index
          %swap3A_439 = tpu.vector_load %arg11[%swap3A_437, %swap3A_438] {strides = array<i32>} : memref<128x128xf32, #tpu.memory_space<vmem>>, vector<1x16xf32>,
          %swap3A_440 = vector.shape_cast %swap3A_439 : vector<1x16xf32> to vector<16xf32>
          %swap3A_441 = vector.shape_cast %mul3A_436 : vector<16xf32> to vector<1x16xf32>
          tpu.vector_store %arg11[%swap3A_437, %swap3A_438], %swap3A_441 {strides = array<i32>} : memref<128x128xf32, #tpu.memory_space<vmem>>, vector<1x16xf32>,
          %get3A_442 = arith.index_cast %add3A_399 : i32 to index
          %get3A_443 = arith.constant 64 : index
          %get3A_444 = tpu.vector_load %arg11[%get3A_442, %get3A_443] {strides = array<i32>} : memref<128x128xf32, #tpu.memory_space<vmem>>, vector<1x16xf32>,
          %get3A_445 = vector.shape_cast %get3A_444 : vector<1x16xf32> to vector<16xf32>
          %mul3A_446 = arith.mulf %get3A_445, %gather3A_401 : vector<16xf32>
          %swap3A_447 = arith.index_cast %add3A_399 : i32 to index
          %swap3A_448 = arith.constant 64 : index
          %swap3A_449 = tpu.vector_load %arg11[%swap3A_447, %swap3A_448] {strides = array<i32>} : memref<128x128xf32, #tpu.memory_space<vmem>>, vector<1x16xf32>,
          %swap3A_450 = vector.shape_cast %swap3A_449 : vector<1x16xf32> to vector<16xf32>
          %swap3A_451 = vector.shape_cast %mul3A_446 : vector<16xf32> to vector<1x16xf32>
          tpu.vector_store %arg11[%swap3A_447, %swap3A_448], %swap3A_451 {strides = array<i32>} : memref<128x128xf32, #tpu.memory_space<vmem>>, vector<1x16xf32>,
          %get3A_452 = arith.index_cast %add3A_399 : i32 to index
          %get3A_453 = arith.constant 80 : index
          %get3A_454 = tpu.vector_load %arg11[%get3A_452, %get3A_453] {strides = array<i32>} : memref<128x128xf32, #tpu.memory_space<vmem>>, vector<1x16xf32>,
          %get3A_455 = vector.shape_cast %get3A_454 : vector<1x16xf32> to vector<16xf32>
          %mul3A_456 = arith.mulf %get3A_455, %gather3A_401 : vector<16xf32>
          %swap3A_457 = arith.index_cast %add3A_399 : i32 to index
          %swap3A_458 = arith.constant 80 : index
          %swap3A_459 = tpu.vector_load %arg11[%swap3A_457, %swap3A_458] {strides = array<i32>} : memref<128x128xf32, #tpu.memory_space<vmem>>, vector<1x16xf32>,
          %swap3A_460 = vector.shape_cast %swap3A_459 : vector<1x16xf32> to vector<16xf32>
          %swap3A_461 = vector.shape_cast %mul3A_456 : vector<16xf32> to vector<1x16xf32>
          tpu.vector_store %arg11[%swap3A_457, %swap3A_458], %swap3A_461 {strides = array<i32>} : memref<128x128xf32, #tpu.memory_space<vmem>>, vector<1x16xf32>,
          %get3A_462 = arith.index_cast %add3A_399 : i32 to index
          %get3A_463 = arith.constant 96 : index
          %get3A_464 = tpu.vector_load %arg11[%get3A_462, %get3A_463] {strides = array<i32>} : memref<128x128xf32, #tpu.memory_space<vmem>>, vector<1x16xf32>,
          %get3A_465 = vector.shape_cast %get3A_464 : vector<1x16xf32> to vector<16xf32>
          %mul3A_466 = arith.mulf %get3A_465, %gather3A_401 : vector<16xf32>
          %swap3A_467 = arith.index_cast %add3A_399 : i32 to index
          %swap3A_468 = arith.constant 96 : index
          %swap3A_469 = tpu.vector_load %arg11[%swap3A_467, %swap3A_468] {strides = array<i32>} : memref<128x128xf32, #tpu.memory_space<vmem>>, vector<1x16xf32>,
          %swap3A_470 = vector.shape_cast %swap3A_469 : vector<1x16xf32> to vector<16xf32>
          %swap3A_471 = vector.shape_cast %mul3A_466 : vector<16xf32> to vector<1x16xf32>
          tpu.vector_store %arg11[%swap3A_467, %swap3A_468], %swap3A_471 {strides = array<i32>} : memref<128x128xf32, #tpu.memory_space<vmem>>, vector<1x16xf32>,
          %get3A_472 = arith.index_cast %add3A_399 : i32 to index
          %get3A_473 = arith.constant 112 : index
          %get3A_474 = tpu.vector_load %arg11[%get3A_472, %get3A_473] {strides = array<i32>} : memref<128x128xf32, #tpu.memory_space<vmem>>, vector<1x16xf32>,
          %get3A_475 = vector.shape_cast %get3A_474 : vector<1x16xf32> to vector<16xf32>
          %mul3A_476 = arith.mulf %get3A_475, %gather3A_401 : vector<16xf32>
          %swap3A_477 = arith.index_cast %add3A_399 : i32 to index
          %swap3A_478 = arith.constant 112 : index
          %swap3A_479 = tpu.vector_load %arg11[%swap3A_477, %swap3A_478] {strides = array<i32>} : memref<128x128xf32, #tpu.memory_space<vmem>>, vector<1x16xf32>,
          %swap3A_480 = vector.shape_cast %swap3A_479 : vector<1x16xf32> to vector<16xf32>
          %swap3A_481 = vector.shape_cast %mul3A_476 : vector<16xf32> to vector<1x16xf32>
          tpu.vector_store %arg11[%swap3A_477, %swap3A_478], %swap3A_481 {strides = array<i32>} : memref<128x128xf32, #tpu.memory_space<vmem>>, vector<1x16xf32>,
        }
        %scan3A_360 = arith.constant 16 : i32
        %scan3A_361 = arith.constant 0 : i32
        %scan3A_362 = arith.constant 0 : i32
        %scan3A_363 = arith.constant 16 : i32
        %scan3A_364 = arith.addi %scan3A_362, %scan3A_363 : i32
        %scan3A_365 = arith.constant 1 : i32
        scf.for %scan3A_397 = %scan3A_362 to %scan3A_364 step %scan3A_365  : i32 {
          %add3A_398 = arith.constant 32 : i32
          %add3A_399 = arith.addi %add3A_398, %scan3A_397 : i32
          %broadcast_in_dim3A_400 = vector.broadcast %scan3A_397 : i32 to vector<16xi32>
          %reshape3A = vector.shape_cast %broadcast_in_dim3A_400 : vector<16xi32> to vector<16x1xi32>
          %gather3A = vector.shape_cast %reshape3A : vector<16x1xi32> to vector<16xi32>
          %gather3A_401 = tpu.dynamic_gather %select_n3A_188[%gather3A] in [0] : vector<16xf32>, vector<16xi32> -> vector<16xf32>
          %get3A_402 = arith.index_cast %add3A_399 : i32 to index
          %get3A_403 = arith.constant 0 : index
          %get3A_404 = tpu.vector_load %arg11[%get3A_402, %get3A_403] {strides = array<i32>} : memref<128x128xf32, #tpu.memory_space<vmem>>, vector<1x16xf32>,
          %get3A_405 = vector.shape_cast %get3A_404 : vector<1x16xf32> to vector<16xf32>
          %mul3A_406 = arith.mulf %get3A_405, %gather3A_401 : vector<16xf32>
          %swap3A_407 = arith.index_cast %add3A_399 : i32 to index
          %swap3A_408 = arith.constant 0 : index
          %swap3A_409 = tpu.vector_load %arg11[%swap3A_407, %swap3A_408] {strides = array<i32>} : memref<128x128xf32, #tpu.memory_space<vmem>>, vector<1x16xf32>,
          %swap3A_410 = vector.shape_cast %swap3A_409 : vector<1x16xf32> to vector<16xf32>
          %swap3A_411 = vector.shape_cast %mul3A_406 : vector<16xf32> to vector<1x16xf32>
          tpu.vector_store %arg11[%swap3A_407, %swap3A_408], %swap3A_411 {strides = array<i32>} : memref<128x128xf32, #tpu.memory_space<vmem>>, vector<1x16xf32>,
          %get3A_412 = arith.index_cast %add3A_399 : i32 to index
          %get3A_413 = arith.constant 16 : index
          %get3A_414 = tpu.vector_load %arg11[%get3A_412, %get3A_413] {strides = array<i32>} : memref<128x128xf32, #tpu.memory_space<vmem>>, vector<1x16xf32>,
          %get3A_415 = vector.shape_cast %get3A_414 : vector<1x16xf32> to vector<16xf32>
          %mul3A_416 = arith.mulf %get3A_415, %gather3A_401 : vector<16xf32>
          %swap3A_417 = arith.index_cast %add3A_399 : i32 to index
          %swap3A_418 = arith.constant 16 : index
          %swap3A_419 = tpu.vector_load %arg11[%swap3A_417, %swap3A_418] {strides = array<i32>} : memref<128x128xf32, #tpu.memory_space<vmem>>, vector<1x16xf32>,
          %swap3A_420 = vector.shape_cast %swap3A_419 : vector<1x16xf32> to vector<16xf32>
          %swap3A_421 = vector.shape_cast %mul3A_416 : vector<16xf32> to vector<1x16xf32>
          tpu.vector_store %arg11[%swap3A_417, %swap3A_418], %swap3A_421 {strides = array<i32>} : memref<128x128xf32, #tpu.memory_space<vmem>>, vector<1x16xf32>,
          %get3A_422 = arith.index_cast %add3A_399 : i32 to index
          %get3A_423 = arith.constant 32 : index
          %get3A_424 = tpu.vector_load %arg11[%get3A_422, %get3A_423] {strides = array<i32>} : memref<128x128xf32, #tpu.memory_space<vmem>>, vector<1x16xf32>,
          %get3A_425 = vector.shape_cast %get3A_424 : vector<1x16xf32> to vector<16xf32>
          %mul3A_426 = arith.mulf %get3A_425, %gather3A_401 : vector<16xf32>
          %swap3A_427 = arith.index_cast %add3A_399 : i32 to index
          %swap3A_428 = arith.constant 32 : index
          %swap3A_429 = tpu.vector_load %arg11[%swap3A_427, %swap3A_428] {strides = array<i32>} : memref<128x128xf32, #tpu.memory_space<vmem>>, vector<1x16xf32>,
          %swap3A_430 = vector.shape_cast %swap3A_429 : vector<1x16xf32> to vector<16xf32>
          %swap3A_431 = vector.shape_cast %mul3A_426 : vector<16xf32> to vector<1x16xf32>
          tpu.vector_store %arg11[%swap3A_427, %swap3A_428], %swap3A_431 {strides = array<i32>} : memref<128x128xf32, #tpu.memory_space<vmem>>, vector<1x16xf32>,
          %get3A_432 = arith.index_cast %add3A_399 : i32 to index
          %get3A_433 = arith.constant 48 : index
          %get3A_434 = tpu.vector_load %arg11[%get3A_432, %get3A_433] {strides = array<i32>} : memref<128x128xf32, #tpu.memory_space<vmem>>, vector<1x16xf32>,
          %get3A_435 = vector.shape_cast %get3A_434 : vector<1x16xf32> to vector<16xf32>
          %mul3A_436 = arith.mulf %get3A_435, %gather3A_401 : vector<16xf32>
          %swap3A_437 = arith.index_cast %add3A_399 : i32 to index
          %swap3A_438 = arith.constant 48 : index
          %swap3A_439 = tpu.vector_load %arg11[%swap3A_437, %swap3A_438] {strides = array<i32>} : memref<128x128xf32, #tpu.memory_space<vmem>>, vector<1x16xf32>,
          %swap3A_440 = vector.shape_cast %swap3A_439 : vector<1x16xf32> to vector<16xf32>
          %swap3A_441 = vector.shape_cast %mul3A_436 : vector<16xf32> to vector<1x16xf32>
          tpu.vector_store %arg11[%swap3A_437, %swap3A_438], %swap3A_441 {strides = array<i32>} : memref<128x128xf32, #tpu.memory_space<vmem>>, vector<1x16xf32>,
          %get3A_442 = arith.index_cast %add3A_399 : i32 to index
          %get3A_443 = arith.constant 64 : index
          %get3A_444 = tpu.vector_load %arg11[%get3A_442, %get3A_443] {strides = array<i32>} : memref<128x128xf32, #tpu.memory_space<vmem>>, vector<1x16xf32>,
          %get3A_445 = vector.shape_cast %get3A_444 : vector<1x16xf32> to vector<16xf32>
          %mul3A_446 = arith.mulf %get3A_445, %gather3A_401 : vector<16xf32>
          %swap3A_447 = arith.index_cast %add3A_399 : i32 to index
          %swap3A_448 = arith.constant 64 : index
          %swap3A_449 = tpu.vector_load %arg11[%swap3A_447, %swap3A_448] {strides = array<i32>} : memref<128x128xf32, #tpu.memory_space<vmem>>, vector<1x16xf32>,
          %swap3A_450 = vector.shape_cast %swap3A_449 : vector<1x16xf32> to vector<16xf32>
          %swap3A_451 = vector.shape_cast %mul3A_446 : vector<16xf32> to vector<1x16xf32>
          tpu.vector_store %arg11[%swap3A_447, %swap3A_448], %swap3A_451 {strides = array<i32>} : memref<128x128xf32, #tpu.memory_space<vmem>>, vector<1x16xf32>,
          %get3A_452 = arith.index_cast %add3A_399 : i32 to index
          %get3A_453 = arith.constant 80 : index
          %get3A_454 = tpu.vector_load %arg11[%get3A_452, %get3A_453] {strides = array<i32>} : memref<128x128xf32, #tpu.memory_space<vmem>>, vector<1x16xf32>,
          %get3A_455 = vector.shape_cast %get3A_454 : vector<1x16xf32> to vector<16xf32>
          %mul3A_456 = arith.mulf %get3A_455, %gather3A_401 : vector<16xf32>
          %swap3A_457 = arith.index_cast %add3A_399 : i32 to index
          %swap3A_458 = arith.constant 80 : index
          %swap3A_459 = tpu.vector_load %arg11[%swap3A_457, %swap3A_458] {strides = array<i32>} : memref<128x128xf32, #tpu.memory_space<vmem>>, vector<1x16xf32>,
          %swap3A_460 = vector.shape_cast %swap3A_459 : vector<1x16xf32> to vector<16xf32>
          %swap3A_461 = vector.shape_cast %mul3A_456 : vector<16xf32> to vector<1x16xf32>
          tpu.vector_store %arg11[%swap3A_457, %swap3A_458], %swap3A_461 {strides = array<i32>} : memref<128x128xf32, #tpu.memory_space<vmem>>, vector<1x16xf32>,
          %get3A_462 = arith.index_cast %add3A_399 : i32 to index
          %get3A_463 = arith.constant 96 : index
          %get3A_464 = tpu.vector_load %arg11[%get3A_462, %get3A_463] {strides = array<i32>} : memref<128x128xf32, #tpu.memory_space<vmem>>, vector<1x16xf32>,
          %get3A_465 = vector.shape_cast %get3A_464 : vector<1x16xf32> to vector<16xf32>
          %mul3A_466 = arith.mulf %get3A_465, %gather3A_401 : vector<16xf32>
          %swap3A_467 = arith.index_cast %add3A_399 : i32 to index
          %swap3A_468 = arith.constant 96 : index
          %swap3A_469 = tpu.vector_load %arg11[%swap3A_467, %swap3A_468] {strides = array<i32>} : memref<128x128xf32, #tpu.memory_space<vmem>>, vector<1x16xf32>,
          %swap3A_470 = vector.shape_cast %swap3A_469 : vector<1x16xf32> to vector<16xf32>
          %swap3A_471 = vector.shape_cast %mul3A_466 : vector<16xf32> to vector<1x16xf32>
          tpu.vector_store %arg11[%swap3A_467, %swap3A_468], %swap3A_471 {strides = array<i32>} : memref<128x128xf32, #tpu.memory_space<vmem>>, vector<1x16xf32>,
          %get3A_472 = arith.index_cast %add3A_399 : i32 to index
          %get3A_473 = arith.constant 112 : index
          %get3A_474 = tpu.vector_load %arg11[%get3A_472, %get3A_473] {strides = array<i32>} : memref<128x128xf32, #tpu.memory_space<vmem>>, vector<1x16xf32>,
          %get3A_475 = vector.shape_cast %get3A_474 : vector<1x16xf32> to vector<16xf32>
          %mul3A_476 = arith.mulf %get3A_475, %gather3A_401 : vector<16xf32>
          %swap3A_477 = arith.index_cast %add3A_399 : i32 to index
          %swap3A_478 = arith.constant 112 : index
          %swap3A_479 = tpu.vector_load %arg11[%swap3A_477, %swap3A_478] {strides = array<i32>} : memref<128x128xf32, #tpu.memory_space<vmem>>, vector<1x16xf32>,
          %swap3A_480 = vector.shape_cast %swap3A_479 : vector<1x16xf32> to vector<16xf32>
          %swap3A_481 = vector.shape_cast %mul3A_476 : vector<16xf32> to vector<1x16xf32>
          tpu.vector_store %arg11[%swap3A_477, %swap3A_478], %swap3A_481 {strides = array<i32>} : memref<128x128xf32, #tpu.memory_space<vmem>>, vector<1x16xf32>,
        }
        %scan3A_366 = arith.constant 16 : i32
        %scan3A_367 = arith.constant 0 : i32
        %scan3A_368 = arith.constant 0 : i32
        %scan3A_369 = arith.constant 16 : i32
        %scan3A_370 = arith.addi %scan3A_368, %scan3A_369 : i32
        %scan3A_371 = arith.constant 1 : i32
        scf.for %scan3A_397 = %scan3A_368 to %scan3A_370 step %scan3A_371  : i32 {
          %add3A_398 = arith.constant 48 : i32
          %add3A_399 = arith.addi %add3A_398, %scan3A_397 : i32
          %broadcast_in_dim3A_400 = vector.broadcast %scan3A_397 : i32 to vector<16xi32>
          %reshape3A = vector.shape_cast %broadcast_in_dim3A_400 : vector<16xi32> to vector<16x1xi32>
          %gather3A = vector.shape_cast %reshape3A : vector<16x1xi32> to vector<16xi32>
          %gather3A_401 = tpu.dynamic_gather %select_n3A_218[%gather3A] in [0] : vector<16xf32>, vector<16xi32> -> vector<16xf32>
          %get3A_402 = arith.index_cast %add3A_399 : i32 to index
          %get3A_403 = arith.constant 0 : index
          %get3A_404 = tpu.vector_load %arg11[%get3A_402, %get3A_403] {strides = array<i32>} : memref<128x128xf32, #tpu.memory_space<vmem>>, vector<1x16xf32>,
          %get3A_405 = vector.shape_cast %get3A_404 : vector<1x16xf32> to vector<16xf32>
          %mul3A_406 = arith.mulf %get3A_405, %gather3A_401 : vector<16xf32>
          %swap3A_407 = arith.index_cast %add3A_399 : i32 to index
          %swap3A_408 = arith.constant 0 : index
          %swap3A_409 = tpu.vector_load %arg11[%swap3A_407, %swap3A_408] {strides = array<i32>} : memref<128x128xf32, #tpu.memory_space<vmem>>, vector<1x16xf32>,
          %swap3A_410 = vector.shape_cast %swap3A_409 : vector<1x16xf32> to vector<16xf32>
          %swap3A_411 = vector.shape_cast %mul3A_406 : vector<16xf32> to vector<1x16xf32>
          tpu.vector_store %arg11[%swap3A_407, %swap3A_408], %swap3A_411 {strides = array<i32>} : memref<128x128xf32, #tpu.memory_space<vmem>>, vector<1x16xf32>,
          %get3A_412 = arith.index_cast %add3A_399 : i32 to index
          %get3A_413 = arith.constant 16 : index
          %get3A_414 = tpu.vector_load %arg11[%get3A_412, %get3A_413] {strides = array<i32>} : memref<128x128xf32, #tpu.memory_space<vmem>>, vector<1x16xf32>,
          %get3A_415 = vector.shape_cast %get3A_414 : vector<1x16xf32> to vector<16xf32>
          %mul3A_416 = arith.mulf %get3A_415, %gather3A_401 : vector<16xf32>
          %swap3A_417 = arith.index_cast %add3A_399 : i32 to index
          %swap3A_418 = arith.constant 16 : index
          %swap3A_419 = tpu.vector_load %arg11[%swap3A_417, %swap3A_418] {strides = array<i32>} : memref<128x128xf32, #tpu.memory_space<vmem>>, vector<1x16xf32>,
          %swap3A_420 = vector.shape_cast %swap3A_419 : vector<1x16xf32> to vector<16xf32>
          %swap3A_421 = vector.shape_cast %mul3A_416 : vector<16xf32> to vector<1x16xf32>
          tpu.vector_store %arg11[%swap3A_417, %swap3A_418], %swap3A_421 {strides = array<i32>} : memref<128x128xf32, #tpu.memory_space<vmem>>, vector<1x16xf32>,
          %get3A_422 = arith.index_cast %add3A_399 : i32 to index
          %get3A_423 = arith.constant 32 : index
          %get3A_424 = tpu.vector_load %arg11[%get3A_422, %get3A_423] {strides = array<i32>} : memref<128x128xf32, #tpu.memory_space<vmem>>, vector<1x16xf32>,
          %get3A_425 = vector.shape_cast %get3A_424 : vector<1x16xf32> to vector<16xf32>
          %mul3A_426 = arith.mulf %get3A_425, %gather3A_401 : vector<16xf32>
          %swap3A_427 = arith.index_cast %add3A_399 : i32 to index
          %swap3A_428 = arith.constant 32 : index
          %swap3A_429 = tpu.vector_load %arg11[%swap3A_427, %swap3A_428] {strides = array<i32>} : memref<128x128xf32, #tpu.memory_space<vmem>>, vector<1x16xf32>,
          %swap3A_430 = vector.shape_cast %swap3A_429 : vector<1x16xf32> to vector<16xf32>
          %swap3A_431 = vector.shape_cast %mul3A_426 : vector<16xf32> to vector<1x16xf32>
          tpu.vector_store %arg11[%swap3A_427, %swap3A_428], %swap3A_431 {strides = array<i32>} : memref<128x128xf32, #tpu.memory_space<vmem>>, vector<1x16xf32>,
          %get3A_432 = arith.index_cast %add3A_399 : i32 to index
          %get3A_433 = arith.constant 48 : index
          %get3A_434 = tpu.vector_load %arg11[%get3A_432, %get3A_433] {strides = array<i32>} : memref<128x128xf32, #tpu.memory_space<vmem>>, vector<1x16xf32>,
          %get3A_435 = vector.shape_cast %get3A_434 : vector<1x16xf32> to vector<16xf32>
          %mul3A_436 = arith.mulf %get3A_435, %gather3A_401 : vector<16xf32>
          %swap3A_437 = arith.index_cast %add3A_399 : i32 to index
          %swap3A_438 = arith.constant 48 : index
          %swap3A_439 = tpu.vector_load %arg11[%swap3A_437, %swap3A_438] {strides = array<i32>} : memref<128x128xf32, #tpu.memory_space<vmem>>, vector<1x16xf32>,
          %swap3A_440 = vector.shape_cast %swap3A_439 : vector<1x16xf32> to vector<16xf32>
          %swap3A_441 = vector.shape_cast %mul3A_436 : vector<16xf32> to vector<1x16xf32>
          tpu.vector_store %arg11[%swap3A_437, %swap3A_438], %swap3A_441 {strides = array<i32>} : memref<128x128xf32, #tpu.memory_space<vmem>>, vector<1x16xf32>,
          %get3A_442 = arith.index_cast %add3A_399 : i32 to index
          %get3A_443 = arith.constant 64 : index
          %get3A_444 = tpu.vector_load %arg11[%get3A_442, %get3A_443] {strides = array<i32>} : memref<128x128xf32, #tpu.memory_space<vmem>>, vector<1x16xf32>,
          %get3A_445 = vector.shape_cast %get3A_444 : vector<1x16xf32> to vector<16xf32>
          %mul3A_446 = arith.mulf %get3A_445, %gather3A_401 : vector<16xf32>
          %swap3A_447 = arith.index_cast %add3A_399 : i32 to index
          %swap3A_448 = arith.constant 64 : index
          %swap3A_449 = tpu.vector_load %arg11[%swap3A_447, %swap3A_448] {strides = array<i32>} : memref<128x128xf32, #tpu.memory_space<vmem>>, vector<1x16xf32>,
          %swap3A_450 = vector.shape_cast %swap3A_449 : vector<1x16xf32> to vector<16xf32>
          %swap3A_451 = vector.shape_cast %mul3A_446 : vector<16xf32> to vector<1x16xf32>
          tpu.vector_store %arg11[%swap3A_447, %swap3A_448], %swap3A_451 {strides = array<i32>} : memref<128x128xf32, #tpu.memory_space<vmem>>, vector<1x16xf32>,
          %get3A_452 = arith.index_cast %add3A_399 : i32 to index
          %get3A_453 = arith.constant 80 : index
          %get3A_454 = tpu.vector_load %arg11[%get3A_452, %get3A_453] {strides = array<i32>} : memref<128x128xf32, #tpu.memory_space<vmem>>, vector<1x16xf32>,
          %get3A_455 = vector.shape_cast %get3A_454 : vector<1x16xf32> to vector<16xf32>
          %mul3A_456 = arith.mulf %get3A_455, %gather3A_401 : vector<16xf32>
          %swap3A_457 = arith.index_cast %add3A_399 : i32 to index
          %swap3A_458 = arith.constant 80 : index
          %swap3A_459 = tpu.vector_load %arg11[%swap3A_457, %swap3A_458] {strides = array<i32>} : memref<128x128xf32, #tpu.memory_space<vmem>>, vector<1x16xf32>,
          %swap3A_460 = vector.shape_cast %swap3A_459 : vector<1x16xf32> to vector<16xf32>
          %swap3A_461 = vector.shape_cast %mul3A_456 : vector<16xf32> to vector<1x16xf32>
          tpu.vector_store %arg11[%swap3A_457, %swap3A_458], %swap3A_461 {strides = array<i32>} : memref<128x128xf32, #tpu.memory_space<vmem>>, vector<1x16xf32>,
          %get3A_462 = arith.index_cast %add3A_399 : i32 to index
          %get3A_463 = arith.constant 96 : index
          %get3A_464 = tpu.vector_load %arg11[%get3A_462, %get3A_463] {strides = array<i32>} : memref<128x128xf32, #tpu.memory_space<vmem>>, vector<1x16xf32>,
          %get3A_465 = vector.shape_cast %get3A_464 : vector<1x16xf32> to vector<16xf32>
          %mul3A_466 = arith.mulf %get3A_465, %gather3A_401 : vector<16xf32>
          %swap3A_467 = arith.index_cast %add3A_399 : i32 to index
          %swap3A_468 = arith.constant 96 : index
          %swap3A_469 = tpu.vector_load %arg11[%swap3A_467, %swap3A_468] {strides = array<i32>} : memref<128x128xf32, #tpu.memory_space<vmem>>, vector<1x16xf32>,
          %swap3A_470 = vector.shape_cast %swap3A_469 : vector<1x16xf32> to vector<16xf32>
          %swap3A_471 = vector.shape_cast %mul3A_466 : vector<16xf32> to vector<1x16xf32>
          tpu.vector_store %arg11[%swap3A_467, %swap3A_468], %swap3A_471 {strides = array<i32>} : memref<128x128xf32, #tpu.memory_space<vmem>>, vector<1x16xf32>,
          %get3A_472 = arith.index_cast %add3A_399 : i32 to index
          %get3A_473 = arith.constant 112 : index
          %get3A_474 = tpu.vector_load %arg11[%get3A_472, %get3A_473] {strides = array<i32>} : memref<128x128xf32, #tpu.memory_space<vmem>>, vector<1x16xf32>,
          %get3A_475 = vector.shape_cast %get3A_474 : vector<1x16xf32> to vector<16xf32>
          %mul3A_476 = arith.mulf %get3A_475, %gather3A_401 : vector<16xf32>
          %swap3A_477 = arith.index_cast %add3A_399 : i32 to index
          %swap3A_478 = arith.constant 112 : index
          %swap3A_479 = tpu.vector_load %arg11[%swap3A_477, %swap3A_478] {strides = array<i32>} : memref<128x128xf32, #tpu.memory_space<vmem>>, vector<1x16xf32>,
          %swap3A_480 = vector.shape_cast %swap3A_479 : vector<1x16xf32> to vector<16xf32>
          %swap3A_481 = vector.shape_cast %mul3A_476 : vector<16xf32> to vector<1x16xf32>
          tpu.vector_store %arg11[%swap3A_477, %swap3A_478], %swap3A_481 {strides = array<i32>} : memref<128x128xf32, #tpu.memory_space<vmem>>, vector<1x16xf32>,
        }
        %scan3A_372 = arith.constant 16 : i32
        %scan3A_373 = arith.constant 0 : i32
        %scan3A_374 = arith.constant 0 : i32
        %scan3A_375 = arith.constant 16 : i32
        %scan3A_376 = arith.addi %scan3A_374, %scan3A_375 : i32
        %scan3A_377 = arith.constant 1 : i32
        scf.for %scan3A_397 = %scan3A_374 to %scan3A_376 step %scan3A_377  : i32 {
          %add3A_398 = arith.constant 64 : i32
          %add3A_399 = arith.addi %add3A_398, %scan3A_397 : i32
          %broadcast_in_dim3A_400 = vector.broadcast %scan3A_397 : i32 to vector<16xi32>
          %reshape3A = vector.shape_cast %broadcast_in_dim3A_400 : vector<16xi32> to vector<16x1xi32>
          %gather3A = vector.shape_cast %reshape3A : vector<16x1xi32> to vector<16xi32>
          %gather3A_401 = tpu.dynamic_gather %select_n3A_248[%gather3A] in [0] : vector<16xf32>, vector<16xi32> -> vector<16xf32>
          %get3A_402 = arith.index_cast %add3A_399 : i32 to index
          %get3A_403 = arith.constant 0 : index
          %get3A_404 = tpu.vector_load %arg11[%get3A_402, %get3A_403] {strides = array<i32>} : memref<128x128xf32, #tpu.memory_space<vmem>>, vector<1x16xf32>,
          %get3A_405 = vector.shape_cast %get3A_404 : vector<1x16xf32> to vector<16xf32>
          %mul3A_406 = arith.mulf %get3A_405, %gather3A_401 : vector<16xf32>
          %swap3A_407 = arith.index_cast %add3A_399 : i32 to index
          %swap3A_408 = arith.constant 0 : index
          %swap3A_409 = tpu.vector_load %arg11[%swap3A_407, %swap3A_408] {strides = array<i32>} : memref<128x128xf32, #tpu.memory_space<vmem>>, vector<1x16xf32>,
          %swap3A_410 = vector.shape_cast %swap3A_409 : vector<1x16xf32> to vector<16xf32>
          %swap3A_411 = vector.shape_cast %mul3A_406 : vector<16xf32> to vector<1x16xf32>
          tpu.vector_store %arg11[%swap3A_407, %swap3A_408], %swap3A_411 {strides = array<i32>} : memref<128x128xf32, #tpu.memory_space<vmem>>, vector<1x16xf32>,
          %get3A_412 = arith.index_cast %add3A_399 : i32 to index
          %get3A_413 = arith.constant 16 : index
          %get3A_414 = tpu.vector_load %arg11[%get3A_412, %get3A_413] {strides = array<i32>} : memref<128x128xf32, #tpu.memory_space<vmem>>, vector<1x16xf32>,
          %get3A_415 = vector.shape_cast %get3A_414 : vector<1x16xf32> to vector<16xf32>
          %mul3A_416 = arith.mulf %get3A_415, %gather3A_401 : vector<16xf32>
          %swap3A_417 = arith.index_cast %add3A_399 : i32 to index
          %swap3A_418 = arith.constant 16 : index
          %swap3A_419 = tpu.vector_load %arg11[%swap3A_417, %swap3A_418] {strides = array<i32>} : memref<128x128xf32, #tpu.memory_space<vmem>>, vector<1x16xf32>,
          %swap3A_420 = vector.shape_cast %swap3A_419 : vector<1x16xf32> to vector<16xf32>
          %swap3A_421 = vector.shape_cast %mul3A_416 : vector<16xf32> to vector<1x16xf32>
          tpu.vector_store %arg11[%swap3A_417, %swap3A_418], %swap3A_421 {strides = array<i32>} : memref<128x128xf32, #tpu.memory_space<vmem>>, vector<1x16xf32>,
          %get3A_422 = arith.index_cast %add3A_399 : i32 to index
          %get3A_423 = arith.constant 32 : index
          %get3A_424 = tpu.vector_load %arg11[%get3A_422, %get3A_423] {strides = array<i32>} : memref<128x128xf32, #tpu.memory_space<vmem>>, vector<1x16xf32>,
          %get3A_425 = vector.shape_cast %get3A_424 : vector<1x16xf32> to vector<16xf32>
          %mul3A_426 = arith.mulf %get3A_425, %gather3A_401 : vector<16xf32>
          %swap3A_427 = arith.index_cast %add3A_399 : i32 to index
          %swap3A_428 = arith.constant 32 : index
          %swap3A_429 = tpu.vector_load %arg11[%swap3A_427, %swap3A_428] {strides = array<i32>} : memref<128x128xf32, #tpu.memory_space<vmem>>, vector<1x16xf32>,
          %swap3A_430 = vector.shape_cast %swap3A_429 : vector<1x16xf32> to vector<16xf32>
          %swap3A_431 = vector.shape_cast %mul3A_426 : vector<16xf32> to vector<1x16xf32>
          tpu.vector_store %arg11[%swap3A_427, %swap3A_428], %swap3A_431 {strides = array<i32>} : memref<128x128xf32, #tpu.memory_space<vmem>>, vector<1x16xf32>,
          %get3A_432 = arith.index_cast %add3A_399 : i32 to index
          %get3A_433 = arith.constant 48 : index
          %get3A_434 = tpu.vector_load %arg11[%get3A_432, %get3A_433] {strides = array<i32>} : memref<128x128xf32, #tpu.memory_space<vmem>>, vector<1x16xf32>,
          %get3A_435 = vector.shape_cast %get3A_434 : vector<1x16xf32> to vector<16xf32>
          %mul3A_436 = arith.mulf %get3A_435, %gather3A_401 : vector<16xf32>
          %swap3A_437 = arith.index_cast %add3A_399 : i32 to index
          %swap3A_438 = arith.constant 48 : index
          %swap3A_439 = tpu.vector_load %arg11[%swap3A_437, %swap3A_438] {strides = array<i32>} : memref<128x128xf32, #tpu.memory_space<vmem>>, vector<1x16xf32>,
          %swap3A_440 = vector.shape_cast %swap3A_439 : vector<1x16xf32> to vector<16xf32>
          %swap3A_441 = vector.shape_cast %mul3A_436 : vector<16xf32> to vector<1x16xf32>
          tpu.vector_store %arg11[%swap3A_437, %swap3A_438], %swap3A_441 {strides = array<i32>} : memref<128x128xf32, #tpu.memory_space<vmem>>, vector<1x16xf32>,
          %get3A_442 = arith.index_cast %add3A_399 : i32 to index
          %get3A_443 = arith.constant 64 : index
          %get3A_444 = tpu.vector_load %arg11[%get3A_442, %get3A_443] {strides = array<i32>} : memref<128x128xf32, #tpu.memory_space<vmem>>, vector<1x16xf32>,
          %get3A_445 = vector.shape_cast %get3A_444 : vector<1x16xf32> to vector<16xf32>
          %mul3A_446 = arith.mulf %get3A_445, %gather3A_401 : vector<16xf32>
          %swap3A_447 = arith.index_cast %add3A_399 : i32 to index
          %swap3A_448 = arith.constant 64 : index
          %swap3A_449 = tpu.vector_load %arg11[%swap3A_447, %swap3A_448] {strides = array<i32>} : memref<128x128xf32, #tpu.memory_space<vmem>>, vector<1x16xf32>,
          %swap3A_450 = vector.shape_cast %swap3A_449 : vector<1x16xf32> to vector<16xf32>
          %swap3A_451 = vector.shape_cast %mul3A_446 : vector<16xf32> to vector<1x16xf32>
          tpu.vector_store %arg11[%swap3A_447, %swap3A_448], %swap3A_451 {strides = array<i32>} : memref<128x128xf32, #tpu.memory_space<vmem>>, vector<1x16xf32>,
          %get3A_452 = arith.index_cast %add3A_399 : i32 to index
          %get3A_453 = arith.constant 80 : index
          %get3A_454 = tpu.vector_load %arg11[%get3A_452, %get3A_453] {strides = array<i32>} : memref<128x128xf32, #tpu.memory_space<vmem>>, vector<1x16xf32>,
          %get3A_455 = vector.shape_cast %get3A_454 : vector<1x16xf32> to vector<16xf32>
          %mul3A_456 = arith.mulf %get3A_455, %gather3A_401 : vector<16xf32>
          %swap3A_457 = arith.index_cast %add3A_399 : i32 to index
          %swap3A_458 = arith.constant 80 : index
          %swap3A_459 = tpu.vector_load %arg11[%swap3A_457, %swap3A_458] {strides = array<i32>} : memref<128x128xf32, #tpu.memory_space<vmem>>, vector<1x16xf32>,
          %swap3A_460 = vector.shape_cast %swap3A_459 : vector<1x16xf32> to vector<16xf32>
          %swap3A_461 = vector.shape_cast %mul3A_456 : vector<16xf32> to vector<1x16xf32>
          tpu.vector_store %arg11[%swap3A_457, %swap3A_458], %swap3A_461 {strides = array<i32>} : memref<128x128xf32, #tpu.memory_space<vmem>>, vector<1x16xf32>,
          %get3A_462 = arith.index_cast %add3A_399 : i32 to index
          %get3A_463 = arith.constant 96 : index
          %get3A_464 = tpu.vector_load %arg11[%get3A_462, %get3A_463] {strides = array<i32>} : memref<128x128xf32, #tpu.memory_space<vmem>>, vector<1x16xf32>,
          %get3A_465 = vector.shape_cast %get3A_464 : vector<1x16xf32> to vector<16xf32>
          %mul3A_466 = arith.mulf %get3A_465, %gather3A_401 : vector<16xf32>
          %swap3A_467 = arith.index_cast %add3A_399 : i32 to index
          %swap3A_468 = arith.constant 96 : index
          %swap3A_469 = tpu.vector_load %arg11[%swap3A_467, %swap3A_468] {strides = array<i32>} : memref<128x128xf32, #tpu.memory_space<vmem>>, vector<1x16xf32>,
          %swap3A_470 = vector.shape_cast %swap3A_469 : vector<1x16xf32> to vector<16xf32>
          %swap3A_471 = vector.shape_cast %mul3A_466 : vector<16xf32> to vector<1x16xf32>
          tpu.vector_store %arg11[%swap3A_467, %swap3A_468], %swap3A_471 {strides = array<i32>} : memref<128x128xf32, #tpu.memory_space<vmem>>, vector<1x16xf32>,
          %get3A_472 = arith.index_cast %add3A_399 : i32 to index
          %get3A_473 = arith.constant 112 : index
          %get3A_474 = tpu.vector_load %arg11[%get3A_472, %get3A_473] {strides = array<i32>} : memref<128x128xf32, #tpu.memory_space<vmem>>, vector<1x16xf32>,
          %get3A_475 = vector.shape_cast %get3A_474 : vector<1x16xf32> to vector<16xf32>
          %mul3A_476 = arith.mulf %get3A_475, %gather3A_401 : vector<16xf32>
          %swap3A_477 = arith.index_cast %add3A_399 : i32 to index
          %swap3A_478 = arith.constant 112 : index
          %swap3A_479 = tpu.vector_load %arg11[%swap3A_477, %swap3A_478] {strides = array<i32>} : memref<128x128xf32, #tpu.memory_space<vmem>>, vector<1x16xf32>,
          %swap3A_480 = vector.shape_cast %swap3A_479 : vector<1x16xf32> to vector<16xf32>
          %swap3A_481 = vector.shape_cast %mul3A_476 : vector<16xf32> to vector<1x16xf32>
          tpu.vector_store %arg11[%swap3A_477, %swap3A_478], %swap3A_481 {strides = array<i32>} : memref<128x128xf32, #tpu.memory_space<vmem>>, vector<1x16xf32>,
        }
        %scan3A_378 = arith.constant 16 : i32
        %scan3A_379 = arith.constant 0 : i32
        %scan3A_380 = arith.constant 0 : i32
        %scan3A_381 = arith.constant 16 : i32
        %scan3A_382 = arith.addi %scan3A_380, %scan3A_381 : i32
        %scan3A_383 = arith.constant 1 : i32
        scf.for %scan3A_397 = %scan3A_380 to %scan3A_382 step %scan3A_383  : i32 {
          %add3A_398 = arith.constant 80 : i32
          %add3A_399 = arith.addi %add3A_398, %scan3A_397 : i32
          %broadcast_in_dim3A_400 = vector.broadcast %scan3A_397 : i32 to vector<16xi32>
          %reshape3A = vector.shape_cast %broadcast_in_dim3A_400 : vector<16xi32> to vector<16x1xi32>
          %gather3A = vector.shape_cast %reshape3A : vector<16x1xi32> to vector<16xi32>
          %gather3A_401 = tpu.dynamic_gather %select_n3A_278[%gather3A] in [0] : vector<16xf32>, vector<16xi32> -> vector<16xf32>
          %get3A_402 = arith.index_cast %add3A_399 : i32 to index
          %get3A_403 = arith.constant 0 : index
          %get3A_404 = tpu.vector_load %arg11[%get3A_402, %get3A_403] {strides = array<i32>} : memref<128x128xf32, #tpu.memory_space<vmem>>, vector<1x16xf32>,
          %get3A_405 = vector.shape_cast %get3A_404 : vector<1x16xf32> to vector<16xf32>
          %mul3A_406 = arith.mulf %get3A_405, %gather3A_401 : vector<16xf32>
          %swap3A_407 = arith.index_cast %add3A_399 : i32 to index
          %swap3A_408 = arith.constant 0 : index
          %swap3A_409 = tpu.vector_load %arg11[%swap3A_407, %swap3A_408] {strides = array<i32>} : memref<128x128xf32, #tpu.memory_space<vmem>>, vector<1x16xf32>,
          %swap3A_410 = vector.shape_cast %swap3A_409 : vector<1x16xf32> to vector<16xf32>
          %swap3A_411 = vector.shape_cast %mul3A_406 : vector<16xf32> to vector<1x16xf32>
          tpu.vector_store %arg11[%swap3A_407, %swap3A_408], %swap3A_411 {strides = array<i32>} : memref<128x128xf32, #tpu.memory_space<vmem>>, vector<1x16xf32>,
          %get3A_412 = arith.index_cast %add3A_399 : i32 to index
          %get3A_413 = arith.constant 16 : index
          %get3A_414 = tpu.vector_load %arg11[%get3A_412, %get3A_413] {strides = array<i32>} : memref<128x128xf32, #tpu.memory_space<vmem>>, vector<1x16xf32>,
          %get3A_415 = vector.shape_cast %get3A_414 : vector<1x16xf32> to vector<16xf32>
          %mul3A_416 = arith.mulf %get3A_415, %gather3A_401 : vector<16xf32>
          %swap3A_417 = arith.index_cast %add3A_399 : i32 to index
          %swap3A_418 = arith.constant 16 : index
          %swap3A_419 = tpu.vector_load %arg11[%swap3A_417, %swap3A_418] {strides = array<i32>} : memref<128x128xf32, #tpu.memory_space<vmem>>, vector<1x16xf32>,
          %swap3A_420 = vector.shape_cast %swap3A_419 : vector<1x16xf32> to vector<16xf32>
          %swap3A_421 = vector.shape_cast %mul3A_416 : vector<16xf32> to vector<1x16xf32>
          tpu.vector_store %arg11[%swap3A_417, %swap3A_418], %swap3A_421 {strides = array<i32>} : memref<128x128xf32, #tpu.memory_space<vmem>>, vector<1x16xf32>,
          %get3A_422 = arith.index_cast %add3A_399 : i32 to index
          %get3A_423 = arith.constant 32 : index
          %get3A_424 = tpu.vector_load %arg11[%get3A_422, %get3A_423] {strides = array<i32>} : memref<128x128xf32, #tpu.memory_space<vmem>>, vector<1x16xf32>,
          %get3A_425 = vector.shape_cast %get3A_424 : vector<1x16xf32> to vector<16xf32>
          %mul3A_426 = arith.mulf %get3A_425, %gather3A_401 : vector<16xf32>
          %swap3A_427 = arith.index_cast %add3A_399 : i32 to index
          %swap3A_428 = arith.constant 32 : index
          %swap3A_429 = tpu.vector_load %arg11[%swap3A_427, %swap3A_428] {strides = array<i32>} : memref<128x128xf32, #tpu.memory_space<vmem>>, vector<1x16xf32>,
          %swap3A_430 = vector.shape_cast %swap3A_429 : vector<1x16xf32> to vector<16xf32>
          %swap3A_431 = vector.shape_cast %mul3A_426 : vector<16xf32> to vector<1x16xf32>
          tpu.vector_store %arg11[%swap3A_427, %swap3A_428], %swap3A_431 {strides = array<i32>} : memref<128x128xf32, #tpu.memory_space<vmem>>, vector<1x16xf32>,
          %get3A_432 = arith.index_cast %add3A_399 : i32 to index
          %get3A_433 = arith.constant 48 : index
          %get3A_434 = tpu.vector_load %arg11[%get3A_432, %get3A_433] {strides = array<i32>} : memref<128x128xf32, #tpu.memory_space<vmem>>, vector<1x16xf32>,
          %get3A_435 = vector.shape_cast %get3A_434 : vector<1x16xf32> to vector<16xf32>
          %mul3A_436 = arith.mulf %get3A_435, %gather3A_401 : vector<16xf32>
          %swap3A_437 = arith.index_cast %add3A_399 : i32 to index
          %swap3A_438 = arith.constant 48 : index
          %swap3A_439 = tpu.vector_load %arg11[%swap3A_437, %swap3A_438] {strides = array<i32>} : memref<128x128xf32, #tpu.memory_space<vmem>>, vector<1x16xf32>,
          %swap3A_440 = vector.shape_cast %swap3A_439 : vector<1x16xf32> to vector<16xf32>
          %swap3A_441 = vector.shape_cast %mul3A_436 : vector<16xf32> to vector<1x16xf32>
          tpu.vector_store %arg11[%swap3A_437, %swap3A_438], %swap3A_441 {strides = array<i32>} : memref<128x128xf32, #tpu.memory_space<vmem>>, vector<1x16xf32>,
          %get3A_442 = arith.index_cast %add3A_399 : i32 to index
          %get3A_443 = arith.constant 64 : index
          %get3A_444 = tpu.vector_load %arg11[%get3A_442, %get3A_443] {strides = array<i32>} : memref<128x128xf32, #tpu.memory_space<vmem>>, vector<1x16xf32>,
          %get3A_445 = vector.shape_cast %get3A_444 : vector<1x16xf32> to vector<16xf32>
          %mul3A_446 = arith.mulf %get3A_445, %gather3A_401 : vector<16xf32>
          %swap3A_447 = arith.index_cast %add3A_399 : i32 to index
          %swap3A_448 = arith.constant 64 : index
          %swap3A_449 = tpu.vector_load %arg11[%swap3A_447, %swap3A_448] {strides = array<i32>} : memref<128x128xf32, #tpu.memory_space<vmem>>, vector<1x16xf32>,
          %swap3A_450 = vector.shape_cast %swap3A_449 : vector<1x16xf32> to vector<16xf32>
          %swap3A_451 = vector.shape_cast %mul3A_446 : vector<16xf32> to vector<1x16xf32>
          tpu.vector_store %arg11[%swap3A_447, %swap3A_448], %swap3A_451 {strides = array<i32>} : memref<128x128xf32, #tpu.memory_space<vmem>>, vector<1x16xf32>,
          %get3A_452 = arith.index_cast %add3A_399 : i32 to index
          %get3A_453 = arith.constant 80 : index
          %get3A_454 = tpu.vector_load %arg11[%get3A_452, %get3A_453] {strides = array<i32>} : memref<128x128xf32, #tpu.memory_space<vmem>>, vector<1x16xf32>,
          %get3A_455 = vector.shape_cast %get3A_454 : vector<1x16xf32> to vector<16xf32>
          %mul3A_456 = arith.mulf %get3A_455, %gather3A_401 : vector<16xf32>
          %swap3A_457 = arith.index_cast %add3A_399 : i32 to index
          %swap3A_458 = arith.constant 80 : index
          %swap3A_459 = tpu.vector_load %arg11[%swap3A_457, %swap3A_458] {strides = array<i32>} : memref<128x128xf32, #tpu.memory_space<vmem>>, vector<1x16xf32>,
          %swap3A_460 = vector.shape_cast %swap3A_459 : vector<1x16xf32> to vector<16xf32>
          %swap3A_461 = vector.shape_cast %mul3A_456 : vector<16xf32> to vector<1x16xf32>
          tpu.vector_store %arg11[%swap3A_457, %swap3A_458], %swap3A_461 {strides = array<i32>} : memref<128x128xf32, #tpu.memory_space<vmem>>, vector<1x16xf32>,
          %get3A_462 = arith.index_cast %add3A_399 : i32 to index
          %get3A_463 = arith.constant 96 : index
          %get3A_464 = tpu.vector_load %arg11[%get3A_462, %get3A_463] {strides = array<i32>} : memref<128x128xf32, #tpu.memory_space<vmem>>, vector<1x16xf32>,
          %get3A_465 = vector.shape_cast %get3A_464 : vector<1x16xf32> to vector<16xf32>
          %mul3A_466 = arith.mulf %get3A_465, %gather3A_401 : vector<16xf32>
          %swap3A_467 = arith.index_cast %add3A_399 : i32 to index
          %swap3A_468 = arith.constant 96 : index
          %swap3A_469 = tpu.vector_load %arg11[%swap3A_467, %swap3A_468] {strides = array<i32>} : memref<128x128xf32, #tpu.memory_space<vmem>>, vector<1x16xf32>,
          %swap3A_470 = vector.shape_cast %swap3A_469 : vector<1x16xf32> to vector<16xf32>
          %swap3A_471 = vector.shape_cast %mul3A_466 : vector<16xf32> to vector<1x16xf32>
          tpu.vector_store %arg11[%swap3A_467, %swap3A_468], %swap3A_471 {strides = array<i32>} : memref<128x128xf32, #tpu.memory_space<vmem>>, vector<1x16xf32>,
          %get3A_472 = arith.index_cast %add3A_399 : i32 to index
          %get3A_473 = arith.constant 112 : index
          %get3A_474 = tpu.vector_load %arg11[%get3A_472, %get3A_473] {strides = array<i32>} : memref<128x128xf32, #tpu.memory_space<vmem>>, vector<1x16xf32>,
          %get3A_475 = vector.shape_cast %get3A_474 : vector<1x16xf32> to vector<16xf32>
          %mul3A_476 = arith.mulf %get3A_475, %gather3A_401 : vector<16xf32>
          %swap3A_477 = arith.index_cast %add3A_399 : i32 to index
          %swap3A_478 = arith.constant 112 : index
          %swap3A_479 = tpu.vector_load %arg11[%swap3A_477, %swap3A_478] {strides = array<i32>} : memref<128x128xf32, #tpu.memory_space<vmem>>, vector<1x16xf32>,
          %swap3A_480 = vector.shape_cast %swap3A_479 : vector<1x16xf32> to vector<16xf32>
          %swap3A_481 = vector.shape_cast %mul3A_476 : vector<16xf32> to vector<1x16xf32>
          tpu.vector_store %arg11[%swap3A_477, %swap3A_478], %swap3A_481 {strides = array<i32>} : memref<128x128xf32, #tpu.memory_space<vmem>>, vector<1x16xf32>,
        }
        %scan3A_384 = arith.constant 16 : i32
        %scan3A_385 = arith.constant 0 : i32
        %scan3A_386 = arith.constant 0 : i32
        %scan3A_387 = arith.constant 16 : i32
        %scan3A_388 = arith.addi %scan3A_386, %scan3A_387 : i32
        %scan3A_389 = arith.constant 1 : i32
        scf.for %scan3A_397 = %scan3A_386 to %scan3A_388 step %scan3A_389  : i32 {
          %add3A_398 = arith.constant 96 : i32
          %add3A_399 = arith.addi %add3A_398, %scan3A_397 : i32
          %broadcast_in_dim3A_400 = vector.broadcast %scan3A_397 : i32 to vector<16xi32>
          %reshape3A = vector.shape_cast %broadcast_in_dim3A_400 : vector<16xi32> to vector<16x1xi32>
          %gather3A = vector.shape_cast %reshape3A : vector<16x1xi32> to vector<16xi32>
          %gather3A_401 = tpu.dynamic_gather %select_n3A_308[%gather3A] in [0] : vector<16xf32>, vector<16xi32> -> vector<16xf32>
          %get3A_402 = arith.index_cast %add3A_399 : i32 to index
          %get3A_403 = arith.constant 0 : index
          %get3A_404 = tpu.vector_load %arg11[%get3A_402, %get3A_403] {strides = array<i32>} : memref<128x128xf32, #tpu.memory_space<vmem>>, vector<1x16xf32>,
          %get3A_405 = vector.shape_cast %get3A_404 : vector<1x16xf32> to vector<16xf32>
          %mul3A_406 = arith.mulf %get3A_405, %gather3A_401 : vector<16xf32>
          %swap3A_407 = arith.index_cast %add3A_399 : i32 to index
          %swap3A_408 = arith.constant 0 : index
          %swap3A_409 = tpu.vector_load %arg11[%swap3A_407, %swap3A_408] {strides = array<i32>} : memref<128x128xf32, #tpu.memory_space<vmem>>, vector<1x16xf32>,
          %swap3A_410 = vector.shape_cast %swap3A_409 : vector<1x16xf32> to vector<16xf32>
          %swap3A_411 = vector.shape_cast %mul3A_406 : vector<16xf32> to vector<1x16xf32>
          tpu.vector_store %arg11[%swap3A_407, %swap3A_408], %swap3A_411 {strides = array<i32>} : memref<128x128xf32, #tpu.memory_space<vmem>>, vector<1x16xf32>,
          %get3A_412 = arith.index_cast %add3A_399 : i32 to index
          %get3A_413 = arith.constant 16 : index
          %get3A_414 = tpu.vector_load %arg11[%get3A_412, %get3A_413] {strides = array<i32>} : memref<128x128xf32, #tpu.memory_space<vmem>>, vector<1x16xf32>,
          %get3A_415 = vector.shape_cast %get3A_414 : vector<1x16xf32> to vector<16xf32>
          %mul3A_416 = arith.mulf %get3A_415, %gather3A_401 : vector<16xf32>
          %swap3A_417 = arith.index_cast %add3A_399 : i32 to index
          %swap3A_418 = arith.constant 16 : index
          %swap3A_419 = tpu.vector_load %arg11[%swap3A_417, %swap3A_418] {strides = array<i32>} : memref<128x128xf32, #tpu.memory_space<vmem>>, vector<1x16xf32>,
          %swap3A_420 = vector.shape_cast %swap3A_419 : vector<1x16xf32> to vector<16xf32>
          %swap3A_421 = vector.shape_cast %mul3A_416 : vector<16xf32> to vector<1x16xf32>
          tpu.vector_store %arg11[%swap3A_417, %swap3A_418], %swap3A_421 {strides = array<i32>} : memref<128x128xf32, #tpu.memory_space<vmem>>, vector<1x16xf32>,
          %get3A_422 = arith.index_cast %add3A_399 : i32 to index
          %get3A_423 = arith.constant 32 : index
          %get3A_424 = tpu.vector_load %arg11[%get3A_422, %get3A_423] {strides = array<i32>} : memref<128x128xf32, #tpu.memory_space<vmem>>, vector<1x16xf32>,
          %get3A_425 = vector.shape_cast %get3A_424 : vector<1x16xf32> to vector<16xf32>
          %mul3A_426 = arith.mulf %get3A_425, %gather3A_401 : vector<16xf32>
          %swap3A_427 = arith.index_cast %add3A_399 : i32 to index
          %swap3A_428 = arith.constant 32 : index
          %swap3A_429 = tpu.vector_load %arg11[%swap3A_427, %swap3A_428] {strides = array<i32>} : memref<128x128xf32, #tpu.memory_space<vmem>>, vector<1x16xf32>,
          %swap3A_430 = vector.shape_cast %swap3A_429 : vector<1x16xf32> to vector<16xf32>
          %swap3A_431 = vector.shape_cast %mul3A_426 : vector<16xf32> to vector<1x16xf32>
          tpu.vector_store %arg11[%swap3A_427, %swap3A_428], %swap3A_431 {strides = array<i32>} : memref<128x128xf32, #tpu.memory_space<vmem>>, vector<1x16xf32>,
          %get3A_432 = arith.index_cast %add3A_399 : i32 to index
          %get3A_433 = arith.constant 48 : index
          %get3A_434 = tpu.vector_load %arg11[%get3A_432, %get3A_433] {strides = array<i32>} : memref<128x128xf32, #tpu.memory_space<vmem>>, vector<1x16xf32>,
          %get3A_435 = vector.shape_cast %get3A_434 : vector<1x16xf32> to vector<16xf32>
          %mul3A_436 = arith.mulf %get3A_435, %gather3A_401 : vector<16xf32>
          %swap3A_437 = arith.index_cast %add3A_399 : i32 to index
          %swap3A_438 = arith.constant 48 : index
          %swap3A_439 = tpu.vector_load %arg11[%swap3A_437, %swap3A_438] {strides = array<i32>} : memref<128x128xf32, #tpu.memory_space<vmem>>, vector<1x16xf32>,
          %swap3A_440 = vector.shape_cast %swap3A_439 : vector<1x16xf32> to vector<16xf32>
          %swap3A_441 = vector.shape_cast %mul3A_436 : vector<16xf32> to vector<1x16xf32>
          tpu.vector_store %arg11[%swap3A_437, %swap3A_438], %swap3A_441 {strides = array<i32>} : memref<128x128xf32, #tpu.memory_space<vmem>>, vector<1x16xf32>,
          %get3A_442 = arith.index_cast %add3A_399 : i32 to index
          %get3A_443 = arith.constant 64 : index
          %get3A_444 = tpu.vector_load %arg11[%get3A_442, %get3A_443] {strides = array<i32>} : memref<128x128xf32, #tpu.memory_space<vmem>>, vector<1x16xf32>,
          %get3A_445 = vector.shape_cast %get3A_444 : vector<1x16xf32> to vector<16xf32>
          %mul3A_446 = arith.mulf %get3A_445, %gather3A_401 : vector<16xf32>
          %swap3A_447 = arith.index_cast %add3A_399 : i32 to index
          %swap3A_448 = arith.constant 64 : index
          %swap3A_449 = tpu.vector_load %arg11[%swap3A_447, %swap3A_448] {strides = array<i32>} : memref<128x128xf32, #tpu.memory_space<vmem>>, vector<1x16xf32>,
          %swap3A_450 = vector.shape_cast %swap3A_449 : vector<1x16xf32> to vector<16xf32>
          %swap3A_451 = vector.shape_cast %mul3A_446 : vector<16xf32> to vector<1x16xf32>
          tpu.vector_store %arg11[%swap3A_447, %swap3A_448], %swap3A_451 {strides = array<i32>} : memref<128x128xf32, #tpu.memory_space<vmem>>, vector<1x16xf32>,
          %get3A_452 = arith.index_cast %add3A_399 : i32 to index
          %get3A_453 = arith.constant 80 : index
          %get3A_454 = tpu.vector_load %arg11[%get3A_452, %get3A_453] {strides = array<i32>} : memref<128x128xf32, #tpu.memory_space<vmem>>, vector<1x16xf32>,
          %get3A_455 = vector.shape_cast %get3A_454 : vector<1x16xf32> to vector<16xf32>
          %mul3A_456 = arith.mulf %get3A_455, %gather3A_401 : vector<16xf32>
          %swap3A_457 = arith.index_cast %add3A_399 : i32 to index
          %swap3A_458 = arith.constant 80 : index
          %swap3A_459 = tpu.vector_load %arg11[%swap3A_457, %swap3A_458] {strides = array<i32>} : memref<128x128xf32, #tpu.memory_space<vmem>>, vector<1x16xf32>,
          %swap3A_460 = vector.shape_cast %swap3A_459 : vector<1x16xf32> to vector<16xf32>
          %swap3A_461 = vector.shape_cast %mul3A_456 : vector<16xf32> to vector<1x16xf32>
          tpu.vector_store %arg11[%swap3A_457, %swap3A_458], %swap3A_461 {strides = array<i32>} : memref<128x128xf32, #tpu.memory_space<vmem>>, vector<1x16xf32>,
          %get3A_462 = arith.index_cast %add3A_399 : i32 to index
          %get3A_463 = arith.constant 96 : index
          %get3A_464 = tpu.vector_load %arg11[%get3A_462, %get3A_463] {strides = array<i32>} : memref<128x128xf32, #tpu.memory_space<vmem>>, vector<1x16xf32>,
          %get3A_465 = vector.shape_cast %get3A_464 : vector<1x16xf32> to vector<16xf32>
          %mul3A_466 = arith.mulf %get3A_465, %gather3A_401 : vector<16xf32>
          %swap3A_467 = arith.index_cast %add3A_399 : i32 to index
          %swap3A_468 = arith.constant 96 : index
          %swap3A_469 = tpu.vector_load %arg11[%swap3A_467, %swap3A_468] {strides = array<i32>} : memref<128x128xf32, #tpu.memory_space<vmem>>, vector<1x16xf32>,
          %swap3A_470 = vector.shape_cast %swap3A_469 : vector<1x16xf32> to vector<16xf32>
          %swap3A_471 = vector.shape_cast %mul3A_466 : vector<16xf32> to vector<1x16xf32>
          tpu.vector_store %arg11[%swap3A_467, %swap3A_468], %swap3A_471 {strides = array<i32>} : memref<128x128xf32, #tpu.memory_space<vmem>>, vector<1x16xf32>,
          %get3A_472 = arith.index_cast %add3A_399 : i32 to index
          %get3A_473 = arith.constant 112 : index
          %get3A_474 = tpu.vector_load %arg11[%get3A_472, %get3A_473] {strides = array<i32>} : memref<128x128xf32, #tpu.memory_space<vmem>>, vector<1x16xf32>,
          %get3A_475 = vector.shape_cast %get3A_474 : vector<1x16xf32> to vector<16xf32>
          %mul3A_476 = arith.mulf %get3A_475, %gather3A_401 : vector<16xf32>
          %swap3A_477 = arith.index_cast %add3A_399 : i32 to index
          %swap3A_478 = arith.constant 112 : index
          %swap3A_479 = tpu.vector_load %arg11[%swap3A_477, %swap3A_478] {strides = array<i32>} : memref<128x128xf32, #tpu.memory_space<vmem>>, vector<1x16xf32>,
          %swap3A_480 = vector.shape_cast %swap3A_479 : vector<1x16xf32> to vector<16xf32>
          %swap3A_481 = vector.shape_cast %mul3A_476 : vector<16xf32> to vector<1x16xf32>
          tpu.vector_store %arg11[%swap3A_477, %swap3A_478], %swap3A_481 {strides = array<i32>} : memref<128x128xf32, #tpu.memory_space<vmem>>, vector<1x16xf32>,
        }
        %scan3A_390 = arith.constant 16 : i32
        %scan3A_391 = arith.constant 0 : i32
        %scan3A_392 = arith.constant 0 : i32
        %scan3A_393 = arith.constant 16 : i32
        %scan3A_394 = arith.addi %scan3A_392, %scan3A_393 : i32
        %scan3A_395 = arith.constant 1 : i32
        scf.for %scan3A_397 = %scan3A_392 to %scan3A_394 step %scan3A_395  : i32 {
          %add3A_398 = arith.constant 112 : i32
          %add3A_399 = arith.addi %add3A_398, %scan3A_397 : i32
          %broadcast_in_dim3A_400 = vector.broadcast %scan3A_397 : i32 to vector<16xi32>
          %reshape3A = vector.shape_cast %broadcast_in_dim3A_400 : vector<16xi32> to vector<16x1xi32>
          %gather3A = vector.shape_cast %reshape3A : vector<16x1xi32> to vector<16xi32>
          %gather3A_401 = tpu.dynamic_gather %select_n3A_338[%gather3A] in [0] : vector<16xf32>, vector<16xi32> -> vector<16xf32>
          %get3A_402 = arith.index_cast %add3A_399 : i32 to index
          %get3A_403 = arith.constant 0 : index
          %get3A_404 = tpu.vector_load %arg11[%get3A_402, %get3A_403] {strides = array<i32>} : memref<128x128xf32, #tpu.memory_space<vmem>>, vector<1x16xf32>,
          %get3A_405 = vector.shape_cast %get3A_404 : vector<1x16xf32> to vector<16xf32>
          %mul3A_406 = arith.mulf %get3A_405, %gather3A_401 : vector<16xf32>
          %swap3A_407 = arith.index_cast %add3A_399 : i32 to index
          %swap3A_408 = arith.constant 0 : index
          %swap3A_409 = tpu.vector_load %arg11[%swap3A_407, %swap3A_408] {strides = array<i32>} : memref<128x128xf32, #tpu.memory_space<vmem>>, vector<1x16xf32>,
          %swap3A_410 = vector.shape_cast %swap3A_409 : vector<1x16xf32> to vector<16xf32>
          %swap3A_411 = vector.shape_cast %mul3A_406 : vector<16xf32> to vector<1x16xf32>
          tpu.vector_store %arg11[%swap3A_407, %swap3A_408], %swap3A_411 {strides = array<i32>} : memref<128x128xf32, #tpu.memory_space<vmem>>, vector<1x16xf32>,
          %get3A_412 = arith.index_cast %add3A_399 : i32 to index
          %get3A_413 = arith.constant 16 : index
          %get3A_414 = tpu.vector_load %arg11[%get3A_412, %get3A_413] {strides = array<i32>} : memref<128x128xf32, #tpu.memory_space<vmem>>, vector<1x16xf32>,
          %get3A_415 = vector.shape_cast %get3A_414 : vector<1x16xf32> to vector<16xf32>
          %mul3A_416 = arith.mulf %get3A_415, %gather3A_401 : vector<16xf32>
          %swap3A_417 = arith.index_cast %add3A_399 : i32 to index
          %swap3A_418 = arith.constant 16 : index
          %swap3A_419 = tpu.vector_load %arg11[%swap3A_417, %swap3A_418] {strides = array<i32>} : memref<128x128xf32, #tpu.memory_space<vmem>>, vector<1x16xf32>,
          %swap3A_420 = vector.shape_cast %swap3A_419 : vector<1x16xf32> to vector<16xf32>
          %swap3A_421 = vector.shape_cast %mul3A_416 : vector<16xf32> to vector<1x16xf32>
          tpu.vector_store %arg11[%swap3A_417, %swap3A_418], %swap3A_421 {strides = array<i32>} : memref<128x128xf32, #tpu.memory_space<vmem>>, vector<1x16xf32>,
          %get3A_422 = arith.index_cast %add3A_399 : i32 to index
          %get3A_423 = arith.constant 32 : index
          %get3A_424 = tpu.vector_load %arg11[%get3A_422, %get3A_423] {strides = array<i32>} : memref<128x128xf32, #tpu.memory_space<vmem>>, vector<1x16xf32>,
          %get3A_425 = vector.shape_cast %get3A_424 : vector<1x16xf32> to vector<16xf32>
          %mul3A_426 = arith.mulf %get3A_425, %gather3A_401 : vector<16xf32>
          %swap3A_427 = arith.index_cast %add3A_399 : i32 to index
          %swap3A_428 = arith.constant 32 : index
          %swap3A_429 = tpu.vector_load %arg11[%swap3A_427, %swap3A_428] {strides = array<i32>} : memref<128x128xf32, #tpu.memory_space<vmem>>, vector<1x16xf32>,
          %swap3A_430 = vector.shape_cast %swap3A_429 : vector<1x16xf32> to vector<16xf32>
          %swap3A_431 = vector.shape_cast %mul3A_426 : vector<16xf32> to vector<1x16xf32>
          tpu.vector_store %arg11[%swap3A_427, %swap3A_428], %swap3A_431 {strides = array<i32>} : memref<128x128xf32, #tpu.memory_space<vmem>>, vector<1x16xf32>,
          %get3A_432 = arith.index_cast %add3A_399 : i32 to index
          %get3A_433 = arith.constant 48 : index
          %get3A_434 = tpu.vector_load %arg11[%get3A_432, %get3A_433] {strides = array<i32>} : memref<128x128xf32, #tpu.memory_space<vmem>>, vector<1x16xf32>,
          %get3A_435 = vector.shape_cast %get3A_434 : vector<1x16xf32> to vector<16xf32>
          %mul3A_436 = arith.mulf %get3A_435, %gather3A_401 : vector<16xf32>
          %swap3A_437 = arith.index_cast %add3A_399 : i32 to index
          %swap3A_438 = arith.constant 48 : index
          %swap3A_439 = tpu.vector_load %arg11[%swap3A_437, %swap3A_438] {strides = array<i32>} : memref<128x128xf32, #tpu.memory_space<vmem>>, vector<1x16xf32>,
          %swap3A_440 = vector.shape_cast %swap3A_439 : vector<1x16xf32> to vector<16xf32>
          %swap3A_441 = vector.shape_cast %mul3A_436 : vector<16xf32> to vector<1x16xf32>
          tpu.vector_store %arg11[%swap3A_437, %swap3A_438], %swap3A_441 {strides = array<i32>} : memref<128x128xf32, #tpu.memory_space<vmem>>, vector<1x16xf32>,
          %get3A_442 = arith.index_cast %add3A_399 : i32 to index
          %get3A_443 = arith.constant 64 : index
          %get3A_444 = tpu.vector_load %arg11[%get3A_442, %get3A_443] {strides = array<i32>} : memref<128x128xf32, #tpu.memory_space<vmem>>, vector<1x16xf32>,
          %get3A_445 = vector.shape_cast %get3A_444 : vector<1x16xf32> to vector<16xf32>
          %mul3A_446 = arith.mulf %get3A_445, %gather3A_401 : vector<16xf32>
          %swap3A_447 = arith.index_cast %add3A_399 : i32 to index
          %swap3A_448 = arith.constant 64 : index
          %swap3A_449 = tpu.vector_load %arg11[%swap3A_447, %swap3A_448] {strides = array<i32>} : memref<128x128xf32, #tpu.memory_space<vmem>>, vector<1x16xf32>,
          %swap3A_450 = vector.shape_cast %swap3A_449 : vector<1x16xf32> to vector<16xf32>
          %swap3A_451 = vector.shape_cast %mul3A_446 : vector<16xf32> to vector<1x16xf32>
          tpu.vector_store %arg11[%swap3A_447, %swap3A_448], %swap3A_451 {strides = array<i32>} : memref<128x128xf32, #tpu.memory_space<vmem>>, vector<1x16xf32>,
          %get3A_452 = arith.index_cast %add3A_399 : i32 to index
          %get3A_453 = arith.constant 80 : index
          %get3A_454 = tpu.vector_load %arg11[%get3A_452, %get3A_453] {strides = array<i32>} : memref<128x128xf32, #tpu.memory_space<vmem>>, vector<1x16xf32>,
          %get3A_455 = vector.shape_cast %get3A_454 : vector<1x16xf32> to vector<16xf32>
          %mul3A_456 = arith.mulf %get3A_455, %gather3A_401 : vector<16xf32>
          %swap3A_457 = arith.index_cast %add3A_399 : i32 to index
          %swap3A_458 = arith.constant 80 : index
          %swap3A_459 = tpu.vector_load %arg11[%swap3A_457, %swap3A_458] {strides = array<i32>} : memref<128x128xf32, #tpu.memory_space<vmem>>, vector<1x16xf32>,
          %swap3A_460 = vector.shape_cast %swap3A_459 : vector<1x16xf32> to vector<16xf32>
          %swap3A_461 = vector.shape_cast %mul3A_456 : vector<16xf32> to vector<1x16xf32>
          tpu.vector_store %arg11[%swap3A_457, %swap3A_458], %swap3A_461 {strides = array<i32>} : memref<128x128xf32, #tpu.memory_space<vmem>>, vector<1x16xf32>,
          %get3A_462 = arith.index_cast %add3A_399 : i32 to index
          %get3A_463 = arith.constant 96 : index
          %get3A_464 = tpu.vector_load %arg11[%get3A_462, %get3A_463] {strides = array<i32>} : memref<128x128xf32, #tpu.memory_space<vmem>>, vector<1x16xf32>,
          %get3A_465 = vector.shape_cast %get3A_464 : vector<1x16xf32> to vector<16xf32>
          %mul3A_466 = arith.mulf %get3A_465, %gather3A_401 : vector<16xf32>
          %swap3A_467 = arith.index_cast %add3A_399 : i32 to index
          %swap3A_468 = arith.constant 96 : index
          %swap3A_469 = tpu.vector_load %arg11[%swap3A_467, %swap3A_468] {strides = array<i32>} : memref<128x128xf32, #tpu.memory_space<vmem>>, vector<1x16xf32>,
          %swap3A_470 = vector.shape_cast %swap3A_469 : vector<1x16xf32> to vector<16xf32>
          %swap3A_471 = vector.shape_cast %mul3A_466 : vector<16xf32> to vector<1x16xf32>
          tpu.vector_store %arg11[%swap3A_467, %swap3A_468], %swap3A_471 {strides = array<i32>} : memref<128x128xf32, #tpu.memory_space<vmem>>, vector<1x16xf32>,
          %get3A_472 = arith.index_cast %add3A_399 : i32 to index
          %get3A_473 = arith.constant 112 : index
          %get3A_474 = tpu.vector_load %arg11[%get3A_472, %get3A_473] {strides = array<i32>} : memref<128x128xf32, #tpu.memory_space<vmem>>, vector<1x16xf32>,
          %get3A_475 = vector.shape_cast %get3A_474 : vector<1x16xf32> to vector<16xf32>
          %mul3A_476 = arith.mulf %get3A_475, %gather3A_401 : vector<16xf32>
          %swap3A_477 = arith.index_cast %add3A_399 : i32 to index
          %swap3A_478 = arith.constant 112 : index
          %swap3A_479 = tpu.vector_load %arg11[%swap3A_477, %swap3A_478] {strides = array<i32>} : memref<128x128xf32, #tpu.memory_space<vmem>>, vector<1x16xf32>,
          %swap3A_480 = vector.shape_cast %swap3A_479 : vector<1x16xf32> to vector<16xf32>
          %swap3A_481 = vector.shape_cast %mul3A_476 : vector<16xf32> to vector<1x16xf32>
          tpu.vector_store %arg11[%swap3A_477, %swap3A_478], %swap3A_481 {strides = array<i32>} : memref<128x128xf32, #tpu.memory_space<vmem>>, vector<1x16xf32>,
        }
        %scan3A_396 = arith.constant 16 : i32
        "tpu.region"() ({
          %run_scoped3A = tpu.sem_alloc : memref<!tpu.dma_semaphore, #tpu.memory_space<semaphore_mem>>
          %dma_start3A_397 = arith.constant 0 : i32
          %dma_start3A_398 = tpu.memref_slice %arg10[%scan3A_80, %dma_start3A_397] : memref<4x128xi32, #tpu.memory_space<vmem>> -> memref<1x128xi32, #tpu.memory_space<vmem>>
          %dma_start3A_399 = tpu.memref_squeeze %dma_start3A_398 : memref<1x128xi32, #tpu.memory_space<vmem>> -> memref<128xi32, #tpu.memory_space<vmem>>
          %dma_start3A_400 = arith.constant 0 : i32
          %dma_start3A_401 = arith.constant 0 : i32
          %dma_start3A_402 = tpu.memref_slice %arg15[%dma_start3A_400, %dma_start3A_401] : memref<10000x128xf32, #tpu.memory_space<vmem_shared>> -> memref<10000x128xf32, #tpu.memory_space<vmem_shared>>
          tpu.enqueue_indirect_dma source(%arg11 : memref<128x128xf32, #tpu.memory_space<vmem>>) target(%dma_start3A_402 : memref<10000x128xf32, #tpu.memory_space<vmem_shared>>) offsets(%dma_start3A_399 : memref<128xi32, #tpu.memory_space<vmem>>) semaphore(%run_scoped3A : memref<!tpu.dma_semaphore, #tpu.memory_space<semaphore_mem>>) {add = true}
          %dma_wait3A_403 = arith.constant 0 : i32
          %dma_wait3A_404 = tpu.memref_slice %arg10[%scan3A_80, %dma_wait3A_403] : memref<4x128xi32, #tpu.memory_space<vmem>> -> memref<1x128xi32, #tpu.memory_space<vmem>>
          %dma_wait3A_405 = tpu.memref_squeeze %dma_wait3A_404 : memref<1x128xi32, #tpu.memory_space<vmem>> -> memref<128xi32, #tpu.memory_space<vmem>>
          %dma_wait3A_406 = arith.constant 0 : i32
          %dma_wait3A_407 = arith.constant 0 : i32
          %dma_wait3A_408 = tpu.memref_slice %arg15[%dma_wait3A_406, %dma_wait3A_407] : memref<10000x128xf32, #tpu.memory_space<vmem_shared>> -> memref<10000x128xf32, #tpu.memory_space<vmem_shared>>
          tpu.wait_indirect_dma semaphore(%run_scoped3A : memref<!tpu.dma_semaphore, #tpu.memory_space<semaphore_mem>>) src(%arg11 : memref<128x128xf32, #tpu.memory_space<vmem>>) dst(%dma_wait3A_408 : memref<10000x128xf32, #tpu.memory_space<vmem_shared>>)
          tpu.yield
        }) : () -> ()
        "tpu.region"() ({
          %run_scoped3A = tpu.sem_alloc : memref<!tpu.dma_semaphore, #tpu.memory_space<semaphore_mem>>
          %dma_start3A_397 = arith.constant 0 : i32
          %dma_start3A_398 = tpu.memref_slice %arg10[%scan3A_80, %dma_start3A_397] : memref<4x128xi32, #tpu.memory_space<vmem>> -> memref<1x128xi32, #tpu.memory_space<vmem>>
          %dma_start3A_399 = tpu.memref_squeeze %dma_start3A_398 : memref<1x128xi32, #tpu.memory_space<vmem>> -> memref<128xi32, #tpu.memory_space<vmem>>
          %dma_start3A_400 = arith.constant 0 : i32
          %dma_start3A_401 = tpu.memref_slice %arg16[%dma_start3A_400] : memref<10112xf32, #tpu.memory_space<vmem_shared>> -> memref<10112xf32, #tpu.memory_space<vmem_shared>>
          tpu.enqueue_indirect_dma source(%arg12 : memref<128xf32, #tpu.memory_space<vmem>>) target(%dma_start3A_401 : memref<10112xf32, #tpu.memory_space<vmem_shared>>) offsets(%dma_start3A_399 : memref<128xi32, #tpu.memory_space<vmem>>) semaphore(%run_scoped3A : memref<!tpu.dma_semaphore, #tpu.memory_space<semaphore_mem>>) {add = true}
          %dma_wait3A_402 = arith.constant 0 : i32
          %dma_wait3A_403 = tpu.memref_slice %arg10[%scan3A_80, %dma_wait3A_402] : memref<4x128xi32, #tpu.memory_space<vmem>> -> memref<1x128xi32, #tpu.memory_space<vmem>>
          %dma_wait3A_404 = tpu.memref_squeeze %dma_wait3A_403 : memref<1x128xi32, #tpu.memory_space<vmem>> -> memref<128xi32, #tpu.memory_space<vmem>>
          %dma_wait3A_405 = arith.constant 0 : i32
          %dma_wait3A_406 = tpu.memref_slice %arg16[%dma_wait3A_405] : memref<10112xf32, #tpu.memory_space<vmem_shared>> -> memref<10112xf32, #tpu.memory_space<vmem_shared>>
          tpu.wait_indirect_dma semaphore(%run_scoped3A : memref<!tpu.dma_semaphore, #tpu.memory_space<semaphore_mem>>) src(%arg12 : memref<128xf32, #tpu.memory_space<vmem>>) dst(%dma_wait3A_406 : memref<10112xf32, #tpu.memory_space<vmem_shared>>)
          tpu.yield
        }) : () -> ()
      }
      %scan3A_79 = arith.constant 4 : i32
    }
    %scan3A_67 = arith.constant 20 : i32
    %barrier3A_68 = arith.constant 0 : index
    tpu.barrier barrier_id(%barrier3A_68)
    "tpu.region"() ({
      %run_scoped3A = tpu.sem_alloc : memref<!tpu.dma_semaphore, #tpu.memory_space<semaphore_mem>>
      %dma_start3A = arith.constant 0 : i32
      %dma_start3A_69 = tpu.memref_slice %arg7[%arg0, %mul3A_39, %dma_start3A] : memref<2x10000x128xf32, #tpu.memory_space<hbm>> -> memref<1x625x128xf32, #tpu.memory_space<hbm>>
      %dma_start3A_70 = tpu.memref_squeeze %dma_start3A_69 : memref<1x625x128xf32, #tpu.memory_space<hbm>> -> memref<625x128xf32, #tpu.memory_space<hbm>>
      %dma_start3A_71 = arith.constant 0 : i32
      %dma_start3A_72 = tpu.memref_slice %arg15[%mul3A_39, %dma_start3A_71] : memref<10000x128xf32, #tpu.memory_space<vmem_shared>> -> memref<625x128xf32, #tpu.memory_space<vmem_shared>>
      tpu.enqueue_dma source(%dma_start3A_72 : memref<625x128xf32, #tpu.memory_space<vmem_shared>>) target(%dma_start3A_70 : memref<625x128xf32, #tpu.memory_space<hbm>>) target_semaphore(%run_scoped3A : memref<!tpu.dma_semaphore, #tpu.memory_space<semaphore_mem>>)
      %dma_wait3A = arith.constant 0 : i32
      %dma_wait3A_73 = tpu.memref_slice %arg7[%arg0, %mul3A_39, %dma_wait3A] : memref<2x10000x128xf32, #tpu.memory_space<hbm>> -> memref<1x625x128xf32, #tpu.memory_space<hbm>>
      %dma_wait3A_74 = tpu.memref_squeeze %dma_wait3A_73 : memref<1x625x128xf32, #tpu.memory_space<hbm>> -> memref<625x128xf32, #tpu.memory_space<hbm>>
      %dma_wait3A_75 = arith.constant 0 : i32
      %dma_wait3A_76 = tpu.memref_slice %arg15[%mul3A_39, %dma_wait3A_75] : memref<10000x128xf32, #tpu.memory_space<vmem_shared>> -> memref<625x128xf32, #tpu.memory_space<vmem_shared>>
      tpu.wait_dma2 semaphore(%run_scoped3A : memref<!tpu.dma_semaphore, #tpu.memory_space<semaphore_mem>>) src(%dma_wait3A_76 : memref<625x128xf32, #tpu.memory_space<vmem_shared>>) dst(%dma_wait3A_74 : memref<625x128xf32, #tpu.memory_space<hbm>>)
      tpu.yield
    }) : () -> ()
    "tpu.region"() ({
      %run_scoped3A = tpu.sem_alloc : memref<!tpu.dma_semaphore, #tpu.memory_space<semaphore_mem>>
      %dma_start3A = tpu.memref_slice %arg8[%arg0, %mul3A_51] : memref<2x10112xf32, #tpu.memory_space<hbm>> -> memref<1x632xf32, #tpu.memory_space<hbm>>
      %dma_start3A_69 = tpu.memref_squeeze %dma_start3A : memref<1x632xf32, #tpu.memory_space<hbm>> -> memref<632xf32, #tpu.memory_space<hbm>>
      %dma_start3A_70 = tpu.memref_slice %arg16[%mul3A_51] : memref<10112xf32, #tpu.memory_space<vmem_shared>> -> memref<632xf32, #tpu.memory_space<vmem_shared>>
      tpu.enqueue_dma source(%dma_start3A_70 : memref<632xf32, #tpu.memory_space<vmem_shared>>) target(%dma_start3A_69 : memref<632xf32, #tpu.memory_space<hbm>>) target_semaphore(%run_scoped3A : memref<!tpu.dma_semaphore, #tpu.memory_space<semaphore_mem>>)
      %dma_wait3A = tpu.memref_slice %arg8[%arg0, %mul3A_51] : memref<2x10112xf32, #tpu.memory_space<hbm>> -> memref<1x632xf32, #tpu.memory_space<hbm>>
      %dma_wait3A_71 = tpu.memref_squeeze %dma_wait3A : memref<1x632xf32, #tpu.memory_space<hbm>> -> memref<632xf32, #tpu.memory_space<hbm>>
      %dma_wait3A_72 = tpu.memref_slice %arg16[%mul3A_51] : memref<10112xf32, #tpu.memory_space<vmem_shared>> -> memref<632xf32, #tpu.memory_space<vmem_shared>>
      tpu.wait_dma2 semaphore(%run_scoped3A : memref<!tpu.dma_semaphore, #tpu.memory_space<semaphore_mem>>) src(%dma_wait3A_72 : memref<632xf32, #tpu.memory_space<vmem_shared>>) dst(%dma_wait3A_71 : memref<632xf32, #tpu.memory_space<hbm>>)
      tpu.yield
    }) : () -> ()
    return
  }
}

#map = affine_map<(d0, d1) -> (0, 0)>
#map1 = affine_map<(d0, d1) -> (0)>
#map2 = affine_map<(d0, d1) -> (0, 0, 0)>
module attributes {stable_mosaic.version = 14 : i64} {
  func.func @_sc_edge_body(%arg0: i32, %arg1: i32, %arg2: memref<10000x128xf32, #tpu.memory_space<hbm>>, %arg3: memref<10000xf32, #tpu.memory_space<hbm>>, %arg4: memref<10000xf32, #tpu.memory_space<hbm>>, %arg5: memref<32x80x128xi32, #tpu.memory_space<hbm>>, %arg6: memref<32x80x128xi32, #tpu.memory_space<hbm>>, %arg7: memref<2x10000x128xf32, #tpu.memory_space<hbm>>, %arg8: memref<2x10112xf32, #tpu.memory_space<hbm>>, %arg9: memref<4x128xi32, #tpu.memory_space<vmem>>, %arg10: memref<4x128xi32, #tpu.memory_space<vmem>>, %arg11: memref<128x128xf32, #tpu.memory_space<vmem>>, %arg12: memref<128xf32, #tpu.memory_space<vmem>>, %arg13: memref<128xf32, #tpu.memory_space<vmem>>, %arg14: memref<128xf32, #tpu.memory_space<vmem>>, %arg15: memref<10000x128xf32, #tpu.memory_space<vmem_shared>>, %arg16: memref<10112xf32, #tpu.memory_space<vmem_shared>>, %arg17: memref<!tpu.dma_semaphore, #tpu.memory_space<semaphore_mem>>, %arg18: memref<!tpu.dma_semaphore, #tpu.memory_space<semaphore_mem>>) attributes {dimension_semantics = [#tpu.dimension_semantics<core_parallel>, #tpu.dimension_semantics<subcore_parallel>], iteration_bounds = array<i64: 2, 16>, scalar_prefetch = 0 : i64, scratch_operands = 10 : i64, tpu.core_type = #tpu.core_type<sc_vector_subcore>, window_params = [{transform_indices = #map}, {transform_indices = #map1}, {transform_indices = #map1}, {transform_indices = #map2}, {transform_indices = #map2}, {transform_indices = #map2}, {transform_indices = #map}]} {
    %mul3A = arith.constant 16 : i32
    %mul3A_0 = arith.muli %arg0, %mul3A : i32
    %add3A = arith.addi %mul3A_0, %arg1 : i32
    %broadcast_in_dim3A = arith.constant 0.000000e+00 : f32
    %broadcast_in_dim3A_1 = vector.broadcast %broadcast_in_dim3A : f32 to vector<16xf32>
    %iota3A = tpu.iota {dimensions = array<i32: 0>} : vector<16xi32>
    %scan3A = arith.constant 0 : i32
    %scan3A_2 = arith.constant 0 : i32
    %scan3A_3 = arith.constant 128 : i32
    %scan3A_4 = arith.addi %scan3A_2, %scan3A_3 : i32
    %scan3A_5 = arith.constant 1 : i32
    scf.for %scan3A_69 = %scan3A_2 to %scan3A_4 step %scan3A_5  : i32 {
      %swap3A_70 = arith.index_cast %scan3A_69 : i32 to index
      %swap3A_71 = arith.constant 0 : index
      %swap3A_72 = tpu.vector_load %arg11[%swap3A_70, %swap3A_71] {strides = array<i32>} : memref<128x128xf32, #tpu.memory_space<vmem>>, vector<1x16xf32>,
      %swap3A_73 = vector.shape_cast %swap3A_72 : vector<1x16xf32> to vector<16xf32>
      %swap3A_74 = vector.shape_cast %broadcast_in_dim3A_1 : vector<16xf32> to vector<1x16xf32>
      tpu.vector_store %arg11[%swap3A_70, %swap3A_71], %swap3A_74 {strides = array<i32>} : memref<128x128xf32, #tpu.memory_space<vmem>>, vector<1x16xf32>,
      %swap3A_75 = arith.index_cast %scan3A_69 : i32 to index
      %swap3A_76 = arith.constant 16 : index
      %swap3A_77 = tpu.vector_load %arg11[%swap3A_75, %swap3A_76] {strides = array<i32>} : memref<128x128xf32, #tpu.memory_space<vmem>>, vector<1x16xf32>,
      %swap3A_78 = vector.shape_cast %swap3A_77 : vector<1x16xf32> to vector<16xf32>
      %swap3A_79 = vector.shape_cast %broadcast_in_dim3A_1 : vector<16xf32> to vector<1x16xf32>
      tpu.vector_store %arg11[%swap3A_75, %swap3A_76], %swap3A_79 {strides = array<i32>} : memref<128x128xf32, #tpu.memory_space<vmem>>, vector<1x16xf32>,
      %swap3A_80 = arith.index_cast %scan3A_69 : i32 to index
      %swap3A_81 = arith.constant 32 : index
      %swap3A_82 = tpu.vector_load %arg11[%swap3A_80, %swap3A_81] {strides = array<i32>} : memref<128x128xf32, #tpu.memory_space<vmem>>, vector<1x16xf32>,
      %swap3A_83 = vector.shape_cast %swap3A_82 : vector<1x16xf32> to vector<16xf32>
      %swap3A_84 = vector.shape_cast %broadcast_in_dim3A_1 : vector<16xf32> to vector<1x16xf32>
      tpu.vector_store %arg11[%swap3A_80, %swap3A_81], %swap3A_84 {strides = array<i32>} : memref<128x128xf32, #tpu.memory_space<vmem>>, vector<1x16xf32>,
      %swap3A_85 = arith.index_cast %scan3A_69 : i32 to index
      %swap3A_86 = arith.constant 48 : index
      %swap3A_87 = tpu.vector_load %arg11[%swap3A_85, %swap3A_86] {strides = array<i32>} : memref<128x128xf32, #tpu.memory_space<vmem>>, vector<1x16xf32>,
      %swap3A_88 = vector.shape_cast %swap3A_87 : vector<1x16xf32> to vector<16xf32>
      %swap3A_89 = vector.shape_cast %broadcast_in_dim3A_1 : vector<16xf32> to vector<1x16xf32>
      tpu.vector_store %arg11[%swap3A_85, %swap3A_86], %swap3A_89 {strides = array<i32>} : memref<128x128xf32, #tpu.memory_space<vmem>>, vector<1x16xf32>,
      %swap3A_90 = arith.index_cast %scan3A_69 : i32 to index
      %swap3A_91 = arith.constant 64 : index
      %swap3A_92 = tpu.vector_load %arg11[%swap3A_90, %swap3A_91] {strides = array<i32>} : memref<128x128xf32, #tpu.memory_space<vmem>>, vector<1x16xf32>,
      %swap3A_93 = vector.shape_cast %swap3A_92 : vector<1x16xf32> to vector<16xf32>
      %swap3A_94 = vector.shape_cast %broadcast_in_dim3A_1 : vector<16xf32> to vector<1x16xf32>
      tpu.vector_store %arg11[%swap3A_90, %swap3A_91], %swap3A_94 {strides = array<i32>} : memref<128x128xf32, #tpu.memory_space<vmem>>, vector<1x16xf32>,
      %swap3A_95 = arith.index_cast %scan3A_69 : i32 to index
      %swap3A_96 = arith.constant 80 : index
      %swap3A_97 = tpu.vector_load %arg11[%swap3A_95, %swap3A_96] {strides = array<i32>} : memref<128x128xf32, #tpu.memory_space<vmem>>, vector<1x16xf32>,
      %swap3A_98 = vector.shape_cast %swap3A_97 : vector<1x16xf32> to vector<16xf32>
      %swap3A_99 = vector.shape_cast %broadcast_in_dim3A_1 : vector<16xf32> to vector<1x16xf32>
      tpu.vector_store %arg11[%swap3A_95, %swap3A_96], %swap3A_99 {strides = array<i32>} : memref<128x128xf32, #tpu.memory_space<vmem>>, vector<1x16xf32>,
      %swap3A_100 = arith.index_cast %scan3A_69 : i32 to index
      %swap3A_101 = arith.constant 96 : index
      %swap3A_102 = tpu.vector_load %arg11[%swap3A_100, %swap3A_101] {strides = array<i32>} : memref<128x128xf32, #tpu.memory_space<vmem>>, vector<1x16xf32>,
      %swap3A_103 = vector.shape_cast %swap3A_102 : vector<1x16xf32> to vector<16xf32>
      %swap3A_104 = vector.shape_cast %broadcast_in_dim3A_1 : vector<16xf32> to vector<1x16xf32>
      tpu.vector_store %arg11[%swap3A_100, %swap3A_101], %swap3A_104 {strides = array<i32>} : memref<128x128xf32, #tpu.memory_space<vmem>>, vector<1x16xf32>,
      %swap3A_105 = arith.index_cast %scan3A_69 : i32 to index
      %swap3A_106 = arith.constant 112 : index
      %swap3A_107 = tpu.vector_load %arg11[%swap3A_105, %swap3A_106] {strides = array<i32>} : memref<128x128xf32, #tpu.memory_space<vmem>>, vector<1x16xf32>,
      %swap3A_108 = vector.shape_cast %swap3A_107 : vector<1x16xf32> to vector<16xf32>
      %swap3A_109 = vector.shape_cast %broadcast_in_dim3A_1 : vector<16xf32> to vector<1x16xf32>
      tpu.vector_store %arg11[%swap3A_105, %swap3A_106], %swap3A_109 {strides = array<i32>} : memref<128x128xf32, #tpu.memory_space<vmem>>, vector<1x16xf32>,
    }
    %scan3A_6 = arith.constant 128 : i32
    %swap3A = arith.constant 0 : index
    %swap3A_7 = tpu.vector_load %arg12[%swap3A] {strides = array<i32>} : memref<128xf32, #tpu.memory_space<vmem>>, vector<16xf32>,
    %swap3A_8 = vector.shape_cast %swap3A_7 : vector<16xf32> to vector<16xf32>
    %swap3A_9 = vector.shape_cast %broadcast_in_dim3A_1 : vector<16xf32> to vector<16xf32>
    tpu.vector_store %arg12[%swap3A], %swap3A_9 {strides = array<i32>} : memref<128xf32, #tpu.memory_space<vmem>>, vector<16xf32>,
    %swap3A_10 = arith.constant 16 : index
    %swap3A_11 = tpu.vector_load %arg12[%swap3A_10] {strides = array<i32>} : memref<128xf32, #tpu.memory_space<vmem>>, vector<16xf32>,
    %swap3A_12 = vector.shape_cast %swap3A_11 : vector<16xf32> to vector<16xf32>
    %swap3A_13 = vector.shape_cast %broadcast_in_dim3A_1 : vector<16xf32> to vector<16xf32>
    tpu.vector_store %arg12[%swap3A_10], %swap3A_13 {strides = array<i32>} : memref<128xf32, #tpu.memory_space<vmem>>, vector<16xf32>,
    %swap3A_14 = arith.constant 32 : index
    %swap3A_15 = tpu.vector_load %arg12[%swap3A_14] {strides = array<i32>} : memref<128xf32, #tpu.memory_space<vmem>>, vector<16xf32>,
    %swap3A_16 = vector.shape_cast %swap3A_15 : vector<16xf32> to vector<16xf32>
    %swap3A_17 = vector.shape_cast %broadcast_in_dim3A_1 : vector<16xf32> to vector<16xf32>
    tpu.vector_store %arg12[%swap3A_14], %swap3A_17 {strides = array<i32>} : memref<128xf32, #tpu.memory_space<vmem>>, vector<16xf32>,
    %swap3A_18 = arith.constant 48 : index
    %swap3A_19 = tpu.vector_load %arg12[%swap3A_18] {strides = array<i32>} : memref<128xf32, #tpu.memory_space<vmem>>, vector<16xf32>,
    %swap3A_20 = vector.shape_cast %swap3A_19 : vector<16xf32> to vector<16xf32>
    %swap3A_21 = vector.shape_cast %broadcast_in_dim3A_1 : vector<16xf32> to vector<16xf32>
    tpu.vector_store %arg12[%swap3A_18], %swap3A_21 {strides = array<i32>} : memref<128xf32, #tpu.memory_space<vmem>>, vector<16xf32>,
    %swap3A_22 = arith.constant 64 : index
    %swap3A_23 = tpu.vector_load %arg12[%swap3A_22] {strides = array<i32>} : memref<128xf32, #tpu.memory_space<vmem>>, vector<16xf32>,
    %swap3A_24 = vector.shape_cast %swap3A_23 : vector<16xf32> to vector<16xf32>
    %swap3A_25 = vector.shape_cast %broadcast_in_dim3A_1 : vector<16xf32> to vector<16xf32>
    tpu.vector_store %arg12[%swap3A_22], %swap3A_25 {strides = array<i32>} : memref<128xf32, #tpu.memory_space<vmem>>, vector<16xf32>,
    %swap3A_26 = arith.constant 80 : index
    %swap3A_27 = tpu.vector_load %arg12[%swap3A_26] {strides = array<i32>} : memref<128xf32, #tpu.memory_space<vmem>>, vector<16xf32>,
    %swap3A_28 = vector.shape_cast %swap3A_27 : vector<16xf32> to vector<16xf32>
    %swap3A_29 = vector.shape_cast %broadcast_in_dim3A_1 : vector<16xf32> to vector<16xf32>
    tpu.vector_store %arg12[%swap3A_26], %swap3A_29 {strides = array<i32>} : memref<128xf32, #tpu.memory_space<vmem>>, vector<16xf32>,
    %swap3A_30 = arith.constant 96 : index
    %swap3A_31 = tpu.vector_load %arg12[%swap3A_30] {strides = array<i32>} : memref<128xf32, #tpu.memory_space<vmem>>, vector<16xf32>,
    %swap3A_32 = vector.shape_cast %swap3A_31 : vector<16xf32> to vector<16xf32>
    %swap3A_33 = vector.shape_cast %broadcast_in_dim3A_1 : vector<16xf32> to vector<16xf32>
    tpu.vector_store %arg12[%swap3A_30], %swap3A_33 {strides = array<i32>} : memref<128xf32, #tpu.memory_space<vmem>>, vector<16xf32>,
    %swap3A_34 = arith.constant 112 : index
    %swap3A_35 = tpu.vector_load %arg12[%swap3A_34] {strides = array<i32>} : memref<128xf32, #tpu.memory_space<vmem>>, vector<16xf32>,
    %swap3A_36 = vector.shape_cast %swap3A_35 : vector<16xf32> to vector<16xf32>
    %swap3A_37 = vector.shape_cast %broadcast_in_dim3A_1 : vector<16xf32> to vector<16xf32>
    tpu.vector_store %arg12[%swap3A_34], %swap3A_37 {strides = array<i32>} : memref<128xf32, #tpu.memory_space<vmem>>, vector<16xf32>,
    %mul3A_38 = arith.constant 625 : i32
    %mul3A_39 = arith.muli %arg1, %mul3A_38 : i32
    %add3A_40 = arith.constant 0 : i32
    %add3A_41 = arith.addi %mul3A_39, %add3A_40 : i32
    "tpu.region"() ({
      %run_scoped3A = tpu.sem_alloc : memref<!tpu.dma_semaphore, #tpu.memory_space<semaphore_mem>>
      %dma_start3A = arith.constant 0 : i32
      %dma_start3A_69 = arith.constant 0 : i32
      %dma_start3A_70 = tpu.memref_slice %arg11[%dma_start3A, %dma_start3A_69] : memref<128x128xf32, #tpu.memory_space<vmem>> -> memref<128x128xf32, #tpu.memory_space<vmem>>
      %dma_start3A_71 = arith.constant 0 : i32
      %dma_start3A_72 = tpu.memref_slice %arg15[%add3A_41, %dma_start3A_71] : memref<10000x128xf32, #tpu.memory_space<vmem_shared>> -> memref<128x128xf32, #tpu.memory_space<vmem_shared>>
      %dma_start3A_73 = arith.constant 0 : i32
      %dma_start3A_74 = tpu.memref_slice %arg15[%add3A_41, %dma_start3A_73] : memref<10000x128xf32, #tpu.memory_space<vmem_shared>> -> memref<128x128xf32, #tpu.memory_space<vmem_shared>>
      %dma_start3A_75 = arith.constant 0 : i32
      %dma_start3A_76 = arith.constant 0 : i32
      %dma_start3A_77 = tpu.memref_slice %arg11[%dma_start3A_75, %dma_start3A_76] : memref<128x128xf32, #tpu.memory_space<vmem>> -> memref<128x128xf32, #tpu.memory_space<vmem>>
      tpu.enqueue_dma source(%dma_start3A_77 : memref<128x128xf32, #tpu.memory_space<vmem>>) target(%dma_start3A_74 : memref<128x128xf32, #tpu.memory_space<vmem_shared>>) target_semaphore(%run_scoped3A : memref<!tpu.dma_semaphore, #tpu.memory_space<semaphore_mem>>)
      %dma_wait3A = arith.constant 0 : i32
      %dma_wait3A_78 = arith.constant 0 : i32
      %dma_wait3A_79 = tpu.memref_slice %arg11[%dma_wait3A, %dma_wait3A_78] : memref<128x128xf32, #tpu.memory_space<vmem>> -> memref<128x128xf32, #tpu.memory_space<vmem>>
      %dma_wait3A_80 = arith.constant 0 : i32
      %dma_wait3A_81 = tpu.memref_slice %arg15[%add3A_41, %dma_wait3A_80] : memref<10000x128xf32, #tpu.memory_space<vmem_shared>> -> memref<128x128xf32, #tpu.memory_space<vmem_shared>>
      %dma_wait3A_82 = arith.constant 0 : i32
      %dma_wait3A_83 = tpu.memref_slice %arg15[%add3A_41, %dma_wait3A_82] : memref<10000x128xf32, #tpu.memory_space<vmem_shared>> -> memref<128x128xf32, #tpu.memory_space<vmem_shared>>
      %dma_wait3A_84 = arith.constant 0 : i32
      %dma_wait3A_85 = arith.constant 0 : i32
      %dma_wait3A_86 = tpu.memref_slice %arg11[%dma_wait3A_84, %dma_wait3A_85] : memref<128x128xf32, #tpu.memory_space<vmem>> -> memref<128x128xf32, #tpu.memory_space<vmem>>
      tpu.wait_dma2 semaphore(%run_scoped3A : memref<!tpu.dma_semaphore, #tpu.memory_space<semaphore_mem>>) src(%dma_wait3A_86 : memref<128x128xf32, #tpu.memory_space<vmem>>) dst(%dma_wait3A_83 : memref<128x128xf32, #tpu.memory_space<vmem_shared>>)
      tpu.yield
    }) : () -> ()
    %add3A_42 = arith.constant 128 : i32
    %add3A_43 = arith.addi %mul3A_39, %add3A_42 : i32
    "tpu.region"() ({
      %run_scoped3A = tpu.sem_alloc : memref<!tpu.dma_semaphore, #tpu.memory_space<semaphore_mem>>
      %dma_start3A = arith.constant 0 : i32
      %dma_start3A_69 = arith.constant 0 : i32
      %dma_start3A_70 = tpu.memref_slice %arg11[%dma_start3A, %dma_start3A_69] : memref<128x128xf32, #tpu.memory_space<vmem>> -> memref<128x128xf32, #tpu.memory_space<vmem>>
      %dma_start3A_71 = arith.constant 0 : i32
      %dma_start3A_72 = tpu.memref_slice %arg15[%add3A_43, %dma_start3A_71] : memref<10000x128xf32, #tpu.memory_space<vmem_shared>> -> memref<128x128xf32, #tpu.memory_space<vmem_shared>>
      %dma_start3A_73 = arith.constant 0 : i32
      %dma_start3A_74 = tpu.memref_slice %arg15[%add3A_43, %dma_start3A_73] : memref<10000x128xf32, #tpu.memory_space<vmem_shared>> -> memref<128x128xf32, #tpu.memory_space<vmem_shared>>
      %dma_start3A_75 = arith.constant 0 : i32
      %dma_start3A_76 = arith.constant 0 : i32
      %dma_start3A_77 = tpu.memref_slice %arg11[%dma_start3A_75, %dma_start3A_76] : memref<128x128xf32, #tpu.memory_space<vmem>> -> memref<128x128xf32, #tpu.memory_space<vmem>>
      tpu.enqueue_dma source(%dma_start3A_77 : memref<128x128xf32, #tpu.memory_space<vmem>>) target(%dma_start3A_74 : memref<128x128xf32, #tpu.memory_space<vmem_shared>>) target_semaphore(%run_scoped3A : memref<!tpu.dma_semaphore, #tpu.memory_space<semaphore_mem>>)
      %dma_wait3A = arith.constant 0 : i32
      %dma_wait3A_78 = arith.constant 0 : i32
      %dma_wait3A_79 = tpu.memref_slice %arg11[%dma_wait3A, %dma_wait3A_78] : memref<128x128xf32, #tpu.memory_space<vmem>> -> memref<128x128xf32, #tpu.memory_space<vmem>>
      %dma_wait3A_80 = arith.constant 0 : i32
      %dma_wait3A_81 = tpu.memref_slice %arg15[%add3A_43, %dma_wait3A_80] : memref<10000x128xf32, #tpu.memory_space<vmem_shared>> -> memref<128x128xf32, #tpu.memory_space<vmem_shared>>
      %dma_wait3A_82 = arith.constant 0 : i32
      %dma_wait3A_83 = tpu.memref_slice %arg15[%add3A_43, %dma_wait3A_82] : memref<10000x128xf32, #tpu.memory_space<vmem_shared>> -> memref<128x128xf32, #tpu.memory_space<vmem_shared>>
      %dma_wait3A_84 = arith.constant 0 : i32
      %dma_wait3A_85 = arith.constant 0 : i32
      %dma_wait3A_86 = tpu.memref_slice %arg11[%dma_wait3A_84, %dma_wait3A_85] : memref<128x128xf32, #tpu.memory_space<vmem>> -> memref<128x128xf32, #tpu.memory_space<vmem>>
      tpu.wait_dma2 semaphore(%run_scoped3A : memref<!tpu.dma_semaphore, #tpu.memory_space<semaphore_mem>>) src(%dma_wait3A_86 : memref<128x128xf32, #tpu.memory_space<vmem>>) dst(%dma_wait3A_83 : memref<128x128xf32, #tpu.memory_space<vmem_shared>>)
      tpu.yield
    }) : () -> ()
    %add3A_44 = arith.constant 256 : i32
    %add3A_45 = arith.addi %mul3A_39, %add3A_44 : i32
    "tpu.region"() ({
      %run_scoped3A = tpu.sem_alloc : memref<!tpu.dma_semaphore, #tpu.memory_space<semaphore_mem>>
      %dma_start3A = arith.constant 0 : i32
      %dma_start3A_69 = arith.constant 0 : i32
      %dma_start3A_70 = tpu.memref_slice %arg11[%dma_start3A, %dma_start3A_69] : memref<128x128xf32, #tpu.memory_space<vmem>> -> memref<128x128xf32, #tpu.memory_space<vmem>>
      %dma_start3A_71 = arith.constant 0 : i32
      %dma_start3A_72 = tpu.memref_slice %arg15[%add3A_45, %dma_start3A_71] : memref<10000x128xf32, #tpu.memory_space<vmem_shared>> -> memref<128x128xf32, #tpu.memory_space<vmem_shared>>
      %dma_start3A_73 = arith.constant 0 : i32
      %dma_start3A_74 = tpu.memref_slice %arg15[%add3A_45, %dma_start3A_73] : memref<10000x128xf32, #tpu.memory_space<vmem_shared>> -> memref<128x128xf32, #tpu.memory_space<vmem_shared>>
      %dma_start3A_75 = arith.constant 0 : i32
      %dma_start3A_76 = arith.constant 0 : i32
      %dma_start3A_77 = tpu.memref_slice %arg11[%dma_start3A_75, %dma_start3A_76] : memref<128x128xf32, #tpu.memory_space<vmem>> -> memref<128x128xf32, #tpu.memory_space<vmem>>
      tpu.enqueue_dma source(%dma_start3A_77 : memref<128x128xf32, #tpu.memory_space<vmem>>) target(%dma_start3A_74 : memref<128x128xf32, #tpu.memory_space<vmem_shared>>) target_semaphore(%run_scoped3A : memref<!tpu.dma_semaphore, #tpu.memory_space<semaphore_mem>>)
      %dma_wait3A = arith.constant 0 : i32
      %dma_wait3A_78 = arith.constant 0 : i32
      %dma_wait3A_79 = tpu.memref_slice %arg11[%dma_wait3A, %dma_wait3A_78] : memref<128x128xf32, #tpu.memory_space<vmem>> -> memref<128x128xf32, #tpu.memory_space<vmem>>
      %dma_wait3A_80 = arith.constant 0 : i32
      %dma_wait3A_81 = tpu.memref_slice %arg15[%add3A_45, %dma_wait3A_80] : memref<10000x128xf32, #tpu.memory_space<vmem_shared>> -> memref<128x128xf32, #tpu.memory_space<vmem_shared>>
      %dma_wait3A_82 = arith.constant 0 : i32
      %dma_wait3A_83 = tpu.memref_slice %arg15[%add3A_45, %dma_wait3A_82] : memref<10000x128xf32, #tpu.memory_space<vmem_shared>> -> memref<128x128xf32, #tpu.memory_space<vmem_shared>>
      %dma_wait3A_84 = arith.constant 0 : i32
      %dma_wait3A_85 = arith.constant 0 : i32
      %dma_wait3A_86 = tpu.memref_slice %arg11[%dma_wait3A_84, %dma_wait3A_85] : memref<128x128xf32, #tpu.memory_space<vmem>> -> memref<128x128xf32, #tpu.memory_space<vmem>>
      tpu.wait_dma2 semaphore(%run_scoped3A : memref<!tpu.dma_semaphore, #tpu.memory_space<semaphore_mem>>) src(%dma_wait3A_86 : memref<128x128xf32, #tpu.memory_space<vmem>>) dst(%dma_wait3A_83 : memref<128x128xf32, #tpu.memory_space<vmem_shared>>)
      tpu.yield
    }) : () -> ()
    %add3A_46 = arith.constant 384 : i32
    %add3A_47 = arith.addi %mul3A_39, %add3A_46 : i32
    "tpu.region"() ({
      %run_scoped3A = tpu.sem_alloc : memref<!tpu.dma_semaphore, #tpu.memory_space<semaphore_mem>>
      %dma_start3A = arith.constant 0 : i32
      %dma_start3A_69 = arith.constant 0 : i32
      %dma_start3A_70 = tpu.memref_slice %arg11[%dma_start3A, %dma_start3A_69] : memref<128x128xf32, #tpu.memory_space<vmem>> -> memref<128x128xf32, #tpu.memory_space<vmem>>
      %dma_start3A_71 = arith.constant 0 : i32
      %dma_start3A_72 = tpu.memref_slice %arg15[%add3A_47, %dma_start3A_71] : memref<10000x128xf32, #tpu.memory_space<vmem_shared>> -> memref<128x128xf32, #tpu.memory_space<vmem_shared>>
      %dma_start3A_73 = arith.constant 0 : i32
      %dma_start3A_74 = tpu.memref_slice %arg15[%add3A_47, %dma_start3A_73] : memref<10000x128xf32, #tpu.memory_space<vmem_shared>> -> memref<128x128xf32, #tpu.memory_space<vmem_shared>>
      %dma_start3A_75 = arith.constant 0 : i32
      %dma_start3A_76 = arith.constant 0 : i32
      %dma_start3A_77 = tpu.memref_slice %arg11[%dma_start3A_75, %dma_start3A_76] : memref<128x128xf32, #tpu.memory_space<vmem>> -> memref<128x128xf32, #tpu.memory_space<vmem>>
      tpu.enqueue_dma source(%dma_start3A_77 : memref<128x128xf32, #tpu.memory_space<vmem>>) target(%dma_start3A_74 : memref<128x128xf32, #tpu.memory_space<vmem_shared>>) target_semaphore(%run_scoped3A : memref<!tpu.dma_semaphore, #tpu.memory_space<semaphore_mem>>)
      %dma_wait3A = arith.constant 0 : i32
      %dma_wait3A_78 = arith.constant 0 : i32
      %dma_wait3A_79 = tpu.memref_slice %arg11[%dma_wait3A, %dma_wait3A_78] : memref<128x128xf32, #tpu.memory_space<vmem>> -> memref<128x128xf32, #tpu.memory_space<vmem>>
      %dma_wait3A_80 = arith.constant 0 : i32
      %dma_wait3A_81 = tpu.memref_slice %arg15[%add3A_47, %dma_wait3A_80] : memref<10000x128xf32, #tpu.memory_space<vmem_shared>> -> memref<128x128xf32, #tpu.memory_space<vmem_shared>>
      %dma_wait3A_82 = arith.constant 0 : i32
      %dma_wait3A_83 = tpu.memref_slice %arg15[%add3A_47, %dma_wait3A_82] : memref<10000x128xf32, #tpu.memory_space<vmem_shared>> -> memref<128x128xf32, #tpu.memory_space<vmem_shared>>
      %dma_wait3A_84 = arith.constant 0 : i32
      %dma_wait3A_85 = arith.constant 0 : i32
      %dma_wait3A_86 = tpu.memref_slice %arg11[%dma_wait3A_84, %dma_wait3A_85] : memref<128x128xf32, #tpu.memory_space<vmem>> -> memref<128x128xf32, #tpu.memory_space<vmem>>
      tpu.wait_dma2 semaphore(%run_scoped3A : memref<!tpu.dma_semaphore, #tpu.memory_space<semaphore_mem>>) src(%dma_wait3A_86 : memref<128x128xf32, #tpu.memory_space<vmem>>) dst(%dma_wait3A_83 : memref<128x128xf32, #tpu.memory_space<vmem_shared>>)
      tpu.yield
    }) : () -> ()
    %add3A_48 = arith.constant 512 : i32
    %add3A_49 = arith.addi %mul3A_39, %add3A_48 : i32
    "tpu.region"() ({
      %run_scoped3A = tpu.sem_alloc : memref<!tpu.dma_semaphore, #tpu.memory_space<semaphore_mem>>
      %dma_start3A = arith.constant 0 : i32
      %dma_start3A_69 = arith.constant 0 : i32
      %dma_start3A_70 = tpu.memref_slice %arg11[%dma_start3A, %dma_start3A_69] : memref<128x128xf32, #tpu.memory_space<vmem>> -> memref<113x128xf32, #tpu.memory_space<vmem>>
      %dma_start3A_71 = arith.constant 0 : i32
      %dma_start3A_72 = tpu.memref_slice %arg15[%add3A_49, %dma_start3A_71] : memref<10000x128xf32, #tpu.memory_space<vmem_shared>> -> memref<113x128xf32, #tpu.memory_space<vmem_shared>>
      %dma_start3A_73 = arith.constant 0 : i32
      %dma_start3A_74 = tpu.memref_slice %arg15[%add3A_49, %dma_start3A_73] : memref<10000x128xf32, #tpu.memory_space<vmem_shared>> -> memref<113x128xf32, #tpu.memory_space<vmem_shared>>
      %dma_start3A_75 = arith.constant 0 : i32
      %dma_start3A_76 = arith.constant 0 : i32
      %dma_start3A_77 = tpu.memref_slice %arg11[%dma_start3A_75, %dma_start3A_76] : memref<128x128xf32, #tpu.memory_space<vmem>> -> memref<113x128xf32, #tpu.memory_space<vmem>>
      tpu.enqueue_dma source(%dma_start3A_77 : memref<113x128xf32, #tpu.memory_space<vmem>>) target(%dma_start3A_74 : memref<113x128xf32, #tpu.memory_space<vmem_shared>>) target_semaphore(%run_scoped3A : memref<!tpu.dma_semaphore, #tpu.memory_space<semaphore_mem>>)
      %dma_wait3A = arith.constant 0 : i32
      %dma_wait3A_78 = arith.constant 0 : i32
      %dma_wait3A_79 = tpu.memref_slice %arg11[%dma_wait3A, %dma_wait3A_78] : memref<128x128xf32, #tpu.memory_space<vmem>> -> memref<113x128xf32, #tpu.memory_space<vmem>>
      %dma_wait3A_80 = arith.constant 0 : i32
      %dma_wait3A_81 = tpu.memref_slice %arg15[%add3A_49, %dma_wait3A_80] : memref<10000x128xf32, #tpu.memory_space<vmem_shared>> -> memref<113x128xf32, #tpu.memory_space<vmem_shared>>
      %dma_wait3A_82 = arith.constant 0 : i32
      %dma_wait3A_83 = tpu.memref_slice %arg15[%add3A_49, %dma_wait3A_82] : memref<10000x128xf32, #tpu.memory_space<vmem_shared>> -> memref<113x128xf32, #tpu.memory_space<vmem_shared>>
      %dma_wait3A_84 = arith.constant 0 : i32
      %dma_wait3A_85 = arith.constant 0 : i32
      %dma_wait3A_86 = tpu.memref_slice %arg11[%dma_wait3A_84, %dma_wait3A_85] : memref<128x128xf32, #tpu.memory_space<vmem>> -> memref<113x128xf32, #tpu.memory_space<vmem>>
      tpu.wait_dma2 semaphore(%run_scoped3A : memref<!tpu.dma_semaphore, #tpu.memory_space<semaphore_mem>>) src(%dma_wait3A_86 : memref<113x128xf32, #tpu.memory_space<vmem>>) dst(%dma_wait3A_83 : memref<113x128xf32, #tpu.memory_space<vmem_shared>>)
      tpu.yield
    }) : () -> ()
    %mul3A_50 = arith.constant 632 : i32
    %mul3A_51 = arith.muli %arg1, %mul3A_50 : i32
    %add3A_52 = arith.constant 0 : i32
    %add3A_53 = arith.addi %mul3A_51, %add3A_52 : i32
    "tpu.region"() ({
      %run_scoped3A = tpu.sem_alloc : memref<!tpu.dma_semaphore, #tpu.memory_space<semaphore_mem>>
      %dma_start3A = arith.constant 0 : i32
      %dma_start3A_69 = tpu.memref_slice %arg12[%dma_start3A] : memref<128xf32, #tpu.memory_space<vmem>> -> memref<128xf32, #tpu.memory_space<vmem>>
      %dma_start3A_70 = tpu.memref_slice %arg16[%add3A_53] : memref<10112xf32, #tpu.memory_space<vmem_shared>> -> memref<128xf32, #tpu.memory_space<vmem_shared>>
      %dma_start3A_71 = tpu.memref_slice %arg16[%add3A_53] : memref<10112xf32, #tpu.memory_space<vmem_shared>> -> memref<128xf32, #tpu.memory_space<vmem_shared>>
      %dma_start3A_72 = arith.constant 0 : i32
      %dma_start3A_73 = tpu.memref_slice %arg12[%dma_start3A_72] : memref<128xf32, #tpu.memory_space<vmem>> -> memref<128xf32, #tpu.memory_space<vmem>>
      tpu.enqueue_dma source(%dma_start3A_73 : memref<128xf32, #tpu.memory_space<vmem>>) target(%dma_start3A_71 : memref<128xf32, #tpu.memory_space<vmem_shared>>) target_semaphore(%run_scoped3A : memref<!tpu.dma_semaphore, #tpu.memory_space<semaphore_mem>>)
      %dma_wait3A = arith.constant 0 : i32
      %dma_wait3A_74 = tpu.memref_slice %arg12[%dma_wait3A] : memref<128xf32, #tpu.memory_space<vmem>> -> memref<128xf32, #tpu.memory_space<vmem>>
      %dma_wait3A_75 = tpu.memref_slice %arg16[%add3A_53] : memref<10112xf32, #tpu.memory_space<vmem_shared>> -> memref<128xf32, #tpu.memory_space<vmem_shared>>
      %dma_wait3A_76 = tpu.memref_slice %arg16[%add3A_53] : memref<10112xf32, #tpu.memory_space<vmem_shared>> -> memref<128xf32, #tpu.memory_space<vmem_shared>>
      %dma_wait3A_77 = arith.constant 0 : i32
      %dma_wait3A_78 = tpu.memref_slice %arg12[%dma_wait3A_77] : memref<128xf32, #tpu.memory_space<vmem>> -> memref<128xf32, #tpu.memory_space<vmem>>
      tpu.wait_dma2 semaphore(%run_scoped3A : memref<!tpu.dma_semaphore, #tpu.memory_space<semaphore_mem>>) src(%dma_wait3A_78 : memref<128xf32, #tpu.memory_space<vmem>>) dst(%dma_wait3A_76 : memref<128xf32, #tpu.memory_space<vmem_shared>>)
      tpu.yield
    }) : () -> ()
    %add3A_54 = arith.constant 128 : i32
    %add3A_55 = arith.addi %mul3A_51, %add3A_54 : i32
    "tpu.region"() ({
      %run_scoped3A = tpu.sem_alloc : memref<!tpu.dma_semaphore, #tpu.memory_space<semaphore_mem>>
      %dma_start3A = arith.constant 0 : i32
      %dma_start3A_69 = tpu.memref_slice %arg12[%dma_start3A] : memref<128xf32, #tpu.memory_space<vmem>> -> memref<128xf32, #tpu.memory_space<vmem>>
      %dma_start3A_70 = tpu.memref_slice %arg16[%add3A_55] : memref<10112xf32, #tpu.memory_space<vmem_shared>> -> memref<128xf32, #tpu.memory_space<vmem_shared>>
      %dma_start3A_71 = tpu.memref_slice %arg16[%add3A_55] : memref<10112xf32, #tpu.memory_space<vmem_shared>> -> memref<128xf32, #tpu.memory_space<vmem_shared>>
      %dma_start3A_72 = arith.constant 0 : i32
      %dma_start3A_73 = tpu.memref_slice %arg12[%dma_start3A_72] : memref<128xf32, #tpu.memory_space<vmem>> -> memref<128xf32, #tpu.memory_space<vmem>>
      tpu.enqueue_dma source(%dma_start3A_73 : memref<128xf32, #tpu.memory_space<vmem>>) target(%dma_start3A_71 : memref<128xf32, #tpu.memory_space<vmem_shared>>) target_semaphore(%run_scoped3A : memref<!tpu.dma_semaphore, #tpu.memory_space<semaphore_mem>>)
      %dma_wait3A = arith.constant 0 : i32
      %dma_wait3A_74 = tpu.memref_slice %arg12[%dma_wait3A] : memref<128xf32, #tpu.memory_space<vmem>> -> memref<128xf32, #tpu.memory_space<vmem>>
      %dma_wait3A_75 = tpu.memref_slice %arg16[%add3A_55] : memref<10112xf32, #tpu.memory_space<vmem_shared>> -> memref<128xf32, #tpu.memory_space<vmem_shared>>
      %dma_wait3A_76 = tpu.memref_slice %arg16[%add3A_55] : memref<10112xf32, #tpu.memory_space<vmem_shared>> -> memref<128xf32, #tpu.memory_space<vmem_shared>>
      %dma_wait3A_77 = arith.constant 0 : i32
      %dma_wait3A_78 = tpu.memref_slice %arg12[%dma_wait3A_77] : memref<128xf32, #tpu.memory_space<vmem>> -> memref<128xf32, #tpu.memory_space<vmem>>
      tpu.wait_dma2 semaphore(%run_scoped3A : memref<!tpu.dma_semaphore, #tpu.memory_space<semaphore_mem>>) src(%dma_wait3A_78 : memref<128xf32, #tpu.memory_space<vmem>>) dst(%dma_wait3A_76 : memref<128xf32, #tpu.memory_space<vmem_shared>>)
      tpu.yield
    }) : () -> ()
    %add3A_56 = arith.constant 256 : i32
    %add3A_57 = arith.addi %mul3A_51, %add3A_56 : i32
    "tpu.region"() ({
      %run_scoped3A = tpu.sem_alloc : memref<!tpu.dma_semaphore, #tpu.memory_space<semaphore_mem>>
      %dma_start3A = arith.constant 0 : i32
      %dma_start3A_69 = tpu.memref_slice %arg12[%dma_start3A] : memref<128xf32, #tpu.memory_space<vmem>> -> memref<128xf32, #tpu.memory_space<vmem>>
      %dma_start3A_70 = tpu.memref_slice %arg16[%add3A_57] : memref<10112xf32, #tpu.memory_space<vmem_shared>> -> memref<128xf32, #tpu.memory_space<vmem_shared>>
      %dma_start3A_71 = tpu.memref_slice %arg16[%add3A_57] : memref<10112xf32, #tpu.memory_space<vmem_shared>> -> memref<128xf32, #tpu.memory_space<vmem_shared>>
      %dma_start3A_72 = arith.constant 0 : i32
      %dma_start3A_73 = tpu.memref_slice %arg12[%dma_start3A_72] : memref<128xf32, #tpu.memory_space<vmem>> -> memref<128xf32, #tpu.memory_space<vmem>>
      tpu.enqueue_dma source(%dma_start3A_73 : memref<128xf32, #tpu.memory_space<vmem>>) target(%dma_start3A_71 : memref<128xf32, #tpu.memory_space<vmem_shared>>) target_semaphore(%run_scoped3A : memref<!tpu.dma_semaphore, #tpu.memory_space<semaphore_mem>>)
      %dma_wait3A = arith.constant 0 : i32
      %dma_wait3A_74 = tpu.memref_slice %arg12[%dma_wait3A] : memref<128xf32, #tpu.memory_space<vmem>> -> memref<128xf32, #tpu.memory_space<vmem>>
      %dma_wait3A_75 = tpu.memref_slice %arg16[%add3A_57] : memref<10112xf32, #tpu.memory_space<vmem_shared>> -> memref<128xf32, #tpu.memory_space<vmem_shared>>
      %dma_wait3A_76 = tpu.memref_slice %arg16[%add3A_57] : memref<10112xf32, #tpu.memory_space<vmem_shared>> -> memref<128xf32, #tpu.memory_space<vmem_shared>>
      %dma_wait3A_77 = arith.constant 0 : i32
      %dma_wait3A_78 = tpu.memref_slice %arg12[%dma_wait3A_77] : memref<128xf32, #tpu.memory_space<vmem>> -> memref<128xf32, #tpu.memory_space<vmem>>
      tpu.wait_dma2 semaphore(%run_scoped3A : memref<!tpu.dma_semaphore, #tpu.memory_space<semaphore_mem>>) src(%dma_wait3A_78 : memref<128xf32, #tpu.memory_space<vmem>>) dst(%dma_wait3A_76 : memref<128xf32, #tpu.memory_space<vmem_shared>>)
      tpu.yield
    }) : () -> ()
    %add3A_58 = arith.constant 384 : i32
    %add3A_59 = arith.addi %mul3A_51, %add3A_58 : i32
    "tpu.region"() ({
      %run_scoped3A = tpu.sem_alloc : memref<!tpu.dma_semaphore, #tpu.memory_space<semaphore_mem>>
      %dma_start3A = arith.constant 0 : i32
      %dma_start3A_69 = tpu.memref_slice %arg12[%dma_start3A] : memref<128xf32, #tpu.memory_space<vmem>> -> memref<128xf32, #tpu.memory_space<vmem>>
      %dma_start3A_70 = tpu.memref_slice %arg16[%add3A_59] : memref<10112xf32, #tpu.memory_space<vmem_shared>> -> memref<128xf32, #tpu.memory_space<vmem_shared>>
      %dma_start3A_71 = tpu.memref_slice %arg16[%add3A_59] : memref<10112xf32, #tpu.memory_space<vmem_shared>> -> memref<128xf32, #tpu.memory_space<vmem_shared>>
      %dma_start3A_72 = arith.constant 0 : i32
      %dma_start3A_73 = tpu.memref_slice %arg12[%dma_start3A_72] : memref<128xf32, #tpu.memory_space<vmem>> -> memref<128xf32, #tpu.memory_space<vmem>>
      tpu.enqueue_dma source(%dma_start3A_73 : memref<128xf32, #tpu.memory_space<vmem>>) target(%dma_start3A_71 : memref<128xf32, #tpu.memory_space<vmem_shared>>) target_semaphore(%run_scoped3A : memref<!tpu.dma_semaphore, #tpu.memory_space<semaphore_mem>>)
      %dma_wait3A = arith.constant 0 : i32
      %dma_wait3A_74 = tpu.memref_slice %arg12[%dma_wait3A] : memref<128xf32, #tpu.memory_space<vmem>> -> memref<128xf32, #tpu.memory_space<vmem>>
      %dma_wait3A_75 = tpu.memref_slice %arg16[%add3A_59] : memref<10112xf32, #tpu.memory_space<vmem_shared>> -> memref<128xf32, #tpu.memory_space<vmem_shared>>
      %dma_wait3A_76 = tpu.memref_slice %arg16[%add3A_59] : memref<10112xf32, #tpu.memory_space<vmem_shared>> -> memref<128xf32, #tpu.memory_space<vmem_shared>>
      %dma_wait3A_77 = arith.constant 0 : i32
      %dma_wait3A_78 = tpu.memref_slice %arg12[%dma_wait3A_77] : memref<128xf32, #tpu.memory_space<vmem>> -> memref<128xf32, #tpu.memory_space<vmem>>
      tpu.wait_dma2 semaphore(%run_scoped3A : memref<!tpu.dma_semaphore, #tpu.memory_space<semaphore_mem>>) src(%dma_wait3A_78 : memref<128xf32, #tpu.memory_space<vmem>>) dst(%dma_wait3A_76 : memref<128xf32, #tpu.memory_space<vmem_shared>>)
      tpu.yield
    }) : () -> ()
    %add3A_60 = arith.constant 512 : i32
    %add3A_61 = arith.addi %mul3A_51, %add3A_60 : i32
    "tpu.region"() ({
      %run_scoped3A = tpu.sem_alloc : memref<!tpu.dma_semaphore, #tpu.memory_space<semaphore_mem>>
      %dma_start3A = arith.constant 0 : i32
      %dma_start3A_69 = tpu.memref_slice %arg12[%dma_start3A] : memref<128xf32, #tpu.memory_space<vmem>> -> memref<120xf32, #tpu.memory_space<vmem>>
      %dma_start3A_70 = tpu.memref_slice %arg16[%add3A_61] : memref<10112xf32, #tpu.memory_space<vmem_shared>> -> memref<120xf32, #tpu.memory_space<vmem_shared>>
      %dma_start3A_71 = tpu.memref_slice %arg16[%add3A_61] : memref<10112xf32, #tpu.memory_space<vmem_shared>> -> memref<120xf32, #tpu.memory_space<vmem_shared>>
      %dma_start3A_72 = arith.constant 0 : i32
      %dma_start3A_73 = tpu.memref_slice %arg12[%dma_start3A_72] : memref<128xf32, #tpu.memory_space<vmem>> -> memref<120xf32, #tpu.memory_space<vmem>>
      tpu.enqueue_dma source(%dma_start3A_73 : memref<120xf32, #tpu.memory_space<vmem>>) target(%dma_start3A_71 : memref<120xf32, #tpu.memory_space<vmem_shared>>) target_semaphore(%run_scoped3A : memref<!tpu.dma_semaphore, #tpu.memory_space<semaphore_mem>>)
      %dma_wait3A = arith.constant 0 : i32
      %dma_wait3A_74 = tpu.memref_slice %arg12[%dma_wait3A] : memref<128xf32, #tpu.memory_space<vmem>> -> memref<120xf32, #tpu.memory_space<vmem>>
      %dma_wait3A_75 = tpu.memref_slice %arg16[%add3A_61] : memref<10112xf32, #tpu.memory_space<vmem_shared>> -> memref<120xf32, #tpu.memory_space<vmem_shared>>
      %dma_wait3A_76 = tpu.memref_slice %arg16[%add3A_61] : memref<10112xf32, #tpu.memory_space<vmem_shared>> -> memref<120xf32, #tpu.memory_space<vmem_shared>>
      %dma_wait3A_77 = arith.constant 0 : i32
      %dma_wait3A_78 = tpu.memref_slice %arg12[%dma_wait3A_77] : memref<128xf32, #tpu.memory_space<vmem>> -> memref<120xf32, #tpu.memory_space<vmem>>
      tpu.wait_dma2 semaphore(%run_scoped3A : memref<!tpu.dma_semaphore, #tpu.memory_space<semaphore_mem>>) src(%dma_wait3A_78 : memref<120xf32, #tpu.memory_space<vmem>>) dst(%dma_wait3A_76 : memref<120xf32, #tpu.memory_space<vmem_shared>>)
      tpu.yield
    }) : () -> ()
    %barrier3A = arith.constant 0 : index
    tpu.barrier barrier_id(%barrier3A)
    %scan3A_62 = arith.constant 0 : i32
    %scan3A_63 = arith.constant 0 : i32
    %scan3A_64 = arith.constant 20 : i32
    %scan3A_65 = arith.addi %scan3A_63, %scan3A_64 : i32
    %scan3A_66 = arith.constant 1 : i32
    scf.for %scan3A_69 = %scan3A_63 to %scan3A_65 step %scan3A_66  : i32 {
      %mul3A_70 = arith.constant 4 : i32
      %mul3A_71 = arith.muli %scan3A_69, %mul3A_70 : i32
      "tpu.region"() ({
        %run_scoped3A = tpu.sem_alloc : memref<!tpu.dma_semaphore, #tpu.memory_space<semaphore_mem>>
        %dma_start3A = arith.constant 0 : i32
        %dma_start3A_80 = tpu.memref_slice %arg5[%add3A, %mul3A_71, %dma_start3A] : memref<32x80x128xi32, #tpu.memory_space<hbm>> -> memref<1x4x128xi32, #tpu.memory_space<hbm>>
        %dma_start3A_81 = tpu.memref_squeeze %dma_start3A_80 : memref<1x4x128xi32, #tpu.memory_space<hbm>> -> memref<4x128xi32, #tpu.memory_space<hbm>>
        %dma_start3A_82 = arith.constant 0 : i32
        %dma_start3A_83 = tpu.memref_slice %arg5[%add3A, %mul3A_71, %dma_start3A_82] : memref<32x80x128xi32, #tpu.memory_space<hbm>> -> memref<1x4x128xi32, #tpu.memory_space<hbm>>
        %dma_start3A_84 = tpu.memref_squeeze %dma_start3A_83 : memref<1x4x128xi32, #tpu.memory_space<hbm>> -> memref<4x128xi32, #tpu.memory_space<hbm>>
        tpu.enqueue_dma source(%dma_start3A_84 : memref<4x128xi32, #tpu.memory_space<hbm>>) target(%arg9 : memref<4x128xi32, #tpu.memory_space<vmem>>) target_semaphore(%run_scoped3A : memref<!tpu.dma_semaphore, #tpu.memory_space<semaphore_mem>>)
        %dma_wait3A = arith.constant 0 : i32
        %dma_wait3A_85 = tpu.memref_slice %arg5[%add3A, %mul3A_71, %dma_wait3A] : memref<32x80x128xi32, #tpu.memory_space<hbm>> -> memref<1x4x128xi32, #tpu.memory_space<hbm>>
        %dma_wait3A_86 = tpu.memref_squeeze %dma_wait3A_85 : memref<1x4x128xi32, #tpu.memory_space<hbm>> -> memref<4x128xi32, #tpu.memory_space<hbm>>
        %dma_wait3A_87 = arith.constant 0 : i32
        %dma_wait3A_88 = tpu.memref_slice %arg5[%add3A, %mul3A_71, %dma_wait3A_87] : memref<32x80x128xi32, #tpu.memory_space<hbm>> -> memref<1x4x128xi32, #tpu.memory_space<hbm>>
        %dma_wait3A_89 = tpu.memref_squeeze %dma_wait3A_88 : memref<1x4x128xi32, #tpu.memory_space<hbm>> -> memref<4x128xi32, #tpu.memory_space<hbm>>
        tpu.wait_dma2 semaphore(%run_scoped3A : memref<!tpu.dma_semaphore, #tpu.memory_space<semaphore_mem>>) src(%dma_wait3A_89 : memref<4x128xi32, #tpu.memory_space<hbm>>) dst(%arg9 : memref<4x128xi32, #tpu.memory_space<vmem>>)
        tpu.yield
      }) : () -> ()
      %mul3A_72 = arith.constant 4 : i32
      %mul3A_73 = arith.muli %scan3A_69, %mul3A_72 : i32
      "tpu.region"() ({
        %run_scoped3A = tpu.sem_alloc : memref<!tpu.dma_semaphore, #tpu.memory_space<semaphore_mem>>
        %dma_start3A = arith.constant 0 : i32
        %dma_start3A_80 = tpu.memref_slice %arg6[%add3A, %mul3A_73, %dma_start3A] : memref<32x80x128xi32, #tpu.memory_space<hbm>> -> memref<1x4x128xi32, #tpu.memory_space<hbm>>
        %dma_start3A_81 = tpu.memref_squeeze %dma_start3A_80 : memref<1x4x128xi32, #tpu.memory_space<hbm>> -> memref<4x128xi32, #tpu.memory_space<hbm>>
        %dma_start3A_82 = arith.constant 0 : i32
        %dma_start3A_83 = tpu.memref_slice %arg6[%add3A, %mul3A_73, %dma_start3A_82] : memref<32x80x128xi32, #tpu.memory_space<hbm>> -> memref<1x4x128xi32, #tpu.memory_space<hbm>>
        %dma_start3A_84 = tpu.memref_squeeze %dma_start3A_83 : memref<1x4x128xi32, #tpu.memory_space<hbm>> -> memref<4x128xi32, #tpu.memory_space<hbm>>
        tpu.enqueue_dma source(%dma_start3A_84 : memref<4x128xi32, #tpu.memory_space<hbm>>) target(%arg10 : memref<4x128xi32, #tpu.memory_space<vmem>>) target_semaphore(%run_scoped3A : memref<!tpu.dma_semaphore, #tpu.memory_space<semaphore_mem>>)
        %dma_wait3A = arith.constant 0 : i32
        %dma_wait3A_85 = tpu.memref_slice %arg6[%add3A, %mul3A_73, %dma_wait3A] : memref<32x80x128xi32, #tpu.memory_space<hbm>> -> memref<1x4x128xi32, #tpu.memory_space<hbm>>
        %dma_wait3A_86 = tpu.memref_squeeze %dma_wait3A_85 : memref<1x4x128xi32, #tpu.memory_space<hbm>> -> memref<4x128xi32, #tpu.memory_space<hbm>>
        %dma_wait3A_87 = arith.constant 0 : i32
        %dma_wait3A_88 = tpu.memref_slice %arg6[%add3A, %mul3A_73, %dma_wait3A_87] : memref<32x80x128xi32, #tpu.memory_space<hbm>> -> memref<1x4x128xi32, #tpu.memory_space<hbm>>
        %dma_wait3A_89 = tpu.memref_squeeze %dma_wait3A_88 : memref<1x4x128xi32, #tpu.memory_space<hbm>> -> memref<4x128xi32, #tpu.memory_space<hbm>>
        tpu.wait_dma2 semaphore(%run_scoped3A : memref<!tpu.dma_semaphore, #tpu.memory_space<semaphore_mem>>) src(%dma_wait3A_89 : memref<4x128xi32, #tpu.memory_space<hbm>>) dst(%arg10 : memref<4x128xi32, #tpu.memory_space<vmem>>)
        tpu.yield
      }) : () -> ()
      %scan3A_74 = arith.constant 0 : i32
      %scan3A_75 = arith.constant 0 : i32
      %scan3A_76 = arith.constant 4 : i32
      %scan3A_77 = arith.addi %scan3A_75, %scan3A_76 : i32
      %scan3A_78 = arith.constant 1 : i32
      scf.for %scan3A_80 = %scan3A_75 to %scan3A_77 step %scan3A_78  : i32 {
        %mul3A_81 = arith.constant 4 : i32
        %mul3A_82 = arith.muli %scan3A_69, %mul3A_81 : i32
        %add3A_83 = arith.addi %mul3A_82, %scan3A_80 : i32
        %dma_start3A = arith.constant 0 : i32
        %dma_start3A_84 = tpu.memref_slice %arg9[%scan3A_80, %dma_start3A] : memref<4x128xi32, #tpu.memory_space<vmem>> -> memref<1x128xi32, #tpu.memory_space<vmem>>
        %dma_start3A_85 = tpu.memref_squeeze %dma_start3A_84 : memref<1x128xi32, #tpu.memory_space<vmem>> -> memref<128xi32, #tpu.memory_space<vmem>>
        %dma_start3A_86 = arith.constant 0 : i32
        %dma_start3A_87 = arith.constant 0 : i32
        %dma_start3A_88 = tpu.memref_slice %arg2[%dma_start3A_86, %dma_start3A_87] : memref<10000x128xf32, #tpu.memory_space<hbm>> -> memref<10000x128xf32, #tpu.memory_space<hbm>>
        tpu.enqueue_indirect_dma source(%dma_start3A_88 : memref<10000x128xf32, #tpu.memory_space<hbm>>) target(%arg11 : memref<128x128xf32, #tpu.memory_space<vmem>>) offsets(%dma_start3A_85 : memref<128xi32, #tpu.memory_space<vmem>>) semaphore(%arg17 : memref<!tpu.dma_semaphore, #tpu.memory_space<semaphore_mem>>)
        %dma_start3A_89 = arith.constant 0 : i32
        %dma_start3A_90 = tpu.memref_slice %arg9[%scan3A_80, %dma_start3A_89] : memref<4x128xi32, #tpu.memory_space<vmem>> -> memref<1x128xi32, #tpu.memory_space<vmem>>
        %dma_start3A_91 = tpu.memref_squeeze %dma_start3A_90 : memref<1x128xi32, #tpu.memory_space<vmem>> -> memref<128xi32, #tpu.memory_space<vmem>>
        %dma_start3A_92 = arith.constant 0 : i32
        %dma_start3A_93 = tpu.memref_slice %arg3[%dma_start3A_92] : memref<10000xf32, #tpu.memory_space<hbm>> -> memref<10000xf32, #tpu.memory_space<hbm>>
        tpu.enqueue_indirect_dma source(%dma_start3A_93 : memref<10000xf32, #tpu.memory_space<hbm>>) target(%arg13 : memref<128xf32, #tpu.memory_space<vmem>>) offsets(%dma_start3A_91 : memref<128xi32, #tpu.memory_space<vmem>>) semaphore(%arg18 : memref<!tpu.dma_semaphore, #tpu.memory_space<semaphore_mem>>)
        %dma_start3A_94 = arith.constant 0 : i32
        %dma_start3A_95 = tpu.memref_slice %arg10[%scan3A_80, %dma_start3A_94] : memref<4x128xi32, #tpu.memory_space<vmem>> -> memref<1x128xi32, #tpu.memory_space<vmem>>
        %dma_start3A_96 = tpu.memref_squeeze %dma_start3A_95 : memref<1x128xi32, #tpu.memory_space<vmem>> -> memref<128xi32, #tpu.memory_space<vmem>>
        %dma_start3A_97 = arith.constant 0 : i32
        %dma_start3A_98 = tpu.memref_slice %arg4[%dma_start3A_97] : memref<10000xf32, #tpu.memory_space<hbm>> -> memref<10000xf32, #tpu.memory_space<hbm>>
        tpu.enqueue_indirect_dma source(%dma_start3A_98 : memref<10000xf32, #tpu.memory_space<hbm>>) target(%arg14 : memref<128xf32, #tpu.memory_space<vmem>>) offsets(%dma_start3A_96 : memref<128xi32, #tpu.memory_space<vmem>>) semaphore(%arg18 : memref<!tpu.dma_semaphore, #tpu.memory_space<semaphore_mem>>)
        %dma_wait3A = arith.constant 0 : i32
        %dma_wait3A_99 = tpu.memref_slice %arg9[%scan3A_80, %dma_wait3A] : memref<4x128xi32, #tpu.memory_space<vmem>> -> memref<1x128xi32, #tpu.memory_space<vmem>>
        %dma_wait3A_100 = tpu.memref_squeeze %dma_wait3A_99 : memref<1x128xi32, #tpu.memory_space<vmem>> -> memref<128xi32, #tpu.memory_space<vmem>>
        %dma_wait3A_101 = arith.constant 0 : i32
        %dma_wait3A_102 = tpu.memref_slice %arg3[%dma_wait3A_101] : memref<10000xf32, #tpu.memory_space<hbm>> -> memref<10000xf32, #tpu.memory_space<hbm>>
        tpu.wait_indirect_dma semaphore(%arg18 : memref<!tpu.dma_semaphore, #tpu.memory_space<semaphore_mem>>) src(%dma_wait3A_102 : memref<10000xf32, #tpu.memory_space<hbm>>) dst(%arg13 : memref<128xf32, #tpu.memory_space<vmem>>)
        %dma_wait3A_103 = arith.constant 0 : i32
        %dma_wait3A_104 = tpu.memref_slice %arg10[%scan3A_80, %dma_wait3A_103] : memref<4x128xi32, #tpu.memory_space<vmem>> -> memref<1x128xi32, #tpu.memory_space<vmem>>
        %dma_wait3A_105 = tpu.memref_squeeze %dma_wait3A_104 : memref<1x128xi32, #tpu.memory_space<vmem>> -> memref<128xi32, #tpu.memory_space<vmem>>
        %dma_wait3A_106 = arith.constant 0 : i32
        %dma_wait3A_107 = tpu.memref_slice %arg4[%dma_wait3A_106] : memref<10000xf32, #tpu.memory_space<hbm>> -> memref<10000xf32, #tpu.memory_space<hbm>>
        tpu.wait_indirect_dma semaphore(%arg18 : memref<!tpu.dma_semaphore, #tpu.memory_space<semaphore_mem>>) src(%dma_wait3A_107 : memref<10000xf32, #tpu.memory_space<hbm>>) dst(%arg14 : memref<128xf32, #tpu.memory_space<vmem>>)
        %get3A = arith.constant 0 : index
        %get3A_108 = tpu.vector_load %arg13[%get3A] {strides = array<i32>} : memref<128xf32, #tpu.memory_space<vmem>>, vector<16xf32>,
        %get3A_109 = vector.shape_cast %get3A_108 : vector<16xf32> to vector<16xf32>
        %get3A_110 = arith.constant 0 : index
        %get3A_111 = tpu.vector_load %arg14[%get3A_110] {strides = array<i32>} : memref<128xf32, #tpu.memory_space<vmem>>, vector<16xf32>,
        %get3A_112 = vector.shape_cast %get3A_111 : vector<16xf32> to vector<16xf32>
        %add3A_113 = arith.addf %get3A_109, %get3A_112 : vector<16xf32>
        %broadcast_in_dim3A_114 = arith.constant 2.000000e-01 : f32
        %broadcast_in_dim3A_115 = vector.broadcast %broadcast_in_dim3A_114 : f32 to vector<16xf32>
        %mul3A_116 = arith.mulf %broadcast_in_dim3A_115, %add3A_113 : vector<16xf32>
        %max3A = arith.maximumf %add3A_113, %mul3A_116 : vector<16xf32>
        %exp3A = math.exp %max3A : vector<16xf32>
        %broadcast_in_dim3A_117 = arith.constant 0 : i32
        %broadcast_in_dim3A_118 = vector.broadcast %broadcast_in_dim3A_117 : i32 to vector<16xi32>
        %mul3A_119 = arith.constant 128 : i32
        %mul3A_120 = arith.muli %add3A_83, %mul3A_119 : i32
        %add3A_121 = vector.broadcast %mul3A_120 : i32 to vector<16xi32>
        %add3A_122 = arith.addi %broadcast_in_dim3A_118, %add3A_121 : vector<16xi32>
        %add3A_123 = arith.constant 0 : i32
        %add3A_124 = vector.broadcast %add3A_123 : i32 to vector<16xi32>
        %add3A_125 = arith.addi %add3A_122, %add3A_124 : vector<16xi32>
        %add3A_126 = arith.addi %add3A_125, %iota3A : vector<16xi32>
        %lt3A = arith.constant 10000 : i32
        %lt3A_127 = vector.broadcast %lt3A : i32 to vector<16xi32>
        %lt3A_128 = arith.cmpi slt, %add3A_126, %lt3A_127 : vector<16xi32>
        %select_n3A = arith.select %lt3A_128, %exp3A, %broadcast_in_dim3A_1 : vector<16xi1>, vector<16xf32>
        %swap3A_129 = arith.constant 0 : index
        %swap3A_130 = tpu.vector_load %arg12[%swap3A_129] {strides = array<i32>} : memref<128xf32, #tpu.memory_space<vmem>>, vector<16xf32>,
        %swap3A_131 = vector.shape_cast %swap3A_130 : vector<16xf32> to vector<16xf32>
        %swap3A_132 = vector.shape_cast %select_n3A : vector<16xf32> to vector<16xf32>
        tpu.vector_store %arg12[%swap3A_129], %swap3A_132 {strides = array<i32>} : memref<128xf32, #tpu.memory_space<vmem>>, vector<16xf32>,
        %get3A_133 = arith.constant 16 : index
        %get3A_134 = tpu.vector_load %arg13[%get3A_133] {strides = array<i32>} : memref<128xf32, #tpu.memory_space<vmem>>, vector<16xf32>,
        %get3A_135 = vector.shape_cast %get3A_134 : vector<16xf32> to vector<16xf32>
        %get3A_136 = arith.constant 16 : index
        %get3A_137 = tpu.vector_load %arg14[%get3A_136] {strides = array<i32>} : memref<128xf32, #tpu.memory_space<vmem>>, vector<16xf32>,
        %get3A_138 = vector.shape_cast %get3A_137 : vector<16xf32> to vector<16xf32>
        %add3A_139 = arith.addf %get3A_135, %get3A_138 : vector<16xf32>
        %broadcast_in_dim3A_140 = arith.constant 2.000000e-01 : f32
        %broadcast_in_dim3A_141 = vector.broadcast %broadcast_in_dim3A_140 : f32 to vector<16xf32>
        %mul3A_142 = arith.mulf %broadcast_in_dim3A_141, %add3A_139 : vector<16xf32>
        %max3A_143 = arith.maximumf %add3A_139, %mul3A_142 : vector<16xf32>
        %exp3A_144 = math.exp %max3A_143 : vector<16xf32>
        %broadcast_in_dim3A_145 = arith.constant 0 : i32
        %broadcast_in_dim3A_146 = vector.broadcast %broadcast_in_dim3A_145 : i32 to vector<16xi32>
        %mul3A_147 = arith.constant 128 : i32
        %mul3A_148 = arith.muli %add3A_83, %mul3A_147 : i32
        %add3A_149 = vector.broadcast %mul3A_148 : i32 to vector<16xi32>
        %add3A_150 = arith.addi %broadcast_in_dim3A_146, %add3A_149 : vector<16xi32>
        %add3A_151 = arith.constant 16 : i32
        %add3A_152 = vector.broadcast %add3A_151 : i32 to vector<16xi32>
        %add3A_153 = arith.addi %add3A_150, %add3A_152 : vector<16xi32>
        %add3A_154 = arith.addi %add3A_153, %iota3A : vector<16xi32>
        %lt3A_155 = arith.constant 10000 : i32
        %lt3A_156 = vector.broadcast %lt3A_155 : i32 to vector<16xi32>
        %lt3A_157 = arith.cmpi slt, %add3A_154, %lt3A_156 : vector<16xi32>
        %select_n3A_158 = arith.select %lt3A_157, %exp3A_144, %broadcast_in_dim3A_1 : vector<16xi1>, vector<16xf32>
        %swap3A_159 = arith.constant 16 : index
        %swap3A_160 = tpu.vector_load %arg12[%swap3A_159] {strides = array<i32>} : memref<128xf32, #tpu.memory_space<vmem>>, vector<16xf32>,
        %swap3A_161 = vector.shape_cast %swap3A_160 : vector<16xf32> to vector<16xf32>
        %swap3A_162 = vector.shape_cast %select_n3A_158 : vector<16xf32> to vector<16xf32>
        tpu.vector_store %arg12[%swap3A_159], %swap3A_162 {strides = array<i32>} : memref<128xf32, #tpu.memory_space<vmem>>, vector<16xf32>,
        %get3A_163 = arith.constant 32 : index
        %get3A_164 = tpu.vector_load %arg13[%get3A_163] {strides = array<i32>} : memref<128xf32, #tpu.memory_space<vmem>>, vector<16xf32>,
        %get3A_165 = vector.shape_cast %get3A_164 : vector<16xf32> to vector<16xf32>
        %get3A_166 = arith.constant 32 : index
        %get3A_167 = tpu.vector_load %arg14[%get3A_166] {strides = array<i32>} : memref<128xf32, #tpu.memory_space<vmem>>, vector<16xf32>,
        %get3A_168 = vector.shape_cast %get3A_167 : vector<16xf32> to vector<16xf32>
        %add3A_169 = arith.addf %get3A_165, %get3A_168 : vector<16xf32>
        %broadcast_in_dim3A_170 = arith.constant 2.000000e-01 : f32
        %broadcast_in_dim3A_171 = vector.broadcast %broadcast_in_dim3A_170 : f32 to vector<16xf32>
        %mul3A_172 = arith.mulf %broadcast_in_dim3A_171, %add3A_169 : vector<16xf32>
        %max3A_173 = arith.maximumf %add3A_169, %mul3A_172 : vector<16xf32>
        %exp3A_174 = math.exp %max3A_173 : vector<16xf32>
        %broadcast_in_dim3A_175 = arith.constant 0 : i32
        %broadcast_in_dim3A_176 = vector.broadcast %broadcast_in_dim3A_175 : i32 to vector<16xi32>
        %mul3A_177 = arith.constant 128 : i32
        %mul3A_178 = arith.muli %add3A_83, %mul3A_177 : i32
        %add3A_179 = vector.broadcast %mul3A_178 : i32 to vector<16xi32>
        %add3A_180 = arith.addi %broadcast_in_dim3A_176, %add3A_179 : vector<16xi32>
        %add3A_181 = arith.constant 32 : i32
        %add3A_182 = vector.broadcast %add3A_181 : i32 to vector<16xi32>
        %add3A_183 = arith.addi %add3A_180, %add3A_182 : vector<16xi32>
        %add3A_184 = arith.addi %add3A_183, %iota3A : vector<16xi32>
        %lt3A_185 = arith.constant 10000 : i32
        %lt3A_186 = vector.broadcast %lt3A_185 : i32 to vector<16xi32>
        %lt3A_187 = arith.cmpi slt, %add3A_184, %lt3A_186 : vector<16xi32>
        %select_n3A_188 = arith.select %lt3A_187, %exp3A_174, %broadcast_in_dim3A_1 : vector<16xi1>, vector<16xf32>
        %swap3A_189 = arith.constant 32 : index
        %swap3A_190 = tpu.vector_load %arg12[%swap3A_189] {strides = array<i32>} : memref<128xf32, #tpu.memory_space<vmem>>, vector<16xf32>,
        %swap3A_191 = vector.shape_cast %swap3A_190 : vector<16xf32> to vector<16xf32>
        %swap3A_192 = vector.shape_cast %select_n3A_188 : vector<16xf32> to vector<16xf32>
        tpu.vector_store %arg12[%swap3A_189], %swap3A_192 {strides = array<i32>} : memref<128xf32, #tpu.memory_space<vmem>>, vector<16xf32>,
        %get3A_193 = arith.constant 48 : index
        %get3A_194 = tpu.vector_load %arg13[%get3A_193] {strides = array<i32>} : memref<128xf32, #tpu.memory_space<vmem>>, vector<16xf32>,
        %get3A_195 = vector.shape_cast %get3A_194 : vector<16xf32> to vector<16xf32>
        %get3A_196 = arith.constant 48 : index
        %get3A_197 = tpu.vector_load %arg14[%get3A_196] {strides = array<i32>} : memref<128xf32, #tpu.memory_space<vmem>>, vector<16xf32>,
        %get3A_198 = vector.shape_cast %get3A_197 : vector<16xf32> to vector<16xf32>
        %add3A_199 = arith.addf %get3A_195, %get3A_198 : vector<16xf32>
        %broadcast_in_dim3A_200 = arith.constant 2.000000e-01 : f32
        %broadcast_in_dim3A_201 = vector.broadcast %broadcast_in_dim3A_200 : f32 to vector<16xf32>
        %mul3A_202 = arith.mulf %broadcast_in_dim3A_201, %add3A_199 : vector<16xf32>
        %max3A_203 = arith.maximumf %add3A_199, %mul3A_202 : vector<16xf32>
        %exp3A_204 = math.exp %max3A_203 : vector<16xf32>
        %broadcast_in_dim3A_205 = arith.constant 0 : i32
        %broadcast_in_dim3A_206 = vector.broadcast %broadcast_in_dim3A_205 : i32 to vector<16xi32>
        %mul3A_207 = arith.constant 128 : i32
        %mul3A_208 = arith.muli %add3A_83, %mul3A_207 : i32
        %add3A_209 = vector.broadcast %mul3A_208 : i32 to vector<16xi32>
        %add3A_210 = arith.addi %broadcast_in_dim3A_206, %add3A_209 : vector<16xi32>
        %add3A_211 = arith.constant 48 : i32
        %add3A_212 = vector.broadcast %add3A_211 : i32 to vector<16xi32>
        %add3A_213 = arith.addi %add3A_210, %add3A_212 : vector<16xi32>
        %add3A_214 = arith.addi %add3A_213, %iota3A : vector<16xi32>
        %lt3A_215 = arith.constant 10000 : i32
        %lt3A_216 = vector.broadcast %lt3A_215 : i32 to vector<16xi32>
        %lt3A_217 = arith.cmpi slt, %add3A_214, %lt3A_216 : vector<16xi32>
        %select_n3A_218 = arith.select %lt3A_217, %exp3A_204, %broadcast_in_dim3A_1 : vector<16xi1>, vector<16xf32>
        %swap3A_219 = arith.constant 48 : index
        %swap3A_220 = tpu.vector_load %arg12[%swap3A_219] {strides = array<i32>} : memref<128xf32, #tpu.memory_space<vmem>>, vector<16xf32>,
        %swap3A_221 = vector.shape_cast %swap3A_220 : vector<16xf32> to vector<16xf32>
        %swap3A_222 = vector.shape_cast %select_n3A_218 : vector<16xf32> to vector<16xf32>
        tpu.vector_store %arg12[%swap3A_219], %swap3A_222 {strides = array<i32>} : memref<128xf32, #tpu.memory_space<vmem>>, vector<16xf32>,
        %get3A_223 = arith.constant 64 : index
        %get3A_224 = tpu.vector_load %arg13[%get3A_223] {strides = array<i32>} : memref<128xf32, #tpu.memory_space<vmem>>, vector<16xf32>,
        %get3A_225 = vector.shape_cast %get3A_224 : vector<16xf32> to vector<16xf32>
        %get3A_226 = arith.constant 64 : index
        %get3A_227 = tpu.vector_load %arg14[%get3A_226] {strides = array<i32>} : memref<128xf32, #tpu.memory_space<vmem>>, vector<16xf32>,
        %get3A_228 = vector.shape_cast %get3A_227 : vector<16xf32> to vector<16xf32>
        %add3A_229 = arith.addf %get3A_225, %get3A_228 : vector<16xf32>
        %broadcast_in_dim3A_230 = arith.constant 2.000000e-01 : f32
        %broadcast_in_dim3A_231 = vector.broadcast %broadcast_in_dim3A_230 : f32 to vector<16xf32>
        %mul3A_232 = arith.mulf %broadcast_in_dim3A_231, %add3A_229 : vector<16xf32>
        %max3A_233 = arith.maximumf %add3A_229, %mul3A_232 : vector<16xf32>
        %exp3A_234 = math.exp %max3A_233 : vector<16xf32>
        %broadcast_in_dim3A_235 = arith.constant 0 : i32
        %broadcast_in_dim3A_236 = vector.broadcast %broadcast_in_dim3A_235 : i32 to vector<16xi32>
        %mul3A_237 = arith.constant 128 : i32
        %mul3A_238 = arith.muli %add3A_83, %mul3A_237 : i32
        %add3A_239 = vector.broadcast %mul3A_238 : i32 to vector<16xi32>
        %add3A_240 = arith.addi %broadcast_in_dim3A_236, %add3A_239 : vector<16xi32>
        %add3A_241 = arith.constant 64 : i32
        %add3A_242 = vector.broadcast %add3A_241 : i32 to vector<16xi32>
        %add3A_243 = arith.addi %add3A_240, %add3A_242 : vector<16xi32>
        %add3A_244 = arith.addi %add3A_243, %iota3A : vector<16xi32>
        %lt3A_245 = arith.constant 10000 : i32
        %lt3A_246 = vector.broadcast %lt3A_245 : i32 to vector<16xi32>
        %lt3A_247 = arith.cmpi slt, %add3A_244, %lt3A_246 : vector<16xi32>
        %select_n3A_248 = arith.select %lt3A_247, %exp3A_234, %broadcast_in_dim3A_1 : vector<16xi1>, vector<16xf32>
        %swap3A_249 = arith.constant 64 : index
        %swap3A_250 = tpu.vector_load %arg12[%swap3A_249] {strides = array<i32>} : memref<128xf32, #tpu.memory_space<vmem>>, vector<16xf32>,
        %swap3A_251 = vector.shape_cast %swap3A_250 : vector<16xf32> to vector<16xf32>
        %swap3A_252 = vector.shape_cast %select_n3A_248 : vector<16xf32> to vector<16xf32>
        tpu.vector_store %arg12[%swap3A_249], %swap3A_252 {strides = array<i32>} : memref<128xf32, #tpu.memory_space<vmem>>, vector<16xf32>,
        %get3A_253 = arith.constant 80 : index
        %get3A_254 = tpu.vector_load %arg13[%get3A_253] {strides = array<i32>} : memref<128xf32, #tpu.memory_space<vmem>>, vector<16xf32>,
        %get3A_255 = vector.shape_cast %get3A_254 : vector<16xf32> to vector<16xf32>
        %get3A_256 = arith.constant 80 : index
        %get3A_257 = tpu.vector_load %arg14[%get3A_256] {strides = array<i32>} : memref<128xf32, #tpu.memory_space<vmem>>, vector<16xf32>,
        %get3A_258 = vector.shape_cast %get3A_257 : vector<16xf32> to vector<16xf32>
        %add3A_259 = arith.addf %get3A_255, %get3A_258 : vector<16xf32>
        %broadcast_in_dim3A_260 = arith.constant 2.000000e-01 : f32
        %broadcast_in_dim3A_261 = vector.broadcast %broadcast_in_dim3A_260 : f32 to vector<16xf32>
        %mul3A_262 = arith.mulf %broadcast_in_dim3A_261, %add3A_259 : vector<16xf32>
        %max3A_263 = arith.maximumf %add3A_259, %mul3A_262 : vector<16xf32>
        %exp3A_264 = math.exp %max3A_263 : vector<16xf32>
        %broadcast_in_dim3A_265 = arith.constant 0 : i32
        %broadcast_in_dim3A_266 = vector.broadcast %broadcast_in_dim3A_265 : i32 to vector<16xi32>
        %mul3A_267 = arith.constant 128 : i32
        %mul3A_268 = arith.muli %add3A_83, %mul3A_267 : i32
        %add3A_269 = vector.broadcast %mul3A_268 : i32 to vector<16xi32>
        %add3A_270 = arith.addi %broadcast_in_dim3A_266, %add3A_269 : vector<16xi32>
        %add3A_271 = arith.constant 80 : i32
        %add3A_272 = vector.broadcast %add3A_271 : i32 to vector<16xi32>
        %add3A_273 = arith.addi %add3A_270, %add3A_272 : vector<16xi32>
        %add3A_274 = arith.addi %add3A_273, %iota3A : vector<16xi32>
        %lt3A_275 = arith.constant 10000 : i32
        %lt3A_276 = vector.broadcast %lt3A_275 : i32 to vector<16xi32>
        %lt3A_277 = arith.cmpi slt, %add3A_274, %lt3A_276 : vector<16xi32>
        %select_n3A_278 = arith.select %lt3A_277, %exp3A_264, %broadcast_in_dim3A_1 : vector<16xi1>, vector<16xf32>
        %swap3A_279 = arith.constant 80 : index
        %swap3A_280 = tpu.vector_load %arg12[%swap3A_279] {strides = array<i32>} : memref<128xf32, #tpu.memory_space<vmem>>, vector<16xf32>,
        %swap3A_281 = vector.shape_cast %swap3A_280 : vector<16xf32> to vector<16xf32>
        %swap3A_282 = vector.shape_cast %select_n3A_278 : vector<16xf32> to vector<16xf32>
        tpu.vector_store %arg12[%swap3A_279], %swap3A_282 {strides = array<i32>} : memref<128xf32, #tpu.memory_space<vmem>>, vector<16xf32>,
        %get3A_283 = arith.constant 96 : index
        %get3A_284 = tpu.vector_load %arg13[%get3A_283] {strides = array<i32>} : memref<128xf32, #tpu.memory_space<vmem>>, vector<16xf32>,
        %get3A_285 = vector.shape_cast %get3A_284 : vector<16xf32> to vector<16xf32>
        %get3A_286 = arith.constant 96 : index
        %get3A_287 = tpu.vector_load %arg14[%get3A_286] {strides = array<i32>} : memref<128xf32, #tpu.memory_space<vmem>>, vector<16xf32>,
        %get3A_288 = vector.shape_cast %get3A_287 : vector<16xf32> to vector<16xf32>
        %add3A_289 = arith.addf %get3A_285, %get3A_288 : vector<16xf32>
        %broadcast_in_dim3A_290 = arith.constant 2.000000e-01 : f32
        %broadcast_in_dim3A_291 = vector.broadcast %broadcast_in_dim3A_290 : f32 to vector<16xf32>
        %mul3A_292 = arith.mulf %broadcast_in_dim3A_291, %add3A_289 : vector<16xf32>
        %max3A_293 = arith.maximumf %add3A_289, %mul3A_292 : vector<16xf32>
        %exp3A_294 = math.exp %max3A_293 : vector<16xf32>
        %broadcast_in_dim3A_295 = arith.constant 0 : i32
        %broadcast_in_dim3A_296 = vector.broadcast %broadcast_in_dim3A_295 : i32 to vector<16xi32>
        %mul3A_297 = arith.constant 128 : i32
        %mul3A_298 = arith.muli %add3A_83, %mul3A_297 : i32
        %add3A_299 = vector.broadcast %mul3A_298 : i32 to vector<16xi32>
        %add3A_300 = arith.addi %broadcast_in_dim3A_296, %add3A_299 : vector<16xi32>
        %add3A_301 = arith.constant 96 : i32
        %add3A_302 = vector.broadcast %add3A_301 : i32 to vector<16xi32>
        %add3A_303 = arith.addi %add3A_300, %add3A_302 : vector<16xi32>
        %add3A_304 = arith.addi %add3A_303, %iota3A : vector<16xi32>
        %lt3A_305 = arith.constant 10000 : i32
        %lt3A_306 = vector.broadcast %lt3A_305 : i32 to vector<16xi32>
        %lt3A_307 = arith.cmpi slt, %add3A_304, %lt3A_306 : vector<16xi32>
        %select_n3A_308 = arith.select %lt3A_307, %exp3A_294, %broadcast_in_dim3A_1 : vector<16xi1>, vector<16xf32>
        %swap3A_309 = arith.constant 96 : index
        %swap3A_310 = tpu.vector_load %arg12[%swap3A_309] {strides = array<i32>} : memref<128xf32, #tpu.memory_space<vmem>>, vector<16xf32>,
        %swap3A_311 = vector.shape_cast %swap3A_310 : vector<16xf32> to vector<16xf32>
        %swap3A_312 = vector.shape_cast %select_n3A_308 : vector<16xf32> to vector<16xf32>
        tpu.vector_store %arg12[%swap3A_309], %swap3A_312 {strides = array<i32>} : memref<128xf32, #tpu.memory_space<vmem>>, vector<16xf32>,
        %get3A_313 = arith.constant 112 : index
        %get3A_314 = tpu.vector_load %arg13[%get3A_313] {strides = array<i32>} : memref<128xf32, #tpu.memory_space<vmem>>, vector<16xf32>,
        %get3A_315 = vector.shape_cast %get3A_314 : vector<16xf32> to vector<16xf32>
        %get3A_316 = arith.constant 112 : index
        %get3A_317 = tpu.vector_load %arg14[%get3A_316] {strides = array<i32>} : memref<128xf32, #tpu.memory_space<vmem>>, vector<16xf32>,
        %get3A_318 = vector.shape_cast %get3A_317 : vector<16xf32> to vector<16xf32>
        %add3A_319 = arith.addf %get3A_315, %get3A_318 : vector<16xf32>
        %broadcast_in_dim3A_320 = arith.constant 2.000000e-01 : f32
        %broadcast_in_dim3A_321 = vector.broadcast %broadcast_in_dim3A_320 : f32 to vector<16xf32>
        %mul3A_322 = arith.mulf %broadcast_in_dim3A_321, %add3A_319 : vector<16xf32>
        %max3A_323 = arith.maximumf %add3A_319, %mul3A_322 : vector<16xf32>
        %exp3A_324 = math.exp %max3A_323 : vector<16xf32>
        %broadcast_in_dim3A_325 = arith.constant 0 : i32
        %broadcast_in_dim3A_326 = vector.broadcast %broadcast_in_dim3A_325 : i32 to vector<16xi32>
        %mul3A_327 = arith.constant 128 : i32
        %mul3A_328 = arith.muli %add3A_83, %mul3A_327 : i32
        %add3A_329 = vector.broadcast %mul3A_328 : i32 to vector<16xi32>
        %add3A_330 = arith.addi %broadcast_in_dim3A_326, %add3A_329 : vector<16xi32>
        %add3A_331 = arith.constant 112 : i32
        %add3A_332 = vector.broadcast %add3A_331 : i32 to vector<16xi32>
        %add3A_333 = arith.addi %add3A_330, %add3A_332 : vector<16xi32>
        %add3A_334 = arith.addi %add3A_333, %iota3A : vector<16xi32>
        %lt3A_335 = arith.constant 10000 : i32
        %lt3A_336 = vector.broadcast %lt3A_335 : i32 to vector<16xi32>
        %lt3A_337 = arith.cmpi slt, %add3A_334, %lt3A_336 : vector<16xi32>
        %select_n3A_338 = arith.select %lt3A_337, %exp3A_324, %broadcast_in_dim3A_1 : vector<16xi1>, vector<16xf32>
        %swap3A_339 = arith.constant 112 : index
        %swap3A_340 = tpu.vector_load %arg12[%swap3A_339] {strides = array<i32>} : memref<128xf32, #tpu.memory_space<vmem>>, vector<16xf32>,
        %swap3A_341 = vector.shape_cast %swap3A_340 : vector<16xf32> to vector<16xf32>
        %swap3A_342 = vector.shape_cast %select_n3A_338 : vector<16xf32> to vector<16xf32>
        tpu.vector_store %arg12[%swap3A_339], %swap3A_342 {strides = array<i32>} : memref<128xf32, #tpu.memory_space<vmem>>, vector<16xf32>,
        %dma_wait3A_343 = arith.constant 0 : i32
        %dma_wait3A_344 = tpu.memref_slice %arg9[%scan3A_80, %dma_wait3A_343] : memref<4x128xi32, #tpu.memory_space<vmem>> -> memref<1x128xi32, #tpu.memory_space<vmem>>
        %dma_wait3A_345 = tpu.memref_squeeze %dma_wait3A_344 : memref<1x128xi32, #tpu.memory_space<vmem>> -> memref<128xi32, #tpu.memory_space<vmem>>
        %dma_wait3A_346 = arith.constant 0 : i32
        %dma_wait3A_347 = arith.constant 0 : i32
        %dma_wait3A_348 = tpu.memref_slice %arg2[%dma_wait3A_346, %dma_wait3A_347] : memref<10000x128xf32, #tpu.memory_space<hbm>> -> memref<10000x128xf32, #tpu.memory_space<hbm>>
        tpu.wait_indirect_dma semaphore(%arg17 : memref<!tpu.dma_semaphore, #tpu.memory_space<semaphore_mem>>) src(%dma_wait3A_348 : memref<10000x128xf32, #tpu.memory_space<hbm>>) dst(%arg11 : memref<128x128xf32, #tpu.memory_space<vmem>>)
        %scan3A_349 = arith.constant 0 : i32
        %scan3A_350 = arith.constant 0 : i32
        %scan3A_351 = arith.constant 16 : i32
        %scan3A_352 = arith.addi %scan3A_350, %scan3A_351 : i32
        %scan3A_353 = arith.constant 1 : i32
        scf.for %scan3A_397 = %scan3A_350 to %scan3A_352 step %scan3A_353  : i32 {
          %add3A_398 = arith.constant 0 : i32
          %add3A_399 = arith.addi %add3A_398, %scan3A_397 : i32
          %broadcast_in_dim3A_400 = vector.broadcast %scan3A_397 : i32 to vector<16xi32>
          %reshape3A = vector.shape_cast %broadcast_in_dim3A_400 : vector<16xi32> to vector<16x1xi32>
          %gather3A = vector.shape_cast %reshape3A : vector<16x1xi32> to vector<16xi32>
          %gather3A_401 = tpu.dynamic_gather %select_n3A[%gather3A] in [0] : vector<16xf32>, vector<16xi32> -> vector<16xf32>
          %get3A_402 = arith.index_cast %add3A_399 : i32 to index
          %get3A_403 = arith.constant 0 : index
          %get3A_404 = tpu.vector_load %arg11[%get3A_402, %get3A_403] {strides = array<i32>} : memref<128x128xf32, #tpu.memory_space<vmem>>, vector<1x16xf32>,
          %get3A_405 = vector.shape_cast %get3A_404 : vector<1x16xf32> to vector<16xf32>
          %mul3A_406 = arith.mulf %get3A_405, %gather3A_401 : vector<16xf32>
          %swap3A_407 = arith.index_cast %add3A_399 : i32 to index
          %swap3A_408 = arith.constant 0 : index
          %swap3A_409 = tpu.vector_load %arg11[%swap3A_407, %swap3A_408] {strides = array<i32>} : memref<128x128xf32, #tpu.memory_space<vmem>>, vector<1x16xf32>,
          %swap3A_410 = vector.shape_cast %swap3A_409 : vector<1x16xf32> to vector<16xf32>
          %swap3A_411 = vector.shape_cast %mul3A_406 : vector<16xf32> to vector<1x16xf32>
          tpu.vector_store %arg11[%swap3A_407, %swap3A_408], %swap3A_411 {strides = array<i32>} : memref<128x128xf32, #tpu.memory_space<vmem>>, vector<1x16xf32>,
          %get3A_412 = arith.index_cast %add3A_399 : i32 to index
          %get3A_413 = arith.constant 16 : index
          %get3A_414 = tpu.vector_load %arg11[%get3A_412, %get3A_413] {strides = array<i32>} : memref<128x128xf32, #tpu.memory_space<vmem>>, vector<1x16xf32>,
          %get3A_415 = vector.shape_cast %get3A_414 : vector<1x16xf32> to vector<16xf32>
          %mul3A_416 = arith.mulf %get3A_415, %gather3A_401 : vector<16xf32>
          %swap3A_417 = arith.index_cast %add3A_399 : i32 to index
          %swap3A_418 = arith.constant 16 : index
          %swap3A_419 = tpu.vector_load %arg11[%swap3A_417, %swap3A_418] {strides = array<i32>} : memref<128x128xf32, #tpu.memory_space<vmem>>, vector<1x16xf32>,
          %swap3A_420 = vector.shape_cast %swap3A_419 : vector<1x16xf32> to vector<16xf32>
          %swap3A_421 = vector.shape_cast %mul3A_416 : vector<16xf32> to vector<1x16xf32>
          tpu.vector_store %arg11[%swap3A_417, %swap3A_418], %swap3A_421 {strides = array<i32>} : memref<128x128xf32, #tpu.memory_space<vmem>>, vector<1x16xf32>,
          %get3A_422 = arith.index_cast %add3A_399 : i32 to index
          %get3A_423 = arith.constant 32 : index
          %get3A_424 = tpu.vector_load %arg11[%get3A_422, %get3A_423] {strides = array<i32>} : memref<128x128xf32, #tpu.memory_space<vmem>>, vector<1x16xf32>,
          %get3A_425 = vector.shape_cast %get3A_424 : vector<1x16xf32> to vector<16xf32>
          %mul3A_426 = arith.mulf %get3A_425, %gather3A_401 : vector<16xf32>
          %swap3A_427 = arith.index_cast %add3A_399 : i32 to index
          %swap3A_428 = arith.constant 32 : index
          %swap3A_429 = tpu.vector_load %arg11[%swap3A_427, %swap3A_428] {strides = array<i32>} : memref<128x128xf32, #tpu.memory_space<vmem>>, vector<1x16xf32>,
          %swap3A_430 = vector.shape_cast %swap3A_429 : vector<1x16xf32> to vector<16xf32>
          %swap3A_431 = vector.shape_cast %mul3A_426 : vector<16xf32> to vector<1x16xf32>
          tpu.vector_store %arg11[%swap3A_427, %swap3A_428], %swap3A_431 {strides = array<i32>} : memref<128x128xf32, #tpu.memory_space<vmem>>, vector<1x16xf32>,
          %get3A_432 = arith.index_cast %add3A_399 : i32 to index
          %get3A_433 = arith.constant 48 : index
          %get3A_434 = tpu.vector_load %arg11[%get3A_432, %get3A_433] {strides = array<i32>} : memref<128x128xf32, #tpu.memory_space<vmem>>, vector<1x16xf32>,
          %get3A_435 = vector.shape_cast %get3A_434 : vector<1x16xf32> to vector<16xf32>
          %mul3A_436 = arith.mulf %get3A_435, %gather3A_401 : vector<16xf32>
          %swap3A_437 = arith.index_cast %add3A_399 : i32 to index
          %swap3A_438 = arith.constant 48 : index
          %swap3A_439 = tpu.vector_load %arg11[%swap3A_437, %swap3A_438] {strides = array<i32>} : memref<128x128xf32, #tpu.memory_space<vmem>>, vector<1x16xf32>,
          %swap3A_440 = vector.shape_cast %swap3A_439 : vector<1x16xf32> to vector<16xf32>
          %swap3A_441 = vector.shape_cast %mul3A_436 : vector<16xf32> to vector<1x16xf32>
          tpu.vector_store %arg11[%swap3A_437, %swap3A_438], %swap3A_441 {strides = array<i32>} : memref<128x128xf32, #tpu.memory_space<vmem>>, vector<1x16xf32>,
          %get3A_442 = arith.index_cast %add3A_399 : i32 to index
          %get3A_443 = arith.constant 64 : index
          %get3A_444 = tpu.vector_load %arg11[%get3A_442, %get3A_443] {strides = array<i32>} : memref<128x128xf32, #tpu.memory_space<vmem>>, vector<1x16xf32>,
          %get3A_445 = vector.shape_cast %get3A_444 : vector<1x16xf32> to vector<16xf32>
          %mul3A_446 = arith.mulf %get3A_445, %gather3A_401 : vector<16xf32>
          %swap3A_447 = arith.index_cast %add3A_399 : i32 to index
          %swap3A_448 = arith.constant 64 : index
          %swap3A_449 = tpu.vector_load %arg11[%swap3A_447, %swap3A_448] {strides = array<i32>} : memref<128x128xf32, #tpu.memory_space<vmem>>, vector<1x16xf32>,
          %swap3A_450 = vector.shape_cast %swap3A_449 : vector<1x16xf32> to vector<16xf32>
          %swap3A_451 = vector.shape_cast %mul3A_446 : vector<16xf32> to vector<1x16xf32>
          tpu.vector_store %arg11[%swap3A_447, %swap3A_448], %swap3A_451 {strides = array<i32>} : memref<128x128xf32, #tpu.memory_space<vmem>>, vector<1x16xf32>,
          %get3A_452 = arith.index_cast %add3A_399 : i32 to index
          %get3A_453 = arith.constant 80 : index
          %get3A_454 = tpu.vector_load %arg11[%get3A_452, %get3A_453] {strides = array<i32>} : memref<128x128xf32, #tpu.memory_space<vmem>>, vector<1x16xf32>,
          %get3A_455 = vector.shape_cast %get3A_454 : vector<1x16xf32> to vector<16xf32>
          %mul3A_456 = arith.mulf %get3A_455, %gather3A_401 : vector<16xf32>
          %swap3A_457 = arith.index_cast %add3A_399 : i32 to index
          %swap3A_458 = arith.constant 80 : index
          %swap3A_459 = tpu.vector_load %arg11[%swap3A_457, %swap3A_458] {strides = array<i32>} : memref<128x128xf32, #tpu.memory_space<vmem>>, vector<1x16xf32>,
          %swap3A_460 = vector.shape_cast %swap3A_459 : vector<1x16xf32> to vector<16xf32>
          %swap3A_461 = vector.shape_cast %mul3A_456 : vector<16xf32> to vector<1x16xf32>
          tpu.vector_store %arg11[%swap3A_457, %swap3A_458], %swap3A_461 {strides = array<i32>} : memref<128x128xf32, #tpu.memory_space<vmem>>, vector<1x16xf32>,
          %get3A_462 = arith.index_cast %add3A_399 : i32 to index
          %get3A_463 = arith.constant 96 : index
          %get3A_464 = tpu.vector_load %arg11[%get3A_462, %get3A_463] {strides = array<i32>} : memref<128x128xf32, #tpu.memory_space<vmem>>, vector<1x16xf32>,
          %get3A_465 = vector.shape_cast %get3A_464 : vector<1x16xf32> to vector<16xf32>
          %mul3A_466 = arith.mulf %get3A_465, %gather3A_401 : vector<16xf32>
          %swap3A_467 = arith.index_cast %add3A_399 : i32 to index
          %swap3A_468 = arith.constant 96 : index
          %swap3A_469 = tpu.vector_load %arg11[%swap3A_467, %swap3A_468] {strides = array<i32>} : memref<128x128xf32, #tpu.memory_space<vmem>>, vector<1x16xf32>,
          %swap3A_470 = vector.shape_cast %swap3A_469 : vector<1x16xf32> to vector<16xf32>
          %swap3A_471 = vector.shape_cast %mul3A_466 : vector<16xf32> to vector<1x16xf32>
          tpu.vector_store %arg11[%swap3A_467, %swap3A_468], %swap3A_471 {strides = array<i32>} : memref<128x128xf32, #tpu.memory_space<vmem>>, vector<1x16xf32>,
          %get3A_472 = arith.index_cast %add3A_399 : i32 to index
          %get3A_473 = arith.constant 112 : index
          %get3A_474 = tpu.vector_load %arg11[%get3A_472, %get3A_473] {strides = array<i32>} : memref<128x128xf32, #tpu.memory_space<vmem>>, vector<1x16xf32>,
          %get3A_475 = vector.shape_cast %get3A_474 : vector<1x16xf32> to vector<16xf32>
          %mul3A_476 = arith.mulf %get3A_475, %gather3A_401 : vector<16xf32>
          %swap3A_477 = arith.index_cast %add3A_399 : i32 to index
          %swap3A_478 = arith.constant 112 : index
          %swap3A_479 = tpu.vector_load %arg11[%swap3A_477, %swap3A_478] {strides = array<i32>} : memref<128x128xf32, #tpu.memory_space<vmem>>, vector<1x16xf32>,
          %swap3A_480 = vector.shape_cast %swap3A_479 : vector<1x16xf32> to vector<16xf32>
          %swap3A_481 = vector.shape_cast %mul3A_476 : vector<16xf32> to vector<1x16xf32>
          tpu.vector_store %arg11[%swap3A_477, %swap3A_478], %swap3A_481 {strides = array<i32>} : memref<128x128xf32, #tpu.memory_space<vmem>>, vector<1x16xf32>,
        }
        %scan3A_354 = arith.constant 16 : i32
        %scan3A_355 = arith.constant 0 : i32
        %scan3A_356 = arith.constant 0 : i32
        %scan3A_357 = arith.constant 16 : i32
        %scan3A_358 = arith.addi %scan3A_356, %scan3A_357 : i32
        %scan3A_359 = arith.constant 1 : i32
        scf.for %scan3A_397 = %scan3A_356 to %scan3A_358 step %scan3A_359  : i32 {
          %add3A_398 = arith.constant 16 : i32
          %add3A_399 = arith.addi %add3A_398, %scan3A_397 : i32
          %broadcast_in_dim3A_400 = vector.broadcast %scan3A_397 : i32 to vector<16xi32>
          %reshape3A = vector.shape_cast %broadcast_in_dim3A_400 : vector<16xi32> to vector<16x1xi32>
          %gather3A = vector.shape_cast %reshape3A : vector<16x1xi32> to vector<16xi32>
          %gather3A_401 = tpu.dynamic_gather %select_n3A_158[%gather3A] in [0] : vector<16xf32>, vector<16xi32> -> vector<16xf32>
          %get3A_402 = arith.index_cast %add3A_399 : i32 to index
          %get3A_403 = arith.constant 0 : index
          %get3A_404 = tpu.vector_load %arg11[%get3A_402, %get3A_403] {strides = array<i32>} : memref<128x128xf32, #tpu.memory_space<vmem>>, vector<1x16xf32>,
          %get3A_405 = vector.shape_cast %get3A_404 : vector<1x16xf32> to vector<16xf32>
          %mul3A_406 = arith.mulf %get3A_405, %gather3A_401 : vector<16xf32>
          %swap3A_407 = arith.index_cast %add3A_399 : i32 to index
          %swap3A_408 = arith.constant 0 : index
          %swap3A_409 = tpu.vector_load %arg11[%swap3A_407, %swap3A_408] {strides = array<i32>} : memref<128x128xf32, #tpu.memory_space<vmem>>, vector<1x16xf32>,
          %swap3A_410 = vector.shape_cast %swap3A_409 : vector<1x16xf32> to vector<16xf32>
          %swap3A_411 = vector.shape_cast %mul3A_406 : vector<16xf32> to vector<1x16xf32>
          tpu.vector_store %arg11[%swap3A_407, %swap3A_408], %swap3A_411 {strides = array<i32>} : memref<128x128xf32, #tpu.memory_space<vmem>>, vector<1x16xf32>,
          %get3A_412 = arith.index_cast %add3A_399 : i32 to index
          %get3A_413 = arith.constant 16 : index
          %get3A_414 = tpu.vector_load %arg11[%get3A_412, %get3A_413] {strides = array<i32>} : memref<128x128xf32, #tpu.memory_space<vmem>>, vector<1x16xf32>,
          %get3A_415 = vector.shape_cast %get3A_414 : vector<1x16xf32> to vector<16xf32>
          %mul3A_416 = arith.mulf %get3A_415, %gather3A_401 : vector<16xf32>
          %swap3A_417 = arith.index_cast %add3A_399 : i32 to index
          %swap3A_418 = arith.constant 16 : index
          %swap3A_419 = tpu.vector_load %arg11[%swap3A_417, %swap3A_418] {strides = array<i32>} : memref<128x128xf32, #tpu.memory_space<vmem>>, vector<1x16xf32>,
          %swap3A_420 = vector.shape_cast %swap3A_419 : vector<1x16xf32> to vector<16xf32>
          %swap3A_421 = vector.shape_cast %mul3A_416 : vector<16xf32> to vector<1x16xf32>
          tpu.vector_store %arg11[%swap3A_417, %swap3A_418], %swap3A_421 {strides = array<i32>} : memref<128x128xf32, #tpu.memory_space<vmem>>, vector<1x16xf32>,
          %get3A_422 = arith.index_cast %add3A_399 : i32 to index
          %get3A_423 = arith.constant 32 : index
          %get3A_424 = tpu.vector_load %arg11[%get3A_422, %get3A_423] {strides = array<i32>} : memref<128x128xf32, #tpu.memory_space<vmem>>, vector<1x16xf32>,
          %get3A_425 = vector.shape_cast %get3A_424 : vector<1x16xf32> to vector<16xf32>
          %mul3A_426 = arith.mulf %get3A_425, %gather3A_401 : vector<16xf32>
          %swap3A_427 = arith.index_cast %add3A_399 : i32 to index
          %swap3A_428 = arith.constant 32 : index
          %swap3A_429 = tpu.vector_load %arg11[%swap3A_427, %swap3A_428] {strides = array<i32>} : memref<128x128xf32, #tpu.memory_space<vmem>>, vector<1x16xf32>,
          %swap3A_430 = vector.shape_cast %swap3A_429 : vector<1x16xf32> to vector<16xf32>
          %swap3A_431 = vector.shape_cast %mul3A_426 : vector<16xf32> to vector<1x16xf32>
          tpu.vector_store %arg11[%swap3A_427, %swap3A_428], %swap3A_431 {strides = array<i32>} : memref<128x128xf32, #tpu.memory_space<vmem>>, vector<1x16xf32>,
          %get3A_432 = arith.index_cast %add3A_399 : i32 to index
          %get3A_433 = arith.constant 48 : index
          %get3A_434 = tpu.vector_load %arg11[%get3A_432, %get3A_433] {strides = array<i32>} : memref<128x128xf32, #tpu.memory_space<vmem>>, vector<1x16xf32>,
          %get3A_435 = vector.shape_cast %get3A_434 : vector<1x16xf32> to vector<16xf32>
          %mul3A_436 = arith.mulf %get3A_435, %gather3A_401 : vector<16xf32>
          %swap3A_437 = arith.index_cast %add3A_399 : i32 to index
          %swap3A_438 = arith.constant 48 : index
          %swap3A_439 = tpu.vector_load %arg11[%swap3A_437, %swap3A_438] {strides = array<i32>} : memref<128x128xf32, #tpu.memory_space<vmem>>, vector<1x16xf32>,
          %swap3A_440 = vector.shape_cast %swap3A_439 : vector<1x16xf32> to vector<16xf32>
          %swap3A_441 = vector.shape_cast %mul3A_436 : vector<16xf32> to vector<1x16xf32>
          tpu.vector_store %arg11[%swap3A_437, %swap3A_438], %swap3A_441 {strides = array<i32>} : memref<128x128xf32, #tpu.memory_space<vmem>>, vector<1x16xf32>,
          %get3A_442 = arith.index_cast %add3A_399 : i32 to index
          %get3A_443 = arith.constant 64 : index
          %get3A_444 = tpu.vector_load %arg11[%get3A_442, %get3A_443] {strides = array<i32>} : memref<128x128xf32, #tpu.memory_space<vmem>>, vector<1x16xf32>,
          %get3A_445 = vector.shape_cast %get3A_444 : vector<1x16xf32> to vector<16xf32>
          %mul3A_446 = arith.mulf %get3A_445, %gather3A_401 : vector<16xf32>
          %swap3A_447 = arith.index_cast %add3A_399 : i32 to index
          %swap3A_448 = arith.constant 64 : index
          %swap3A_449 = tpu.vector_load %arg11[%swap3A_447, %swap3A_448] {strides = array<i32>} : memref<128x128xf32, #tpu.memory_space<vmem>>, vector<1x16xf32>,
          %swap3A_450 = vector.shape_cast %swap3A_449 : vector<1x16xf32> to vector<16xf32>
          %swap3A_451 = vector.shape_cast %mul3A_446 : vector<16xf32> to vector<1x16xf32>
          tpu.vector_store %arg11[%swap3A_447, %swap3A_448], %swap3A_451 {strides = array<i32>} : memref<128x128xf32, #tpu.memory_space<vmem>>, vector<1x16xf32>,
          %get3A_452 = arith.index_cast %add3A_399 : i32 to index
          %get3A_453 = arith.constant 80 : index
          %get3A_454 = tpu.vector_load %arg11[%get3A_452, %get3A_453] {strides = array<i32>} : memref<128x128xf32, #tpu.memory_space<vmem>>, vector<1x16xf32>,
          %get3A_455 = vector.shape_cast %get3A_454 : vector<1x16xf32> to vector<16xf32>
          %mul3A_456 = arith.mulf %get3A_455, %gather3A_401 : vector<16xf32>
          %swap3A_457 = arith.index_cast %add3A_399 : i32 to index
          %swap3A_458 = arith.constant 80 : index
          %swap3A_459 = tpu.vector_load %arg11[%swap3A_457, %swap3A_458] {strides = array<i32>} : memref<128x128xf32, #tpu.memory_space<vmem>>, vector<1x16xf32>,
          %swap3A_460 = vector.shape_cast %swap3A_459 : vector<1x16xf32> to vector<16xf32>
          %swap3A_461 = vector.shape_cast %mul3A_456 : vector<16xf32> to vector<1x16xf32>
          tpu.vector_store %arg11[%swap3A_457, %swap3A_458], %swap3A_461 {strides = array<i32>} : memref<128x128xf32, #tpu.memory_space<vmem>>, vector<1x16xf32>,
          %get3A_462 = arith.index_cast %add3A_399 : i32 to index
          %get3A_463 = arith.constant 96 : index
          %get3A_464 = tpu.vector_load %arg11[%get3A_462, %get3A_463] {strides = array<i32>} : memref<128x128xf32, #tpu.memory_space<vmem>>, vector<1x16xf32>,
          %get3A_465 = vector.shape_cast %get3A_464 : vector<1x16xf32> to vector<16xf32>
          %mul3A_466 = arith.mulf %get3A_465, %gather3A_401 : vector<16xf32>
          %swap3A_467 = arith.index_cast %add3A_399 : i32 to index
          %swap3A_468 = arith.constant 96 : index
          %swap3A_469 = tpu.vector_load %arg11[%swap3A_467, %swap3A_468] {strides = array<i32>} : memref<128x128xf32, #tpu.memory_space<vmem>>, vector<1x16xf32>,
          %swap3A_470 = vector.shape_cast %swap3A_469 : vector<1x16xf32> to vector<16xf32>
          %swap3A_471 = vector.shape_cast %mul3A_466 : vector<16xf32> to vector<1x16xf32>
          tpu.vector_store %arg11[%swap3A_467, %swap3A_468], %swap3A_471 {strides = array<i32>} : memref<128x128xf32, #tpu.memory_space<vmem>>, vector<1x16xf32>,
          %get3A_472 = arith.index_cast %add3A_399 : i32 to index
          %get3A_473 = arith.constant 112 : index
          %get3A_474 = tpu.vector_load %arg11[%get3A_472, %get3A_473] {strides = array<i32>} : memref<128x128xf32, #tpu.memory_space<vmem>>, vector<1x16xf32>,
          %get3A_475 = vector.shape_cast %get3A_474 : vector<1x16xf32> to vector<16xf32>
          %mul3A_476 = arith.mulf %get3A_475, %gather3A_401 : vector<16xf32>
          %swap3A_477 = arith.index_cast %add3A_399 : i32 to index
          %swap3A_478 = arith.constant 112 : index
          %swap3A_479 = tpu.vector_load %arg11[%swap3A_477, %swap3A_478] {strides = array<i32>} : memref<128x128xf32, #tpu.memory_space<vmem>>, vector<1x16xf32>,
          %swap3A_480 = vector.shape_cast %swap3A_479 : vector<1x16xf32> to vector<16xf32>
          %swap3A_481 = vector.shape_cast %mul3A_476 : vector<16xf32> to vector<1x16xf32>
          tpu.vector_store %arg11[%swap3A_477, %swap3A_478], %swap3A_481 {strides = array<i32>} : memref<128x128xf32, #tpu.memory_space<vmem>>, vector<1x16xf32>,
        }
        %scan3A_360 = arith.constant 16 : i32
        %scan3A_361 = arith.constant 0 : i32
        %scan3A_362 = arith.constant 0 : i32
        %scan3A_363 = arith.constant 16 : i32
        %scan3A_364 = arith.addi %scan3A_362, %scan3A_363 : i32
        %scan3A_365 = arith.constant 1 : i32
        scf.for %scan3A_397 = %scan3A_362 to %scan3A_364 step %scan3A_365  : i32 {
          %add3A_398 = arith.constant 32 : i32
          %add3A_399 = arith.addi %add3A_398, %scan3A_397 : i32
          %broadcast_in_dim3A_400 = vector.broadcast %scan3A_397 : i32 to vector<16xi32>
          %reshape3A = vector.shape_cast %broadcast_in_dim3A_400 : vector<16xi32> to vector<16x1xi32>
          %gather3A = vector.shape_cast %reshape3A : vector<16x1xi32> to vector<16xi32>
          %gather3A_401 = tpu.dynamic_gather %select_n3A_188[%gather3A] in [0] : vector<16xf32>, vector<16xi32> -> vector<16xf32>
          %get3A_402 = arith.index_cast %add3A_399 : i32 to index
          %get3A_403 = arith.constant 0 : index
          %get3A_404 = tpu.vector_load %arg11[%get3A_402, %get3A_403] {strides = array<i32>} : memref<128x128xf32, #tpu.memory_space<vmem>>, vector<1x16xf32>,
          %get3A_405 = vector.shape_cast %get3A_404 : vector<1x16xf32> to vector<16xf32>
          %mul3A_406 = arith.mulf %get3A_405, %gather3A_401 : vector<16xf32>
          %swap3A_407 = arith.index_cast %add3A_399 : i32 to index
          %swap3A_408 = arith.constant 0 : index
          %swap3A_409 = tpu.vector_load %arg11[%swap3A_407, %swap3A_408] {strides = array<i32>} : memref<128x128xf32, #tpu.memory_space<vmem>>, vector<1x16xf32>,
          %swap3A_410 = vector.shape_cast %swap3A_409 : vector<1x16xf32> to vector<16xf32>
          %swap3A_411 = vector.shape_cast %mul3A_406 : vector<16xf32> to vector<1x16xf32>
          tpu.vector_store %arg11[%swap3A_407, %swap3A_408], %swap3A_411 {strides = array<i32>} : memref<128x128xf32, #tpu.memory_space<vmem>>, vector<1x16xf32>,
          %get3A_412 = arith.index_cast %add3A_399 : i32 to index
          %get3A_413 = arith.constant 16 : index
          %get3A_414 = tpu.vector_load %arg11[%get3A_412, %get3A_413] {strides = array<i32>} : memref<128x128xf32, #tpu.memory_space<vmem>>, vector<1x16xf32>,
          %get3A_415 = vector.shape_cast %get3A_414 : vector<1x16xf32> to vector<16xf32>
          %mul3A_416 = arith.mulf %get3A_415, %gather3A_401 : vector<16xf32>
          %swap3A_417 = arith.index_cast %add3A_399 : i32 to index
          %swap3A_418 = arith.constant 16 : index
          %swap3A_419 = tpu.vector_load %arg11[%swap3A_417, %swap3A_418] {strides = array<i32>} : memref<128x128xf32, #tpu.memory_space<vmem>>, vector<1x16xf32>,
          %swap3A_420 = vector.shape_cast %swap3A_419 : vector<1x16xf32> to vector<16xf32>
          %swap3A_421 = vector.shape_cast %mul3A_416 : vector<16xf32> to vector<1x16xf32>
          tpu.vector_store %arg11[%swap3A_417, %swap3A_418], %swap3A_421 {strides = array<i32>} : memref<128x128xf32, #tpu.memory_space<vmem>>, vector<1x16xf32>,
          %get3A_422 = arith.index_cast %add3A_399 : i32 to index
          %get3A_423 = arith.constant 32 : index
          %get3A_424 = tpu.vector_load %arg11[%get3A_422, %get3A_423] {strides = array<i32>} : memref<128x128xf32, #tpu.memory_space<vmem>>, vector<1x16xf32>,
          %get3A_425 = vector.shape_cast %get3A_424 : vector<1x16xf32> to vector<16xf32>
          %mul3A_426 = arith.mulf %get3A_425, %gather3A_401 : vector<16xf32>
          %swap3A_427 = arith.index_cast %add3A_399 : i32 to index
          %swap3A_428 = arith.constant 32 : index
          %swap3A_429 = tpu.vector_load %arg11[%swap3A_427, %swap3A_428] {strides = array<i32>} : memref<128x128xf32, #tpu.memory_space<vmem>>, vector<1x16xf32>,
          %swap3A_430 = vector.shape_cast %swap3A_429 : vector<1x16xf32> to vector<16xf32>
          %swap3A_431 = vector.shape_cast %mul3A_426 : vector<16xf32> to vector<1x16xf32>
          tpu.vector_store %arg11[%swap3A_427, %swap3A_428], %swap3A_431 {strides = array<i32>} : memref<128x128xf32, #tpu.memory_space<vmem>>, vector<1x16xf32>,
          %get3A_432 = arith.index_cast %add3A_399 : i32 to index
          %get3A_433 = arith.constant 48 : index
          %get3A_434 = tpu.vector_load %arg11[%get3A_432, %get3A_433] {strides = array<i32>} : memref<128x128xf32, #tpu.memory_space<vmem>>, vector<1x16xf32>,
          %get3A_435 = vector.shape_cast %get3A_434 : vector<1x16xf32> to vector<16xf32>
          %mul3A_436 = arith.mulf %get3A_435, %gather3A_401 : vector<16xf32>
          %swap3A_437 = arith.index_cast %add3A_399 : i32 to index
          %swap3A_438 = arith.constant 48 : index
          %swap3A_439 = tpu.vector_load %arg11[%swap3A_437, %swap3A_438] {strides = array<i32>} : memref<128x128xf32, #tpu.memory_space<vmem>>, vector<1x16xf32>,
          %swap3A_440 = vector.shape_cast %swap3A_439 : vector<1x16xf32> to vector<16xf32>
          %swap3A_441 = vector.shape_cast %mul3A_436 : vector<16xf32> to vector<1x16xf32>
          tpu.vector_store %arg11[%swap3A_437, %swap3A_438], %swap3A_441 {strides = array<i32>} : memref<128x128xf32, #tpu.memory_space<vmem>>, vector<1x16xf32>,
          %get3A_442 = arith.index_cast %add3A_399 : i32 to index
          %get3A_443 = arith.constant 64 : index
          %get3A_444 = tpu.vector_load %arg11[%get3A_442, %get3A_443] {strides = array<i32>} : memref<128x128xf32, #tpu.memory_space<vmem>>, vector<1x16xf32>,
          %get3A_445 = vector.shape_cast %get3A_444 : vector<1x16xf32> to vector<16xf32>
          %mul3A_446 = arith.mulf %get3A_445, %gather3A_401 : vector<16xf32>
          %swap3A_447 = arith.index_cast %add3A_399 : i32 to index
          %swap3A_448 = arith.constant 64 : index
          %swap3A_449 = tpu.vector_load %arg11[%swap3A_447, %swap3A_448] {strides = array<i32>} : memref<128x128xf32, #tpu.memory_space<vmem>>, vector<1x16xf32>,
          %swap3A_450 = vector.shape_cast %swap3A_449 : vector<1x16xf32> to vector<16xf32>
          %swap3A_451 = vector.shape_cast %mul3A_446 : vector<16xf32> to vector<1x16xf32>
          tpu.vector_store %arg11[%swap3A_447, %swap3A_448], %swap3A_451 {strides = array<i32>} : memref<128x128xf32, #tpu.memory_space<vmem>>, vector<1x16xf32>,
          %get3A_452 = arith.index_cast %add3A_399 : i32 to index
          %get3A_453 = arith.constant 80 : index
          %get3A_454 = tpu.vector_load %arg11[%get3A_452, %get3A_453] {strides = array<i32>} : memref<128x128xf32, #tpu.memory_space<vmem>>, vector<1x16xf32>,
          %get3A_455 = vector.shape_cast %get3A_454 : vector<1x16xf32> to vector<16xf32>
          %mul3A_456 = arith.mulf %get3A_455, %gather3A_401 : vector<16xf32>
          %swap3A_457 = arith.index_cast %add3A_399 : i32 to index
          %swap3A_458 = arith.constant 80 : index
          %swap3A_459 = tpu.vector_load %arg11[%swap3A_457, %swap3A_458] {strides = array<i32>} : memref<128x128xf32, #tpu.memory_space<vmem>>, vector<1x16xf32>,
          %swap3A_460 = vector.shape_cast %swap3A_459 : vector<1x16xf32> to vector<16xf32>
          %swap3A_461 = vector.shape_cast %mul3A_456 : vector<16xf32> to vector<1x16xf32>
          tpu.vector_store %arg11[%swap3A_457, %swap3A_458], %swap3A_461 {strides = array<i32>} : memref<128x128xf32, #tpu.memory_space<vmem>>, vector<1x16xf32>,
          %get3A_462 = arith.index_cast %add3A_399 : i32 to index
          %get3A_463 = arith.constant 96 : index
          %get3A_464 = tpu.vector_load %arg11[%get3A_462, %get3A_463] {strides = array<i32>} : memref<128x128xf32, #tpu.memory_space<vmem>>, vector<1x16xf32>,
          %get3A_465 = vector.shape_cast %get3A_464 : vector<1x16xf32> to vector<16xf32>
          %mul3A_466 = arith.mulf %get3A_465, %gather3A_401 : vector<16xf32>
          %swap3A_467 = arith.index_cast %add3A_399 : i32 to index
          %swap3A_468 = arith.constant 96 : index
          %swap3A_469 = tpu.vector_load %arg11[%swap3A_467, %swap3A_468] {strides = array<i32>} : memref<128x128xf32, #tpu.memory_space<vmem>>, vector<1x16xf32>,
          %swap3A_470 = vector.shape_cast %swap3A_469 : vector<1x16xf32> to vector<16xf32>
          %swap3A_471 = vector.shape_cast %mul3A_466 : vector<16xf32> to vector<1x16xf32>
          tpu.vector_store %arg11[%swap3A_467, %swap3A_468], %swap3A_471 {strides = array<i32>} : memref<128x128xf32, #tpu.memory_space<vmem>>, vector<1x16xf32>,
          %get3A_472 = arith.index_cast %add3A_399 : i32 to index
          %get3A_473 = arith.constant 112 : index
          %get3A_474 = tpu.vector_load %arg11[%get3A_472, %get3A_473] {strides = array<i32>} : memref<128x128xf32, #tpu.memory_space<vmem>>, vector<1x16xf32>,
          %get3A_475 = vector.shape_cast %get3A_474 : vector<1x16xf32> to vector<16xf32>
          %mul3A_476 = arith.mulf %get3A_475, %gather3A_401 : vector<16xf32>
          %swap3A_477 = arith.index_cast %add3A_399 : i32 to index
          %swap3A_478 = arith.constant 112 : index
          %swap3A_479 = tpu.vector_load %arg11[%swap3A_477, %swap3A_478] {strides = array<i32>} : memref<128x128xf32, #tpu.memory_space<vmem>>, vector<1x16xf32>,
          %swap3A_480 = vector.shape_cast %swap3A_479 : vector<1x16xf32> to vector<16xf32>
          %swap3A_481 = vector.shape_cast %mul3A_476 : vector<16xf32> to vector<1x16xf32>
          tpu.vector_store %arg11[%swap3A_477, %swap3A_478], %swap3A_481 {strides = array<i32>} : memref<128x128xf32, #tpu.memory_space<vmem>>, vector<1x16xf32>,
        }
        %scan3A_366 = arith.constant 16 : i32
        %scan3A_367 = arith.constant 0 : i32
        %scan3A_368 = arith.constant 0 : i32
        %scan3A_369 = arith.constant 16 : i32
        %scan3A_370 = arith.addi %scan3A_368, %scan3A_369 : i32
        %scan3A_371 = arith.constant 1 : i32
        scf.for %scan3A_397 = %scan3A_368 to %scan3A_370 step %scan3A_371  : i32 {
          %add3A_398 = arith.constant 48 : i32
          %add3A_399 = arith.addi %add3A_398, %scan3A_397 : i32
          %broadcast_in_dim3A_400 = vector.broadcast %scan3A_397 : i32 to vector<16xi32>
          %reshape3A = vector.shape_cast %broadcast_in_dim3A_400 : vector<16xi32> to vector<16x1xi32>
          %gather3A = vector.shape_cast %reshape3A : vector<16x1xi32> to vector<16xi32>
          %gather3A_401 = tpu.dynamic_gather %select_n3A_218[%gather3A] in [0] : vector<16xf32>, vector<16xi32> -> vector<16xf32>
          %get3A_402 = arith.index_cast %add3A_399 : i32 to index
          %get3A_403 = arith.constant 0 : index
          %get3A_404 = tpu.vector_load %arg11[%get3A_402, %get3A_403] {strides = array<i32>} : memref<128x128xf32, #tpu.memory_space<vmem>>, vector<1x16xf32>,
          %get3A_405 = vector.shape_cast %get3A_404 : vector<1x16xf32> to vector<16xf32>
          %mul3A_406 = arith.mulf %get3A_405, %gather3A_401 : vector<16xf32>
          %swap3A_407 = arith.index_cast %add3A_399 : i32 to index
          %swap3A_408 = arith.constant 0 : index
          %swap3A_409 = tpu.vector_load %arg11[%swap3A_407, %swap3A_408] {strides = array<i32>} : memref<128x128xf32, #tpu.memory_space<vmem>>, vector<1x16xf32>,
          %swap3A_410 = vector.shape_cast %swap3A_409 : vector<1x16xf32> to vector<16xf32>
          %swap3A_411 = vector.shape_cast %mul3A_406 : vector<16xf32> to vector<1x16xf32>
          tpu.vector_store %arg11[%swap3A_407, %swap3A_408], %swap3A_411 {strides = array<i32>} : memref<128x128xf32, #tpu.memory_space<vmem>>, vector<1x16xf32>,
          %get3A_412 = arith.index_cast %add3A_399 : i32 to index
          %get3A_413 = arith.constant 16 : index
          %get3A_414 = tpu.vector_load %arg11[%get3A_412, %get3A_413] {strides = array<i32>} : memref<128x128xf32, #tpu.memory_space<vmem>>, vector<1x16xf32>,
          %get3A_415 = vector.shape_cast %get3A_414 : vector<1x16xf32> to vector<16xf32>
          %mul3A_416 = arith.mulf %get3A_415, %gather3A_401 : vector<16xf32>
          %swap3A_417 = arith.index_cast %add3A_399 : i32 to index
          %swap3A_418 = arith.constant 16 : index
          %swap3A_419 = tpu.vector_load %arg11[%swap3A_417, %swap3A_418] {strides = array<i32>} : memref<128x128xf32, #tpu.memory_space<vmem>>, vector<1x16xf32>,
          %swap3A_420 = vector.shape_cast %swap3A_419 : vector<1x16xf32> to vector<16xf32>
          %swap3A_421 = vector.shape_cast %mul3A_416 : vector<16xf32> to vector<1x16xf32>
          tpu.vector_store %arg11[%swap3A_417, %swap3A_418], %swap3A_421 {strides = array<i32>} : memref<128x128xf32, #tpu.memory_space<vmem>>, vector<1x16xf32>,
          %get3A_422 = arith.index_cast %add3A_399 : i32 to index
          %get3A_423 = arith.constant 32 : index
          %get3A_424 = tpu.vector_load %arg11[%get3A_422, %get3A_423] {strides = array<i32>} : memref<128x128xf32, #tpu.memory_space<vmem>>, vector<1x16xf32>,
          %get3A_425 = vector.shape_cast %get3A_424 : vector<1x16xf32> to vector<16xf32>
          %mul3A_426 = arith.mulf %get3A_425, %gather3A_401 : vector<16xf32>
          %swap3A_427 = arith.index_cast %add3A_399 : i32 to index
          %swap3A_428 = arith.constant 32 : index
          %swap3A_429 = tpu.vector_load %arg11[%swap3A_427, %swap3A_428] {strides = array<i32>} : memref<128x128xf32, #tpu.memory_space<vmem>>, vector<1x16xf32>,
          %swap3A_430 = vector.shape_cast %swap3A_429 : vector<1x16xf32> to vector<16xf32>
          %swap3A_431 = vector.shape_cast %mul3A_426 : vector<16xf32> to vector<1x16xf32>
          tpu.vector_store %arg11[%swap3A_427, %swap3A_428], %swap3A_431 {strides = array<i32>} : memref<128x128xf32, #tpu.memory_space<vmem>>, vector<1x16xf32>,
          %get3A_432 = arith.index_cast %add3A_399 : i32 to index
          %get3A_433 = arith.constant 48 : index
          %get3A_434 = tpu.vector_load %arg11[%get3A_432, %get3A_433] {strides = array<i32>} : memref<128x128xf32, #tpu.memory_space<vmem>>, vector<1x16xf32>,
          %get3A_435 = vector.shape_cast %get3A_434 : vector<1x16xf32> to vector<16xf32>
          %mul3A_436 = arith.mulf %get3A_435, %gather3A_401 : vector<16xf32>
          %swap3A_437 = arith.index_cast %add3A_399 : i32 to index
          %swap3A_438 = arith.constant 48 : index
          %swap3A_439 = tpu.vector_load %arg11[%swap3A_437, %swap3A_438] {strides = array<i32>} : memref<128x128xf32, #tpu.memory_space<vmem>>, vector<1x16xf32>,
          %swap3A_440 = vector.shape_cast %swap3A_439 : vector<1x16xf32> to vector<16xf32>
          %swap3A_441 = vector.shape_cast %mul3A_436 : vector<16xf32> to vector<1x16xf32>
          tpu.vector_store %arg11[%swap3A_437, %swap3A_438], %swap3A_441 {strides = array<i32>} : memref<128x128xf32, #tpu.memory_space<vmem>>, vector<1x16xf32>,
          %get3A_442 = arith.index_cast %add3A_399 : i32 to index
          %get3A_443 = arith.constant 64 : index
          %get3A_444 = tpu.vector_load %arg11[%get3A_442, %get3A_443] {strides = array<i32>} : memref<128x128xf32, #tpu.memory_space<vmem>>, vector<1x16xf32>,
          %get3A_445 = vector.shape_cast %get3A_444 : vector<1x16xf32> to vector<16xf32>
          %mul3A_446 = arith.mulf %get3A_445, %gather3A_401 : vector<16xf32>
          %swap3A_447 = arith.index_cast %add3A_399 : i32 to index
          %swap3A_448 = arith.constant 64 : index
          %swap3A_449 = tpu.vector_load %arg11[%swap3A_447, %swap3A_448] {strides = array<i32>} : memref<128x128xf32, #tpu.memory_space<vmem>>, vector<1x16xf32>,
          %swap3A_450 = vector.shape_cast %swap3A_449 : vector<1x16xf32> to vector<16xf32>
          %swap3A_451 = vector.shape_cast %mul3A_446 : vector<16xf32> to vector<1x16xf32>
          tpu.vector_store %arg11[%swap3A_447, %swap3A_448], %swap3A_451 {strides = array<i32>} : memref<128x128xf32, #tpu.memory_space<vmem>>, vector<1x16xf32>,
          %get3A_452 = arith.index_cast %add3A_399 : i32 to index
          %get3A_453 = arith.constant 80 : index
          %get3A_454 = tpu.vector_load %arg11[%get3A_452, %get3A_453] {strides = array<i32>} : memref<128x128xf32, #tpu.memory_space<vmem>>, vector<1x16xf32>,
          %get3A_455 = vector.shape_cast %get3A_454 : vector<1x16xf32> to vector<16xf32>
          %mul3A_456 = arith.mulf %get3A_455, %gather3A_401 : vector<16xf32>
          %swap3A_457 = arith.index_cast %add3A_399 : i32 to index
          %swap3A_458 = arith.constant 80 : index
          %swap3A_459 = tpu.vector_load %arg11[%swap3A_457, %swap3A_458] {strides = array<i32>} : memref<128x128xf32, #tpu.memory_space<vmem>>, vector<1x16xf32>,
          %swap3A_460 = vector.shape_cast %swap3A_459 : vector<1x16xf32> to vector<16xf32>
          %swap3A_461 = vector.shape_cast %mul3A_456 : vector<16xf32> to vector<1x16xf32>
          tpu.vector_store %arg11[%swap3A_457, %swap3A_458], %swap3A_461 {strides = array<i32>} : memref<128x128xf32, #tpu.memory_space<vmem>>, vector<1x16xf32>,
          %get3A_462 = arith.index_cast %add3A_399 : i32 to index
          %get3A_463 = arith.constant 96 : index
          %get3A_464 = tpu.vector_load %arg11[%get3A_462, %get3A_463] {strides = array<i32>} : memref<128x128xf32, #tpu.memory_space<vmem>>, vector<1x16xf32>,
          %get3A_465 = vector.shape_cast %get3A_464 : vector<1x16xf32> to vector<16xf32>
          %mul3A_466 = arith.mulf %get3A_465, %gather3A_401 : vector<16xf32>
          %swap3A_467 = arith.index_cast %add3A_399 : i32 to index
          %swap3A_468 = arith.constant 96 : index
          %swap3A_469 = tpu.vector_load %arg11[%swap3A_467, %swap3A_468] {strides = array<i32>} : memref<128x128xf32, #tpu.memory_space<vmem>>, vector<1x16xf32>,
          %swap3A_470 = vector.shape_cast %swap3A_469 : vector<1x16xf32> to vector<16xf32>
          %swap3A_471 = vector.shape_cast %mul3A_466 : vector<16xf32> to vector<1x16xf32>
          tpu.vector_store %arg11[%swap3A_467, %swap3A_468], %swap3A_471 {strides = array<i32>} : memref<128x128xf32, #tpu.memory_space<vmem>>, vector<1x16xf32>,
          %get3A_472 = arith.index_cast %add3A_399 : i32 to index
          %get3A_473 = arith.constant 112 : index
          %get3A_474 = tpu.vector_load %arg11[%get3A_472, %get3A_473] {strides = array<i32>} : memref<128x128xf32, #tpu.memory_space<vmem>>, vector<1x16xf32>,
          %get3A_475 = vector.shape_cast %get3A_474 : vector<1x16xf32> to vector<16xf32>
          %mul3A_476 = arith.mulf %get3A_475, %gather3A_401 : vector<16xf32>
          %swap3A_477 = arith.index_cast %add3A_399 : i32 to index
          %swap3A_478 = arith.constant 112 : index
          %swap3A_479 = tpu.vector_load %arg11[%swap3A_477, %swap3A_478] {strides = array<i32>} : memref<128x128xf32, #tpu.memory_space<vmem>>, vector<1x16xf32>,
          %swap3A_480 = vector.shape_cast %swap3A_479 : vector<1x16xf32> to vector<16xf32>
          %swap3A_481 = vector.shape_cast %mul3A_476 : vector<16xf32> to vector<1x16xf32>
          tpu.vector_store %arg11[%swap3A_477, %swap3A_478], %swap3A_481 {strides = array<i32>} : memref<128x128xf32, #tpu.memory_space<vmem>>, vector<1x16xf32>,
        }
        %scan3A_372 = arith.constant 16 : i32
        %scan3A_373 = arith.constant 0 : i32
        %scan3A_374 = arith.constant 0 : i32
        %scan3A_375 = arith.constant 16 : i32
        %scan3A_376 = arith.addi %scan3A_374, %scan3A_375 : i32
        %scan3A_377 = arith.constant 1 : i32
        scf.for %scan3A_397 = %scan3A_374 to %scan3A_376 step %scan3A_377  : i32 {
          %add3A_398 = arith.constant 64 : i32
          %add3A_399 = arith.addi %add3A_398, %scan3A_397 : i32
          %broadcast_in_dim3A_400 = vector.broadcast %scan3A_397 : i32 to vector<16xi32>
          %reshape3A = vector.shape_cast %broadcast_in_dim3A_400 : vector<16xi32> to vector<16x1xi32>
          %gather3A = vector.shape_cast %reshape3A : vector<16x1xi32> to vector<16xi32>
          %gather3A_401 = tpu.dynamic_gather %select_n3A_248[%gather3A] in [0] : vector<16xf32>, vector<16xi32> -> vector<16xf32>
          %get3A_402 = arith.index_cast %add3A_399 : i32 to index
          %get3A_403 = arith.constant 0 : index
          %get3A_404 = tpu.vector_load %arg11[%get3A_402, %get3A_403] {strides = array<i32>} : memref<128x128xf32, #tpu.memory_space<vmem>>, vector<1x16xf32>,
          %get3A_405 = vector.shape_cast %get3A_404 : vector<1x16xf32> to vector<16xf32>
          %mul3A_406 = arith.mulf %get3A_405, %gather3A_401 : vector<16xf32>
          %swap3A_407 = arith.index_cast %add3A_399 : i32 to index
          %swap3A_408 = arith.constant 0 : index
          %swap3A_409 = tpu.vector_load %arg11[%swap3A_407, %swap3A_408] {strides = array<i32>} : memref<128x128xf32, #tpu.memory_space<vmem>>, vector<1x16xf32>,
          %swap3A_410 = vector.shape_cast %swap3A_409 : vector<1x16xf32> to vector<16xf32>
          %swap3A_411 = vector.shape_cast %mul3A_406 : vector<16xf32> to vector<1x16xf32>
          tpu.vector_store %arg11[%swap3A_407, %swap3A_408], %swap3A_411 {strides = array<i32>} : memref<128x128xf32, #tpu.memory_space<vmem>>, vector<1x16xf32>,
          %get3A_412 = arith.index_cast %add3A_399 : i32 to index
          %get3A_413 = arith.constant 16 : index
          %get3A_414 = tpu.vector_load %arg11[%get3A_412, %get3A_413] {strides = array<i32>} : memref<128x128xf32, #tpu.memory_space<vmem>>, vector<1x16xf32>,
          %get3A_415 = vector.shape_cast %get3A_414 : vector<1x16xf32> to vector<16xf32>
          %mul3A_416 = arith.mulf %get3A_415, %gather3A_401 : vector<16xf32>
          %swap3A_417 = arith.index_cast %add3A_399 : i32 to index
          %swap3A_418 = arith.constant 16 : index
          %swap3A_419 = tpu.vector_load %arg11[%swap3A_417, %swap3A_418] {strides = array<i32>} : memref<128x128xf32, #tpu.memory_space<vmem>>, vector<1x16xf32>,
          %swap3A_420 = vector.shape_cast %swap3A_419 : vector<1x16xf32> to vector<16xf32>
          %swap3A_421 = vector.shape_cast %mul3A_416 : vector<16xf32> to vector<1x16xf32>
          tpu.vector_store %arg11[%swap3A_417, %swap3A_418], %swap3A_421 {strides = array<i32>} : memref<128x128xf32, #tpu.memory_space<vmem>>, vector<1x16xf32>,
          %get3A_422 = arith.index_cast %add3A_399 : i32 to index
          %get3A_423 = arith.constant 32 : index
          %get3A_424 = tpu.vector_load %arg11[%get3A_422, %get3A_423] {strides = array<i32>} : memref<128x128xf32, #tpu.memory_space<vmem>>, vector<1x16xf32>,
          %get3A_425 = vector.shape_cast %get3A_424 : vector<1x16xf32> to vector<16xf32>
          %mul3A_426 = arith.mulf %get3A_425, %gather3A_401 : vector<16xf32>
          %swap3A_427 = arith.index_cast %add3A_399 : i32 to index
          %swap3A_428 = arith.constant 32 : index
          %swap3A_429 = tpu.vector_load %arg11[%swap3A_427, %swap3A_428] {strides = array<i32>} : memref<128x128xf32, #tpu.memory_space<vmem>>, vector<1x16xf32>,
          %swap3A_430 = vector.shape_cast %swap3A_429 : vector<1x16xf32> to vector<16xf32>
          %swap3A_431 = vector.shape_cast %mul3A_426 : vector<16xf32> to vector<1x16xf32>
          tpu.vector_store %arg11[%swap3A_427, %swap3A_428], %swap3A_431 {strides = array<i32>} : memref<128x128xf32, #tpu.memory_space<vmem>>, vector<1x16xf32>,
          %get3A_432 = arith.index_cast %add3A_399 : i32 to index
          %get3A_433 = arith.constant 48 : index
          %get3A_434 = tpu.vector_load %arg11[%get3A_432, %get3A_433] {strides = array<i32>} : memref<128x128xf32, #tpu.memory_space<vmem>>, vector<1x16xf32>,
          %get3A_435 = vector.shape_cast %get3A_434 : vector<1x16xf32> to vector<16xf32>
          %mul3A_436 = arith.mulf %get3A_435, %gather3A_401 : vector<16xf32>
          %swap3A_437 = arith.index_cast %add3A_399 : i32 to index
          %swap3A_438 = arith.constant 48 : index
          %swap3A_439 = tpu.vector_load %arg11[%swap3A_437, %swap3A_438] {strides = array<i32>} : memref<128x128xf32, #tpu.memory_space<vmem>>, vector<1x16xf32>,
          %swap3A_440 = vector.shape_cast %swap3A_439 : vector<1x16xf32> to vector<16xf32>
          %swap3A_441 = vector.shape_cast %mul3A_436 : vector<16xf32> to vector<1x16xf32>
          tpu.vector_store %arg11[%swap3A_437, %swap3A_438], %swap3A_441 {strides = array<i32>} : memref<128x128xf32, #tpu.memory_space<vmem>>, vector<1x16xf32>,
          %get3A_442 = arith.index_cast %add3A_399 : i32 to index
          %get3A_443 = arith.constant 64 : index
          %get3A_444 = tpu.vector_load %arg11[%get3A_442, %get3A_443] {strides = array<i32>} : memref<128x128xf32, #tpu.memory_space<vmem>>, vector<1x16xf32>,
          %get3A_445 = vector.shape_cast %get3A_444 : vector<1x16xf32> to vector<16xf32>
          %mul3A_446 = arith.mulf %get3A_445, %gather3A_401 : vector<16xf32>
          %swap3A_447 = arith.index_cast %add3A_399 : i32 to index
          %swap3A_448 = arith.constant 64 : index
          %swap3A_449 = tpu.vector_load %arg11[%swap3A_447, %swap3A_448] {strides = array<i32>} : memref<128x128xf32, #tpu.memory_space<vmem>>, vector<1x16xf32>,
          %swap3A_450 = vector.shape_cast %swap3A_449 : vector<1x16xf32> to vector<16xf32>
          %swap3A_451 = vector.shape_cast %mul3A_446 : vector<16xf32> to vector<1x16xf32>
          tpu.vector_store %arg11[%swap3A_447, %swap3A_448], %swap3A_451 {strides = array<i32>} : memref<128x128xf32, #tpu.memory_space<vmem>>, vector<1x16xf32>,
          %get3A_452 = arith.index_cast %add3A_399 : i32 to index
          %get3A_453 = arith.constant 80 : index
          %get3A_454 = tpu.vector_load %arg11[%get3A_452, %get3A_453] {strides = array<i32>} : memref<128x128xf32, #tpu.memory_space<vmem>>, vector<1x16xf32>,
          %get3A_455 = vector.shape_cast %get3A_454 : vector<1x16xf32> to vector<16xf32>
          %mul3A_456 = arith.mulf %get3A_455, %gather3A_401 : vector<16xf32>
          %swap3A_457 = arith.index_cast %add3A_399 : i32 to index
          %swap3A_458 = arith.constant 80 : index
          %swap3A_459 = tpu.vector_load %arg11[%swap3A_457, %swap3A_458] {strides = array<i32>} : memref<128x128xf32, #tpu.memory_space<vmem>>, vector<1x16xf32>,
          %swap3A_460 = vector.shape_cast %swap3A_459 : vector<1x16xf32> to vector<16xf32>
          %swap3A_461 = vector.shape_cast %mul3A_456 : vector<16xf32> to vector<1x16xf32>
          tpu.vector_store %arg11[%swap3A_457, %swap3A_458], %swap3A_461 {strides = array<i32>} : memref<128x128xf32, #tpu.memory_space<vmem>>, vector<1x16xf32>,
          %get3A_462 = arith.index_cast %add3A_399 : i32 to index
          %get3A_463 = arith.constant 96 : index
          %get3A_464 = tpu.vector_load %arg11[%get3A_462, %get3A_463] {strides = array<i32>} : memref<128x128xf32, #tpu.memory_space<vmem>>, vector<1x16xf32>,
          %get3A_465 = vector.shape_cast %get3A_464 : vector<1x16xf32> to vector<16xf32>
          %mul3A_466 = arith.mulf %get3A_465, %gather3A_401 : vector<16xf32>
          %swap3A_467 = arith.index_cast %add3A_399 : i32 to index
          %swap3A_468 = arith.constant 96 : index
          %swap3A_469 = tpu.vector_load %arg11[%swap3A_467, %swap3A_468] {strides = array<i32>} : memref<128x128xf32, #tpu.memory_space<vmem>>, vector<1x16xf32>,
          %swap3A_470 = vector.shape_cast %swap3A_469 : vector<1x16xf32> to vector<16xf32>
          %swap3A_471 = vector.shape_cast %mul3A_466 : vector<16xf32> to vector<1x16xf32>
          tpu.vector_store %arg11[%swap3A_467, %swap3A_468], %swap3A_471 {strides = array<i32>} : memref<128x128xf32, #tpu.memory_space<vmem>>, vector<1x16xf32>,
          %get3A_472 = arith.index_cast %add3A_399 : i32 to index
          %get3A_473 = arith.constant 112 : index
          %get3A_474 = tpu.vector_load %arg11[%get3A_472, %get3A_473] {strides = array<i32>} : memref<128x128xf32, #tpu.memory_space<vmem>>, vector<1x16xf32>,
          %get3A_475 = vector.shape_cast %get3A_474 : vector<1x16xf32> to vector<16xf32>
          %mul3A_476 = arith.mulf %get3A_475, %gather3A_401 : vector<16xf32>
          %swap3A_477 = arith.index_cast %add3A_399 : i32 to index
          %swap3A_478 = arith.constant 112 : index
          %swap3A_479 = tpu.vector_load %arg11[%swap3A_477, %swap3A_478] {strides = array<i32>} : memref<128x128xf32, #tpu.memory_space<vmem>>, vector<1x16xf32>,
          %swap3A_480 = vector.shape_cast %swap3A_479 : vector<1x16xf32> to vector<16xf32>
          %swap3A_481 = vector.shape_cast %mul3A_476 : vector<16xf32> to vector<1x16xf32>
          tpu.vector_store %arg11[%swap3A_477, %swap3A_478], %swap3A_481 {strides = array<i32>} : memref<128x128xf32, #tpu.memory_space<vmem>>, vector<1x16xf32>,
        }
        %scan3A_378 = arith.constant 16 : i32
        %scan3A_379 = arith.constant 0 : i32
        %scan3A_380 = arith.constant 0 : i32
        %scan3A_381 = arith.constant 16 : i32
        %scan3A_382 = arith.addi %scan3A_380, %scan3A_381 : i32
        %scan3A_383 = arith.constant 1 : i32
        scf.for %scan3A_397 = %scan3A_380 to %scan3A_382 step %scan3A_383  : i32 {
          %add3A_398 = arith.constant 80 : i32
          %add3A_399 = arith.addi %add3A_398, %scan3A_397 : i32
          %broadcast_in_dim3A_400 = vector.broadcast %scan3A_397 : i32 to vector<16xi32>
          %reshape3A = vector.shape_cast %broadcast_in_dim3A_400 : vector<16xi32> to vector<16x1xi32>
          %gather3A = vector.shape_cast %reshape3A : vector<16x1xi32> to vector<16xi32>
          %gather3A_401 = tpu.dynamic_gather %select_n3A_278[%gather3A] in [0] : vector<16xf32>, vector<16xi32> -> vector<16xf32>
          %get3A_402 = arith.index_cast %add3A_399 : i32 to index
          %get3A_403 = arith.constant 0 : index
          %get3A_404 = tpu.vector_load %arg11[%get3A_402, %get3A_403] {strides = array<i32>} : memref<128x128xf32, #tpu.memory_space<vmem>>, vector<1x16xf32>,
          %get3A_405 = vector.shape_cast %get3A_404 : vector<1x16xf32> to vector<16xf32>
          %mul3A_406 = arith.mulf %get3A_405, %gather3A_401 : vector<16xf32>
          %swap3A_407 = arith.index_cast %add3A_399 : i32 to index
          %swap3A_408 = arith.constant 0 : index
          %swap3A_409 = tpu.vector_load %arg11[%swap3A_407, %swap3A_408] {strides = array<i32>} : memref<128x128xf32, #tpu.memory_space<vmem>>, vector<1x16xf32>,
          %swap3A_410 = vector.shape_cast %swap3A_409 : vector<1x16xf32> to vector<16xf32>
          %swap3A_411 = vector.shape_cast %mul3A_406 : vector<16xf32> to vector<1x16xf32>
          tpu.vector_store %arg11[%swap3A_407, %swap3A_408], %swap3A_411 {strides = array<i32>} : memref<128x128xf32, #tpu.memory_space<vmem>>, vector<1x16xf32>,
          %get3A_412 = arith.index_cast %add3A_399 : i32 to index
          %get3A_413 = arith.constant 16 : index
          %get3A_414 = tpu.vector_load %arg11[%get3A_412, %get3A_413] {strides = array<i32>} : memref<128x128xf32, #tpu.memory_space<vmem>>, vector<1x16xf32>,
          %get3A_415 = vector.shape_cast %get3A_414 : vector<1x16xf32> to vector<16xf32>
          %mul3A_416 = arith.mulf %get3A_415, %gather3A_401 : vector<16xf32>
          %swap3A_417 = arith.index_cast %add3A_399 : i32 to index
          %swap3A_418 = arith.constant 16 : index
          %swap3A_419 = tpu.vector_load %arg11[%swap3A_417, %swap3A_418] {strides = array<i32>} : memref<128x128xf32, #tpu.memory_space<vmem>>, vector<1x16xf32>,
          %swap3A_420 = vector.shape_cast %swap3A_419 : vector<1x16xf32> to vector<16xf32>
          %swap3A_421 = vector.shape_cast %mul3A_416 : vector<16xf32> to vector<1x16xf32>
          tpu.vector_store %arg11[%swap3A_417, %swap3A_418], %swap3A_421 {strides = array<i32>} : memref<128x128xf32, #tpu.memory_space<vmem>>, vector<1x16xf32>,
          %get3A_422 = arith.index_cast %add3A_399 : i32 to index
          %get3A_423 = arith.constant 32 : index
          %get3A_424 = tpu.vector_load %arg11[%get3A_422, %get3A_423] {strides = array<i32>} : memref<128x128xf32, #tpu.memory_space<vmem>>, vector<1x16xf32>,
          %get3A_425 = vector.shape_cast %get3A_424 : vector<1x16xf32> to vector<16xf32>
          %mul3A_426 = arith.mulf %get3A_425, %gather3A_401 : vector<16xf32>
          %swap3A_427 = arith.index_cast %add3A_399 : i32 to index
          %swap3A_428 = arith.constant 32 : index
          %swap3A_429 = tpu.vector_load %arg11[%swap3A_427, %swap3A_428] {strides = array<i32>} : memref<128x128xf32, #tpu.memory_space<vmem>>, vector<1x16xf32>,
          %swap3A_430 = vector.shape_cast %swap3A_429 : vector<1x16xf32> to vector<16xf32>
          %swap3A_431 = vector.shape_cast %mul3A_426 : vector<16xf32> to vector<1x16xf32>
          tpu.vector_store %arg11[%swap3A_427, %swap3A_428], %swap3A_431 {strides = array<i32>} : memref<128x128xf32, #tpu.memory_space<vmem>>, vector<1x16xf32>,
          %get3A_432 = arith.index_cast %add3A_399 : i32 to index
          %get3A_433 = arith.constant 48 : index
          %get3A_434 = tpu.vector_load %arg11[%get3A_432, %get3A_433] {strides = array<i32>} : memref<128x128xf32, #tpu.memory_space<vmem>>, vector<1x16xf32>,
          %get3A_435 = vector.shape_cast %get3A_434 : vector<1x16xf32> to vector<16xf32>
          %mul3A_436 = arith.mulf %get3A_435, %gather3A_401 : vector<16xf32>
          %swap3A_437 = arith.index_cast %add3A_399 : i32 to index
          %swap3A_438 = arith.constant 48 : index
          %swap3A_439 = tpu.vector_load %arg11[%swap3A_437, %swap3A_438] {strides = array<i32>} : memref<128x128xf32, #tpu.memory_space<vmem>>, vector<1x16xf32>,
          %swap3A_440 = vector.shape_cast %swap3A_439 : vector<1x16xf32> to vector<16xf32>
          %swap3A_441 = vector.shape_cast %mul3A_436 : vector<16xf32> to vector<1x16xf32>
          tpu.vector_store %arg11[%swap3A_437, %swap3A_438], %swap3A_441 {strides = array<i32>} : memref<128x128xf32, #tpu.memory_space<vmem>>, vector<1x16xf32>,
          %get3A_442 = arith.index_cast %add3A_399 : i32 to index
          %get3A_443 = arith.constant 64 : index
          %get3A_444 = tpu.vector_load %arg11[%get3A_442, %get3A_443] {strides = array<i32>} : memref<128x128xf32, #tpu.memory_space<vmem>>, vector<1x16xf32>,
          %get3A_445 = vector.shape_cast %get3A_444 : vector<1x16xf32> to vector<16xf32>
          %mul3A_446 = arith.mulf %get3A_445, %gather3A_401 : vector<16xf32>
          %swap3A_447 = arith.index_cast %add3A_399 : i32 to index
          %swap3A_448 = arith.constant 64 : index
          %swap3A_449 = tpu.vector_load %arg11[%swap3A_447, %swap3A_448] {strides = array<i32>} : memref<128x128xf32, #tpu.memory_space<vmem>>, vector<1x16xf32>,
          %swap3A_450 = vector.shape_cast %swap3A_449 : vector<1x16xf32> to vector<16xf32>
          %swap3A_451 = vector.shape_cast %mul3A_446 : vector<16xf32> to vector<1x16xf32>
          tpu.vector_store %arg11[%swap3A_447, %swap3A_448], %swap3A_451 {strides = array<i32>} : memref<128x128xf32, #tpu.memory_space<vmem>>, vector<1x16xf32>,
          %get3A_452 = arith.index_cast %add3A_399 : i32 to index
          %get3A_453 = arith.constant 80 : index
          %get3A_454 = tpu.vector_load %arg11[%get3A_452, %get3A_453] {strides = array<i32>} : memref<128x128xf32, #tpu.memory_space<vmem>>, vector<1x16xf32>,
          %get3A_455 = vector.shape_cast %get3A_454 : vector<1x16xf32> to vector<16xf32>
          %mul3A_456 = arith.mulf %get3A_455, %gather3A_401 : vector<16xf32>
          %swap3A_457 = arith.index_cast %add3A_399 : i32 to index
          %swap3A_458 = arith.constant 80 : index
          %swap3A_459 = tpu.vector_load %arg11[%swap3A_457, %swap3A_458] {strides = array<i32>} : memref<128x128xf32, #tpu.memory_space<vmem>>, vector<1x16xf32>,
          %swap3A_460 = vector.shape_cast %swap3A_459 : vector<1x16xf32> to vector<16xf32>
          %swap3A_461 = vector.shape_cast %mul3A_456 : vector<16xf32> to vector<1x16xf32>
          tpu.vector_store %arg11[%swap3A_457, %swap3A_458], %swap3A_461 {strides = array<i32>} : memref<128x128xf32, #tpu.memory_space<vmem>>, vector<1x16xf32>,
          %get3A_462 = arith.index_cast %add3A_399 : i32 to index
          %get3A_463 = arith.constant 96 : index
          %get3A_464 = tpu.vector_load %arg11[%get3A_462, %get3A_463] {strides = array<i32>} : memref<128x128xf32, #tpu.memory_space<vmem>>, vector<1x16xf32>,
          %get3A_465 = vector.shape_cast %get3A_464 : vector<1x16xf32> to vector<16xf32>
          %mul3A_466 = arith.mulf %get3A_465, %gather3A_401 : vector<16xf32>
          %swap3A_467 = arith.index_cast %add3A_399 : i32 to index
          %swap3A_468 = arith.constant 96 : index
          %swap3A_469 = tpu.vector_load %arg11[%swap3A_467, %swap3A_468] {strides = array<i32>} : memref<128x128xf32, #tpu.memory_space<vmem>>, vector<1x16xf32>,
          %swap3A_470 = vector.shape_cast %swap3A_469 : vector<1x16xf32> to vector<16xf32>
          %swap3A_471 = vector.shape_cast %mul3A_466 : vector<16xf32> to vector<1x16xf32>
          tpu.vector_store %arg11[%swap3A_467, %swap3A_468], %swap3A_471 {strides = array<i32>} : memref<128x128xf32, #tpu.memory_space<vmem>>, vector<1x16xf32>,
          %get3A_472 = arith.index_cast %add3A_399 : i32 to index
          %get3A_473 = arith.constant 112 : index
          %get3A_474 = tpu.vector_load %arg11[%get3A_472, %get3A_473] {strides = array<i32>} : memref<128x128xf32, #tpu.memory_space<vmem>>, vector<1x16xf32>,
          %get3A_475 = vector.shape_cast %get3A_474 : vector<1x16xf32> to vector<16xf32>
          %mul3A_476 = arith.mulf %get3A_475, %gather3A_401 : vector<16xf32>
          %swap3A_477 = arith.index_cast %add3A_399 : i32 to index
          %swap3A_478 = arith.constant 112 : index
          %swap3A_479 = tpu.vector_load %arg11[%swap3A_477, %swap3A_478] {strides = array<i32>} : memref<128x128xf32, #tpu.memory_space<vmem>>, vector<1x16xf32>,
          %swap3A_480 = vector.shape_cast %swap3A_479 : vector<1x16xf32> to vector<16xf32>
          %swap3A_481 = vector.shape_cast %mul3A_476 : vector<16xf32> to vector<1x16xf32>
          tpu.vector_store %arg11[%swap3A_477, %swap3A_478], %swap3A_481 {strides = array<i32>} : memref<128x128xf32, #tpu.memory_space<vmem>>, vector<1x16xf32>,
        }
        %scan3A_384 = arith.constant 16 : i32
        %scan3A_385 = arith.constant 0 : i32
        %scan3A_386 = arith.constant 0 : i32
        %scan3A_387 = arith.constant 16 : i32
        %scan3A_388 = arith.addi %scan3A_386, %scan3A_387 : i32
        %scan3A_389 = arith.constant 1 : i32
        scf.for %scan3A_397 = %scan3A_386 to %scan3A_388 step %scan3A_389  : i32 {
          %add3A_398 = arith.constant 96 : i32
          %add3A_399 = arith.addi %add3A_398, %scan3A_397 : i32
          %broadcast_in_dim3A_400 = vector.broadcast %scan3A_397 : i32 to vector<16xi32>
          %reshape3A = vector.shape_cast %broadcast_in_dim3A_400 : vector<16xi32> to vector<16x1xi32>
          %gather3A = vector.shape_cast %reshape3A : vector<16x1xi32> to vector<16xi32>
          %gather3A_401 = tpu.dynamic_gather %select_n3A_308[%gather3A] in [0] : vector<16xf32>, vector<16xi32> -> vector<16xf32>
          %get3A_402 = arith.index_cast %add3A_399 : i32 to index
          %get3A_403 = arith.constant 0 : index
          %get3A_404 = tpu.vector_load %arg11[%get3A_402, %get3A_403] {strides = array<i32>} : memref<128x128xf32, #tpu.memory_space<vmem>>, vector<1x16xf32>,
          %get3A_405 = vector.shape_cast %get3A_404 : vector<1x16xf32> to vector<16xf32>
          %mul3A_406 = arith.mulf %get3A_405, %gather3A_401 : vector<16xf32>
          %swap3A_407 = arith.index_cast %add3A_399 : i32 to index
          %swap3A_408 = arith.constant 0 : index
          %swap3A_409 = tpu.vector_load %arg11[%swap3A_407, %swap3A_408] {strides = array<i32>} : memref<128x128xf32, #tpu.memory_space<vmem>>, vector<1x16xf32>,
          %swap3A_410 = vector.shape_cast %swap3A_409 : vector<1x16xf32> to vector<16xf32>
          %swap3A_411 = vector.shape_cast %mul3A_406 : vector<16xf32> to vector<1x16xf32>
          tpu.vector_store %arg11[%swap3A_407, %swap3A_408], %swap3A_411 {strides = array<i32>} : memref<128x128xf32, #tpu.memory_space<vmem>>, vector<1x16xf32>,
          %get3A_412 = arith.index_cast %add3A_399 : i32 to index
          %get3A_413 = arith.constant 16 : index
          %get3A_414 = tpu.vector_load %arg11[%get3A_412, %get3A_413] {strides = array<i32>} : memref<128x128xf32, #tpu.memory_space<vmem>>, vector<1x16xf32>,
          %get3A_415 = vector.shape_cast %get3A_414 : vector<1x16xf32> to vector<16xf32>
          %mul3A_416 = arith.mulf %get3A_415, %gather3A_401 : vector<16xf32>
          %swap3A_417 = arith.index_cast %add3A_399 : i32 to index
          %swap3A_418 = arith.constant 16 : index
          %swap3A_419 = tpu.vector_load %arg11[%swap3A_417, %swap3A_418] {strides = array<i32>} : memref<128x128xf32, #tpu.memory_space<vmem>>, vector<1x16xf32>,
          %swap3A_420 = vector.shape_cast %swap3A_419 : vector<1x16xf32> to vector<16xf32>
          %swap3A_421 = vector.shape_cast %mul3A_416 : vector<16xf32> to vector<1x16xf32>
          tpu.vector_store %arg11[%swap3A_417, %swap3A_418], %swap3A_421 {strides = array<i32>} : memref<128x128xf32, #tpu.memory_space<vmem>>, vector<1x16xf32>,
          %get3A_422 = arith.index_cast %add3A_399 : i32 to index
          %get3A_423 = arith.constant 32 : index
          %get3A_424 = tpu.vector_load %arg11[%get3A_422, %get3A_423] {strides = array<i32>} : memref<128x128xf32, #tpu.memory_space<vmem>>, vector<1x16xf32>,
          %get3A_425 = vector.shape_cast %get3A_424 : vector<1x16xf32> to vector<16xf32>
          %mul3A_426 = arith.mulf %get3A_425, %gather3A_401 : vector<16xf32>
          %swap3A_427 = arith.index_cast %add3A_399 : i32 to index
          %swap3A_428 = arith.constant 32 : index
          %swap3A_429 = tpu.vector_load %arg11[%swap3A_427, %swap3A_428] {strides = array<i32>} : memref<128x128xf32, #tpu.memory_space<vmem>>, vector<1x16xf32>,
          %swap3A_430 = vector.shape_cast %swap3A_429 : vector<1x16xf32> to vector<16xf32>
          %swap3A_431 = vector.shape_cast %mul3A_426 : vector<16xf32> to vector<1x16xf32>
          tpu.vector_store %arg11[%swap3A_427, %swap3A_428], %swap3A_431 {strides = array<i32>} : memref<128x128xf32, #tpu.memory_space<vmem>>, vector<1x16xf32>,
          %get3A_432 = arith.index_cast %add3A_399 : i32 to index
          %get3A_433 = arith.constant 48 : index
          %get3A_434 = tpu.vector_load %arg11[%get3A_432, %get3A_433] {strides = array<i32>} : memref<128x128xf32, #tpu.memory_space<vmem>>, vector<1x16xf32>,
          %get3A_435 = vector.shape_cast %get3A_434 : vector<1x16xf32> to vector<16xf32>
          %mul3A_436 = arith.mulf %get3A_435, %gather3A_401 : vector<16xf32>
          %swap3A_437 = arith.index_cast %add3A_399 : i32 to index
          %swap3A_438 = arith.constant 48 : index
          %swap3A_439 = tpu.vector_load %arg11[%swap3A_437, %swap3A_438] {strides = array<i32>} : memref<128x128xf32, #tpu.memory_space<vmem>>, vector<1x16xf32>,
          %swap3A_440 = vector.shape_cast %swap3A_439 : vector<1x16xf32> to vector<16xf32>
          %swap3A_441 = vector.shape_cast %mul3A_436 : vector<16xf32> to vector<1x16xf32>
          tpu.vector_store %arg11[%swap3A_437, %swap3A_438], %swap3A_441 {strides = array<i32>} : memref<128x128xf32, #tpu.memory_space<vmem>>, vector<1x16xf32>,
          %get3A_442 = arith.index_cast %add3A_399 : i32 to index
          %get3A_443 = arith.constant 64 : index
          %get3A_444 = tpu.vector_load %arg11[%get3A_442, %get3A_443] {strides = array<i32>} : memref<128x128xf32, #tpu.memory_space<vmem>>, vector<1x16xf32>,
          %get3A_445 = vector.shape_cast %get3A_444 : vector<1x16xf32> to vector<16xf32>
          %mul3A_446 = arith.mulf %get3A_445, %gather3A_401 : vector<16xf32>
          %swap3A_447 = arith.index_cast %add3A_399 : i32 to index
          %swap3A_448 = arith.constant 64 : index
          %swap3A_449 = tpu.vector_load %arg11[%swap3A_447, %swap3A_448] {strides = array<i32>} : memref<128x128xf32, #tpu.memory_space<vmem>>, vector<1x16xf32>,
          %swap3A_450 = vector.shape_cast %swap3A_449 : vector<1x16xf32> to vector<16xf32>
          %swap3A_451 = vector.shape_cast %mul3A_446 : vector<16xf32> to vector<1x16xf32>
          tpu.vector_store %arg11[%swap3A_447, %swap3A_448], %swap3A_451 {strides = array<i32>} : memref<128x128xf32, #tpu.memory_space<vmem>>, vector<1x16xf32>,
          %get3A_452 = arith.index_cast %add3A_399 : i32 to index
          %get3A_453 = arith.constant 80 : index
          %get3A_454 = tpu.vector_load %arg11[%get3A_452, %get3A_453] {strides = array<i32>} : memref<128x128xf32, #tpu.memory_space<vmem>>, vector<1x16xf32>,
          %get3A_455 = vector.shape_cast %get3A_454 : vector<1x16xf32> to vector<16xf32>
          %mul3A_456 = arith.mulf %get3A_455, %gather3A_401 : vector<16xf32>
          %swap3A_457 = arith.index_cast %add3A_399 : i32 to index
          %swap3A_458 = arith.constant 80 : index
          %swap3A_459 = tpu.vector_load %arg11[%swap3A_457, %swap3A_458] {strides = array<i32>} : memref<128x128xf32, #tpu.memory_space<vmem>>, vector<1x16xf32>,
          %swap3A_460 = vector.shape_cast %swap3A_459 : vector<1x16xf32> to vector<16xf32>
          %swap3A_461 = vector.shape_cast %mul3A_456 : vector<16xf32> to vector<1x16xf32>
          tpu.vector_store %arg11[%swap3A_457, %swap3A_458], %swap3A_461 {strides = array<i32>} : memref<128x128xf32, #tpu.memory_space<vmem>>, vector<1x16xf32>,
          %get3A_462 = arith.index_cast %add3A_399 : i32 to index
          %get3A_463 = arith.constant 96 : index
          %get3A_464 = tpu.vector_load %arg11[%get3A_462, %get3A_463] {strides = array<i32>} : memref<128x128xf32, #tpu.memory_space<vmem>>, vector<1x16xf32>,
          %get3A_465 = vector.shape_cast %get3A_464 : vector<1x16xf32> to vector<16xf32>
          %mul3A_466 = arith.mulf %get3A_465, %gather3A_401 : vector<16xf32>
          %swap3A_467 = arith.index_cast %add3A_399 : i32 to index
          %swap3A_468 = arith.constant 96 : index
          %swap3A_469 = tpu.vector_load %arg11[%swap3A_467, %swap3A_468] {strides = array<i32>} : memref<128x128xf32, #tpu.memory_space<vmem>>, vector<1x16xf32>,
          %swap3A_470 = vector.shape_cast %swap3A_469 : vector<1x16xf32> to vector<16xf32>
          %swap3A_471 = vector.shape_cast %mul3A_466 : vector<16xf32> to vector<1x16xf32>
          tpu.vector_store %arg11[%swap3A_467, %swap3A_468], %swap3A_471 {strides = array<i32>} : memref<128x128xf32, #tpu.memory_space<vmem>>, vector<1x16xf32>,
          %get3A_472 = arith.index_cast %add3A_399 : i32 to index
          %get3A_473 = arith.constant 112 : index
          %get3A_474 = tpu.vector_load %arg11[%get3A_472, %get3A_473] {strides = array<i32>} : memref<128x128xf32, #tpu.memory_space<vmem>>, vector<1x16xf32>,
          %get3A_475 = vector.shape_cast %get3A_474 : vector<1x16xf32> to vector<16xf32>
          %mul3A_476 = arith.mulf %get3A_475, %gather3A_401 : vector<16xf32>
          %swap3A_477 = arith.index_cast %add3A_399 : i32 to index
          %swap3A_478 = arith.constant 112 : index
          %swap3A_479 = tpu.vector_load %arg11[%swap3A_477, %swap3A_478] {strides = array<i32>} : memref<128x128xf32, #tpu.memory_space<vmem>>, vector<1x16xf32>,
          %swap3A_480 = vector.shape_cast %swap3A_479 : vector<1x16xf32> to vector<16xf32>
          %swap3A_481 = vector.shape_cast %mul3A_476 : vector<16xf32> to vector<1x16xf32>
          tpu.vector_store %arg11[%swap3A_477, %swap3A_478], %swap3A_481 {strides = array<i32>} : memref<128x128xf32, #tpu.memory_space<vmem>>, vector<1x16xf32>,
        }
        %scan3A_390 = arith.constant 16 : i32
        %scan3A_391 = arith.constant 0 : i32
        %scan3A_392 = arith.constant 0 : i32
        %scan3A_393 = arith.constant 16 : i32
        %scan3A_394 = arith.addi %scan3A_392, %scan3A_393 : i32
        %scan3A_395 = arith.constant 1 : i32
        scf.for %scan3A_397 = %scan3A_392 to %scan3A_394 step %scan3A_395  : i32 {
          %add3A_398 = arith.constant 112 : i32
          %add3A_399 = arith.addi %add3A_398, %scan3A_397 : i32
          %broadcast_in_dim3A_400 = vector.broadcast %scan3A_397 : i32 to vector<16xi32>
          %reshape3A = vector.shape_cast %broadcast_in_dim3A_400 : vector<16xi32> to vector<16x1xi32>
          %gather3A = vector.shape_cast %reshape3A : vector<16x1xi32> to vector<16xi32>
          %gather3A_401 = tpu.dynamic_gather %select_n3A_338[%gather3A] in [0] : vector<16xf32>, vector<16xi32> -> vector<16xf32>
          %get3A_402 = arith.index_cast %add3A_399 : i32 to index
          %get3A_403 = arith.constant 0 : index
          %get3A_404 = tpu.vector_load %arg11[%get3A_402, %get3A_403] {strides = array<i32>} : memref<128x128xf32, #tpu.memory_space<vmem>>, vector<1x16xf32>,
          %get3A_405 = vector.shape_cast %get3A_404 : vector<1x16xf32> to vector<16xf32>
          %mul3A_406 = arith.mulf %get3A_405, %gather3A_401 : vector<16xf32>
          %swap3A_407 = arith.index_cast %add3A_399 : i32 to index
          %swap3A_408 = arith.constant 0 : index
          %swap3A_409 = tpu.vector_load %arg11[%swap3A_407, %swap3A_408] {strides = array<i32>} : memref<128x128xf32, #tpu.memory_space<vmem>>, vector<1x16xf32>,
          %swap3A_410 = vector.shape_cast %swap3A_409 : vector<1x16xf32> to vector<16xf32>
          %swap3A_411 = vector.shape_cast %mul3A_406 : vector<16xf32> to vector<1x16xf32>
          tpu.vector_store %arg11[%swap3A_407, %swap3A_408], %swap3A_411 {strides = array<i32>} : memref<128x128xf32, #tpu.memory_space<vmem>>, vector<1x16xf32>,
          %get3A_412 = arith.index_cast %add3A_399 : i32 to index
          %get3A_413 = arith.constant 16 : index
          %get3A_414 = tpu.vector_load %arg11[%get3A_412, %get3A_413] {strides = array<i32>} : memref<128x128xf32, #tpu.memory_space<vmem>>, vector<1x16xf32>,
          %get3A_415 = vector.shape_cast %get3A_414 : vector<1x16xf32> to vector<16xf32>
          %mul3A_416 = arith.mulf %get3A_415, %gather3A_401 : vector<16xf32>
          %swap3A_417 = arith.index_cast %add3A_399 : i32 to index
          %swap3A_418 = arith.constant 16 : index
          %swap3A_419 = tpu.vector_load %arg11[%swap3A_417, %swap3A_418] {strides = array<i32>} : memref<128x128xf32, #tpu.memory_space<vmem>>, vector<1x16xf32>,
          %swap3A_420 = vector.shape_cast %swap3A_419 : vector<1x16xf32> to vector<16xf32>
          %swap3A_421 = vector.shape_cast %mul3A_416 : vector<16xf32> to vector<1x16xf32>
          tpu.vector_store %arg11[%swap3A_417, %swap3A_418], %swap3A_421 {strides = array<i32>} : memref<128x128xf32, #tpu.memory_space<vmem>>, vector<1x16xf32>,
          %get3A_422 = arith.index_cast %add3A_399 : i32 to index
          %get3A_423 = arith.constant 32 : index
          %get3A_424 = tpu.vector_load %arg11[%get3A_422, %get3A_423] {strides = array<i32>} : memref<128x128xf32, #tpu.memory_space<vmem>>, vector<1x16xf32>,
          %get3A_425 = vector.shape_cast %get3A_424 : vector<1x16xf32> to vector<16xf32>
          %mul3A_426 = arith.mulf %get3A_425, %gather3A_401 : vector<16xf32>
          %swap3A_427 = arith.index_cast %add3A_399 : i32 to index
          %swap3A_428 = arith.constant 32 : index
          %swap3A_429 = tpu.vector_load %arg11[%swap3A_427, %swap3A_428] {strides = array<i32>} : memref<128x128xf32, #tpu.memory_space<vmem>>, vector<1x16xf32>,
          %swap3A_430 = vector.shape_cast %swap3A_429 : vector<1x16xf32> to vector<16xf32>
          %swap3A_431 = vector.shape_cast %mul3A_426 : vector<16xf32> to vector<1x16xf32>
          tpu.vector_store %arg11[%swap3A_427, %swap3A_428], %swap3A_431 {strides = array<i32>} : memref<128x128xf32, #tpu.memory_space<vmem>>, vector<1x16xf32>,
          %get3A_432 = arith.index_cast %add3A_399 : i32 to index
          %get3A_433 = arith.constant 48 : index
          %get3A_434 = tpu.vector_load %arg11[%get3A_432, %get3A_433] {strides = array<i32>} : memref<128x128xf32, #tpu.memory_space<vmem>>, vector<1x16xf32>,
          %get3A_435 = vector.shape_cast %get3A_434 : vector<1x16xf32> to vector<16xf32>
          %mul3A_436 = arith.mulf %get3A_435, %gather3A_401 : vector<16xf32>
          %swap3A_437 = arith.index_cast %add3A_399 : i32 to index
          %swap3A_438 = arith.constant 48 : index
          %swap3A_439 = tpu.vector_load %arg11[%swap3A_437, %swap3A_438] {strides = array<i32>} : memref<128x128xf32, #tpu.memory_space<vmem>>, vector<1x16xf32>,
          %swap3A_440 = vector.shape_cast %swap3A_439 : vector<1x16xf32> to vector<16xf32>
          %swap3A_441 = vector.shape_cast %mul3A_436 : vector<16xf32> to vector<1x16xf32>
          tpu.vector_store %arg11[%swap3A_437, %swap3A_438], %swap3A_441 {strides = array<i32>} : memref<128x128xf32, #tpu.memory_space<vmem>>, vector<1x16xf32>,
          %get3A_442 = arith.index_cast %add3A_399 : i32 to index
          %get3A_443 = arith.constant 64 : index
          %get3A_444 = tpu.vector_load %arg11[%get3A_442, %get3A_443] {strides = array<i32>} : memref<128x128xf32, #tpu.memory_space<vmem>>, vector<1x16xf32>,
          %get3A_445 = vector.shape_cast %get3A_444 : vector<1x16xf32> to vector<16xf32>
          %mul3A_446 = arith.mulf %get3A_445, %gather3A_401 : vector<16xf32>
          %swap3A_447 = arith.index_cast %add3A_399 : i32 to index
          %swap3A_448 = arith.constant 64 : index
          %swap3A_449 = tpu.vector_load %arg11[%swap3A_447, %swap3A_448] {strides = array<i32>} : memref<128x128xf32, #tpu.memory_space<vmem>>, vector<1x16xf32>,
          %swap3A_450 = vector.shape_cast %swap3A_449 : vector<1x16xf32> to vector<16xf32>
          %swap3A_451 = vector.shape_cast %mul3A_446 : vector<16xf32> to vector<1x16xf32>
          tpu.vector_store %arg11[%swap3A_447, %swap3A_448], %swap3A_451 {strides = array<i32>} : memref<128x128xf32, #tpu.memory_space<vmem>>, vector<1x16xf32>,
          %get3A_452 = arith.index_cast %add3A_399 : i32 to index
          %get3A_453 = arith.constant 80 : index
          %get3A_454 = tpu.vector_load %arg11[%get3A_452, %get3A_453] {strides = array<i32>} : memref<128x128xf32, #tpu.memory_space<vmem>>, vector<1x16xf32>,
          %get3A_455 = vector.shape_cast %get3A_454 : vector<1x16xf32> to vector<16xf32>
          %mul3A_456 = arith.mulf %get3A_455, %gather3A_401 : vector<16xf32>
          %swap3A_457 = arith.index_cast %add3A_399 : i32 to index
          %swap3A_458 = arith.constant 80 : index
          %swap3A_459 = tpu.vector_load %arg11[%swap3A_457, %swap3A_458] {strides = array<i32>} : memref<128x128xf32, #tpu.memory_space<vmem>>, vector<1x16xf32>,
          %swap3A_460 = vector.shape_cast %swap3A_459 : vector<1x16xf32> to vector<16xf32>
          %swap3A_461 = vector.shape_cast %mul3A_456 : vector<16xf32> to vector<1x16xf32>
          tpu.vector_store %arg11[%swap3A_457, %swap3A_458], %swap3A_461 {strides = array<i32>} : memref<128x128xf32, #tpu.memory_space<vmem>>, vector<1x16xf32>,
          %get3A_462 = arith.index_cast %add3A_399 : i32 to index
          %get3A_463 = arith.constant 96 : index
          %get3A_464 = tpu.vector_load %arg11[%get3A_462, %get3A_463] {strides = array<i32>} : memref<128x128xf32, #tpu.memory_space<vmem>>, vector<1x16xf32>,
          %get3A_465 = vector.shape_cast %get3A_464 : vector<1x16xf32> to vector<16xf32>
          %mul3A_466 = arith.mulf %get3A_465, %gather3A_401 : vector<16xf32>
          %swap3A_467 = arith.index_cast %add3A_399 : i32 to index
          %swap3A_468 = arith.constant 96 : index
          %swap3A_469 = tpu.vector_load %arg11[%swap3A_467, %swap3A_468] {strides = array<i32>} : memref<128x128xf32, #tpu.memory_space<vmem>>, vector<1x16xf32>,
          %swap3A_470 = vector.shape_cast %swap3A_469 : vector<1x16xf32> to vector<16xf32>
          %swap3A_471 = vector.shape_cast %mul3A_466 : vector<16xf32> to vector<1x16xf32>
          tpu.vector_store %arg11[%swap3A_467, %swap3A_468], %swap3A_471 {strides = array<i32>} : memref<128x128xf32, #tpu.memory_space<vmem>>, vector<1x16xf32>,
          %get3A_472 = arith.index_cast %add3A_399 : i32 to index
          %get3A_473 = arith.constant 112 : index
          %get3A_474 = tpu.vector_load %arg11[%get3A_472, %get3A_473] {strides = array<i32>} : memref<128x128xf32, #tpu.memory_space<vmem>>, vector<1x16xf32>,
          %get3A_475 = vector.shape_cast %get3A_474 : vector<1x16xf32> to vector<16xf32>
          %mul3A_476 = arith.mulf %get3A_475, %gather3A_401 : vector<16xf32>
          %swap3A_477 = arith.index_cast %add3A_399 : i32 to index
          %swap3A_478 = arith.constant 112 : index
          %swap3A_479 = tpu.vector_load %arg11[%swap3A_477, %swap3A_478] {strides = array<i32>} : memref<128x128xf32, #tpu.memory_space<vmem>>, vector<1x16xf32>,
          %swap3A_480 = vector.shape_cast %swap3A_479 : vector<1x16xf32> to vector<16xf32>
          %swap3A_481 = vector.shape_cast %mul3A_476 : vector<16xf32> to vector<1x16xf32>
          tpu.vector_store %arg11[%swap3A_477, %swap3A_478], %swap3A_481 {strides = array<i32>} : memref<128x128xf32, #tpu.memory_space<vmem>>, vector<1x16xf32>,
        }
        %scan3A_396 = arith.constant 16 : i32
        "tpu.region"() ({
          %run_scoped3A = tpu.sem_alloc : memref<!tpu.dma_semaphore, #tpu.memory_space<semaphore_mem>>
          %dma_start3A_397 = arith.constant 0 : i32
          %dma_start3A_398 = tpu.memref_slice %arg10[%scan3A_80, %dma_start3A_397] : memref<4x128xi32, #tpu.memory_space<vmem>> -> memref<1x128xi32, #tpu.memory_space<vmem>>
          %dma_start3A_399 = tpu.memref_squeeze %dma_start3A_398 : memref<1x128xi32, #tpu.memory_space<vmem>> -> memref<128xi32, #tpu.memory_space<vmem>>
          %dma_start3A_400 = arith.constant 0 : i32
          %dma_start3A_401 = arith.constant 0 : i32
          %dma_start3A_402 = tpu.memref_slice %arg15[%dma_start3A_400, %dma_start3A_401] : memref<10000x128xf32, #tpu.memory_space<vmem_shared>> -> memref<10000x128xf32, #tpu.memory_space<vmem_shared>>
          tpu.enqueue_indirect_dma source(%arg11 : memref<128x128xf32, #tpu.memory_space<vmem>>) target(%dma_start3A_402 : memref<10000x128xf32, #tpu.memory_space<vmem_shared>>) offsets(%dma_start3A_399 : memref<128xi32, #tpu.memory_space<vmem>>) semaphore(%run_scoped3A : memref<!tpu.dma_semaphore, #tpu.memory_space<semaphore_mem>>) {add = true}
          %dma_wait3A_403 = arith.constant 0 : i32
          %dma_wait3A_404 = tpu.memref_slice %arg10[%scan3A_80, %dma_wait3A_403] : memref<4x128xi32, #tpu.memory_space<vmem>> -> memref<1x128xi32, #tpu.memory_space<vmem>>
          %dma_wait3A_405 = tpu.memref_squeeze %dma_wait3A_404 : memref<1x128xi32, #tpu.memory_space<vmem>> -> memref<128xi32, #tpu.memory_space<vmem>>
          %dma_wait3A_406 = arith.constant 0 : i32
          %dma_wait3A_407 = arith.constant 0 : i32
          %dma_wait3A_408 = tpu.memref_slice %arg15[%dma_wait3A_406, %dma_wait3A_407] : memref<10000x128xf32, #tpu.memory_space<vmem_shared>> -> memref<10000x128xf32, #tpu.memory_space<vmem_shared>>
          tpu.wait_indirect_dma semaphore(%run_scoped3A : memref<!tpu.dma_semaphore, #tpu.memory_space<semaphore_mem>>) src(%arg11 : memref<128x128xf32, #tpu.memory_space<vmem>>) dst(%dma_wait3A_408 : memref<10000x128xf32, #tpu.memory_space<vmem_shared>>)
          tpu.yield
        }) : () -> ()
        "tpu.region"() ({
          %run_scoped3A = tpu.sem_alloc : memref<!tpu.dma_semaphore, #tpu.memory_space<semaphore_mem>>
          %dma_start3A_397 = arith.constant 0 : i32
          %dma_start3A_398 = tpu.memref_slice %arg10[%scan3A_80, %dma_start3A_397] : memref<4x128xi32, #tpu.memory_space<vmem>> -> memref<1x128xi32, #tpu.memory_space<vmem>>
          %dma_start3A_399 = tpu.memref_squeeze %dma_start3A_398 : memref<1x128xi32, #tpu.memory_space<vmem>> -> memref<128xi32, #tpu.memory_space<vmem>>
          %dma_start3A_400 = arith.constant 0 : i32
          %dma_start3A_401 = tpu.memref_slice %arg16[%dma_start3A_400] : memref<10112xf32, #tpu.memory_space<vmem_shared>> -> memref<10112xf32, #tpu.memory_space<vmem_shared>>
          tpu.enqueue_indirect_dma source(%arg12 : memref<128xf32, #tpu.memory_space<vmem>>) target(%dma_start3A_401 : memref<10112xf32, #tpu.memory_space<vmem_shared>>) offsets(%dma_start3A_399 : memref<128xi32, #tpu.memory_space<vmem>>) semaphore(%run_scoped3A : memref<!tpu.dma_semaphore, #tpu.memory_space<semaphore_mem>>) {add = true}
          %dma_wait3A_402 = arith.constant 0 : i32
          %dma_wait3A_403 = tpu.memref_slice %arg10[%scan3A_80, %dma_wait3A_402] : memref<4x128xi32, #tpu.memory_space<vmem>> -> memref<1x128xi32, #tpu.memory_space<vmem>>
          %dma_wait3A_404 = tpu.memref_squeeze %dma_wait3A_403 : memref<1x128xi32, #tpu.memory_space<vmem>> -> memref<128xi32, #tpu.memory_space<vmem>>
          %dma_wait3A_405 = arith.constant 0 : i32
          %dma_wait3A_406 = tpu.memref_slice %arg16[%dma_wait3A_405] : memref<10112xf32, #tpu.memory_space<vmem_shared>> -> memref<10112xf32, #tpu.memory_space<vmem_shared>>
          tpu.wait_indirect_dma semaphore(%run_scoped3A : memref<!tpu.dma_semaphore, #tpu.memory_space<semaphore_mem>>) src(%arg12 : memref<128xf32, #tpu.memory_space<vmem>>) dst(%dma_wait3A_406 : memref<10112xf32, #tpu.memory_space<vmem_shared>>)
          tpu.yield
        }) : () -> ()
      }
      %scan3A_79 = arith.constant 4 : i32
    }
    %scan3A_67 = arith.constant 20 : i32
    %barrier3A_68 = arith.constant 0 : index
    tpu.barrier barrier_id(%barrier3A_68)
    "tpu.region"() ({
      %run_scoped3A = tpu.sem_alloc : memref<!tpu.dma_semaphore, #tpu.memory_space<semaphore_mem>>
      %dma_start3A = arith.constant 0 : i32
      %dma_start3A_69 = tpu.memref_slice %arg7[%arg0, %mul3A_39, %dma_start3A] : memref<2x10000x128xf32, #tpu.memory_space<hbm>> -> memref<1x625x128xf32, #tpu.memory_space<hbm>>
      %dma_start3A_70 = tpu.memref_squeeze %dma_start3A_69 : memref<1x625x128xf32, #tpu.memory_space<hbm>> -> memref<625x128xf32, #tpu.memory_space<hbm>>
      %dma_start3A_71 = arith.constant 0 : i32
      %dma_start3A_72 = tpu.memref_slice %arg15[%mul3A_39, %dma_start3A_71] : memref<10000x128xf32, #tpu.memory_space<vmem_shared>> -> memref<625x128xf32, #tpu.memory_space<vmem_shared>>
      tpu.enqueue_dma source(%dma_start3A_72 : memref<625x128xf32, #tpu.memory_space<vmem_shared>>) target(%dma_start3A_70 : memref<625x128xf32, #tpu.memory_space<hbm>>) target_semaphore(%run_scoped3A : memref<!tpu.dma_semaphore, #tpu.memory_space<semaphore_mem>>)
      %dma_wait3A = arith.constant 0 : i32
      %dma_wait3A_73 = tpu.memref_slice %arg7[%arg0, %mul3A_39, %dma_wait3A] : memref<2x10000x128xf32, #tpu.memory_space<hbm>> -> memref<1x625x128xf32, #tpu.memory_space<hbm>>
      %dma_wait3A_74 = tpu.memref_squeeze %dma_wait3A_73 : memref<1x625x128xf32, #tpu.memory_space<hbm>> -> memref<625x128xf32, #tpu.memory_space<hbm>>
      %dma_wait3A_75 = arith.constant 0 : i32
      %dma_wait3A_76 = tpu.memref_slice %arg15[%mul3A_39, %dma_wait3A_75] : memref<10000x128xf32, #tpu.memory_space<vmem_shared>> -> memref<625x128xf32, #tpu.memory_space<vmem_shared>>
      tpu.wait_dma2 semaphore(%run_scoped3A : memref<!tpu.dma_semaphore, #tpu.memory_space<semaphore_mem>>) src(%dma_wait3A_76 : memref<625x128xf32, #tpu.memory_space<vmem_shared>>) dst(%dma_wait3A_74 : memref<625x128xf32, #tpu.memory_space<hbm>>)
      tpu.yield
    }) : () -> ()
    "tpu.region"() ({
      %run_scoped3A = tpu.sem_alloc : memref<!tpu.dma_semaphore, #tpu.memory_space<semaphore_mem>>
      %dma_start3A = tpu.memref_slice %arg8[%arg0, %mul3A_51] : memref<2x10112xf32, #tpu.memory_space<hbm>> -> memref<1x632xf32, #tpu.memory_space<hbm>>
      %dma_start3A_69 = tpu.memref_squeeze %dma_start3A : memref<1x632xf32, #tpu.memory_space<hbm>> -> memref<632xf32, #tpu.memory_space<hbm>>
      %dma_start3A_70 = tpu.memref_slice %arg16[%mul3A_51] : memref<10112xf32, #tpu.memory_space<vmem_shared>> -> memref<632xf32, #tpu.memory_space<vmem_shared>>
      tpu.enqueue_dma source(%dma_start3A_70 : memref<632xf32, #tpu.memory_space<vmem_shared>>) target(%dma_start3A_69 : memref<632xf32, #tpu.memory_space<hbm>>) target_semaphore(%run_scoped3A : memref<!tpu.dma_semaphore, #tpu.memory_space<semaphore_mem>>)
      %dma_wait3A = tpu.memref_slice %arg8[%arg0, %mul3A_51] : memref<2x10112xf32, #tpu.memory_space<hbm>> -> memref<1x632xf32, #tpu.memory_space<hbm>>
      %dma_wait3A_71 = tpu.memref_squeeze %dma_wait3A : memref<1x632xf32, #tpu.memory_space<hbm>> -> memref<632xf32, #tpu.memory_space<hbm>>
      %dma_wait3A_72 = tpu.memref_slice %arg16[%mul3A_51] : memref<10112xf32, #tpu.memory_space<vmem_shared>> -> memref<632xf32, #tpu.memory_space<vmem_shared>>
      tpu.wait_dma2 semaphore(%run_scoped3A : memref<!tpu.dma_semaphore, #tpu.memory_space<semaphore_mem>>) src(%dma_wait3A_72 : memref<632xf32, #tpu.memory_space<vmem_shared>>) dst(%dma_wait3A_71 : memref<632xf32, #tpu.memory_space<hbm>>)
      tpu.yield
    }) : () -> ()
    return
  }
}

module attributes {stable_mosaic.version = 14 : i64} {
  func.func @_tc1_body(%arg0: i32, %arg1: memref<1000x768xf32, #tpu.memory_space<vmem>>, %arg2: memref<1x768xf32, #tpu.memory_space<vmem>>, %arg3: memref<1536x128xf32, #tpu.memory_space<vmem>>, %arg4: memref<128x1xf32, #tpu.memory_space<vmem>>, %arg5: memref<128x1xf32, #tpu.memory_space<vmem>>, %arg6: memref<1000x128xf32, #tpu.memory_space<vmem>>, %arg7: memref<1000x1xf32, #tpu.memory_space<vmem>>, %arg8: memref<1000x1xf32, #tpu.memory_space<vmem>>) attributes {dimension_semantics = [#tpu.dimension_semantics<arbitrary>], iteration_bounds = array<i64: 10>, scalar_prefetch = 0 : i64, scratch_operands = 0 : i64, tpu.core_type = #tpu.core_type<tc>, window_params = [{transform_indices = @transform_0, window_bounds = array<i64: 1000, 768>}, {pipeline_mode = #tpu.pipeline_mode<synchronous>, transform_indices = @transform_1, window_bounds = array<i64: 1, 768>}, {pipeline_mode = #tpu.pipeline_mode<synchronous>, transform_indices = @transform_2, window_bounds = array<i64: 1536, 128>}, {pipeline_mode = #tpu.pipeline_mode<synchronous>, transform_indices = @transform_3, window_bounds = array<i64: 128, 1>}, {pipeline_mode = #tpu.pipeline_mode<synchronous>, transform_indices = @transform_4, window_bounds = array<i64: 128, 1>}, {transform_indices = @transform_5, window_bounds = array<i64: 1000, 128>}, {transform_indices = @transform_6, window_bounds = array<i64: 1000, 1>}, {transform_indices = @transform_7, window_bounds = array<i64: 1000, 1>}]} {
    %get3A = arith.constant 0 : index
    %get3A_0 = arith.constant 0 : index
    %get3A_1 = vector.load %arg3[%get3A, %get3A_0] : memref<1536x128xf32, #tpu.memory_space<vmem>>, vector<1536x128xf32>
    %get3A_2 = arith.constant 0 : index
    %get3A_3 = arith.constant 0 : index
    %get3A_4 = vector.load %arg2[%get3A_2, %get3A_3] : memref<1x768xf32, #tpu.memory_space<vmem>>, vector<1x768xf32>
    %slice3A = vector.extract_strided_slice %get3A_1 {offsets = [768, 0], sizes = [768, 128], strides = [1, 1]} : vector<1536x128xf32> to vector<768x128xf32>
    %dot_general3A = arith.constant dense<0.000000e+00> : vector<1x128xf32>
    %dot_general3A_5 = tpu.matmul %get3A_4, %slice3A, %dot_general3A {dimension_numbers = #tpu.dot_dimension_numbers<[1], [0], [0], [1], [0, 0, 1, 1], [], []>, transpose_lhs_hint = false} : vector<1x768xf32>, vector<768x128xf32>, vector<1x128xf32> -> vector<1x128xf32>
    %get3A_6 = arith.constant 0 : index
    %get3A_7 = arith.constant 0 : index
    %get3A_8 = vector.load %arg1[%get3A_6, %get3A_7] : memref<1000x768xf32, #tpu.memory_space<vmem>>, vector<1000x768xf32>
    %slice3A_9 = vector.extract_strided_slice %get3A_1 {offsets = [0, 0], sizes = [768, 128], strides = [1, 1]} : vector<1536x128xf32> to vector<768x128xf32>
    %dot_general3A_10 = arith.constant dense<0.000000e+00> : vector<1000x128xf32>
    %dot_general3A_11 = tpu.matmul %get3A_8, %slice3A_9, %dot_general3A_10 {dimension_numbers = #tpu.dot_dimension_numbers<[1], [0], [0], [1], [0, 0, 1, 1], [], []>, transpose_lhs_hint = false} : vector<1000x768xf32>, vector<768x128xf32>, vector<1000x128xf32> -> vector<1000x128xf32>
    %add3A = vector.broadcast %dot_general3A_5 : vector<1x128xf32> to vector<1000x128xf32>
    %add3A_12 = arith.addf %dot_general3A_11, %add3A : vector<1000x128xf32>
    %swap3A = arith.constant 0 : index
    %swap3A_13 = arith.constant 0 : index
    %swap3A_14 = vector.load %arg6[%swap3A, %swap3A_13] : memref<1000x128xf32, #tpu.memory_space<vmem>>, vector<1000x128xf32>
    tpu.vector_store %arg6[%swap3A, %swap3A_13], %add3A_12 {strides = array<i32>} : memref<1000x128xf32, #tpu.memory_space<vmem>>, vector<1000x128xf32>,
    %get3A_15 = arith.constant 0 : index
    %get3A_16 = arith.constant 0 : index
    %get3A_17 = vector.load %arg4[%get3A_15, %get3A_16] : memref<128x1xf32, #tpu.memory_space<vmem>>, vector<128x1xf32>
    %dot_general3A_18 = arith.constant dense<0.000000e+00> : vector<1000x1xf32>
    %dot_general3A_19 = tpu.matmul %add3A_12, %get3A_17, %dot_general3A_18 {dimension_numbers = #tpu.dot_dimension_numbers<[1], [0], [0], [1], [0, 0, 1, 1], [], []>, transpose_lhs_hint = false} : vector<1000x128xf32>, vector<128x1xf32>, vector<1000x1xf32> -> vector<1000x1xf32>
    %swap3A_20 = arith.constant 0 : index
    %swap3A_21 = arith.constant 0 : index
    %swap3A_22 = vector.load %arg7[%swap3A_20, %swap3A_21] : memref<1000x1xf32, #tpu.memory_space<vmem>>, vector<1000x1xf32>
    tpu.vector_store %arg7[%swap3A_20, %swap3A_21], %dot_general3A_19 {strides = array<i32>} : memref<1000x1xf32, #tpu.memory_space<vmem>>, vector<1000x1xf32>,
    %get3A_23 = arith.constant 0 : index
    %get3A_24 = arith.constant 0 : index
    %get3A_25 = vector.load %arg5[%get3A_23, %get3A_24] : memref<128x1xf32, #tpu.memory_space<vmem>>, vector<128x1xf32>
    %dot_general3A_26 = arith.constant dense<0.000000e+00> : vector<1000x1xf32>
    %dot_general3A_27 = tpu.matmul %add3A_12, %get3A_25, %dot_general3A_26 {dimension_numbers = #tpu.dot_dimension_numbers<[1], [0], [0], [1], [0, 0, 1, 1], [], []>, transpose_lhs_hint = false} : vector<1000x128xf32>, vector<128x1xf32>, vector<1000x1xf32> -> vector<1000x1xf32>
    %swap3A_28 = arith.constant 0 : index
    %swap3A_29 = arith.constant 0 : index
    %swap3A_30 = vector.load %arg8[%swap3A_28, %swap3A_29] : memref<1000x1xf32, #tpu.memory_space<vmem>>, vector<1000x1xf32>
    tpu.vector_store %arg8[%swap3A_28, %swap3A_29], %dot_general3A_27 {strides = array<i32>} : memref<1000x1xf32, #tpu.memory_space<vmem>>, vector<1000x1xf32>,
    return
  }
  func.func @transform_0(%arg0: i32) -> (i32, i32) {
    %c0_i32 = arith.constant 0 : i32
    %c0_i32_0 = arith.constant 0 : i32
    return %arg0, %c0_i32 : i32, i32
  }
  func.func @transform_1(%arg0: i32) -> (i32, i32) {
    %c0_i32 = arith.constant 0 : i32
    %c0_i32_0 = arith.constant 0 : i32
    %c0_i32_1 = arith.constant 0 : i32
    return %c0_i32, %c0_i32_0 : i32, i32
  }
  func.func @transform_2(%arg0: i32) -> (i32, i32) {
    %c0_i32 = arith.constant 0 : i32
    %c0_i32_0 = arith.constant 0 : i32
    %c0_i32_1 = arith.constant 0 : i32
    return %c0_i32, %c0_i32_0 : i32, i32
  }
  func.func @transform_3(%arg0: i32) -> (i32, i32) {
    %c0_i32 = arith.constant 0 : i32
    %c0_i32_0 = arith.constant 0 : i32
    %c0_i32_1 = arith.constant 0 : i32
    return %c0_i32, %c0_i32_0 : i32, i32
  }
  func.func @transform_4(%arg0: i32) -> (i32, i32) {
    %c0_i32 = arith.constant 0 : i32
    %c0_i32_0 = arith.constant 0 : i32
    %c0_i32_1 = arith.constant 0 : i32
    return %c0_i32, %c0_i32_0 : i32, i32
  }
  func.func @transform_5(%arg0: i32) -> (i32, i32) {
    %c0_i32 = arith.constant 0 : i32
    %c0_i32_0 = arith.constant 0 : i32
    return %arg0, %c0_i32 : i32, i32
  }
  func.func @transform_6(%arg0: i32) -> (i32, i32) {
    %c0_i32 = arith.constant 0 : i32
    %c0_i32_0 = arith.constant 0 : i32
    return %arg0, %c0_i32 : i32, i32
  }
  func.func @transform_7(%arg0: i32) -> (i32, i32) {
    %c0_i32 = arith.constant 0 : i32
    %c0_i32_0 = arith.constant 0 : i32
    return %arg0, %c0_i32 : i32, i32
  }
}

module attributes {stable_mosaic.version = 14 : i64} {
  func.func @_tc2_body(%arg0: i32, %arg1: memref<2x1000x128xf32, #tpu.memory_space<vmem>>, %arg2: memref<2x1000x1xf32, #tpu.memory_space<vmem>>, %arg3: memref<1x128xf32, #tpu.memory_space<vmem>>, %arg4: memref<128x128xf32, #tpu.memory_space<vmem>>, %arg5: memref<128x1xf32, #tpu.memory_space<vmem>>, %arg6: memref<128x1xf32, #tpu.memory_space<vmem>>, %arg7: memref<1000x128xf32, #tpu.memory_space<vmem>>, %arg8: memref<1000x1xf32, #tpu.memory_space<vmem>>, %arg9: memref<1000x1xf32, #tpu.memory_space<vmem>>) attributes {dimension_semantics = [#tpu.dimension_semantics<arbitrary>], iteration_bounds = array<i64: 10>, scalar_prefetch = 0 : i64, scratch_operands = 0 : i64, tpu.core_type = #tpu.core_type<tc>, window_params = [{transform_indices = @transform_0, window_bounds = array<i64: 2, 1000, 128>}, {transform_indices = @transform_1, window_bounds = array<i64: 2, 1000, 1>}, {pipeline_mode = #tpu.pipeline_mode<synchronous>, transform_indices = @transform_2, window_bounds = array<i64: 1, 128>}, {pipeline_mode = #tpu.pipeline_mode<synchronous>, transform_indices = @transform_3, window_bounds = array<i64: 128, 128>}, {pipeline_mode = #tpu.pipeline_mode<synchronous>, transform_indices = @transform_4, window_bounds = array<i64: 128, 1>}, {pipeline_mode = #tpu.pipeline_mode<synchronous>, transform_indices = @transform_5, window_bounds = array<i64: 128, 1>}, {transform_indices = @transform_6, window_bounds = array<i64: 1000, 128>}, {transform_indices = @transform_7, window_bounds = array<i64: 1000, 1>}, {transform_indices = @transform_8, window_bounds = array<i64: 1000, 1>}]} {
    %get3A = arith.constant 0 : index
    %get3A_0 = arith.constant 0 : index
    %get3A_1 = arith.constant 0 : index
    %get3A_2 = vector.load %arg2[%get3A, %get3A_0, %get3A_1] : memref<2x1000x1xf32, #tpu.memory_space<vmem>>, vector<1x1000x1xf32>
    %get3A_3 = vector.shape_cast %get3A_2 : vector<1x1000x1xf32> to vector<1000x1xf32>
    %get3A_4 = arith.constant 1 : index
    %get3A_5 = arith.constant 0 : index
    %get3A_6 = arith.constant 0 : index
    %get3A_7 = vector.load %arg2[%get3A_4, %get3A_5, %get3A_6] : memref<2x1000x1xf32, #tpu.memory_space<vmem>>, vector<1x1000x1xf32>
    %get3A_8 = vector.shape_cast %get3A_7 : vector<1x1000x1xf32> to vector<1000x1xf32>
    %add3A = arith.addf %get3A_3, %get3A_8 : vector<1000x1xf32>
    %get3A_9 = arith.constant 0 : index
    %get3A_10 = arith.constant 0 : index
    %get3A_11 = arith.constant 0 : index
    %get3A_12 = vector.load %arg1[%get3A_9, %get3A_10, %get3A_11] : memref<2x1000x128xf32, #tpu.memory_space<vmem>>, vector<1x1000x128xf32>
    %get3A_13 = vector.shape_cast %get3A_12 : vector<1x1000x128xf32> to vector<1000x128xf32>
    %get3A_14 = arith.constant 1 : index
    %get3A_15 = arith.constant 0 : index
    %get3A_16 = arith.constant 0 : index
    %get3A_17 = vector.load %arg1[%get3A_14, %get3A_15, %get3A_16] : memref<2x1000x128xf32, #tpu.memory_space<vmem>>, vector<1x1000x128xf32>
    %get3A_18 = vector.shape_cast %get3A_17 : vector<1x1000x128xf32> to vector<1000x128xf32>
    %add3A_19 = arith.addf %get3A_13, %get3A_18 : vector<1000x128xf32>
    %add3A_20 = arith.constant 1.000000e-16 : f32
    %add3A_21 = vector.broadcast %add3A_20 : f32 to vector<1000x1xf32>
    %add3A_22 = arith.addf %add3A, %add3A_21 : vector<1000x1xf32>
    %div3A = vector.broadcast %add3A_22 : vector<1000x1xf32> to vector<1000x128xf32>
    %div3A_23 = arith.divf %add3A_19, %div3A : vector<1000x128xf32>
    %get3A_24 = arith.constant 0 : index
    %get3A_25 = arith.constant 0 : index
    %get3A_26 = vector.load %arg3[%get3A_24, %get3A_25] : memref<1x128xf32, #tpu.memory_space<vmem>>, vector<1x128xf32>
    %add3A_27 = vector.broadcast %get3A_26 : vector<1x128xf32> to vector<1000x128xf32>
    %add3A_28 = arith.addf %div3A_23, %add3A_27 : vector<1000x128xf32>
    %gt3A = arith.constant 0.000000e+00 : f32
    %gt3A_29 = vector.broadcast %gt3A : f32 to vector<1000x128xf32>
    %gt3A_30 = arith.cmpf ogt, %add3A_28, %gt3A_29 : vector<1000x128xf32>
    %exp3A = math.exp %add3A_28 : vector<1000x128xf32>
    %sub3A = arith.constant 1.000000e+00 : f32
    %sub3A_31 = vector.broadcast %sub3A : f32 to vector<1000x128xf32>
    %sub3A_32 = arith.subf %exp3A, %sub3A_31 : vector<1000x128xf32>
    %select_n3A = arith.select %gt3A_30, %add3A_28, %sub3A_32 : vector<1000x128xi1>, vector<1000x128xf32>
    %get3A_33 = arith.constant 0 : index
    %get3A_34 = arith.constant 0 : index
    %get3A_35 = vector.load %arg4[%get3A_33, %get3A_34] : memref<128x128xf32, #tpu.memory_space<vmem>>, vector<128x128xf32>
    %dot_general3A = arith.constant dense<0.000000e+00> : vector<1000x128xf32>
    %dot_general3A_36 = tpu.matmul %select_n3A, %get3A_35, %dot_general3A {dimension_numbers = #tpu.dot_dimension_numbers<[1], [0], [0], [1], [0, 0, 1, 1], [], []>, transpose_lhs_hint = false} : vector<1000x128xf32>, vector<128x128xf32>, vector<1000x128xf32> -> vector<1000x128xf32>
    %swap3A = arith.constant 0 : index
    %swap3A_37 = arith.constant 0 : index
    %swap3A_38 = vector.load %arg7[%swap3A, %swap3A_37] : memref<1000x128xf32, #tpu.memory_space<vmem>>, vector<1000x128xf32>
    tpu.vector_store %arg7[%swap3A, %swap3A_37], %dot_general3A_36 {strides = array<i32>} : memref<1000x128xf32, #tpu.memory_space<vmem>>, vector<1000x128xf32>,
    %get3A_39 = arith.constant 0 : index
    %get3A_40 = arith.constant 0 : index
    %get3A_41 = vector.load %arg5[%get3A_39, %get3A_40] : memref<128x1xf32, #tpu.memory_space<vmem>>, vector<128x1xf32>
    %dot_general3A_42 = arith.constant dense<0.000000e+00> : vector<1000x1xf32>
    %dot_general3A_43 = tpu.matmul %dot_general3A_36, %get3A_41, %dot_general3A_42 {dimension_numbers = #tpu.dot_dimension_numbers<[1], [0], [0], [1], [0, 0, 1, 1], [], []>, transpose_lhs_hint = false} : vector<1000x128xf32>, vector<128x1xf32>, vector<1000x1xf32> -> vector<1000x1xf32>
    %swap3A_44 = arith.constant 0 : index
    %swap3A_45 = arith.constant 0 : index
    %swap3A_46 = vector.load %arg8[%swap3A_44, %swap3A_45] : memref<1000x1xf32, #tpu.memory_space<vmem>>, vector<1000x1xf32>
    tpu.vector_store %arg8[%swap3A_44, %swap3A_45], %dot_general3A_43 {strides = array<i32>} : memref<1000x1xf32, #tpu.memory_space<vmem>>, vector<1000x1xf32>,
    %get3A_47 = arith.constant 0 : index
    %get3A_48 = arith.constant 0 : index
    %get3A_49 = vector.load %arg6[%get3A_47, %get3A_48] : memref<128x1xf32, #tpu.memory_space<vmem>>, vector<128x1xf32>
    %dot_general3A_50 = arith.constant dense<0.000000e+00> : vector<1000x1xf32>
    %dot_general3A_51 = tpu.matmul %dot_general3A_36, %get3A_49, %dot_general3A_50 {dimension_numbers = #tpu.dot_dimension_numbers<[1], [0], [0], [1], [0, 0, 1, 1], [], []>, transpose_lhs_hint = false} : vector<1000x128xf32>, vector<128x1xf32>, vector<1000x1xf32> -> vector<1000x1xf32>
    %swap3A_52 = arith.constant 0 : index
    %swap3A_53 = arith.constant 0 : index
    %swap3A_54 = vector.load %arg9[%swap3A_52, %swap3A_53] : memref<1000x1xf32, #tpu.memory_space<vmem>>, vector<1000x1xf32>
    tpu.vector_store %arg9[%swap3A_52, %swap3A_53], %dot_general3A_51 {strides = array<i32>} : memref<1000x1xf32, #tpu.memory_space<vmem>>, vector<1000x1xf32>,
    return
  }
  func.func @transform_0(%arg0: i32) -> (i32, i32, i32) {
    %c0_i32 = arith.constant 0 : i32
    %c0_i32_0 = arith.constant 0 : i32
    %c0_i32_1 = arith.constant 0 : i32
    return %c0_i32, %arg0, %c0_i32_0 : i32, i32, i32
  }
  func.func @transform_1(%arg0: i32) -> (i32, i32, i32) {
    %c0_i32 = arith.constant 0 : i32
    %c0_i32_0 = arith.constant 0 : i32
    %c0_i32_1 = arith.constant 0 : i32
    return %c0_i32, %arg0, %c0_i32_0 : i32, i32, i32
  }
  func.func @transform_2(%arg0: i32) -> (i32, i32) {
    %c0_i32 = arith.constant 0 : i32
    %c0_i32_0 = arith.constant 0 : i32
    %c0_i32_1 = arith.constant 0 : i32
    return %c0_i32, %c0_i32_0 : i32, i32
  }
  func.func @transform_3(%arg0: i32) -> (i32, i32) {
    %c0_i32 = arith.constant 0 : i32
    %c0_i32_0 = arith.constant 0 : i32
    %c0_i32_1 = arith.constant 0 : i32
    return %c0_i32, %c0_i32_0 : i32, i32
  }
  func.func @transform_4(%arg0: i32) -> (i32, i32) {
    %c0_i32 = arith.constant 0 : i32
    %c0_i32_0 = arith.constant 0 : i32
    %c0_i32_1 = arith.constant 0 : i32
    return %c0_i32, %c0_i32_0 : i32, i32
  }
  func.func @transform_5(%arg0: i32) -> (i32, i32) {
    %c0_i32 = arith.constant 0 : i32
    %c0_i32_0 = arith.constant 0 : i32
    %c0_i32_1 = arith.constant 0 : i32
    return %c0_i32, %c0_i32_0 : i32, i32
  }
  func.func @transform_6(%arg0: i32) -> (i32, i32) {
    %c0_i32 = arith.constant 0 : i32
    %c0_i32_0 = arith.constant 0 : i32
    return %arg0, %c0_i32 : i32, i32
  }
  func.func @transform_7(%arg0: i32) -> (i32, i32) {
    %c0_i32 = arith.constant 0 : i32
    %c0_i32_0 = arith.constant 0 : i32
    return %arg0, %c0_i32 : i32, i32
  }
  func.func @transform_8(%arg0: i32) -> (i32, i32) {
    %c0_i32 = arith.constant 0 : i32
    %c0_i32_0 = arith.constant 0 : i32
    return %arg0, %c0_i32 : i32, i32
  }
}

module attributes {stable_mosaic.version = 14 : i64} {
  func.func @_tc3_body(%arg0: i32, %arg1: memref<2x1000x128xf32, #tpu.memory_space<vmem>>, %arg2: memref<2x1000x1xf32, #tpu.memory_space<vmem>>, %arg3: memref<1x128xf32, #tpu.memory_space<vmem>>, %arg4: memref<1000x128xf32, #tpu.memory_space<vmem>>) attributes {dimension_semantics = [#tpu.dimension_semantics<arbitrary>], iteration_bounds = array<i64: 10>, scalar_prefetch = 0 : i64, scratch_operands = 0 : i64, tpu.core_type = #tpu.core_type<tc>, window_params = [{transform_indices = @transform_0, window_bounds = array<i64: 2, 1000, 128>}, {transform_indices = @transform_1, window_bounds = array<i64: 2, 1000, 1>}, {pipeline_mode = #tpu.pipeline_mode<synchronous>, transform_indices = @transform_2, window_bounds = array<i64: 1, 128>}, {transform_indices = @transform_3, window_bounds = array<i64: 1000, 128>}]} {
    %get3A = arith.constant 0 : index
    %get3A_0 = arith.constant 0 : index
    %get3A_1 = arith.constant 0 : index
    %get3A_2 = vector.load %arg2[%get3A, %get3A_0, %get3A_1] : memref<2x1000x1xf32, #tpu.memory_space<vmem>>, vector<1x1000x1xf32>
    %get3A_3 = vector.shape_cast %get3A_2 : vector<1x1000x1xf32> to vector<1000x1xf32>
    %get3A_4 = arith.constant 1 : index
    %get3A_5 = arith.constant 0 : index
    %get3A_6 = arith.constant 0 : index
    %get3A_7 = vector.load %arg2[%get3A_4, %get3A_5, %get3A_6] : memref<2x1000x1xf32, #tpu.memory_space<vmem>>, vector<1x1000x1xf32>
    %get3A_8 = vector.shape_cast %get3A_7 : vector<1x1000x1xf32> to vector<1000x1xf32>
    %add3A = arith.addf %get3A_3, %get3A_8 : vector<1000x1xf32>
    %get3A_9 = arith.constant 0 : index
    %get3A_10 = arith.constant 0 : index
    %get3A_11 = arith.constant 0 : index
    %get3A_12 = vector.load %arg1[%get3A_9, %get3A_10, %get3A_11] : memref<2x1000x128xf32, #tpu.memory_space<vmem>>, vector<1x1000x128xf32>
    %get3A_13 = vector.shape_cast %get3A_12 : vector<1x1000x128xf32> to vector<1000x128xf32>
    %get3A_14 = arith.constant 1 : index
    %get3A_15 = arith.constant 0 : index
    %get3A_16 = arith.constant 0 : index
    %get3A_17 = vector.load %arg1[%get3A_14, %get3A_15, %get3A_16] : memref<2x1000x128xf32, #tpu.memory_space<vmem>>, vector<1x1000x128xf32>
    %get3A_18 = vector.shape_cast %get3A_17 : vector<1x1000x128xf32> to vector<1000x128xf32>
    %add3A_19 = arith.addf %get3A_13, %get3A_18 : vector<1000x128xf32>
    %add3A_20 = arith.constant 1.000000e-16 : f32
    %add3A_21 = vector.broadcast %add3A_20 : f32 to vector<1000x1xf32>
    %add3A_22 = arith.addf %add3A, %add3A_21 : vector<1000x1xf32>
    %div3A = vector.broadcast %add3A_22 : vector<1000x1xf32> to vector<1000x128xf32>
    %div3A_23 = arith.divf %add3A_19, %div3A : vector<1000x128xf32>
    %get3A_24 = arith.constant 0 : index
    %get3A_25 = arith.constant 0 : index
    %get3A_26 = vector.load %arg3[%get3A_24, %get3A_25] : memref<1x128xf32, #tpu.memory_space<vmem>>, vector<1x128xf32>
    %add3A_27 = vector.broadcast %get3A_26 : vector<1x128xf32> to vector<1000x128xf32>
    %add3A_28 = arith.addf %div3A_23, %add3A_27 : vector<1000x128xf32>
    %swap3A = arith.constant 0 : index
    %swap3A_29 = arith.constant 0 : index
    %swap3A_30 = vector.load %arg4[%swap3A, %swap3A_29] : memref<1000x128xf32, #tpu.memory_space<vmem>>, vector<1000x128xf32>
    tpu.vector_store %arg4[%swap3A, %swap3A_29], %add3A_28 {strides = array<i32>} : memref<1000x128xf32, #tpu.memory_space<vmem>>, vector<1000x128xf32>,
    return
  }
  func.func @transform_0(%arg0: i32) -> (i32, i32, i32) {
    %c0_i32 = arith.constant 0 : i32
    %c0_i32_0 = arith.constant 0 : i32
    %c0_i32_1 = arith.constant 0 : i32
    return %c0_i32, %arg0, %c0_i32_0 : i32, i32, i32
  }
  func.func @transform_1(%arg0: i32) -> (i32, i32, i32) {
    %c0_i32 = arith.constant 0 : i32
    %c0_i32_0 = arith.constant 0 : i32
    %c0_i32_1 = arith.constant 0 : i32
    return %c0_i32, %arg0, %c0_i32_0 : i32, i32, i32
  }
  func.func @transform_2(%arg0: i32) -> (i32, i32) {
    %c0_i32 = arith.constant 0 : i32
    %c0_i32_0 = arith.constant 0 : i32
    %c0_i32_1 = arith.constant 0 : i32
    return %c0_i32, %c0_i32_0 : i32, i32
  }
  func.func @transform_3(%arg0: i32) -> (i32, i32) {
    %c0_i32 = arith.constant 0 : i32
    %c0_i32_0 = arith.constant 0 : i32
    return %arg0, %c0_i32 : i32, i32
  }
}

</mosaic_0001>

<sc_bundles>
// kernel: kernel.10.cloned.1.call-start
scs
__scs_entry_jumppad:
0x0: {  	(pc) =	sbr.rel $0x88, $3  }
0x1: {  	(tag) =	ssettag $0x0;
	lr =	simm.s32 $0x1  }
0x2: {  	[smem:$0x3F96] =	sst lr;
	_ =	strace $0xD0000000  }
0x3: {  	_ = 	snop  }
0x4: {  	_ = 	snop  }
0x5: {  	_ = 	snop  }
0x6: {  	_ = 	snop  }
0x7: {  	_ = 	snop  }
__scs_overlays_trampoline_lowered:
0x8: {  	[smem:$0x3FA5] =	sst s0  }
0x9: {  	[smem:$0x3FA6] =	sst s1  }
0xa: {  	[smem:$0x3FA7] =	sst s2  }
0xb: {  	[smem:$0x3FA8] =	sst s3  }
0xc: {  	[smem:$0x3FA9] =	sst s4  }
0xd: {  	[smem:$0x3FAA] =	sst s5  }
0xe: {  	[smem:$0x3FAB] =	sst s6  }
0xf: {  	[smem:$0x3FAC] =	sst s7  }
0x10: {  	[smem:$0x3FAD] =	sst s8  }
0x11: {  	[smem:$0x3FAE] =	sst s9;
	s0 =	simm.s32 @!p0 $0x0  }
0x12: {  	s1 =	sld [smem:$0x3F94];
	s0 =	simm.s32 @p0 $0x1  }
0x13: {  	[smem:$0x3FAF] =	sst s0;
	s0 =	simm.s32 @!p1 $0x0  }
0x14: {  	s2 =	sld [smem:$0x3F93];
	s0 =	simm.s32 @p1 $0x1  }
0x15: {  	[smem:$0x3FB0] =	sst s0;
	s0 =	simm.s32 @!p2 $0x0  }
0x16: {  	s3 =	sld [smem:$0x3FDB];
	s0 =	simm.s32 @p2 $0x1  }
0x17: {  	s4 =	simm.s32 $0x1BF5;
	[smem:$0x3FB2] =	sst s0  }
0x18: {  	s0 =	sld [smem:$0x3F95];
	_ =	swait.ge [sflag:s4], $0x0  }
0x19: {  	s7 =	sld [smem:$0x3F96]  }
0x1a: {  	s8 =	sadd.s32 $0xFFFFE003, lr  }
0x1b: {  	s9 =	sadd.s32 $0xFFFFFEF7, lr;
	s5 =	simm.s32 $0xFFFFFFFF;
	p2 =	slt.u32 s8, $0xFFFFF086  }
0x1c: {  	p1 =	slt.u32 s9, $0xF7A;
	s5 =	simm.s32 @!p2 $0x0  }
0x1d: {  	s5 =	simm.s32 @p1 $0x1;
	p0 =	seq.s32 s7, s2  }
0x1e: {  	s7 =	smul.u32 @!p0 $0xF7A, s2;
	p2 =	seq.s32 @!p0 s5, $0x0  }
0x1f: {  	s9 =	smul.u32 $0xF7A, s1;
	s8 =	simm.s32 @!p0 $0x1BF5;
	p2 =	por !p2, p0  }
0x20: {  	[sflag:s8] =	ssyncset.s32 @!p0 $0xFFFFF086;
	s6 =	sadd.s32 @!p0 s3, s7;
	s7 =	simm.s32 @!p0 $0x108  }
0x21: {  	s3 =	sadd.s32 s3, s9;
	s6 =	sadd.s32 @!p0 $0x88, s6;
	s7 =	simm.s32 @p2 $0x1082  }
0x22: {  	[simem:s7], [sflag:s8] =	dma.local @!p0 [hbm:s6], $0xF7A  }
0x23: {  	s9 =	sor.u32 $0xD0000000, s2;
	s6 =	simm.s32 $0x108;
	_ =	swait.ge @!p0 [sflag:s8], $0x0  }
0x24: {  	s3 =	sadd.s32 $0x88, s3;
	s6 =	simm.s32 @!p1 $0x1082;
	[sflag:s4] =	ssyncset.s32 $0xFFFFF086  }
0x25: {  	[simem:s6], [sflag:s4] =	dma.local [hbm:s3], $0xF7A  }
0x26: {  	[smem:$0x3F96] =	sst s1;
	(tag) =	ssettag s2;
	_ =	strace s9  }
0x27: {  	s1 =	sld [smem:$0x3FA6]  }
0x28: {  	s2 =	sld [smem:$0x3FA7]  }
0x29: {  	s4 =	sld [smem:$0x3FA9]  }
0x2a: {  	p0 =	seq.s32 s5, $0x0;
	s5 =	sld [smem:$0x3FAA]  }
0x2b: {  	s6 =	sld [smem:$0x3FAB]  }
0x2c: {  	s7 =	sld [smem:$0x3FAC]  }
0x2d: {  	s3 =	simm.s32 $0x108;
	s8 =	sld [smem:$0x3FAD]  }
0x2e: {  	s3 =	simm.s32 @!p0 $0x1082;
	s9 =	sld [smem:$0x3FAE]  }
0x2f: {  	lr =	sadd.s32 s0, s3;
	s0 =	sld [smem:$0x3FA5]  }
0x30: {  	s3 =	sld [smem:$0x3FA8]  }
0x31: {  	[smem:$0x3FB1] =	sst s10  }
0x32: {  	s10 =	sld [smem:$0x3FAF];
	_ =	sdelay $0x3  }
0x33: {  	p0 =	seq.s32 s10, $0x1;
	s10 =	sld [smem:$0x3FB1];
	_ =	sdelay $0x3  }
0x34: {  	[smem:$0x3FB1] =	sst s10  }
0x35: {  	s10 =	sld [smem:$0x3FB0];
	_ =	sdelay $0x3  }
0x36: {  	p1 =	seq.s32 s10, $0x1;
	s10 =	sld [smem:$0x3FB1];
	_ =	sdelay $0x3  }
0x37: {  	[smem:$0x3FB1] =	sst s10  }
0x38: {  	s10 =	sld [smem:$0x3FB2]  }
0x39: {  	_ = 	snop;
	(pc) =	sbr.ind lr, $3  }
0x3a: {  	_ = 	snop  }
0x3b: {  	_ = 	snop  }
0x3c: {  	p2 =	seq.s32 s10, $0x1;
	s10 =	sld [smem:$0x3FB1]  }
0x3d: {  	_ =	shalt  }
0x3e: {  	_ =	shalt  }
0x3f: {  	_ =	shalt  }
0x40: {  	_ =	shalt  }
0x41: {  	_ =	shalt  }
0x42: {  	_ =	shalt  }
0x43: {  	_ =	shalt  }
0x44: {  	_ =	shalt  }
0x45: {  	_ =	shalt  }
0x46: {  	_ =	shalt  }
0x47: {  	_ =	shalt  }
0x48: {  	_ =	shalt  }
0x49: {  	_ =	shalt  }
0x4a: {  	_ =	shalt  }
0x4b: {  	_ =	shalt  }
0x4c: {  	_ =	shalt  }
0x4d: {  	_ =	shalt  }
0x4e: {  	_ =	shalt  }
0x4f: {  	_ =	shalt  }
0x50: {  	_ =	shalt  }
0x51: {  	_ =	shalt  }
0x52: {  	_ =	shalt  }
0x53: {  	_ =	shalt  }
0x54: {  	_ =	shalt  }
0x55: {  	_ =	shalt  }
0x56: {  	_ =	shalt  }
0x57: {  	_ =	shalt  }
0x58: {  	_ =	shalt  }
0x59: {  	_ =	shalt  }
0x5a: {  	_ =	shalt  }
0x5b: {  	_ =	shalt  }
0x5c: {  	_ =	shalt  }
0x5d: {  	_ =	shalt  }
0x5e: {  	_ =	shalt  }
0x5f: {  	_ =	shalt  }
0x60: {  	_ =	shalt  }
0x61: {  	_ =	shalt  }
0x62: {  	_ =	shalt  }
0x63: {  	_ =	shalt  }
0x64: {  	_ =	shalt  }
0x65: {  	_ =	shalt  }
0x66: {  	_ =	shalt  }
0x67: {  	_ =	shalt  }
0x68: {  	_ =	shalt  }
0x69: {  	_ =	shalt  }
0x6a: {  	_ =	shalt  }
0x6b: {  	_ =	shalt  }
0x6c: {  	_ =	shalt  }
0x6d: {  	_ =	shalt  }
0x6e: {  	_ =	shalt  }
0x6f: {  	_ =	shalt  }
0x70: {  	_ =	shalt  }
0x71: {  	_ =	shalt  }
0x72: {  	_ =	shalt  }
0x73: {  	_ =	shalt  }
0x74: {  	_ =	shalt  }
0x75: {  	_ =	shalt  }
0x76: {  	_ =	shalt  }
0x77: {  	_ =	shalt  }
0x78: {  	_ =	shalt  }
0x79: {  	_ =	shalt  }
0x7a: {  	_ =	shalt  }
0x7b: {  	_ =	shalt  }
0x7c: {  	_ =	shalt  }
0x7d: {  	_ =	shalt  }
0x7e: {  	_ =	shalt  }
0x7f: {  	_ =	shalt  }
0x80: {  	_ =	shalt  }
0x81: {  	_ =	shalt  }
0x82: {  	_ =	shalt  }
0x83: {  	_ =	shalt  }
0x84: {  	_ =	shalt  }
0x85: {  	_ =	shalt  }
0x86: {  	_ =	shalt  }
0x87: {  	_ =	shalt  }
.Lfunc_end0:
.L_simem_size_0:
called_computation.1_lowered:
.L_overlay_start_0:
0x88: {  	s2 =	sld [smem:$0x3FD9]  }
0x89: {  	s3 =	sld [smem:$0x3FFE];
	_ =	sdelay $0x1  }
0x8a: {  	s1 =	srdreg.scid  }
0x8b: {  	s0 =	sand.u32 $0x1, s1  }
0x8c: {  	s17 =	sshll.u32 s0, $0xA;
	s2 =	sadd.s32 s3, s2  }
0x8d: {  	s2 =	sadd.s32 s2, s17  }
0x8e: {  	[smem:$0x3FBD] =	sst s2  }
0x8f: {  	_ = 	snop  }
0x90: {  	s2 =	sld [smem:$0x3FD0];
	(tm) =	ssettm $0x1  }
0x91: {  	s18 =	sld [smem:$0x3FFB];
	_ =	sdelay $0x3  }
0x92: {  	_ =	strace s18  }
0x93: {  	s3 =	sld [smem:$0x3FFC];
	_ =	sdelay $0x3  }
0x94: {  	_ =	strace s3  }
0x95: {  	s3 =	sld [smem:$0x3FFD];
	_ =	sdelay $0x3  }
0x96: {  	_ =	strace s3  }
0x97: {  	_ =	strace $0x8FFFFFFF  }
0x98: {  	s19 =	sld [smem:$0x3FDB];
	_ =	sdelay $0x1  }
0x99: {  	s4 =	simm.s32 $_scs_section_size  }
0x9a: {  	s5 =	simm.s32 $_size__tile_overlayer_lowered;
	s6 =	simm.s32 $_tile_overlayer_lowered  }
0x9b: {  	s22 =	simm.s32 $0x1BFF;
	s21 =	sshll.u32 s6, $0x1;
	s3 =	sadd.s32 s4, s19  }
0x9c: {  	s7 =	simm.s32 $0x0;
	s20 =	sshll.u32 s5, $0x1;
	s5 =	sadd.s32 s21, s3  }
0x9d: {  	[timem:s7], [sflag:s22] =	dma.local [hbm:s5], s20  }
0x9e: {  	_ =	swait.ge [sflag:s22], s20  }
0x9f: {  	s4 =	ssub.s32 $0x0, s20;
	[sflag:s22] =	ssyncset.done $0x0  }
0xa0: {  	[sflag:s22] =	ssyncadd.s32 s4;
	_ =	sdelay $0x1  }
0xa1: {  	s23 =	simm.s32 $0x1B8B  }
0xa2: {  	_ =	swait.ge [sflag:s23], $0x1  }
0xa3: {  	[sflag:s23] =	ssyncset.done $0x0  }
0xa4: {  	s25 =	simm.s32 $0x1B8E;
	s24 =	sld [smem:$0x3FFE];
	[sflag:s23] =	ssyncadd.s32 $0xFFFFFFFF  }
0xa5: {  	s26 =	simm.s32 $execute0_lowered;
	[smem:$0x3FD2] =	sst s25  }
0xa6: {  	s5 =	sshll.u32 s26, $0x1;
	_ =	strace $0x80000049;
	[dreg:$0x1] =	wrdreg $0xFFFFFFFF  }
0xa7: {  	s28 =	simm.s32 $_size_execute0_lowered;
	s3 =	sadd.s32 s3, s5;
	[dreg:$0x0] =	wrdreg $0x0  }
0xa8: {  	s5 =	sshll.u32 s28, $0x1;
	[dreg:$0x2] =	wrdreg s3  }
0xa9: {  	[dreg:$0x3] =	wrdreg s5  }
0xaa: {  	[dreg:$0x4] =	wrdreg $0xC0  }
0xab: {  	_ =	task [dreg:s7], $0x5FFFF  }
0xac: {  	[dreg:$0x1] =	wrdreg $0xFFFFFFFF  }
0xad: {  	[dreg:$0x0] =	wrdreg $0x60  }
0xae: {  	[dreg:$0x2] =	wrdreg s2  }
0xaf: {  	[dreg:$0x3] =	wrdreg s24  }
0xb0: {  	[dreg:$0x4] =	wrdreg $0x45800  }
0xb1: {  	[dreg:$0x5] =	wrdreg $0x17E000  }
0xb2: {  	[dreg:$0x6] =	wrdreg $0x9  }
0xb3: {  	_ =	task.clear_ibuf [dreg:s7], $0x7FFFF;
	_ =	strace $0x90000049  }
0xb4: {  	s29 =	simm.s32 $0x9;
	_ =	strace $0x8000004B  }
0xb5: {  	_ =	swait.ge [sflag:s29], $0x1  }
0xb6: {  	[sflag:s29] =	ssyncadd.s32 $0xFFFFFFFF  }
0xb7: {  	_ =	strace $0x9000004B  }
0xb8: {  	_ =	sfence  }
0xb9: {  	s30 =	sld [smem:$0x0];
	_ =	sdelay $0x2  }
0xba: {  	s31 =	sshll.u32 s1, $0xD;
	s1 =	sshrl.u32 s1, $0x2  }
0xbb: {  	s3 =	sand.u32 $0x4000, s31;
	s1 =	sadd.s32 s1, s30  }
0xbc: {  	s0 =	sor.u32 s3, s0;
	s1 =	sshll.u32 s1, $0x11  }
0xbd: {  	s0 =	sor.u32 s1, s0  }
0xbe: {  	s0 =	sadd.s32 $0x8F2B, s0  }
0xbf: {  	[sflag:s0] =	ssyncadd.remote.s32 $0x1  }
0xc0: {  	_ =	sfence.sel $0xFFFF  }
0xc1: {  	[dreg:$0x0] =	wrdreg $0xFFFFFFFF;
	(pc) =	sbr.abs _section_cstart, $3  }
0xc2: {  	[dreg:$0x1] =	wrdreg $0xFFFFFFFF  }
0xc3: {  	_ =	task.clear_ibuf [dreg:s7], $0x2FFFF;
	_ =	strace $0x9FFFFFFF  }
0xc4: {  	(tm) =	ssettm $0x7FFFFFFF  }
0xc5: {  	_ =	shalt  }
tec
execute0_lowered:
.L_overlay_start_1:
0x0: {  	(tag) =	ssettag $0x1  }
0x1: {  	s1 =	rddreg [dreg:$0x0]  }
0x2: {  	s0 =	rddreg [dreg:$0x1]  }
0x3: {  	s3 =	rddreg [dreg:$0x2]  }
0x4: {  	s4 =	rddreg [dreg:$0x3]  }
0x5: {  	s2 =	srdreg.scid;
	s16 =	stileid.u32  }
0x6: {  	s5 =	simm.s32 $0x0;
	s28 =	simm.s32 $0x200;
	s29 =	simm.s32 $0x80  }
0x7: {  	s30 =	simm.s32 $0x4480;
	s31 =	simm.s32 $0x4500;
	s10 =	smul.u32 $0x13880, s16  }
0x8: {  	s2 =	sand.u32 $0x1, s2;
	[smem:$0x7FF] =	sst s5;
	s12 =	smul.u32 $0x278, s16  }
0x9: {  	s6 =	sadd.s32 $0x14800, s0;
	s7 =	sadd.s32 $0x14E00, s0;
	s14 =	smul.u32 $0x4E200, s16  }
0xa: {  	s8 =	sadd.s32 $0xA800, s0;
	s9 =	sadd.s32 $0x800, s0;
	s11 =	smul.u32 $0x138800, s2  }
0xb: {  	_ =	strace $0x8000004A;
	s13 =	smul.u32 $0x2780, s2;
	s15 =	ssub.s32 $0x2, s2  }
0xc: {  	s2 =	sshll.u32 s2, $0x4;
	s18 =	sshrl.u32 s15, $0x1;
	s14 =	sshrl.u32 s14, $0x2  }
0xd: {  	s2 =	sor.u32 s16, s2;
	s11 =	sadd.s32 s10, s11;
	s13 =	sadd.s32 s12, s13  }
0xe: {  	s19 =	sadd.s32 s14, s3;
	s10 =	sadd.s32 s10, s3;
	s11 =	sshrl.u32 s11, $0x3  }
0xf: {  	s13 =	sshrl.u32 s13, $0x3;
	s14 =	sadd.s32 $0x4000, s19;
	s20 =	sadd.s32 $0x8000, s19  }
0x10: {  	s21 =	sadd.s32 $0xC000, s19;
	s22 =	sadd.s32 $0x10000, s19;
	[dreg:$0x5] =	wrdreg s14  }
0x11: {  	s11 =	sadd.s32 s11, s0;
	s0 =	sadd.s32 s13, s0;
	[dreg:$0x6] =	wrdreg s20  }
0x12: {  	s13 =	ssub.s32 s15, s18;
	[dreg:$0x7] =	wrdreg s21;
	s14 =	sadd.s32 s12, s4  }
0x13: {  	v0 =	vlaneseq.u32;
	[dreg:$0x8] =	wrdreg s22;
	s20 =	smul.u32 $0x2800, s2;
	s23 =	sadd.s32 $0x80, s14  }
0x14: {  	v7 =	vmul.u32 $0xFFFFFFFF, v0;
	s2 =	simm.s32 $0x1;
	s24 =	sadd.s32 $0x100, s14;
	[dreg:$0x9] =	wrdreg s23  }
0x15: {  	s25 =	sadd.s32 $0x180, s14;
	s26 =	sadd.s32 $0x200, s14;
	[dreg:$0xa] =	wrdreg s24  }
0x16: {  	v0 =	vimm.f32 $0.0e+00;
	v1 =	vadd.s32 $0x2700, v7;
	s21 =	sadd.s32 $0x15E00, s11;
	s22 =	sadd.s32 $0x15400, s0;
	[dreg:$0xb] =	wrdreg s25  }
0x17: {  	v2 =	vadd.s32 $0x26F0, v7;
	v3 =	vadd.s32 $0x26E0, v7;
	v4 =	vadd.s32 $0x26D0, v7;
	s0 =	simm.s32 $0x2;
	[dreg:$0xc] =	wrdreg s26;
	s23 =	smax.u32 s13, $0x1  }
0x18: {  	v5 =	vadd.s32 $0x26C0, v7;
	v6 =	vadd.s32 $0x26B0, v7;
	v7 =	vadd.s32 $0x26A0, v7;
	s24 =	simm.s32 $0x400;
	s25 =	simm.s32 $0x3;
	s26 =	simm.s32 $0x4400  }
.LBB2_1:
0x19: {  	s11 =	simm.s32 $0x0;
	s12 =	simm.s32 $0x200  }
.LBB2_2:
0x1a: {  	p0 =	sne.s32 s12, $0xFE00;
	[tilespmem:s11+$0x470] =	vst v0  }
0x1b: {  	[tilespmem:s11+$0x400] =	vst v0  }
0x1c: {  	[tilespmem:s11+$0x410] =	vst v0  }
.Ltmp0:
0x1d: {  	[tilespmem:s11+$0x420] =	vst v0;
	(pc) =	sbr.rel @p0 .LBB2_2-.Ltmp0, $4  }
0x1e: {  	[tilespmem:s11+$0x430] =	vst v0  }
0x1f: {  	[tilespmem:s11+$0x440] =	vst v0  }
0x20: {  	[tilespmem:s11+$0x450] =	vst v0  }
0x21: {  	[tilespmem:s11+$0x460] =	vst v0;
	s11 =	sshra.s32 s12, $0x2;
	s12 =	sadd.s32 $0x200, s12  }
0x22: {  	[tilespmem:s11+$0x470] =	vst v0  }
0x23: {  	[tilespmem:s11+$0x400] =	vst v0  }
0x24: {  	[tilespmem:s11+$0x410] =	vst v0  }
0x25: {  	[tilespmem:s11+$0x420] =	vst v0  }
0x26: {  	[tilespmem:s11+$0x430] =	vst v0  }
0x27: {  	[tilespmem:s11+$0x440] =	vst v0  }
0x28: {  	[tilespmem:s11+$0x450] =	vst v0  }
0x29: {  	[tilespmem:s11+$0x460] =	vst v0  }
0x2a: {  	[tilespmem:$0x4400] =	vst v0  }
0x2b: {  	[tilespmem:$0x4410] =	vst v0  }
0x2c: {  	[tilespmem:$0x4420] =	vst v0  }
0x2d: {  	[tilespmem:$0x4430] =	vst v0  }
0x2e: {  	[tilespmem:$0x4440] =	vst v0  }
0x2f: {  	[tilespmem:$0x4450] =	vst v0  }
0x30: {  	[tilespmem:$0x4460] =	vst v0  }
0x31: {  	[tilespmem:$0x4470] =	vst v0  }
0x32: {  	[spmem:s10] =	stream.linear.scatter [tilespmem:s24], [sflag:$0x3], $0x4000, $0x38;
	[tilespmem:$0x18078] =	vst v63  }
0x33: {  	_ =	swait.ge [sflag:s25], $0x4000  }
0x34: {  	[sflag:s25] =	ssyncset.done $0x0  }
0x35: {  	s19 =	rddreg [dreg:$0x5];
	[sflag:s25] =	ssyncadd.s32 $0xFFFFC000  }
0x36: {  	[spmem:s19] =	stream.linear.scatter [tilespmem:s24], [sflag:$0x3], $0x4000, $0x38;
	[tilespmem:$0x18078] =	vst v63  }
0x37: {  	_ =	swait.ge [sflag:s25], $0x4000  }
0x38: {  	[sflag:s25] =	ssyncset.done $0x0  }
0x39: {  	s12 =	rddreg [dreg:$0x6];
	[sflag:s25] =	ssyncadd.s32 $0xFFFFC000  }
0x3a: {  	[spmem:s12] =	stream.linear.scatter [tilespmem:s24], [sflag:$0x3], $0x4000, $0x38;
	[tilespmem:$0x18078] =	vst v63  }
0x3b: {  	_ =	swait.ge [sflag:s25], $0x4000  }
0x3c: {  	[sflag:s25] =	ssyncset.done $0x0  }
0x3d: {  	s13 =	rddreg [dreg:$0x7];
	[sflag:s25] =	ssyncadd.s32 $0xFFFFC000  }
0x3e: {  	[spmem:s13] =	stream.linear.scatter [tilespmem:s24], [sflag:$0x3], $0x4000, $0x38;
	[tilespmem:$0x18078] =	vst v63  }
0x3f: {  	_ =	swait.ge [sflag:s25], $0x4000  }
0x40: {  	[sflag:s25] =	ssyncset.done $0x0  }
0x41: {  	s15 =	rddreg [dreg:$0x8];
	[sflag:s25] =	ssyncadd.s32 $0xFFFFC000  }
0x42: {  	[spmem:s15] =	stream.linear.scatter [tilespmem:s24], [sflag:$0x3], $0x3880, $0x38;
	[tilespmem:$0x18078] =	vst v63  }
0x43: {  	_ =	swait.ge [sflag:s25], $0x3880  }
0x44: {  	[sflag:s25] =	ssyncset.done $0x0  }
0x45: {  	[sflag:s25] =	ssyncadd.s32 $0xFFFFC780  }
0x46: {  	[spmem:s14] =	stream.linear.scatter [tilespmem:s26], [sflag:$0x3], $0x80, $0x38;
	[tilespmem:$0x18078] =	vst v63  }
0x47: {  	_ =	swait.ge [sflag:s25], $0x80  }
0x48: {  	[sflag:s25] =	ssyncset.done $0x0  }
0x49: {  	s16 =	rddreg [dreg:$0x9];
	[sflag:s25] =	ssyncadd.s32 $0xFFFFFF80  }
0x4a: {  	[spmem:s16] =	stream.linear.scatter [tilespmem:s26], [sflag:$0x3], $0x80, $0x38;
	[tilespmem:$0x18078] =	vst v63  }
0x4b: {  	_ =	swait.ge [sflag:s25], $0x80  }
0x4c: {  	[sflag:s25] =	ssyncset.done $0x0  }
0x4d: {  	s17 =	rddreg [dreg:$0xa];
	[sflag:s25] =	ssyncadd.s32 $0xFFFFFF80  }
0x4e: {  	[spmem:s17] =	stream.linear.scatter [tilespmem:s26], [sflag:$0x3], $0x80, $0x38;
	[tilespmem:$0x18078] =	vst v63  }
0x4f: {  	_ =	swait.ge [sflag:s25], $0x80  }
0x50: {  	[sflag:s25] =	ssyncset.done $0x0  }
0x51: {  	s18 =	rddreg [dreg:$0xb];
	[sflag:s25] =	ssyncadd.s32 $0xFFFFFF80  }
0x52: {  	[spmem:s18] =	stream.linear.scatter [tilespmem:s26], [sflag:$0x3], $0x80, $0x38;
	[tilespmem:$0x18078] =	vst v63  }
0x53: {  	_ =	swait.ge [sflag:s25], $0x80  }
0x54: {  	[sflag:s25] =	ssyncset.done $0x0  }
0x55: {  	s19 =	rddreg [dreg:$0xc];
	[sflag:s25] =	ssyncadd.s32 $0xFFFFFF80  }
0x56: {  	[spmem:s19] =	stream.linear.scatter [tilespmem:s26], [sflag:$0x3], $0x78, $0x38;
	[tilespmem:$0x18078] =	vst v63  }
0x57: {  	_ =	swait.ge [sflag:s25], $0x78  }
0x58: {  	[sflag:s25] =	ssyncset.done $0x0  }
0x59: {  	[sflag:s25] =	ssyncadd.s32 $0xFFFFFF88  }
0x5a: {  	s11 =	simm.s32 $0x0;
	s12 =	simm.s32 $0x0;
	[bflag:$0x0] =	sbarrier.arrive $0xFFFF  }
.LBB2_4:
0x5b: {  	s13 =	sshll.u32 s12, $0x9  }
0x5c: {  	s15 =	sadd.s32 s20, s13  }
0x5d: {  	s15 =	sshrl.u32 s15, $0x3  }
0x5e: {  	s16 =	sadd.s32 s8, s15  }
0x5f: {  	[tilespmem:s11], [sflag:$0x3] =	stream.linear.gather [hbm4b:s16+s11], $0x200, $0x38;
	[tilespmem:$0x18078] =	vst v63  }
0x60: {  	_ =	swait.ge [sflag:s25], $0x200  }
0x61: {  	[sflag:s25] =	ssyncset.done $0x0  }
0x62: {  	s15 =	sadd.s32 s9, s15;
	[sflag:s25] =	ssyncadd.s32 $0xFFFFFE00  }
0x63: {  	[tilespmem:s28], [sflag:$0x3] =	stream.linear.gather [hbm4b:s15+s11], $0x200, $0x38;
	[tilespmem:$0x18078] =	vst v63  }
0x64: {  	_ =	swait.ge [sflag:s25], $0x200  }
0x65: {  	[sflag:s25] =	ssyncset.done $0x0  }
0x66: {  	s15 =	simm.s32 $0x0;
	[sflag:s25] =	ssyncadd.s32 $0xFFFFFE00  }
.LBB2_5:
0x67: {  	s17 =	sshll.u32 s15, $0x7  }
0x68: {  	[tilespmem:s24], [sflag:$0x1] =	stream.indirect.gather [hbm4b:s1+s29], $0x80, s17, s29, $0xb8;
	[tilespmem:$0x18078] =	vst v63  }
0x69: {  	_ = 	snop  }
0x6a: {  	[tilespmem:s30], [sflag:$0x2] =	stream.indirect.gather [hbm4b:s6+s29], $0x1, s17, s29, $0xb8;
	[tilespmem:$0x18078] =	vst v63  }
0x6b: {  	s16 =	sadd.s32 $0x200, s17  }
0x6c: {  	[tilespmem:s31], [sflag:$0x2] =	stream.indirect.gather [hbm4b:s7+s29], $0x1, s16, s29, $0xb8;
	[tilespmem:$0x18078] =	vst v63  }
0x6d: {  	_ =	swait.ge [sflag:s0], $0x80  }
0x6e: {  	[sflag:s0] =	ssyncset.done $0x0  }
0x6f: {  	[sflag:s0] =	ssyncadd.s32 $0xFFFFFF80  }
0x70: {  	_ =	swait.ge [sflag:s0], $0x80  }
0x71: {  	[sflag:s0] =	ssyncset.done $0x0  }
0x72: {  	[sflag:s0] =	ssyncadd.s32 $0xFFFFFF80  }
0x73: {  	v8 =	vld [tilespmem:$0x4480]  }
0x74: {  	v9 =	vld [tilespmem:$0x4500]  }
0x75: {  	v10 =	vld [tilespmem:$0x4490]  }
0x76: {  	v11 =	vld [tilespmem:$0x4510]  }
0x77: {  	v12 =	vld [tilespmem:$0x44A0]  }
0x78: {  	v13 =	vld [tilespmem:$0x4520]  }
0x79: {  	v14 =	vld [tilespmem:$0x44B0]  }
0x7a: {  	v15 =	vld [tilespmem:$0x4530]  }
0x7b: {  	v16 =	vld [tilespmem:$0x44C0]  }
0x7c: {  	v17 =	vld [tilespmem:$0x4540]  }
0x7d: {  	v20 =	vld [tilespmem:$0x4560];
	v8 =	vadd.f32 v9, v8  }
0x7e: {  	v21 =	vld [tilespmem:$0x44F0];
	v10 =	vadd.f32 v11, v10  }
0x7f: {  	v9 =	vld [tilespmem:$0x44D0];
	v12 =	vadd.f32 v13, v12;
	v18 =	vmul.f32 $2.000000030e-01, v8  }
0x80: {  	v11 =	vld [tilespmem:$0x4550];
	v19 =	vmul.f32 $2.000000030e-01, v10  }
0x81: {  	v13 =	vld [tilespmem:$0x44E0];
	v8 =	vmax.f32 v8, v18;
	v18 =	vmul.f32 $2.000000030e-01, v12  }
0x82: {  	v10 =	vmax.f32 v10, v19;
	v19 =	vld [tilespmem:$0x4570];
	v8 =	vmul.f32 $1.442695020e+00, v8  }
0x83: {  	v14 =	vadd.f32 v15, v14;
	v10 =	vmul.f32 $1.442695020e+00, v10;
	v12 =	vmax.f32 v12, v18  }
0x84: {  	(erf) = vpow2.f32 v8;
	v8 =	vmul.f32 $1.442695020e+00, v12;
	v12 =	vadd.f32 v17, v16  }
0x85: {  	v9 =	vadd.f32 v11, v9;
	(erf) = vpow2.f32 v10;
	v10 =	vmul.f32 $2.000000030e-01, v14  }
0x86: {  	v11 =	vadd.f32 v20, v13;
	(erf) = vpow2.f32 v8;
	v8 =	vmul.f32 $2.000000030e-01, v12  }
0x87: {  	v13 =	vmul.f32 $2.000000030e-01, v9;
	v10 =	vmax.f32 v14, v10;
	v14 =	vadd.f32 v19, v21  }
0x88: {  	v10 =	vmul.f32 $1.442695020e+00, v10;
	v8 =	vmax.f32 v12, v8;
	v12 =	vmul.f32 $2.000000030e-01, v11  }
0x89: {  	v9 =	vmax.f32 v9, v13;
	v8 =	vmul.f32 $1.442695020e+00, v8;
	v13 =	vmul.f32 $2.000000030e-01, v14  }
0x8a: {  	v9 =	vmul.f32 $1.442695020e+00, v9;
	(erf) = vpow2.f32 v10;
	v10 =	vmax.f32 v11, v12  }
0x8b: {  	(erf) = vpow2.f32 v8;
	v8 =	vmul.f32 $1.442695020e+00, v10;
	v10 =	vmax.f32 v14, v13  }
0x8c: {  	(erf) = vpow2.f32 v9;
	v9 =	vmul.f32 $1.442695020e+00, v10  }
0x8d: {  	(erf) = vpow2.f32 v8  }
0x8e: {  	s17 =	sor.u32 s13, s17;
	(erf) = vpow2.f32 v9  }
0x8f: {  	v8 =	vmov s17  }
0x90: {  	vm0 =	vlt.u32 v8, $0x2710;
	v9 =	vpop (erf)  }
0x91: {  	vm9 =	vlt.u32 v8, v1;
	v10 =	vpop (erf);
	v15 =	vnsel vm0, $0x0, v9  }
0x92: {  	vm10 =	vlt.u32 v8, v2;
	v9 =	vpop (erf);
	[tilespmem:$0x4400] =	vst v15;
	v14 =	vnsel vm9, $0x0, v10  }
0x93: {  	vm11 =	vlt.u32 v8, v3;
	v10 =	vpop (erf);
	[tilespmem:$0x4410] =	vst v14;
	v13 =	vnsel vm10, $0x0, v9  }
0x94: {  	vm12 =	vlt.u32 v8, v4;
	v9 =	vpop (erf);
	[tilespmem:$0x4420] =	vst v13;
	v12 =	vnsel vm11, $0x0, v10  }
0x95: {  	vm13 =	vlt.u32 v8, v5;
	v10 =	vpop (erf);
	[tilespmem:$0x4430] =	vst v12;
	v11 =	vnsel vm12, $0x0, v9  }
0x96: {  	vm14 =	vlt.u32 v8, v6;
	v9 =	vpop (erf);
	[tilespmem:$0x4440] =	vst v11;
	v10 =	vnsel vm13, $0x0, v10  }
0x97: {  	vm15 =	vlt.u32 v8, v7;
	[tilespmem:$0x4450] =	vst v10;
	v9 =	vnsel vm14, $0x0, v9;
	v16 =	vpop (erf)  }
0x98: {  	[tilespmem:$0x4460] =	vst v9;
	v8 =	vnsel vm15, $0x0, v16  }
0x99: {  	[tilespmem:$0x4470] =	vst v8  }
0x9a: {  	_ =	swait.ge [sflag:s2], $0x4000  }
0x9b: {  	[sflag:s2] =	ssyncset.done $0x0  }
0x9c: {  	s17 =	simm.s32 $0x440;
	[sflag:s2] =	ssyncadd.s32 $0xFFFFC000  }
0x9d: {  	v21 =	vld [tilespmem:s17+$0xFFFFFFC0]  }
0x9e: {  	s18 =	simm.s32 $0x0;
	v23 =	vld [tilespmem:s17+$0xFFFFFFD0]  }
0x9f: {  	v16 =	vmov s18;
	v22 =	vld [tilespmem:s17+$0xFFFFFFE0]  }
0xa0: {  	v17 =	vperm.xlane v15, v16;
	v19 =	vld [tilespmem:s17+$0x0]  }
0xa1: {  	v20 =	vld [tilespmem:s17+$0x10]  }
0xa2: {  	v18 =	vld [tilespmem:s17+$0x20];
	v24 =	vmul.f32 v21, v17  }
0xa3: {  	s19 =	simm.s32 $0x440;
	s18 =	simm.s32 $0x1;
	v23 =	vmul.f32 v23, v17;
	v21 =	vld [tilespmem:s17+$0x30]  }
.LBB2_6:
0xa4: {  	p0 =	sne.s32 s18, $0xF;
	[tilespmem:s17+$0xFFFFFFC0] =	vst v24;
	v22 =	vmul.f32 v22, v17;
	v24 =	vld [tilespmem:s17+$0xFFFFFFF0];
	s19 =	sadd.s32 $0x80, s19  }
0xa5: {  	v25 =	vld [tilespmem:s19+$0xFFFFFFC0];
	[tilespmem:s17+$0xFFFFFFD0] =	vst v23;
	v19 =	vmul.f32 v19, v17  }
0xa6: {  	v23 =	vld [tilespmem:s19+$0xFFFFFFD0];
	[tilespmem:s17+$0xFFFFFFE0] =	vst v22;
	v20 =	vmul.f32 v20, v17  }
.Ltmp1:
0xa7: {  	v26 =	vmov s18;
	v22 =	vld [tilespmem:s19+$0xFFFFFFE0];
	[tilespmem:s17+$0x0] =	vst v19;
	v18 =	vmul.f32 v18, v17;
	(pc) =	sbr.rel @p0 .LBB2_6-.Ltmp1, $4  }
0xa8: {  	v26 =	vperm.xlane v15, v26;
	v19 =	vld [tilespmem:s19+$0x0];
	[tilespmem:s17+$0x10] =	vst v20;
	v21 =	vmul.f32 v21, v17  }
0xa9: {  	v20 =	vld [tilespmem:s19+$0x10];
	v27 =	vmul.f32 v24, v17;
	[tilespmem:s17+$0x20] =	vst v18  }
0xaa: {  	v17 =	vmov v26;
	v24 =	vmul.f32 v25, v26;
	v18 =	vld [tilespmem:s19+$0x20];
	[tilespmem:s17+$0x30] =	vst v21  }
0xab: {  	s18 =	sadd.s32 $0x1, s18;
	v23 =	vmul.f32 v23, v17;
	v21 =	vld [tilespmem:s19+$0x30];
	[tilespmem:s17+$0xFFFFFFF0] =	vst v27;
	s17 =	smov.u32 s19  }
0xac: {  	[tilespmem:s17+$0xFFFFFFC0] =	vst v24;
	v15 =	vmul.f32 v22, v17;
	v22 =	vld [tilespmem:s17+$0xFFFFFFF0]  }
0xad: {  	[tilespmem:s17+$0xFFFFFFD0] =	vst v23;
	v19 =	vmul.f32 v19, v17  }
0xae: {  	[tilespmem:s17+$0xFFFFFFE0] =	vst v15;
	v15 =	vmul.f32 v20, v17  }
0xaf: {  	[tilespmem:s17+$0x0] =	vst v19;
	v18 =	vmul.f32 v18, v17  }
0xb0: {  	[tilespmem:s17+$0x10] =	vst v15;
	v15 =	vmul.f32 v21, v17  }
0xb1: {  	v17 =	vmul.f32 v22, v17;
	[tilespmem:s17+$0x20] =	vst v18  }
0xb2: {  	[tilespmem:s17+$0x30] =	vst v15  }
0xb3: {  	[tilespmem:s17+$0xFFFFFFF0] =	vst v17;
	s17 =	simm.s32 $0xC70  }
0xb4: {  	v19 =	vld [tilespmem:s17+$0xFFFFFF90]  }
0xb5: {  	v21 =	vld [tilespmem:s17+$0xFFFFFFA0]  }
0xb6: {  	v20 =	vld [tilespmem:s17+$0xFFFFFFB0]  }
0xb7: {  	v15 =	vperm.xlane v14, v16;
	v17 =	vld [tilespmem:s17+$0xFFFFFFC0]  }
0xb8: {  	v18 =	vld [tilespmem:s17+$0xFFFFFFD0]  }
0xb9: {  	v16 =	vld [tilespmem:s17+$0xFFFFFFE0];
	v22 =	vmul.f32 v19, v15  }
0xba: {  	s18 =	simm.s32 $0x1;
	s19 =	simm.s32 $0xC70;
	v21 =	vmul.f32 v21, v15;
	v19 =	vld [tilespmem:s17+$0x0]  }
.LBB2_8:
0xbb: {  	p0 =	sne.s32 s18, $0xF;
	[tilespmem:s17+$0xFFFFFF90] =	vst v22;
	v20 =	vmul.f32 v20, v15;
	v22 =	vld [tilespmem:s17+$0xFFFFFFF0];
	s19 =	sadd.s32 $0x80, s19  }
0xbc: {  	v23 =	vld [tilespmem:s19+$0xFFFFFF90];
	[tilespmem:s17+$0xFFFFFFA0] =	vst v21;
	v17 =	vmul.f32 v17, v15  }
0xbd: {  	v21 =	vld [tilespmem:s19+$0xFFFFFFA0];
	[tilespmem:s17+$0xFFFFFFB0] =	vst v20;
	v18 =	vmul.f32 v18, v15  }
.Ltmp2:
0xbe: {  	v24 =	vmov s18;
	v20 =	vld [tilespmem:s19+$0xFFFFFFB0];
	[tilespmem:s17+$0xFFFFFFC0] =	vst v17;
	v16 =	vmul.f32 v16, v15;
	(pc) =	sbr.rel @p0 .LBB2_8-.Ltmp2, $4  }
0xbf: {  	v24 =	vperm.xlane v14, v24;
	v17 =	vld [tilespmem:s19+$0xFFFFFFC0];
	[tilespmem:s17+$0xFFFFFFD0] =	vst v18;
	v19 =	vmul.f32 v19, v15  }
0xc0: {  	v18 =	vld [tilespmem:s19+$0xFFFFFFD0];
	[tilespmem:s17+$0xFFFFFFE0] =	vst v16;
	v25 =	vmul.f32 v22, v15  }
0xc1: {  	v15 =	vmov v24;
	v22 =	vmul.f32 v23, v24;
	v16 =	vld [tilespmem:s19+$0xFFFFFFE0];
	[tilespmem:s17+$0x0] =	vst v19  }
0xc2: {  	s18 =	sadd.s32 $0x1, s18;
	v21 =	vmul.f32 v21, v15;
	v19 =	vld [tilespmem:s19+$0x0];
	[tilespmem:s17+$0xFFFFFFF0] =	vst v25;
	s17 =	smov.u32 s19  }
0xc3: {  	[tilespmem:s17+$0xFFFFFF90] =	vst v22;
	v14 =	vmul.f32 v20, v15;
	v20 =	vld [tilespmem:s17+$0xFFFFFFF0]  }
0xc4: {  	[tilespmem:s17+$0xFFFFFFA0] =	vst v21;
	v17 =	vmul.f32 v17, v15  }
0xc5: {  	[tilespmem:s17+$0xFFFFFFB0] =	vst v14;
	v14 =	vmul.f32 v18, v15  }
0xc6: {  	[tilespmem:s17+$0xFFFFFFC0] =	vst v17;
	v16 =	vmul.f32 v16, v15  }
0xc7: {  	[tilespmem:s17+$0xFFFFFFD0] =	vst v14;
	v14 =	vmul.f32 v19, v15  }
0xc8: {  	[tilespmem:s17+$0xFFFFFFE0] =	vst v16;
	v15 =	vmul.f32 v20, v15  }
0xc9: {  	[tilespmem:s17+$0x0] =	vst v14  }
0xca: {  	[tilespmem:s17+$0xFFFFFFF0] =	vst v15;
	s17 =	simm.s32 $0x1470  }
0xcb: {  	v19 =	vld [tilespmem:s17+$0xFFFFFF90]  }
0xcc: {  	s18 =	simm.s32 $0x0;
	v21 =	vld [tilespmem:s17+$0xFFFFFFA0]  }
0xcd: {  	v14 =	vmov s18;
	v20 =	vld [tilespmem:s17+$0xFFFFFFB0]  }
0xce: {  	v15 =	vperm.xlane v13, v14;
	v17 =	vld [tilespmem:s17+$0xFFFFFFC0]  }
0xcf: {  	v18 =	vld [tilespmem:s17+$0xFFFFFFD0]  }
0xd0: {  	v16 =	vld [tilespmem:s17+$0xFFFFFFE0];
	v22 =	vmul.f32 v19, v15  }
0xd1: {  	s19 =	simm.s32 $0x1470;
	s18 =	simm.s32 $0x1;
	v21 =	vmul.f32 v21, v15;
	v19 =	vld [tilespmem:s17+$0x0]  }
.LBB2_10:
0xd2: {  	p0 =	sne.s32 s18, $0xF;
	[tilespmem:s17+$0xFFFFFF90] =	vst v22;
	v20 =	vmul.f32 v20, v15;
	v22 =	vld [tilespmem:s17+$0xFFFFFFF0];
	s19 =	sadd.s32 $0x80, s19  }
0xd3: {  	v23 =	vld [tilespmem:s19+$0xFFFFFF90];
	[tilespmem:s17+$0xFFFFFFA0] =	vst v21;
	v17 =	vmul.f32 v17, v15  }
0xd4: {  	v21 =	vld [tilespmem:s19+$0xFFFFFFA0];
	[tilespmem:s17+$0xFFFFFFB0] =	vst v20;
	v18 =	vmul.f32 v18, v15  }
.Ltmp3:
0xd5: {  	v24 =	vmov s18;
	v20 =	vld [tilespmem:s19+$0xFFFFFFB0];
	[tilespmem:s17+$0xFFFFFFC0] =	vst v17;
	v16 =	vmul.f32 v16, v15;
	(pc) =	sbr.rel @p0 .LBB2_10-.Ltmp3, $4  }
0xd6: {  	v24 =	vperm.xlane v13, v24;
	v17 =	vld [tilespmem:s19+$0xFFFFFFC0];
	[tilespmem:s17+$0xFFFFFFD0] =	vst v18;
	v19 =	vmul.f32 v19, v15  }
0xd7: {  	v18 =	vld [tilespmem:s19+$0xFFFFFFD0];
	[tilespmem:s17+$0xFFFFFFE0] =	vst v16;
	v25 =	vmul.f32 v22, v15  }
0xd8: {  	v15 =	vmov v24;
	v22 =	vmul.f32 v23, v24;
	v16 =	vld [tilespmem:s19+$0xFFFFFFE0];
	[tilespmem:s17+$0x0] =	vst v19  }
0xd9: {  	s18 =	sadd.s32 $0x1, s18;
	v21 =	vmul.f32 v21, v15;
	v19 =	vld [tilespmem:s19+$0x0];
	[tilespmem:s17+$0xFFFFFFF0] =	vst v25;
	s17 =	smov.u32 s19  }
0xda: {  	[tilespmem:s17+$0xFFFFFF90] =	vst v22;
	v13 =	vmul.f32 v20, v15;
	v20 =	vld [tilespmem:s17+$0xFFFFFFF0]  }
0xdb: {  	[tilespmem:s17+$0xFFFFFFA0] =	vst v21;
	v17 =	vmul.f32 v17, v15  }
0xdc: {  	[tilespmem:s17+$0xFFFFFFB0] =	vst v13;
	v13 =	vmul.f32 v18, v15  }
0xdd: {  	[tilespmem:s17+$0xFFFFFFC0] =	vst v17;
	v16 =	vmul.f32 v16, v15  }
0xde: {  	[tilespmem:s17+$0xFFFFFFD0] =	vst v13;
	v13 =	vmul.f32 v19, v15  }
0xdf: {  	[tilespmem:s17+$0xFFFFFFE0] =	vst v16;
	v15 =	vmul.f32 v20, v15  }
0xe0: {  	[tilespmem:s17+$0x0] =	vst v13  }
0xe1: {  	[tilespmem:s17+$0xFFFFFFF0] =	vst v15;
	s17 =	simm.s32 $0x1C70  }
0xe2: {  	v17 =	vld [tilespmem:s17+$0xFFFFFF90]  }
0xe3: {  	v19 =	vld [tilespmem:s17+$0xFFFFFFA0]  }
0xe4: {  	v18 =	vld [tilespmem:s17+$0xFFFFFFB0]  }
0xe5: {  	v13 =	vperm.xlane v12, v14;
	v15 =	vld [tilespmem:s17+$0xFFFFFFC0]  }
0xe6: {  	v16 =	vld [tilespmem:s17+$0xFFFFFFD0]  }
0xe7: {  	v14 =	vld [tilespmem:s17+$0xFFFFFFE0];
	v20 =	vmul.f32 v17, v13  }
0xe8: {  	s18 =	simm.s32 $0x1;
	s19 =	simm.s32 $0x1C70;
	v19 =	vmul.f32 v19, v13;
	v17 =	vld [tilespmem:s17+$0x0]  }
.LBB2_12:
0xe9: {  	p0 =	sne.s32 s18, $0xF;
	[tilespmem:s17+$0xFFFFFF90] =	vst v20;
	v18 =	vmul.f32 v18, v13;
	v20 =	vld [tilespmem:s17+$0xFFFFFFF0];
	s19 =	sadd.s32 $0x80, s19  }
0xea: {  	v21 =	vld [tilespmem:s19+$0xFFFFFF90];
	[tilespmem:s17+$0xFFFFFFA0] =	vst v19;
	v15 =	vmul.f32 v15, v13  }
0xeb: {  	v19 =	vld [tilespmem:s19+$0xFFFFFFA0];
	[tilespmem:s17+$0xFFFFFFB0] =	vst v18;
	v16 =	vmul.f32 v16, v13  }
.Ltmp4:
0xec: {  	v22 =	vmov s18;
	v18 =	vld [tilespmem:s19+$0xFFFFFFB0];
	[tilespmem:s17+$0xFFFFFFC0] =	vst v15;
	v14 =	vmul.f32 v14, v13;
	(pc) =	sbr.rel @p0 .LBB2_12-.Ltmp4, $4  }
0xed: {  	v22 =	vperm.xlane v12, v22;
	v15 =	vld [tilespmem:s19+$0xFFFFFFC0];
	[tilespmem:s17+$0xFFFFFFD0] =	vst v16;
	v17 =	vmul.f32 v17, v13  }
0xee: {  	v16 =	vld [tilespmem:s19+$0xFFFFFFD0];
	[tilespmem:s17+$0xFFFFFFE0] =	vst v14;
	v23 =	vmul.f32 v20, v13  }
0xef: {  	v13 =	vmov v22;
	v20 =	vmul.f32 v21, v22;
	v14 =	vld [tilespmem:s19+$0xFFFFFFE0];
	[tilespmem:s17+$0x0] =	vst v17  }
0xf0: {  	s18 =	sadd.s32 $0x1, s18;
	v19 =	vmul.f32 v19, v13;
	v17 =	vld [tilespmem:s19+$0x0];
	[tilespmem:s17+$0xFFFFFFF0] =	vst v23;
	s17 =	smov.u32 s19  }
0xf1: {  	[tilespmem:s17+$0xFFFFFF90] =	vst v20;
	v12 =	vmul.f32 v18, v13;
	v18 =	vld [tilespmem:s17+$0xFFFFFFF0]  }
0xf2: {  	[tilespmem:s17+$0xFFFFFFA0] =	vst v19;
	v15 =	vmul.f32 v15, v13  }
0xf3: {  	[tilespmem:s17+$0xFFFFFFB0] =	vst v12;
	v12 =	vmul.f32 v16, v13  }
0xf4: {  	[tilespmem:s17+$0xFFFFFFC0] =	vst v15;
	v14 =	vmul.f32 v14, v13  }
0xf5: {  	[tilespmem:s17+$0xFFFFFFD0] =	vst v12;
	v12 =	vmul.f32 v17, v13  }
0xf6: {  	[tilespmem:s17+$0xFFFFFFE0] =	vst v14;
	v13 =	vmul.f32 v18, v13  }
0xf7: {  	[tilespmem:s17+$0x0] =	vst v12  }
0xf8: {  	[tilespmem:s17+$0xFFFFFFF0] =	vst v13;
	s17 =	simm.s32 $0x2470  }
0xf9: {  	v17 =	vld [tilespmem:s17+$0xFFFFFF90]  }
0xfa: {  	s18 =	simm.s32 $0x0;
	v19 =	vld [tilespmem:s17+$0xFFFFFFA0]  }
0xfb: {  	v12 =	vmov s18;
	v18 =	vld [tilespmem:s17+$0xFFFFFFB0]  }
0xfc: {  	v13 =	vperm.xlane v11, v12;
	v15 =	vld [tilespmem:s17+$0xFFFFFFC0]  }
0xfd: {  	v16 =	vld [tilespmem:s17+$0xFFFFFFD0]  }
0xfe: {  	v14 =	vld [tilespmem:s17+$0xFFFFFFE0];
	v20 =	vmul.f32 v17, v13  }
0xff: {  	s19 =	simm.s32 $0x2470;
	s18 =	simm.s32 $0x1;
	v19 =	vmul.f32 v19, v13;
	v17 =	vld [tilespmem:s17+$0x0]  }
.LBB2_14:
0x100: {  	p0 =	sne.s32 s18, $0xF;
	[tilespmem:s17+$0xFFFFFF90] =	vst v20;
	v18 =	vmul.f32 v18, v13;
	v20 =	vld [tilespmem:s17+$0xFFFFFFF0];
	s19 =	sadd.s32 $0x80, s19  }
0x101: {  	v21 =	vld [tilespmem:s19+$0xFFFFFF90];
	[tilespmem:s17+$0xFFFFFFA0] =	vst v19;
	v15 =	vmul.f32 v15, v13  }
0x102: {  	v19 =	vld [tilespmem:s19+$0xFFFFFFA0];
	[tilespmem:s17+$0xFFFFFFB0] =	vst v18;
	v16 =	vmul.f32 v16, v13  }
.Ltmp5:
0x103: {  	v22 =	vmov s18;
	v18 =	vld [tilespmem:s19+$0xFFFFFFB0];
	[tilespmem:s17+$0xFFFFFFC0] =	vst v15;
	v14 =	vmul.f32 v14, v13;
	(pc) =	sbr.rel @p0 .LBB2_14-.Ltmp5, $4  }
0x104: {  	v22 =	vperm.xlane v11, v22;
	v15 =	vld [tilespmem:s19+$0xFFFFFFC0];
	[tilespmem:s17+$0xFFFFFFD0] =	vst v16;
	v17 =	vmul.f32 v17, v13  }
0x105: {  	v16 =	vld [tilespmem:s19+$0xFFFFFFD0];
	[tilespmem:s17+$0xFFFFFFE0] =	vst v14;
	v23 =	vmul.f32 v20, v13  }
0x106: {  	v13 =	vmov v22;
	v20 =	vmul.f32 v21, v22;
	v14 =	vld [tilespmem:s19+$0xFFFFFFE0];
	[tilespmem:s17+$0x0] =	vst v17  }
0x107: {  	s18 =	sadd.s32 $0x1, s18;
	v19 =	vmul.f32 v19, v13;
	v17 =	vld [tilespmem:s19+$0x0];
	[tilespmem:s17+$0xFFFFFFF0] =	vst v23;
	s17 =	smov.u32 s19  }
0x108: {  	[tilespmem:s17+$0xFFFFFF90] =	vst v20;
	v11 =	vmul.f32 v18, v13;
	v18 =	vld [tilespmem:s17+$0xFFFFFFF0]  }
0x109: {  	[tilespmem:s17+$0xFFFFFFA0] =	vst v19;
	v15 =	vmul.f32 v15, v13  }
0x10a: {  	[tilespmem:s17+$0xFFFFFFB0] =	vst v11;
	v11 =	vmul.f32 v16, v13  }
0x10b: {  	[tilespmem:s17+$0xFFFFFFC0] =	vst v15;
	v14 =	vmul.f32 v14, v13  }
0x10c: {  	[tilespmem:s17+$0xFFFFFFD0] =	vst v11;
	v11 =	vmul.f32 v17, v13  }
0x10d: {  	[tilespmem:s17+$0xFFFFFFE0] =	vst v14;
	v13 =	vmul.f32 v18, v13  }
0x10e: {  	[tilespmem:s17+$0x0] =	vst v11  }
0x10f: {  	[tilespmem:s17+$0xFFFFFFF0] =	vst v13;
	s17 =	simm.s32 $0x2C70  }
0x110: {  	v15 =	vld [tilespmem:s17+$0xFFFFFF90]  }
0x111: {  	v17 =	vld [tilespmem:s17+$0xFFFFFFA0]  }
0x112: {  	v16 =	vld [tilespmem:s17+$0xFFFFFFB0]  }
0x113: {  	v11 =	vperm.xlane v10, v12;
	v13 =	vld [tilespmem:s17+$0xFFFFFFC0]  }
0x114: {  	v14 =	vld [tilespmem:s17+$0xFFFFFFD0]  }
0x115: {  	v12 =	vld [tilespmem:s17+$0xFFFFFFE0];
	v18 =	vmul.f32 v15, v11  }
0x116: {  	s18 =	simm.s32 $0x1;
	s19 =	simm.s32 $0x2C70;
	v17 =	vmul.f32 v17, v11;
	v15 =	vld [tilespmem:s17+$0x0]  }
.LBB2_16:
0x117: {  	p0 =	sne.s32 s18, $0xF;
	[tilespmem:s17+$0xFFFFFF90] =	vst v18;
	v16 =	vmul.f32 v16, v11;
	v18 =	vld [tilespmem:s17+$0xFFFFFFF0];
	s19 =	sadd.s32 $0x80, s19  }
0x118: {  	v19 =	vld [tilespmem:s19+$0xFFFFFF90];
	[tilespmem:s17+$0xFFFFFFA0] =	vst v17;
	v13 =	vmul.f32 v13, v11  }
0x119: {  	v17 =	vld [tilespmem:s19+$0xFFFFFFA0];
	[tilespmem:s17+$0xFFFFFFB0] =	vst v16;
	v14 =	vmul.f32 v14, v11  }
.Ltmp6:
0x11a: {  	v20 =	vmov s18;
	v16 =	vld [tilespmem:s19+$0xFFFFFFB0];
	[tilespmem:s17+$0xFFFFFFC0] =	vst v13;
	v12 =	vmul.f32 v12, v11;
	(pc) =	sbr.rel @p0 .LBB2_16-.Ltmp6, $4  }
0x11b: {  	v20 =	vperm.xlane v10, v20;
	v13 =	vld [tilespmem:s19+$0xFFFFFFC0];
	[tilespmem:s17+$0xFFFFFFD0] =	vst v14;
	v15 =	vmul.f32 v15, v11  }
0x11c: {  	v14 =	vld [tilespmem:s19+$0xFFFFFFD0];
	[tilespmem:s17+$0xFFFFFFE0] =	vst v12;
	v21 =	vmul.f32 v18, v11  }
0x11d: {  	v11 =	vmov v20;
	v18 =	vmul.f32 v19, v20;
	v12 =	vld [tilespmem:s19+$0xFFFFFFE0];
	[tilespmem:s17+$0x0] =	vst v15  }
0x11e: {  	s18 =	sadd.s32 $0x1, s18;
	v17 =	vmul.f32 v17, v11;
	v15 =	vld [tilespmem:s19+$0x0];
	[tilespmem:s17+$0xFFFFFFF0] =	vst v21;
	s17 =	smov.u32 s19  }
0x11f: {  	[tilespmem:s17+$0xFFFFFF90] =	vst v18;
	v10 =	vmul.f32 v16, v11;
	v16 =	vld [tilespmem:s17+$0xFFFFFFF0]  }
0x120: {  	[tilespmem:s17+$0xFFFFFFA0] =	vst v17;
	v13 =	vmul.f32 v13, v11  }
0x121: {  	[tilespmem:s17+$0xFFFFFFB0] =	vst v10;
	v10 =	vmul.f32 v14, v11  }
0x122: {  	[tilespmem:s17+$0xFFFFFFC0] =	vst v13;
	v12 =	vmul.f32 v12, v11  }
0x123: {  	[tilespmem:s17+$0xFFFFFFD0] =	vst v10;
	v10 =	vmul.f32 v15, v11  }
0x124: {  	[tilespmem:s17+$0xFFFFFFE0] =	vst v12;
	v11 =	vmul.f32 v16, v11  }
0x125: {  	[tilespmem:s17+$0x0] =	vst v10  }
0x126: {  	[tilespmem:s17+$0xFFFFFFF0] =	vst v11;
	s17 =	simm.s32 $0x3470  }
0x127: {  	v15 =	vld [tilespmem:s17+$0xFFFFFF90]  }
0x128: {  	s18 =	simm.s32 $0x0;
	v17 =	vld [tilespmem:s17+$0xFFFFFFA0]  }
0x129: {  	v10 =	vmov s18;
	v16 =	vld [tilespmem:s17+$0xFFFFFFB0]  }
0x12a: {  	v11 =	vperm.xlane v9, v10;
	v13 =	vld [tilespmem:s17+$0xFFFFFFC0]  }
0x12b: {  	v14 =	vld [tilespmem:s17+$0xFFFFFFD0]  }
0x12c: {  	v12 =	vld [tilespmem:s17+$0xFFFFFFE0];
	v18 =	vmul.f32 v15, v11  }
0x12d: {  	s19 =	simm.s32 $0x3470;
	s18 =	simm.s32 $0x1;
	v17 =	vmul.f32 v17, v11;
	v15 =	vld [tilespmem:s17+$0x0]  }
.LBB2_18:
0x12e: {  	p0 =	sne.s32 s18, $0xF;
	[tilespmem:s17+$0xFFFFFF90] =	vst v18;
	v16 =	vmul.f32 v16, v11;
	v18 =	vld [tilespmem:s17+$0xFFFFFFF0];
	s19 =	sadd.s32 $0x80, s19  }
0x12f: {  	v19 =	vld [tilespmem:s19+$0xFFFFFF90];
	[tilespmem:s17+$0xFFFFFFA0] =	vst v17;
	v13 =	vmul.f32 v13, v11  }
0x130: {  	v17 =	vld [tilespmem:s19+$0xFFFFFFA0];
	[tilespmem:s17+$0xFFFFFFB0] =	vst v16;
	v14 =	vmul.f32 v14, v11  }
.Ltmp7:
0x131: {  	v20 =	vmov s18;
	v16 =	vld [tilespmem:s19+$0xFFFFFFB0];
	[tilespmem:s17+$0xFFFFFFC0] =	vst v13;
	v12 =	vmul.f32 v12, v11;
	(pc) =	sbr.rel @p0 .LBB2_18-.Ltmp7, $4  }
0x132: {  	v20 =	vperm.xlane v9, v20;
	v13 =	vld [tilespmem:s19+$0xFFFFFFC0];
	[tilespmem:s17+$0xFFFFFFD0] =	vst v14;
	v15 =	vmul.f32 v15, v11  }
0x133: {  	v14 =	vld [tilespmem:s19+$0xFFFFFFD0];
	[tilespmem:s17+$0xFFFFFFE0] =	vst v12;
	v21 =	vmul.f32 v18, v11  }
0x134: {  	v11 =	vmov v20;
	v18 =	vmul.f32 v19, v20;
	v12 =	vld [tilespmem:s19+$0xFFFFFFE0];
	[tilespmem:s17+$0x0] =	vst v15  }
0x135: {  	s18 =	sadd.s32 $0x1, s18;
	v17 =	vmul.f32 v17, v11;
	v15 =	vld [tilespmem:s19+$0x0];
	[tilespmem:s17+$0xFFFFFFF0] =	vst v21;
	s17 =	smov.u32 s19  }
0x136: {  	[tilespmem:s17+$0xFFFFFF90] =	vst v18;
	v9 =	vmul.f32 v16, v11;
	v16 =	vld [tilespmem:s17+$0xFFFFFFF0]  }
0x137: {  	[tilespmem:s17+$0xFFFFFFA0] =	vst v17;
	v13 =	vmul.f32 v13, v11  }
0x138: {  	[tilespmem:s17+$0xFFFFFFB0] =	vst v9;
	v9 =	vmul.f32 v14, v11  }
0x139: {  	[tilespmem:s17+$0xFFFFFFC0] =	vst v13;
	v12 =	vmul.f32 v12, v11  }
0x13a: {  	[tilespmem:s17+$0xFFFFFFD0] =	vst v9;
	v9 =	vmul.f32 v15, v11  }
0x13b: {  	[tilespmem:s17+$0xFFFFFFE0] =	vst v12;
	v11 =	vmul.f32 v16, v11  }
0x13c: {  	[tilespmem:s17+$0x0] =	vst v9  }
0x13d: {  	[tilespmem:s17+$0xFFFFFFF0] =	vst v11;
	s17 =	simm.s32 $0x3C70  }
0x13e: {  	v13 =	vld [tilespmem:s17+$0xFFFFFF90]  }
0x13f: {  	v15 =	vld [tilespmem:s17+$0xFFFFFFA0]  }
0x140: {  	v14 =	vld [tilespmem:s17+$0xFFFFFFB0]  }
0x141: {  	v9 =	vperm.xlane v8, v10;
	v11 =	vld [tilespmem:s17+$0xFFFFFFC0]  }
0x142: {  	v12 =	vld [tilespmem:s17+$0xFFFFFFD0]  }
0x143: {  	v10 =	vld [tilespmem:s17+$0xFFFFFFE0];
	v16 =	vmul.f32 v13, v9  }
0x144: {  	s18 =	simm.s32 $0x1;
	s19 =	simm.s32 $0x3C70;
	v15 =	vmul.f32 v15, v9;
	v13 =	vld [tilespmem:s17+$0x0]  }
.LBB2_20:
0x145: {  	p0 =	sne.s32 s18, $0xF;
	[tilespmem:s17+$0xFFFFFF90] =	vst v16;
	v14 =	vmul.f32 v14, v9;
	v16 =	vld [tilespmem:s17+$0xFFFFFFF0];
	s19 =	sadd.s32 $0x80, s19  }
0x146: {  	v17 =	vld [tilespmem:s19+$0xFFFFFF90];
	[tilespmem:s17+$0xFFFFFFA0] =	vst v15;
	v11 =	vmul.f32 v11, v9  }
0x147: {  	v15 =	vld [tilespmem:s19+$0xFFFFFFA0];
	[tilespmem:s17+$0xFFFFFFB0] =	vst v14;
	v12 =	vmul.f32 v12, v9  }
.Ltmp8:
0x148: {  	v18 =	vmov s18;
	v14 =	vld [tilespmem:s19+$0xFFFFFFB0];
	[tilespmem:s17+$0xFFFFFFC0] =	vst v11;
	v10 =	vmul.f32 v10, v9;
	(pc) =	sbr.rel @p0 .LBB2_20-.Ltmp8, $4  }
0x149: {  	v18 =	vperm.xlane v8, v18;
	v11 =	vld [tilespmem:s19+$0xFFFFFFC0];
	[tilespmem:s17+$0xFFFFFFD0] =	vst v12;
	v13 =	vmul.f32 v13, v9  }
0x14a: {  	v12 =	vld [tilespmem:s19+$0xFFFFFFD0];
	[tilespmem:s17+$0xFFFFFFE0] =	vst v10;
	v19 =	vmul.f32 v16, v9  }
0x14b: {  	v9 =	vmov v18;
	v16 =	vmul.f32 v17, v18;
	v10 =	vld [tilespmem:s19+$0xFFFFFFE0];
	[tilespmem:s17+$0x0] =	vst v13  }
0x14c: {  	s18 =	sadd.s32 $0x1, s18;
	v15 =	vmul.f32 v15, v9;
	v13 =	vld [tilespmem:s19+$0x0];
	[tilespmem:s17+$0xFFFFFFF0] =	vst v19;
	s17 =	smov.u32 s19  }
0x14d: {  	[tilespmem:s17+$0xFFFFFF90] =	vst v16;
	v8 =	vmul.f32 v14, v9;
	v62 =	vld [tilespmem:s17+$0xFFFFFFF0]  }
0x14e: {  	[tilespmem:s17+$0xFFFFFFA0] =	vst v15;
	v11 =	vmul.f32 v11, v9  }
0x14f: {  	[tilespmem:s17+$0xFFFFFFB0] =	vst v8;
	v8 =	vmul.f32 v12, v9  }
0x150: {  	[tilespmem:s17+$0xFFFFFFC0] =	vst v11;
	v10 =	vmul.f32 v10, v9  }
0x151: {  	[tilespmem:s17+$0xFFFFFFD0] =	vst v8;
	v8 =	vmul.f32 v13, v9  }
0x152: {  	[tilespmem:s17+$0xFFFFFFE0] =	vst v10;
	v63 =	vmul.f32 v62, v9  }
0x153: {  	[tilespmem:s17+$0x0] =	vst v8  }
0x154: {  	[tilespmem:s17+$0xFFFFFFF0] =	vst v63  }
0x155: {  	[spmem:s3] =	stream.indirect.scatter.add.f32 [tilespmem:s24], [sflag:$0x3], $0x80, s16, s29, $0xb8;
	[tilespmem:$0x18078] =	vst v63  }
0x156: {  	s15 =	sadd.s32 $0x1, s15;
	_ =	swait.ge [sflag:s25], $0x4000  }
0x157: {  	p0 =	sne.s32 s15, $0x4;
	[sflag:s25] =	ssyncset.done $0x0  }
.Ltmp9:
0x158: {  	[sflag:s25] =	ssyncadd.s32 $0xFFFFC000;
	(pc) =	sbr.rel @p0 .LBB2_5-.Ltmp9, $4  }
0x159: {  	[spmem:s4] =	stream.indirect.scatter.add.f32 [tilespmem:s26], [sflag:$0x3], $0x1, s16, s29, $0xb8;
	[tilespmem:$0x18078] =	vst v63  }
0x15a: {  	_ =	swait.ge [sflag:s25], $0x80  }
0x15b: {  	[sflag:s25] =	ssyncset.done $0x0  }
0x15c: {  	[sflag:s25] =	ssyncadd.s32 $0xFFFFFF80  }
0x15d: {  	s12 =	sadd.s32 $0x1, s12  }
0x15e: {  	p0 =	sne.s32 s12, $0x14  }
.Ltmp10:
0x15f: {  	_ = 	snop;
	(pc) =	sbr.rel @p0 .LBB2_4-.Ltmp10, $1  }
0x160: {  	_ =	sdelay $0x3  }
0x161: {  	s11 =	stileid.u32  }
0x162: {  	s11 =	sshll.u32 s11, $0x6  }
0x163: {  	[bflag:$0x0] =	sbarrier.arrive $0xFFFF;
	s12 =	sshrl.u32 s10, $0x3;
	s11 =	sor.u32 $0x1C03, s11  }
0x164: {  	[hbm:s21], [sflag:s11] =	dma.local [spmem:s12], $0x2710  }
0x165: {  	s5 =	sadd.s32 $0x1, s5;
	_ =	swait.ge [sflag:s25], $0x2710  }
0x166: {  	p0 =	sne.s32 s5, s23;
	[sflag:s25] =	ssyncset.done $0x0  }
.Ltmp11:
0x167: {  	s19 =	sshrl.u32 s14, $0x3;
	[sflag:s25] =	ssyncadd.s32 $0xFFFFD8F0;
	(pc) =	sbr.rel @p0 .LBB2_1-.Ltmp11, $4  }
0x168: {  	[hbm:s22], [sflag:s11] =	dma.local [spmem:s19], $0x4F  }
0x169: {  	_ =	swait.ge [sflag:s25], $0x4F  }
0x16a: {  	[sflag:s25] =	ssyncset.done $0x0  }
0x16b: {  	[sflag:s25] =	ssyncadd.s32 $0xFFFFFFB1  }
0x16c: {  	_ =	sfence.sel $0x180000  }
0x16d: {  	[bflag:$0x0] =	sbarrier.arrive $0xFFFF  }
0x16e: {  	_ =	strace $0x9000004A  }
0x16f: {  	s0 =	stileid.u32;
	[bflag:$0x2] =	sbarrier.arrive $0xFFFF  }
0x170: {  	p0 =	sne.s32 s0, $0x0;
	s0 =	rddreg [dreg:$0x4]  }
0x171: {  	s0 =	sadd.s32 @!p0 $0x100000, s0  }
0x172: {  	[sflag:s0] =	ssyncadd.tile.s32 @!p0 $0x1;
	_ =	shalt  }
.Lfunc_end2:
_tile_overlayer_lowered:
.L_overlay_start_2:
0x173: {  	(tag) =	ssettag $0x2  }
0x174: {  	s0 =	rddreg [dreg:$0x0];
	s2 =	stileid.u32  }
0x175: {  	s1 =	rddreg [dreg:$0x1];
	p0 =	sne.s32 s2, $0x0  }
0x176: {  	s3 =	rddreg [dreg:$0x2];
	[bflag:$0x3] =	sbarrier.arrive $0xFFFF;
	s2 =	simm.s32 @!p0 $0x1C03  }
0x177: {  	[timem:s3], [sflag:s2] =	dma.local @!p0 [hbm:s0], s1  }
0x178: {  	s0 =	simm.s32 @!p0 $0x3  }
0x179: {  	_ =	swait.ge @!p0 [sflag:s0], s1  }
0x17a: {  	s1 =	ssub.s32 @!p0 $0x0, s1;
	[sflag:s0] =	ssyncset.done @!p0 $0x0  }
0x17b: {  	[sflag:s0] =	ssyncadd.s32 @!p0 s1  }
0x17c: {  	[bflag:$0x3] =	sbarrier.arrive $0xFFFF  }
0x17d: {  	_ =	shalt  }

// kernel: kernel.7.cloned.1.call-start
scs
__scs_entry_jumppad:
0x0: {  	(pc) =	sbr.rel $0x88, $3  }
0x1: {  	(tag) =	ssettag $0x0;
	lr =	simm.s32 $0x1  }
0x2: {  	[smem:$0x3F96] =	sst lr;
	_ =	strace $0xD0000000  }
0x3: {  	_ = 	snop  }
0x4: {  	_ = 	snop  }
0x5: {  	_ = 	snop  }
0x6: {  	_ = 	snop  }
0x7: {  	_ = 	snop  }
__scs_overlays_trampoline_lowered:
0x8: {  	[smem:$0x3FA5] =	sst s0  }
0x9: {  	[smem:$0x3FA6] =	sst s1  }
0xa: {  	[smem:$0x3FA7] =	sst s2  }
0xb: {  	[smem:$0x3FA8] =	sst s3  }
0xc: {  	[smem:$0x3FA9] =	sst s4  }
0xd: {  	[smem:$0x3FAA] =	sst s5  }
0xe: {  	[smem:$0x3FAB] =	sst s6  }
0xf: {  	[smem:$0x3FAC] =	sst s7  }
0x10: {  	[smem:$0x3FAD] =	sst s8  }
0x11: {  	[smem:$0x3FAE] =	sst s9;
	s0 =	simm.s32 @!p0 $0x0  }
0x12: {  	s1 =	sld [smem:$0x3F94];
	s0 =	simm.s32 @p0 $0x1  }
0x13: {  	[smem:$0x3FAF] =	sst s0;
	s0 =	simm.s32 @!p1 $0x0  }
0x14: {  	s2 =	sld [smem:$0x3F93];
	s0 =	simm.s32 @p1 $0x1  }
0x15: {  	[smem:$0x3FB0] =	sst s0;
	s0 =	simm.s32 @!p2 $0x0  }
0x16: {  	s3 =	sld [smem:$0x3FDB];
	s0 =	simm.s32 @p2 $0x1  }
0x17: {  	s4 =	simm.s32 $0x1BF5;
	[smem:$0x3FB2] =	sst s0  }
0x18: {  	s0 =	sld [smem:$0x3F95];
	_ =	swait.ge [sflag:s4], $0x0  }
0x19: {  	s7 =	sld [smem:$0x3F96]  }
0x1a: {  	s8 =	sadd.s32 $0xFFFFE003, lr  }
0x1b: {  	s9 =	sadd.s32 $0xFFFFFEF7, lr;
	s5 =	simm.s32 $0xFFFFFFFF;
	p2 =	slt.u32 s8, $0xFFFFF086  }
0x1c: {  	p1 =	slt.u32 s9, $0xF7A;
	s5 =	simm.s32 @!p2 $0x0  }
0x1d: {  	s5 =	simm.s32 @p1 $0x1;
	p0 =	seq.s32 s7, s2  }
0x1e: {  	s7 =	smul.u32 @!p0 $0xF7A, s2;
	p2 =	seq.s32 @!p0 s5, $0x0  }
0x1f: {  	s9 =	smul.u32 $0xF7A, s1;
	s8 =	simm.s32 @!p0 $0x1BF5;
	p2 =	por !p2, p0  }
0x20: {  	[sflag:s8] =	ssyncset.s32 @!p0 $0xFFFFF086;
	s6 =	sadd.s32 @!p0 s3, s7;
	s7 =	simm.s32 @!p0 $0x108  }
0x21: {  	s3 =	sadd.s32 s3, s9;
	s6 =	sadd.s32 @!p0 $0x88, s6;
	s7 =	simm.s32 @p2 $0x1082  }
0x22: {  	[simem:s7], [sflag:s8] =	dma.local @!p0 [hbm:s6], $0xF7A  }
0x23: {  	s9 =	sor.u32 $0xD0000000, s2;
	s6 =	simm.s32 $0x108;
	_ =	swait.ge @!p0 [sflag:s8], $0x0  }
0x24: {  	s3 =	sadd.s32 $0x88, s3;
	s6 =	simm.s32 @!p1 $0x1082;
	[sflag:s4] =	ssyncset.s32 $0xFFFFF086  }
0x25: {  	[simem:s6], [sflag:s4] =	dma.local [hbm:s3], $0xF7A  }
0x26: {  	[smem:$0x3F96] =	sst s1;
	(tag) =	ssettag s2;
	_ =	strace s9  }
0x27: {  	s1 =	sld [smem:$0x3FA6]  }
0x28: {  	s2 =	sld [smem:$0x3FA7]  }
0x29: {  	s4 =	sld [smem:$0x3FA9]  }
0x2a: {  	p0 =	seq.s32 s5, $0x0;
	s5 =	sld [smem:$0x3FAA]  }
0x2b: {  	s6 =	sld [smem:$0x3FAB]  }
0x2c: {  	s7 =	sld [smem:$0x3FAC]  }
0x2d: {  	s3 =	simm.s32 $0x108;
	s8 =	sld [smem:$0x3FAD]  }
0x2e: {  	s3 =	simm.s32 @!p0 $0x1082;
	s9 =	sld [smem:$0x3FAE]  }
0x2f: {  	lr =	sadd.s32 s0, s3;
	s0 =	sld [smem:$0x3FA5]  }
0x30: {  	s3 =	sld [smem:$0x3FA8]  }
0x31: {  	[smem:$0x3FB1] =	sst s10  }
0x32: {  	s10 =	sld [smem:$0x3FAF];
	_ =	sdelay $0x3  }
0x33: {  	p0 =	seq.s32 s10, $0x1;
	s10 =	sld [smem:$0x3FB1];
	_ =	sdelay $0x3  }
0x34: {  	[smem:$0x3FB1] =	sst s10  }
0x35: {  	s10 =	sld [smem:$0x3FB0];
	_ =	sdelay $0x3  }
0x36: {  	p1 =	seq.s32 s10, $0x1;
	s10 =	sld [smem:$0x3FB1];
	_ =	sdelay $0x3  }
0x37: {  	[smem:$0x3FB1] =	sst s10  }
0x38: {  	s10 =	sld [smem:$0x3FB2]  }
0x39: {  	_ = 	snop;
	(pc) =	sbr.ind lr, $3  }
0x3a: {  	_ = 	snop  }
0x3b: {  	_ = 	snop  }
0x3c: {  	p2 =	seq.s32 s10, $0x1;
	s10 =	sld [smem:$0x3FB1]  }
0x3d: {  	_ =	shalt  }
0x3e: {  	_ =	shalt  }
0x3f: {  	_ =	shalt  }
0x40: {  	_ =	shalt  }
0x41: {  	_ =	shalt  }
0x42: {  	_ =	shalt  }
0x43: {  	_ =	shalt  }
0x44: {  	_ =	shalt  }
0x45: {  	_ =	shalt  }
0x46: {  	_ =	shalt  }
0x47: {  	_ =	shalt  }
0x48: {  	_ =	shalt  }
0x49: {  	_ =	shalt  }
0x4a: {  	_ =	shalt  }
0x4b: {  	_ =	shalt  }
0x4c: {  	_ =	shalt  }
0x4d: {  	_ =	shalt  }
0x4e: {  	_ =	shalt  }
0x4f: {  	_ =	shalt  }
0x50: {  	_ =	shalt  }
0x51: {  	_ =	shalt  }
0x52: {  	_ =	shalt  }
0x53: {  	_ =	shalt  }
0x54: {  	_ =	shalt  }
0x55: {  	_ =	shalt  }
0x56: {  	_ =	shalt  }
0x57: {  	_ =	shalt  }
0x58: {  	_ =	shalt  }
0x59: {  	_ =	shalt  }
0x5a: {  	_ =	shalt  }
0x5b: {  	_ =	shalt  }
0x5c: {  	_ =	shalt  }
0x5d: {  	_ =	shalt  }
0x5e: {  	_ =	shalt  }
0x5f: {  	_ =	shalt  }
0x60: {  	_ =	shalt  }
0x61: {  	_ =	shalt  }
0x62: {  	_ =	shalt  }
0x63: {  	_ =	shalt  }
0x64: {  	_ =	shalt  }
0x65: {  	_ =	shalt  }
0x66: {  	_ =	shalt  }
0x67: {  	_ =	shalt  }
0x68: {  	_ =	shalt  }
0x69: {  	_ =	shalt  }
0x6a: {  	_ =	shalt  }
0x6b: {  	_ =	shalt  }
0x6c: {  	_ =	shalt  }
0x6d: {  	_ =	shalt  }
0x6e: {  	_ =	shalt  }
0x6f: {  	_ =	shalt  }
0x70: {  	_ =	shalt  }
0x71: {  	_ =	shalt  }
0x72: {  	_ =	shalt  }
0x73: {  	_ =	shalt  }
0x74: {  	_ =	shalt  }
0x75: {  	_ =	shalt  }
0x76: {  	_ =	shalt  }
0x77: {  	_ =	shalt  }
0x78: {  	_ =	shalt  }
0x79: {  	_ =	shalt  }
0x7a: {  	_ =	shalt  }
0x7b: {  	_ =	shalt  }
0x7c: {  	_ =	shalt  }
0x7d: {  	_ =	shalt  }
0x7e: {  	_ =	shalt  }
0x7f: {  	_ =	shalt  }
0x80: {  	_ =	shalt  }
0x81: {  	_ =	shalt  }
0x82: {  	_ =	shalt  }
0x83: {  	_ =	shalt  }
0x84: {  	_ =	shalt  }
0x85: {  	_ =	shalt  }
0x86: {  	_ =	shalt  }
0x87: {  	_ =	shalt  }
.Lfunc_end0:
.L_simem_size_0:
called_computation_lowered:
.L_overlay_start_0:
0x88: {  	s2 =	sld [smem:$0x3FD9]  }
0x89: {  	s3 =	sld [smem:$0x3FFE];
	_ =	sdelay $0x1  }
0x8a: {  	s1 =	srdreg.scid  }
0x8b: {  	s0 =	sand.u32 $0x1, s1  }
0x8c: {  	s17 =	sshll.u32 s0, $0xA;
	s2 =	sadd.s32 s3, s2  }
0x8d: {  	s2 =	sadd.s32 s2, s17  }
0x8e: {  	[smem:$0x3FBD] =	sst s2  }
0x8f: {  	_ = 	snop  }
0x90: {  	s2 =	sld [smem:$0x3FD0];
	(tm) =	ssettm $0x1  }
0x91: {  	s18 =	sld [smem:$0x3FFB];
	_ =	sdelay $0x3  }
0x92: {  	_ =	strace s18  }
0x93: {  	s3 =	sld [smem:$0x3FFC];
	_ =	sdelay $0x3  }
0x94: {  	_ =	strace s3  }
0x95: {  	s3 =	sld [smem:$0x3FFD];
	_ =	sdelay $0x3  }
0x96: {  	_ =	strace s3  }
0x97: {  	_ =	strace $0x8FFFFFFF  }
0x98: {  	s19 =	sld [smem:$0x3FDB];
	_ =	sdelay $0x1  }
0x99: {  	s4 =	simm.s32 $_scs_section_size  }
0x9a: {  	s5 =	simm.s32 $_size__tile_overlayer_lowered;
	s6 =	simm.s32 $_tile_overlayer_lowered  }
0x9b: {  	s22 =	simm.s32 $0x1BFF;
	s21 =	sshll.u32 s6, $0x1;
	s3 =	sadd.s32 s4, s19  }
0x9c: {  	s7 =	simm.s32 $0x0;
	s20 =	sshll.u32 s5, $0x1;
	s5 =	sadd.s32 s21, s3  }
0x9d: {  	[timem:s7], [sflag:s22] =	dma.local [hbm:s5], s20  }
0x9e: {  	_ =	swait.ge [sflag:s22], s20  }
0x9f: {  	s4 =	ssub.s32 $0x0, s20;
	[sflag:s22] =	ssyncset.done $0x0  }
0xa0: {  	[sflag:s22] =	ssyncadd.s32 s4;
	_ =	sdelay $0x1  }
0xa1: {  	s23 =	simm.s32 $0x1B8B  }
0xa2: {  	_ =	swait.ge [sflag:s23], $0x1  }
0xa3: {  	[sflag:s23] =	ssyncset.done $0x0  }
0xa4: {  	s25 =	simm.s32 $0x1B8E;
	s24 =	sld [smem:$0x3FFE];
	[sflag:s23] =	ssyncadd.s32 $0xFFFFFFFF  }
0xa5: {  	s26 =	simm.s32 $execute0_lowered;
	[smem:$0x3FD2] =	sst s25  }
0xa6: {  	s5 =	sshll.u32 s26, $0x1;
	_ =	strace $0x80000046;
	[dreg:$0x1] =	wrdreg $0xFFFFFFFF  }
0xa7: {  	s28 =	simm.s32 $_size_execute0_lowered;
	s3 =	sadd.s32 s3, s5;
	[dreg:$0x0] =	wrdreg $0x0  }
0xa8: {  	s5 =	sshll.u32 s28, $0x1;
	[dreg:$0x2] =	wrdreg s3  }
0xa9: {  	[dreg:$0x3] =	wrdreg s5  }
0xaa: {  	[dreg:$0x4] =	wrdreg $0xC0  }
0xab: {  	_ =	task [dreg:s7], $0x5FFFF  }
0xac: {  	[dreg:$0x1] =	wrdreg $0xFFFFFFFF  }
0xad: {  	[dreg:$0x0] =	wrdreg $0x60  }
0xae: {  	[dreg:$0x2] =	wrdreg s2  }
0xaf: {  	[dreg:$0x3] =	wrdreg s24  }
0xb0: {  	[dreg:$0x4] =	wrdreg $0x45800  }
0xb1: {  	[dreg:$0x5] =	wrdreg $0x17E000  }
0xb2: {  	[dreg:$0x6] =	wrdreg $0x9  }
0xb3: {  	_ =	task.clear_ibuf [dreg:s7], $0x7FFFF;
	_ =	strace $0x90000046  }
0xb4: {  	s29 =	simm.s32 $0x9;
	_ =	strace $0x80000048  }
0xb5: {  	_ =	swait.ge [sflag:s29], $0x1  }
0xb6: {  	[sflag:s29] =	ssyncadd.s32 $0xFFFFFFFF  }
0xb7: {  	_ =	strace $0x90000048  }
0xb8: {  	_ =	sfence  }
0xb9: {  	s30 =	sld [smem:$0x0];
	_ =	sdelay $0x2  }
0xba: {  	s31 =	sshll.u32 s1, $0xD;
	s1 =	sshrl.u32 s1, $0x2  }
0xbb: {  	s3 =	sand.u32 $0x4000, s31;
	s1 =	sadd.s32 s1, s30  }
0xbc: {  	s0 =	sor.u32 s3, s0;
	s1 =	sshll.u32 s1, $0x11  }
0xbd: {  	s0 =	sor.u32 s1, s0  }
0xbe: {  	s0 =	sadd.s32 $0x8F2B, s0  }
0xbf: {  	[sflag:s0] =	ssyncadd.remote.s32 $0x1  }
0xc0: {  	_ =	sfence.sel $0xFFFF  }
0xc1: {  	[dreg:$0x0] =	wrdreg $0xFFFFFFFF;
	(pc) =	sbr.abs _section_cstart, $3  }
0xc2: {  	[dreg:$0x1] =	wrdreg $0xFFFFFFFF  }
0xc3: {  	_ =	task.clear_ibuf [dreg:s7], $0x2FFFF;
	_ =	strace $0x9FFFFFFF  }
0xc4: {  	(tm) =	ssettm $0x7FFFFFFF  }
0xc5: {  	_ =	shalt  }
tec
execute0_lowered:
.L_overlay_start_1:
0x0: {  	(tag) =	ssettag $0x1  }
0x1: {  	s1 =	rddreg [dreg:$0x0]  }
0x2: {  	s0 =	rddreg [dreg:$0x1]  }
0x3: {  	s3 =	rddreg [dreg:$0x2]  }
0x4: {  	s4 =	rddreg [dreg:$0x3]  }
0x5: {  	s2 =	srdreg.scid;
	s16 =	stileid.u32  }
0x6: {  	s5 =	simm.s32 $0x0;
	s28 =	simm.s32 $0x200;
	s29 =	simm.s32 $0x80  }
0x7: {  	s30 =	simm.s32 $0x4480;
	s31 =	simm.s32 $0x4500;
	s10 =	smul.u32 $0x13880, s16  }
0x8: {  	s2 =	sand.u32 $0x1, s2;
	[smem:$0x7FF] =	sst s5;
	s12 =	smul.u32 $0x278, s16  }
0x9: {  	s6 =	sadd.s32 $0x14800, s0;
	s7 =	sadd.s32 $0x14E00, s0;
	s14 =	smul.u32 $0x4E200, s16  }
0xa: {  	s8 =	sadd.s32 $0xA800, s0;
	s9 =	sadd.s32 $0x800, s0;
	s11 =	smul.u32 $0x138800, s2  }
0xb: {  	_ =	strace $0x80000047;
	s13 =	smul.u32 $0x2780, s2;
	s15 =	ssub.s32 $0x2, s2  }
0xc: {  	s2 =	sshll.u32 s2, $0x4;
	s18 =	sshrl.u32 s15, $0x1;
	s14 =	sshrl.u32 s14, $0x2  }
0xd: {  	s2 =	sor.u32 s16, s2;
	s11 =	sadd.s32 s10, s11;
	s13 =	sadd.s32 s12, s13  }
0xe: {  	s19 =	sadd.s32 s14, s3;
	s10 =	sadd.s32 s10, s3;
	s11 =	sshrl.u32 s11, $0x3  }
0xf: {  	s13 =	sshrl.u32 s13, $0x3;
	s14 =	sadd.s32 $0x4000, s19;
	s20 =	sadd.s32 $0x8000, s19  }
0x10: {  	s21 =	sadd.s32 $0xC000, s19;
	s22 =	sadd.s32 $0x10000, s19;
	[dreg:$0x5] =	wrdreg s14  }
0x11: {  	s11 =	sadd.s32 s11, s0;
	s0 =	sadd.s32 s13, s0;
	[dreg:$0x6] =	wrdreg s20  }
0x12: {  	s13 =	ssub.s32 s15, s18;
	[dreg:$0x7] =	wrdreg s21;
	s14 =	sadd.s32 s12, s4  }
0x13: {  	v0 =	vlaneseq.u32;
	[dreg:$0x8] =	wrdreg s22;
	s20 =	smul.u32 $0x2800, s2;
	s23 =	sadd.s32 $0x80, s14  }
0x14: {  	v7 =	vmul.u32 $0xFFFFFFFF, v0;
	s2 =	simm.s32 $0x1;
	s24 =	sadd.s32 $0x100, s14;
	[dreg:$0x9] =	wrdreg s23  }
0x15: {  	s25 =	sadd.s32 $0x180, s14;
	s26 =	sadd.s32 $0x200, s14;
	[dreg:$0xa] =	wrdreg s24  }
0x16: {  	v0 =	vimm.f32 $0.0e+00;
	v1 =	vadd.s32 $0x2700, v7;
	s21 =	sadd.s32 $0x15E00, s11;
	s22 =	sadd.s32 $0x15400, s0;
	[dreg:$0xb] =	wrdreg s25  }
0x17: {  	v2 =	vadd.s32 $0x26F0, v7;
	v3 =	vadd.s32 $0x26E0, v7;
	v4 =	vadd.s32 $0x26D0, v7;
	s0 =	simm.s32 $0x2;
	[dreg:$0xc] =	wrdreg s26;
	s23 =	smax.u32 s13, $0x1  }
0x18: {  	v5 =	vadd.s32 $0x26C0, v7;
	v6 =	vadd.s32 $0x26B0, v7;
	v7 =	vadd.s32 $0x26A0, v7;
	s24 =	simm.s32 $0x400;
	s25 =	simm.s32 $0x3;
	s26 =	simm.s32 $0x4400  }
.LBB2_1:
0x19: {  	s11 =	simm.s32 $0x0;
	s12 =	simm.s32 $0x200  }
.LBB2_2:
0x1a: {  	p0 =	sne.s32 s12, $0xFE00;
	[tilespmem:s11+$0x470] =	vst v0  }
0x1b: {  	[tilespmem:s11+$0x400] =	vst v0  }
0x1c: {  	[tilespmem:s11+$0x410] =	vst v0  }
.Ltmp0:
0x1d: {  	[tilespmem:s11+$0x420] =	vst v0;
	(pc) =	sbr.rel @p0 .LBB2_2-.Ltmp0, $4  }
0x1e: {  	[tilespmem:s11+$0x430] =	vst v0  }
0x1f: {  	[tilespmem:s11+$0x440] =	vst v0  }
0x20: {  	[tilespmem:s11+$0x450] =	vst v0  }
0x21: {  	[tilespmem:s11+$0x460] =	vst v0;
	s11 =	sshra.s32 s12, $0x2;
	s12 =	sadd.s32 $0x200, s12  }
0x22: {  	[tilespmem:s11+$0x470] =	vst v0  }
0x23: {  	[tilespmem:s11+$0x400] =	vst v0  }
0x24: {  	[tilespmem:s11+$0x410] =	vst v0  }
0x25: {  	[tilespmem:s11+$0x420] =	vst v0  }
0x26: {  	[tilespmem:s11+$0x430] =	vst v0  }
0x27: {  	[tilespmem:s11+$0x440] =	vst v0  }
0x28: {  	[tilespmem:s11+$0x450] =	vst v0  }
0x29: {  	[tilespmem:s11+$0x460] =	vst v0  }
0x2a: {  	[tilespmem:$0x4400] =	vst v0  }
0x2b: {  	[tilespmem:$0x4410] =	vst v0  }
0x2c: {  	[tilespmem:$0x4420] =	vst v0  }
0x2d: {  	[tilespmem:$0x4430] =	vst v0  }
0x2e: {  	[tilespmem:$0x4440] =	vst v0  }
0x2f: {  	[tilespmem:$0x4450] =	vst v0  }
0x30: {  	[tilespmem:$0x4460] =	vst v0  }
0x31: {  	[tilespmem:$0x4470] =	vst v0  }
0x32: {  	[spmem:s10] =	stream.linear.scatter [tilespmem:s24], [sflag:$0x3], $0x4000, $0x38;
	[tilespmem:$0x18078] =	vst v63  }
0x33: {  	_ =	swait.ge [sflag:s25], $0x4000  }
0x34: {  	[sflag:s25] =	ssyncset.done $0x0  }
0x35: {  	s19 =	rddreg [dreg:$0x5];
	[sflag:s25] =	ssyncadd.s32 $0xFFFFC000  }
0x36: {  	[spmem:s19] =	stream.linear.scatter [tilespmem:s24], [sflag:$0x3], $0x4000, $0x38;
	[tilespmem:$0x18078] =	vst v63  }
0x37: {  	_ =	swait.ge [sflag:s25], $0x4000  }
0x38: {  	[sflag:s25] =	ssyncset.done $0x0  }
0x39: {  	s12 =	rddreg [dreg:$0x6];
	[sflag:s25] =	ssyncadd.s32 $0xFFFFC000  }
0x3a: {  	[spmem:s12] =	stream.linear.scatter [tilespmem:s24], [sflag:$0x3], $0x4000, $0x38;
	[tilespmem:$0x18078] =	vst v63  }
0x3b: {  	_ =	swait.ge [sflag:s25], $0x4000  }
0x3c: {  	[sflag:s25] =	ssyncset.done $0x0  }
0x3d: {  	s13 =	rddreg [dreg:$0x7];
	[sflag:s25] =	ssyncadd.s32 $0xFFFFC000  }
0x3e: {  	[spmem:s13] =	stream.linear.scatter [tilespmem:s24], [sflag:$0x3], $0x4000, $0x38;
	[tilespmem:$0x18078] =	vst v63  }
0x3f: {  	_ =	swait.ge [sflag:s25], $0x4000  }
0x40: {  	[sflag:s25] =	ssyncset.done $0x0  }
0x41: {  	s15 =	rddreg [dreg:$0x8];
	[sflag:s25] =	ssyncadd.s32 $0xFFFFC000  }
0x42: {  	[spmem:s15] =	stream.linear.scatter [tilespmem:s24], [sflag:$0x3], $0x3880, $0x38;
	[tilespmem:$0x18078] =	vst v63  }
0x43: {  	_ =	swait.ge [sflag:s25], $0x3880  }
0x44: {  	[sflag:s25] =	ssyncset.done $0x0  }
0x45: {  	[sflag:s25] =	ssyncadd.s32 $0xFFFFC780  }
0x46: {  	[spmem:s14] =	stream.linear.scatter [tilespmem:s26], [sflag:$0x3], $0x80, $0x38;
	[tilespmem:$0x18078] =	vst v63  }
0x47: {  	_ =	swait.ge [sflag:s25], $0x80  }
0x48: {  	[sflag:s25] =	ssyncset.done $0x0  }
0x49: {  	s16 =	rddreg [dreg:$0x9];
	[sflag:s25] =	ssyncadd.s32 $0xFFFFFF80  }
0x4a: {  	[spmem:s16] =	stream.linear.scatter [tilespmem:s26], [sflag:$0x3], $0x80, $0x38;
	[tilespmem:$0x18078] =	vst v63  }
0x4b: {  	_ =	swait.ge [sflag:s25], $0x80  }
0x4c: {  	[sflag:s25] =	ssyncset.done $0x0  }
0x4d: {  	s17 =	rddreg [dreg:$0xa];
	[sflag:s25] =	ssyncadd.s32 $0xFFFFFF80  }
0x4e: {  	[spmem:s17] =	stream.linear.scatter [tilespmem:s26], [sflag:$0x3], $0x80, $0x38;
	[tilespmem:$0x18078] =	vst v63  }
0x4f: {  	_ =	swait.ge [sflag:s25], $0x80  }
0x50: {  	[sflag:s25] =	ssyncset.done $0x0  }
0x51: {  	s18 =	rddreg [dreg:$0xb];
	[sflag:s25] =	ssyncadd.s32 $0xFFFFFF80  }
0x52: {  	[spmem:s18] =	stream.linear.scatter [tilespmem:s26], [sflag:$0x3], $0x80, $0x38;
	[tilespmem:$0x18078] =	vst v63  }
0x53: {  	_ =	swait.ge [sflag:s25], $0x80  }
0x54: {  	[sflag:s25] =	ssyncset.done $0x0  }
0x55: {  	s19 =	rddreg [dreg:$0xc];
	[sflag:s25] =	ssyncadd.s32 $0xFFFFFF80  }
0x56: {  	[spmem:s19] =	stream.linear.scatter [tilespmem:s26], [sflag:$0x3], $0x78, $0x38;
	[tilespmem:$0x18078] =	vst v63  }
0x57: {  	_ =	swait.ge [sflag:s25], $0x78  }
0x58: {  	[sflag:s25] =	ssyncset.done $0x0  }
0x59: {  	[sflag:s25] =	ssyncadd.s32 $0xFFFFFF88  }
0x5a: {  	s11 =	simm.s32 $0x0;
	s12 =	simm.s32 $0x0;
	[bflag:$0x0] =	sbarrier.arrive $0xFFFF  }
.LBB2_4:
0x5b: {  	s13 =	sshll.u32 s12, $0x9  }
0x5c: {  	s15 =	sadd.s32 s20, s13  }
0x5d: {  	s15 =	sshrl.u32 s15, $0x3  }
0x5e: {  	s16 =	sadd.s32 s8, s15  }
0x5f: {  	[tilespmem:s11], [sflag:$0x3] =	stream.linear.gather [hbm4b:s16+s11], $0x200, $0x38;
	[tilespmem:$0x18078] =	vst v63  }
0x60: {  	_ =	swait.ge [sflag:s25], $0x200  }
0x61: {  	[sflag:s25] =	ssyncset.done $0x0  }
0x62: {  	s15 =	sadd.s32 s9, s15;
	[sflag:s25] =	ssyncadd.s32 $0xFFFFFE00  }
0x63: {  	[tilespmem:s28], [sflag:$0x3] =	stream.linear.gather [hbm4b:s15+s11], $0x200, $0x38;
	[tilespmem:$0x18078] =	vst v63  }
0x64: {  	_ =	swait.ge [sflag:s25], $0x200  }
0x65: {  	[sflag:s25] =	ssyncset.done $0x0  }
0x66: {  	s15 =	simm.s32 $0x0;
	[sflag:s25] =	ssyncadd.s32 $0xFFFFFE00  }
.LBB2_5:
0x67: {  	s17 =	sshll.u32 s15, $0x7  }
0x68: {  	[tilespmem:s24], [sflag:$0x1] =	stream.indirect.gather [hbm4b:s1+s29], $0x80, s17, s29, $0xb8;
	[tilespmem:$0x18078] =	vst v63  }
0x69: {  	_ = 	snop  }
0x6a: {  	[tilespmem:s30], [sflag:$0x2] =	stream.indirect.gather [hbm4b:s6+s29], $0x1, s17, s29, $0xb8;
	[tilespmem:$0x18078] =	vst v63  }
0x6b: {  	s16 =	sadd.s32 $0x200, s17  }
0x6c: {  	[tilespmem:s31], [sflag:$0x2] =	stream.indirect.gather [hbm4b:s7+s29], $0x1, s16, s29, $0xb8;
	[tilespmem:$0x18078] =	vst v63  }
0x6d: {  	_ =	swait.ge [sflag:s0], $0x80  }
0x6e: {  	[sflag:s0] =	ssyncset.done $0x0  }
0x6f: {  	[sflag:s0] =	ssyncadd.s32 $0xFFFFFF80  }
0x70: {  	_ =	swait.ge [sflag:s0], $0x80  }
0x71: {  	[sflag:s0] =	ssyncset.done $0x0  }
0x72: {  	[sflag:s0] =	ssyncadd.s32 $0xFFFFFF80  }
0x73: {  	v8 =	vld [tilespmem:$0x4480]  }
0x74: {  	v9 =	vld [tilespmem:$0x4500]  }
0x75: {  	v10 =	vld [tilespmem:$0x4490]  }
0x76: {  	v11 =	vld [tilespmem:$0x4510]  }
0x77: {  	v12 =	vld [tilespmem:$0x44A0]  }
0x78: {  	v13 =	vld [tilespmem:$0x4520]  }
0x79: {  	v14 =	vld [tilespmem:$0x44B0]  }
0x7a: {  	v15 =	vld [tilespmem:$0x4530]  }
0x7b: {  	v16 =	vld [tilespmem:$0x44C0]  }
0x7c: {  	v17 =	vld [tilespmem:$0x4540]  }
0x7d: {  	v20 =	vld [tilespmem:$0x4560];
	v8 =	vadd.f32 v9, v8  }
0x7e: {  	v21 =	vld [tilespmem:$0x44F0];
	v10 =	vadd.f32 v11, v10  }
0x7f: {  	v9 =	vld [tilespmem:$0x44D0];
	v12 =	vadd.f32 v13, v12;
	v18 =	vmul.f32 $2.000000030e-01, v8  }
0x80: {  	v11 =	vld [tilespmem:$0x4550];
	v19 =	vmul.f32 $2.000000030e-01, v10  }
0x81: {  	v13 =	vld [tilespmem:$0x44E0];
	v8 =	vmax.f32 v8, v18;
	v18 =	vmul.f32 $2.000000030e-01, v12  }
0x82: {  	v10 =	vmax.f32 v10, v19;
	v19 =	vld [tilespmem:$0x4570];
	v8 =	vmul.f32 $1.442695020e+00, v8  }
0x83: {  	v14 =	vadd.f32 v15, v14;
	v10 =	vmul.f32 $1.442695020e+00, v10;
	v12 =	vmax.f32 v12, v18  }
0x84: {  	(erf) = vpow2.f32 v8;
	v8 =	vmul.f32 $1.442695020e+00, v12;
	v12 =	vadd.f32 v17, v16  }
0x85: {  	v9 =	vadd.f32 v11, v9;
	(erf) = vpow2.f32 v10;
	v10 =	vmul.f32 $2.000000030e-01, v14  }
0x86: {  	v11 =	vadd.f32 v20, v13;
	(erf) = vpow2.f32 v8;
	v8 =	vmul.f32 $2.000000030e-01, v12  }
0x87: {  	v13 =	vmul.f32 $2.000000030e-01, v9;
	v10 =	vmax.f32 v14, v10;
	v14 =	vadd.f32 v19, v21  }
0x88: {  	v10 =	vmul.f32 $1.442695020e+00, v10;
	v8 =	vmax.f32 v12, v8;
	v12 =	vmul.f32 $2.000000030e-01, v11  }
0x89: {  	v9 =	vmax.f32 v9, v13;
	v8 =	vmul.f32 $1.442695020e+00, v8;
	v13 =	vmul.f32 $2.000000030e-01, v14  }
0x8a: {  	v9 =	vmul.f32 $1.442695020e+00, v9;
	(erf) = vpow2.f32 v10;
	v10 =	vmax.f32 v11, v12  }
0x8b: {  	(erf) = vpow2.f32 v8;
	v8 =	vmul.f32 $1.442695020e+00, v10;
	v10 =	vmax.f32 v14, v13  }
0x8c: {  	(erf) = vpow2.f32 v9;
	v9 =	vmul.f32 $1.442695020e+00, v10  }
0x8d: {  	(erf) = vpow2.f32 v8  }
0x8e: {  	s17 =	sor.u32 s13, s17;
	(erf) = vpow2.f32 v9  }
0x8f: {  	v8 =	vmov s17  }
0x90: {  	vm0 =	vlt.u32 v8, $0x2710;
	v9 =	vpop (erf)  }
0x91: {  	vm9 =	vlt.u32 v8, v1;
	v10 =	vpop (erf);
	v15 =	vnsel vm0, $0x0, v9  }
0x92: {  	vm10 =	vlt.u32 v8, v2;
	v9 =	vpop (erf);
	[tilespmem:$0x4400] =	vst v15;
	v14 =	vnsel vm9, $0x0, v10  }
0x93: {  	vm11 =	vlt.u32 v8, v3;
	v10 =	vpop (erf);
	[tilespmem:$0x4410] =	vst v14;
	v13 =	vnsel vm10, $0x0, v9  }
0x94: {  	vm12 =	vlt.u32 v8, v4;
	v9 =	vpop (erf);
	[tilespmem:$0x4420] =	vst v13;
	v12 =	vnsel vm11, $0x0, v10  }
0x95: {  	vm13 =	vlt.u32 v8, v5;
	v10 =	vpop (erf);
	[tilespmem:$0x4430] =	vst v12;
	v11 =	vnsel vm12, $0x0, v9  }
0x96: {  	vm14 =	vlt.u32 v8, v6;
	v9 =	vpop (erf);
	[tilespmem:$0x4440] =	vst v11;
	v10 =	vnsel vm13, $0x0, v10  }
0x97: {  	vm15 =	vlt.u32 v8, v7;
	[tilespmem:$0x4450] =	vst v10;
	v9 =	vnsel vm14, $0x0, v9;
	v16 =	vpop (erf)  }
0x98: {  	[tilespmem:$0x4460] =	vst v9;
	v8 =	vnsel vm15, $0x0, v16  }
0x99: {  	[tilespmem:$0x4470] =	vst v8  }
0x9a: {  	_ =	swait.ge [sflag:s2], $0x4000  }
0x9b: {  	[sflag:s2] =	ssyncset.done $0x0  }
0x9c: {  	s17 =	simm.s32 $0x440;
	[sflag:s2] =	ssyncadd.s32 $0xFFFFC000  }
0x9d: {  	v21 =	vld [tilespmem:s17+$0xFFFFFFC0]  }
0x9e: {  	s18 =	simm.s32 $0x0;
	v23 =	vld [tilespmem:s17+$0xFFFFFFD0]  }
0x9f: {  	v16 =	vmov s18;
	v22 =	vld [tilespmem:s17+$0xFFFFFFE0]  }
0xa0: {  	v17 =	vperm.xlane v15, v16;
	v19 =	vld [tilespmem:s17+$0x0]  }
0xa1: {  	v20 =	vld [tilespmem:s17+$0x10]  }
0xa2: {  	v18 =	vld [tilespmem:s17+$0x20];
	v24 =	vmul.f32 v21, v17  }
0xa3: {  	s19 =	simm.s32 $0x440;
	s18 =	simm.s32 $0x1;
	v23 =	vmul.f32 v23, v17;
	v21 =	vld [tilespmem:s17+$0x30]  }
.LBB2_6:
0xa4: {  	p0 =	sne.s32 s18, $0xF;
	[tilespmem:s17+$0xFFFFFFC0] =	vst v24;
	v22 =	vmul.f32 v22, v17;
	v24 =	vld [tilespmem:s17+$0xFFFFFFF0];
	s19 =	sadd.s32 $0x80, s19  }
0xa5: {  	v25 =	vld [tilespmem:s19+$0xFFFFFFC0];
	[tilespmem:s17+$0xFFFFFFD0] =	vst v23;
	v19 =	vmul.f32 v19, v17  }
0xa6: {  	v23 =	vld [tilespmem:s19+$0xFFFFFFD0];
	[tilespmem:s17+$0xFFFFFFE0] =	vst v22;
	v20 =	vmul.f32 v20, v17  }
.Ltmp1:
0xa7: {  	v26 =	vmov s18;
	v22 =	vld [tilespmem:s19+$0xFFFFFFE0];
	[tilespmem:s17+$0x0] =	vst v19;
	v18 =	vmul.f32 v18, v17;
	(pc) =	sbr.rel @p0 .LBB2_6-.Ltmp1, $4  }
0xa8: {  	v26 =	vperm.xlane v15, v26;
	v19 =	vld [tilespmem:s19+$0x0];
	[tilespmem:s17+$0x10] =	vst v20;
	v21 =	vmul.f32 v21, v17  }
0xa9: {  	v20 =	vld [tilespmem:s19+$0x10];
	v27 =	vmul.f32 v24, v17;
	[tilespmem:s17+$0x20] =	vst v18  }
0xaa: {  	v17 =	vmov v26;
	v24 =	vmul.f32 v25, v26;
	v18 =	vld [tilespmem:s19+$0x20];
	[tilespmem:s17+$0x30] =	vst v21  }
0xab: {  	s18 =	sadd.s32 $0x1, s18;
	v23 =	vmul.f32 v23, v17;
	v21 =	vld [tilespmem:s19+$0x30];
	[tilespmem:s17+$0xFFFFFFF0] =	vst v27;
	s17 =	smov.u32 s19  }
0xac: {  	[tilespmem:s17+$0xFFFFFFC0] =	vst v24;
	v15 =	vmul.f32 v22, v17;
	v22 =	vld [tilespmem:s17+$0xFFFFFFF0]  }
0xad: {  	[tilespmem:s17+$0xFFFFFFD0] =	vst v23;
	v19 =	vmul.f32 v19, v17  }
0xae: {  	[tilespmem:s17+$0xFFFFFFE0] =	vst v15;
	v15 =	vmul.f32 v20, v17  }
0xaf: {  	[tilespmem:s17+$0x0] =	vst v19;
	v18 =	vmul.f32 v18, v17  }
0xb0: {  	[tilespmem:s17+$0x10] =	vst v15;
	v15 =	vmul.f32 v21, v17  }
0xb1: {  	v17 =	vmul.f32 v22, v17;
	[tilespmem:s17+$0x20] =	vst v18  }
0xb2: {  	[tilespmem:s17+$0x30] =	vst v15  }
0xb3: {  	[tilespmem:s17+$0xFFFFFFF0] =	vst v17;
	s17 =	simm.s32 $0xC70  }
0xb4: {  	v19 =	vld [tilespmem:s17+$0xFFFFFF90]  }
0xb5: {  	v21 =	vld [tilespmem:s17+$0xFFFFFFA0]  }
0xb6: {  	v20 =	vld [tilespmem:s17+$0xFFFFFFB0]  }
0xb7: {  	v15 =	vperm.xlane v14, v16;
	v17 =	vld [tilespmem:s17+$0xFFFFFFC0]  }
0xb8: {  	v18 =	vld [tilespmem:s17+$0xFFFFFFD0]  }
0xb9: {  	v16 =	vld [tilespmem:s17+$0xFFFFFFE0];
	v22 =	vmul.f32 v19, v15  }
0xba: {  	s18 =	simm.s32 $0x1;
	s19 =	simm.s32 $0xC70;
	v21 =	vmul.f32 v21, v15;
	v19 =	vld [tilespmem:s17+$0x0]  }
.LBB2_8:
0xbb: {  	p0 =	sne.s32 s18, $0xF;
	[tilespmem:s17+$0xFFFFFF90] =	vst v22;
	v20 =	vmul.f32 v20, v15;
	v22 =	vld [tilespmem:s17+$0xFFFFFFF0];
	s19 =	sadd.s32 $0x80, s19  }
0xbc: {  	v23 =	vld [tilespmem:s19+$0xFFFFFF90];
	[tilespmem:s17+$0xFFFFFFA0] =	vst v21;
	v17 =	vmul.f32 v17, v15  }
0xbd: {  	v21 =	vld [tilespmem:s19+$0xFFFFFFA0];
	[tilespmem:s17+$0xFFFFFFB0] =	vst v20;
	v18 =	vmul.f32 v18, v15  }
.Ltmp2:
0xbe: {  	v24 =	vmov s18;
	v20 =	vld [tilespmem:s19+$0xFFFFFFB0];
	[tilespmem:s17+$0xFFFFFFC0] =	vst v17;
	v16 =	vmul.f32 v16, v15;
	(pc) =	sbr.rel @p0 .LBB2_8-.Ltmp2, $4  }
0xbf: {  	v24 =	vperm.xlane v14, v24;
	v17 =	vld [tilespmem:s19+$0xFFFFFFC0];
	[tilespmem:s17+$0xFFFFFFD0] =	vst v18;
	v19 =	vmul.f32 v19, v15  }
0xc0: {  	v18 =	vld [tilespmem:s19+$0xFFFFFFD0];
	[tilespmem:s17+$0xFFFFFFE0] =	vst v16;
	v25 =	vmul.f32 v22, v15  }
0xc1: {  	v15 =	vmov v24;
	v22 =	vmul.f32 v23, v24;
	v16 =	vld [tilespmem:s19+$0xFFFFFFE0];
	[tilespmem:s17+$0x0] =	vst v19  }
0xc2: {  	s18 =	sadd.s32 $0x1, s18;
	v21 =	vmul.f32 v21, v15;
	v19 =	vld [tilespmem:s19+$0x0];
	[tilespmem:s17+$0xFFFFFFF0] =	vst v25;
	s17 =	smov.u32 s19  }
0xc3: {  	[tilespmem:s17+$0xFFFFFF90] =	vst v22;
	v14 =	vmul.f32 v20, v15;
	v20 =	vld [tilespmem:s17+$0xFFFFFFF0]  }
0xc4: {  	[tilespmem:s17+$0xFFFFFFA0] =	vst v21;
	v17 =	vmul.f32 v17, v15  }
0xc5: {  	[tilespmem:s17+$0xFFFFFFB0] =	vst v14;
	v14 =	vmul.f32 v18, v15  }
0xc6: {  	[tilespmem:s17+$0xFFFFFFC0] =	vst v17;
	v16 =	vmul.f32 v16, v15  }
0xc7: {  	[tilespmem:s17+$0xFFFFFFD0] =	vst v14;
	v14 =	vmul.f32 v19, v15  }
0xc8: {  	[tilespmem:s17+$0xFFFFFFE0] =	vst v16;
	v15 =	vmul.f32 v20, v15  }
0xc9: {  	[tilespmem:s17+$0x0] =	vst v14  }
0xca: {  	[tilespmem:s17+$0xFFFFFFF0] =	vst v15;
	s17 =	simm.s32 $0x1470  }
0xcb: {  	v19 =	vld [tilespmem:s17+$0xFFFFFF90]  }
0xcc: {  	s18 =	simm.s32 $0x0;
	v21 =	vld [tilespmem:s17+$0xFFFFFFA0]  }
0xcd: {  	v14 =	vmov s18;
	v20 =	vld [tilespmem:s17+$0xFFFFFFB0]  }
0xce: {  	v15 =	vperm.xlane v13, v14;
	v17 =	vld [tilespmem:s17+$0xFFFFFFC0]  }
0xcf: {  	v18 =	vld [tilespmem:s17+$0xFFFFFFD0]  }
0xd0: {  	v16 =	vld [tilespmem:s17+$0xFFFFFFE0];
	v22 =	vmul.f32 v19, v15  }
0xd1: {  	s19 =	simm.s32 $0x1470;
	s18 =	simm.s32 $0x1;
	v21 =	vmul.f32 v21, v15;
	v19 =	vld [tilespmem:s17+$0x0]  }
.LBB2_10:
0xd2: {  	p0 =	sne.s32 s18, $0xF;
	[tilespmem:s17+$0xFFFFFF90] =	vst v22;
	v20 =	vmul.f32 v20, v15;
	v22 =	vld [tilespmem:s17+$0xFFFFFFF0];
	s19 =	sadd.s32 $0x80, s19  }
0xd3: {  	v23 =	vld [tilespmem:s19+$0xFFFFFF90];
	[tilespmem:s17+$0xFFFFFFA0] =	vst v21;
	v17 =	vmul.f32 v17, v15  }
0xd4: {  	v21 =	vld [tilespmem:s19+$0xFFFFFFA0];
	[tilespmem:s17+$0xFFFFFFB0] =	vst v20;
	v18 =	vmul.f32 v18, v15  }
.Ltmp3:
0xd5: {  	v24 =	vmov s18;
	v20 =	vld [tilespmem:s19+$0xFFFFFFB0];
	[tilespmem:s17+$0xFFFFFFC0] =	vst v17;
	v16 =	vmul.f32 v16, v15;
	(pc) =	sbr.rel @p0 .LBB2_10-.Ltmp3, $4  }
0xd6: {  	v24 =	vperm.xlane v13, v24;
	v17 =	vld [tilespmem:s19+$0xFFFFFFC0];
	[tilespmem:s17+$0xFFFFFFD0] =	vst v18;
	v19 =	vmul.f32 v19, v15  }
0xd7: {  	v18 =	vld [tilespmem:s19+$0xFFFFFFD0];
	[tilespmem:s17+$0xFFFFFFE0] =	vst v16;
	v25 =	vmul.f32 v22, v15  }
0xd8: {  	v15 =	vmov v24;
	v22 =	vmul.f32 v23, v24;
	v16 =	vld [tilespmem:s19+$0xFFFFFFE0];
	[tilespmem:s17+$0x0] =	vst v19  }
0xd9: {  	s18 =	sadd.s32 $0x1, s18;
	v21 =	vmul.f32 v21, v15;
	v19 =	vld [tilespmem:s19+$0x0];
	[tilespmem:s17+$0xFFFFFFF0] =	vst v25;
	s17 =	smov.u32 s19  }
0xda: {  	[tilespmem:s17+$0xFFFFFF90] =	vst v22;
	v13 =	vmul.f32 v20, v15;
	v20 =	vld [tilespmem:s17+$0xFFFFFFF0]  }
0xdb: {  	[tilespmem:s17+$0xFFFFFFA0] =	vst v21;
	v17 =	vmul.f32 v17, v15  }
0xdc: {  	[tilespmem:s17+$0xFFFFFFB0] =	vst v13;
	v13 =	vmul.f32 v18, v15  }
0xdd: {  	[tilespmem:s17+$0xFFFFFFC0] =	vst v17;
	v16 =	vmul.f32 v16, v15  }
0xde: {  	[tilespmem:s17+$0xFFFFFFD0] =	vst v13;
	v13 =	vmul.f32 v19, v15  }
0xdf: {  	[tilespmem:s17+$0xFFFFFFE0] =	vst v16;
	v15 =	vmul.f32 v20, v15  }
0xe0: {  	[tilespmem:s17+$0x0] =	vst v13  }
0xe1: {  	[tilespmem:s17+$0xFFFFFFF0] =	vst v15;
	s17 =	simm.s32 $0x1C70  }
0xe2: {  	v17 =	vld [tilespmem:s17+$0xFFFFFF90]  }
0xe3: {  	v19 =	vld [tilespmem:s17+$0xFFFFFFA0]  }
0xe4: {  	v18 =	vld [tilespmem:s17+$0xFFFFFFB0]  }
0xe5: {  	v13 =	vperm.xlane v12, v14;
	v15 =	vld [tilespmem:s17+$0xFFFFFFC0]  }
0xe6: {  	v16 =	vld [tilespmem:s17+$0xFFFFFFD0]  }
0xe7: {  	v14 =	vld [tilespmem:s17+$0xFFFFFFE0];
	v20 =	vmul.f32 v17, v13  }
0xe8: {  	s18 =	simm.s32 $0x1;
	s19 =	simm.s32 $0x1C70;
	v19 =	vmul.f32 v19, v13;
	v17 =	vld [tilespmem:s17+$0x0]  }
.LBB2_12:
0xe9: {  	p0 =	sne.s32 s18, $0xF;
	[tilespmem:s17+$0xFFFFFF90] =	vst v20;
	v18 =	vmul.f32 v18, v13;
	v20 =	vld [tilespmem:s17+$0xFFFFFFF0];
	s19 =	sadd.s32 $0x80, s19  }
0xea: {  	v21 =	vld [tilespmem:s19+$0xFFFFFF90];
	[tilespmem:s17+$0xFFFFFFA0] =	vst v19;
	v15 =	vmul.f32 v15, v13  }
0xeb: {  	v19 =	vld [tilespmem:s19+$0xFFFFFFA0];
	[tilespmem:s17+$0xFFFFFFB0] =	vst v18;
	v16 =	vmul.f32 v16, v13  }
.Ltmp4:
0xec: {  	v22 =	vmov s18;
	v18 =	vld [tilespmem:s19+$0xFFFFFFB0];
	[tilespmem:s17+$0xFFFFFFC0] =	vst v15;
	v14 =	vmul.f32 v14, v13;
	(pc) =	sbr.rel @p0 .LBB2_12-.Ltmp4, $4  }
0xed: {  	v22 =	vperm.xlane v12, v22;
	v15 =	vld [tilespmem:s19+$0xFFFFFFC0];
	[tilespmem:s17+$0xFFFFFFD0] =	vst v16;
	v17 =	vmul.f32 v17, v13  }
0xee: {  	v16 =	vld [tilespmem:s19+$0xFFFFFFD0];
	[tilespmem:s17+$0xFFFFFFE0] =	vst v14;
	v23 =	vmul.f32 v20, v13  }
0xef: {  	v13 =	vmov v22;
	v20 =	vmul.f32 v21, v22;
	v14 =	vld [tilespmem:s19+$0xFFFFFFE0];
	[tilespmem:s17+$0x0] =	vst v17  }
0xf0: {  	s18 =	sadd.s32 $0x1, s18;
	v19 =	vmul.f32 v19, v13;
	v17 =	vld [tilespmem:s19+$0x0];
	[tilespmem:s17+$0xFFFFFFF0] =	vst v23;
	s17 =	smov.u32 s19  }
0xf1: {  	[tilespmem:s17+$0xFFFFFF90] =	vst v20;
	v12 =	vmul.f32 v18, v13;
	v18 =	vld [tilespmem:s17+$0xFFFFFFF0]  }
0xf2: {  	[tilespmem:s17+$0xFFFFFFA0] =	vst v19;
	v15 =	vmul.f32 v15, v13  }
0xf3: {  	[tilespmem:s17+$0xFFFFFFB0] =	vst v12;
	v12 =	vmul.f32 v16, v13  }
0xf4: {  	[tilespmem:s17+$0xFFFFFFC0] =	vst v15;
	v14 =	vmul.f32 v14, v13  }
0xf5: {  	[tilespmem:s17+$0xFFFFFFD0] =	vst v12;
	v12 =	vmul.f32 v17, v13  }
0xf6: {  	[tilespmem:s17+$0xFFFFFFE0] =	vst v14;
	v13 =	vmul.f32 v18, v13  }
0xf7: {  	[tilespmem:s17+$0x0] =	vst v12  }
0xf8: {  	[tilespmem:s17+$0xFFFFFFF0] =	vst v13;
	s17 =	simm.s32 $0x2470  }
0xf9: {  	v17 =	vld [tilespmem:s17+$0xFFFFFF90]  }
0xfa: {  	s18 =	simm.s32 $0x0;
	v19 =	vld [tilespmem:s17+$0xFFFFFFA0]  }
0xfb: {  	v12 =	vmov s18;
	v18 =	vld [tilespmem:s17+$0xFFFFFFB0]  }
0xfc: {  	v13 =	vperm.xlane v11, v12;
	v15 =	vld [tilespmem:s17+$0xFFFFFFC0]  }
0xfd: {  	v16 =	vld [tilespmem:s17+$0xFFFFFFD0]  }
0xfe: {  	v14 =	vld [tilespmem:s17+$0xFFFFFFE0];
	v20 =	vmul.f32 v17, v13  }
0xff: {  	s19 =	simm.s32 $0x2470;
	s18 =	simm.s32 $0x1;
	v19 =	vmul.f32 v19, v13;
	v17 =	vld [tilespmem:s17+$0x0]  }
.LBB2_14:
0x100: {  	p0 =	sne.s32 s18, $0xF;
	[tilespmem:s17+$0xFFFFFF90] =	vst v20;
	v18 =	vmul.f32 v18, v13;
	v20 =	vld [tilespmem:s17+$0xFFFFFFF0];
	s19 =	sadd.s32 $0x80, s19  }
0x101: {  	v21 =	vld [tilespmem:s19+$0xFFFFFF90];
	[tilespmem:s17+$0xFFFFFFA0] =	vst v19;
	v15 =	vmul.f32 v15, v13  }
0x102: {  	v19 =	vld [tilespmem:s19+$0xFFFFFFA0];
	[tilespmem:s17+$0xFFFFFFB0] =	vst v18;
	v16 =	vmul.f32 v16, v13  }
.Ltmp5:
0x103: {  	v22 =	vmov s18;
	v18 =	vld [tilespmem:s19+$0xFFFFFFB0];
	[tilespmem:s17+$0xFFFFFFC0] =	vst v15;
	v14 =	vmul.f32 v14, v13;
	(pc) =	sbr.rel @p0 .LBB2_14-.Ltmp5, $4  }
0x104: {  	v22 =	vperm.xlane v11, v22;
	v15 =	vld [tilespmem:s19+$0xFFFFFFC0];
	[tilespmem:s17+$0xFFFFFFD0] =	vst v16;
	v17 =	vmul.f32 v17, v13  }
0x105: {  	v16 =	vld [tilespmem:s19+$0xFFFFFFD0];
	[tilespmem:s17+$0xFFFFFFE0] =	vst v14;
	v23 =	vmul.f32 v20, v13  }
0x106: {  	v13 =	vmov v22;
	v20 =	vmul.f32 v21, v22;
	v14 =	vld [tilespmem:s19+$0xFFFFFFE0];
	[tilespmem:s17+$0x0] =	vst v17  }
0x107: {  	s18 =	sadd.s32 $0x1, s18;
	v19 =	vmul.f32 v19, v13;
	v17 =	vld [tilespmem:s19+$0x0];
	[tilespmem:s17+$0xFFFFFFF0] =	vst v23;
	s17 =	smov.u32 s19  }
0x108: {  	[tilespmem:s17+$0xFFFFFF90] =	vst v20;
	v11 =	vmul.f32 v18, v13;
	v18 =	vld [tilespmem:s17+$0xFFFFFFF0]  }
0x109: {  	[tilespmem:s17+$0xFFFFFFA0] =	vst v19;
	v15 =	vmul.f32 v15, v13  }
0x10a: {  	[tilespmem:s17+$0xFFFFFFB0] =	vst v11;
	v11 =	vmul.f32 v16, v13  }
0x10b: {  	[tilespmem:s17+$0xFFFFFFC0] =	vst v15;
	v14 =	vmul.f32 v14, v13  }
0x10c: {  	[tilespmem:s17+$0xFFFFFFD0] =	vst v11;
	v11 =	vmul.f32 v17, v13  }
0x10d: {  	[tilespmem:s17+$0xFFFFFFE0] =	vst v14;
	v13 =	vmul.f32 v18, v13  }
0x10e: {  	[tilespmem:s17+$0x0] =	vst v11  }
0x10f: {  	[tilespmem:s17+$0xFFFFFFF0] =	vst v13;
	s17 =	simm.s32 $0x2C70  }
0x110: {  	v15 =	vld [tilespmem:s17+$0xFFFFFF90]  }
0x111: {  	v17 =	vld [tilespmem:s17+$0xFFFFFFA0]  }
0x112: {  	v16 =	vld [tilespmem:s17+$0xFFFFFFB0]  }
0x113: {  	v11 =	vperm.xlane v10, v12;
	v13 =	vld [tilespmem:s17+$0xFFFFFFC0]  }
0x114: {  	v14 =	vld [tilespmem:s17+$0xFFFFFFD0]  }
0x115: {  	v12 =	vld [tilespmem:s17+$0xFFFFFFE0];
	v18 =	vmul.f32 v15, v11  }
0x116: {  	s18 =	simm.s32 $0x1;
	s19 =	simm.s32 $0x2C70;
	v17 =	vmul.f32 v17, v11;
	v15 =	vld [tilespmem:s17+$0x0]  }
.LBB2_16:
0x117: {  	p0 =	sne.s32 s18, $0xF;
	[tilespmem:s17+$0xFFFFFF90] =	vst v18;
	v16 =	vmul.f32 v16, v11;
	v18 =	vld [tilespmem:s17+$0xFFFFFFF0];
	s19 =	sadd.s32 $0x80, s19  }
0x118: {  	v19 =	vld [tilespmem:s19+$0xFFFFFF90];
	[tilespmem:s17+$0xFFFFFFA0] =	vst v17;
	v13 =	vmul.f32 v13, v11  }
0x119: {  	v17 =	vld [tilespmem:s19+$0xFFFFFFA0];
	[tilespmem:s17+$0xFFFFFFB0] =	vst v16;
	v14 =	vmul.f32 v14, v11  }
.Ltmp6:
0x11a: {  	v20 =	vmov s18;
	v16 =	vld [tilespmem:s19+$0xFFFFFFB0];
	[tilespmem:s17+$0xFFFFFFC0] =	vst v13;
	v12 =	vmul.f32 v12, v11;
	(pc) =	sbr.rel @p0 .LBB2_16-.Ltmp6, $4  }
0x11b: {  	v20 =	vperm.xlane v10, v20;
	v13 =	vld [tilespmem:s19+$0xFFFFFFC0];
	[tilespmem:s17+$0xFFFFFFD0] =	vst v14;
	v15 =	vmul.f32 v15, v11  }
0x11c: {  	v14 =	vld [tilespmem:s19+$0xFFFFFFD0];
	[tilespmem:s17+$0xFFFFFFE0] =	vst v12;
	v21 =	vmul.f32 v18, v11  }
0x11d: {  	v11 =	vmov v20;
	v18 =	vmul.f32 v19, v20;
	v12 =	vld [tilespmem:s19+$0xFFFFFFE0];
	[tilespmem:s17+$0x0] =	vst v15  }
0x11e: {  	s18 =	sadd.s32 $0x1, s18;
	v17 =	vmul.f32 v17, v11;
	v15 =	vld [tilespmem:s19+$0x0];
	[tilespmem:s17+$0xFFFFFFF0] =	vst v21;
	s17 =	smov.u32 s19  }
0x11f: {  	[tilespmem:s17+$0xFFFFFF90] =	vst v18;
	v10 =	vmul.f32 v16, v11;
	v16 =	vld [tilespmem:s17+$0xFFFFFFF0]  }
0x120: {  	[tilespmem:s17+$0xFFFFFFA0] =	vst v17;
	v13 =	vmul.f32 v13, v11  }
0x121: {  	[tilespmem:s17+$0xFFFFFFB0] =	vst v10;
	v10 =	vmul.f32 v14, v11  }
0x122: {  	[tilespmem:s17+$0xFFFFFFC0] =	vst v13;
	v12 =	vmul.f32 v12, v11  }
0x123: {  	[tilespmem:s17+$0xFFFFFFD0] =	vst v10;
	v10 =	vmul.f32 v15, v11  }
0x124: {  	[tilespmem:s17+$0xFFFFFFE0] =	vst v12;
	v11 =	vmul.f32 v16, v11  }
0x125: {  	[tilespmem:s17+$0x0] =	vst v10  }
0x126: {  	[tilespmem:s17+$0xFFFFFFF0] =	vst v11;
	s17 =	simm.s32 $0x3470  }
0x127: {  	v15 =	vld [tilespmem:s17+$0xFFFFFF90]  }
0x128: {  	s18 =	simm.s32 $0x0;
	v17 =	vld [tilespmem:s17+$0xFFFFFFA0]  }
0x129: {  	v10 =	vmov s18;
	v16 =	vld [tilespmem:s17+$0xFFFFFFB0]  }
0x12a: {  	v11 =	vperm.xlane v9, v10;
	v13 =	vld [tilespmem:s17+$0xFFFFFFC0]  }
0x12b: {  	v14 =	vld [tilespmem:s17+$0xFFFFFFD0]  }
0x12c: {  	v12 =	vld [tilespmem:s17+$0xFFFFFFE0];
	v18 =	vmul.f32 v15, v11  }
0x12d: {  	s19 =	simm.s32 $0x3470;
	s18 =	simm.s32 $0x1;
	v17 =	vmul.f32 v17, v11;
	v15 =	vld [tilespmem:s17+$0x0]  }
.LBB2_18:
0x12e: {  	p0 =	sne.s32 s18, $0xF;
	[tilespmem:s17+$0xFFFFFF90] =	vst v18;
	v16 =	vmul.f32 v16, v11;
	v18 =	vld [tilespmem:s17+$0xFFFFFFF0];
	s19 =	sadd.s32 $0x80, s19  }
0x12f: {  	v19 =	vld [tilespmem:s19+$0xFFFFFF90];
	[tilespmem:s17+$0xFFFFFFA0] =	vst v17;
	v13 =	vmul.f32 v13, v11  }
0x130: {  	v17 =	vld [tilespmem:s19+$0xFFFFFFA0];
	[tilespmem:s17+$0xFFFFFFB0] =	vst v16;
	v14 =	vmul.f32 v14, v11  }
.Ltmp7:
0x131: {  	v20 =	vmov s18;
	v16 =	vld [tilespmem:s19+$0xFFFFFFB0];
	[tilespmem:s17+$0xFFFFFFC0] =	vst v13;
	v12 =	vmul.f32 v12, v11;
	(pc) =	sbr.rel @p0 .LBB2_18-.Ltmp7, $4  }
0x132: {  	v20 =	vperm.xlane v9, v20;
	v13 =	vld [tilespmem:s19+$0xFFFFFFC0];
	[tilespmem:s17+$0xFFFFFFD0] =	vst v14;
	v15 =	vmul.f32 v15, v11  }
0x133: {  	v14 =	vld [tilespmem:s19+$0xFFFFFFD0];
	[tilespmem:s17+$0xFFFFFFE0] =	vst v12;
	v21 =	vmul.f32 v18, v11  }
0x134: {  	v11 =	vmov v20;
	v18 =	vmul.f32 v19, v20;
	v12 =	vld [tilespmem:s19+$0xFFFFFFE0];
	[tilespmem:s17+$0x0] =	vst v15  }
0x135: {  	s18 =	sadd.s32 $0x1, s18;
	v17 =	vmul.f32 v17, v11;
	v15 =	vld [tilespmem:s19+$0x0];
	[tilespmem:s17+$0xFFFFFFF0] =	vst v21;
	s17 =	smov.u32 s19  }
0x136: {  	[tilespmem:s17+$0xFFFFFF90] =	vst v18;
	v9 =	vmul.f32 v16, v11;
	v16 =	vld [tilespmem:s17+$0xFFFFFFF0]  }
0x137: {  	[tilespmem:s17+$0xFFFFFFA0] =	vst v17;
	v13 =	vmul.f32 v13, v11  }
0x138: {  	[tilespmem:s17+$0xFFFFFFB0] =	vst v9;
	v9 =	vmul.f32 v14, v11  }
0x139: {  	[tilespmem:s17+$0xFFFFFFC0] =	vst v13;
	v12 =	vmul.f32 v12, v11  }
0x13a: {  	[tilespmem:s17+$0xFFFFFFD0] =	vst v9;
	v9 =	vmul.f32 v15, v11  }
0x13b: {  	[tilespmem:s17+$0xFFFFFFE0] =	vst v12;
	v11 =	vmul.f32 v16, v11  }
0x13c: {  	[tilespmem:s17+$0x0] =	vst v9  }
0x13d: {  	[tilespmem:s17+$0xFFFFFFF0] =	vst v11;
	s17 =	simm.s32 $0x3C70  }
0x13e: {  	v13 =	vld [tilespmem:s17+$0xFFFFFF90]  }
0x13f: {  	v15 =	vld [tilespmem:s17+$0xFFFFFFA0]  }
0x140: {  	v14 =	vld [tilespmem:s17+$0xFFFFFFB0]  }
0x141: {  	v9 =	vperm.xlane v8, v10;
	v11 =	vld [tilespmem:s17+$0xFFFFFFC0]  }
0x142: {  	v12 =	vld [tilespmem:s17+$0xFFFFFFD0]  }
0x143: {  	v10 =	vld [tilespmem:s17+$0xFFFFFFE0];
	v16 =	vmul.f32 v13, v9  }
0x144: {  	s18 =	simm.s32 $0x1;
	s19 =	simm.s32 $0x3C70;
	v15 =	vmul.f32 v15, v9;
	v13 =	vld [tilespmem:s17+$0x0]  }
.LBB2_20:
0x145: {  	p0 =	sne.s32 s18, $0xF;
	[tilespmem:s17+$0xFFFFFF90] =	vst v16;
	v14 =	vmul.f32 v14, v9;
	v16 =	vld [tilespmem:s17+$0xFFFFFFF0];
	s19 =	sadd.s32 $0x80, s19  }
0x146: {  	v17 =	vld [tilespmem:s19+$0xFFFFFF90];
	[tilespmem:s17+$0xFFFFFFA0] =	vst v15;
	v11 =	vmul.f32 v11, v9  }
0x147: {  	v15 =	vld [tilespmem:s19+$0xFFFFFFA0];
	[tilespmem:s17+$0xFFFFFFB0] =	vst v14;
	v12 =	vmul.f32 v12, v9  }
.Ltmp8:
0x148: {  	v18 =	vmov s18;
	v14 =	vld [tilespmem:s19+$0xFFFFFFB0];
	[tilespmem:s17+$0xFFFFFFC0] =	vst v11;
	v10 =	vmul.f32 v10, v9;
	(pc) =	sbr.rel @p0 .LBB2_20-.Ltmp8, $4  }
0x149: {  	v18 =	vperm.xlane v8, v18;
	v11 =	vld [tilespmem:s19+$0xFFFFFFC0];
	[tilespmem:s17+$0xFFFFFFD0] =	vst v12;
	v13 =	vmul.f32 v13, v9  }
0x14a: {  	v12 =	vld [tilespmem:s19+$0xFFFFFFD0];
	[tilespmem:s17+$0xFFFFFFE0] =	vst v10;
	v19 =	vmul.f32 v16, v9  }
0x14b: {  	v9 =	vmov v18;
	v16 =	vmul.f32 v17, v18;
	v10 =	vld [tilespmem:s19+$0xFFFFFFE0];
	[tilespmem:s17+$0x0] =	vst v13  }
0x14c: {  	s18 =	sadd.s32 $0x1, s18;
	v15 =	vmul.f32 v15, v9;
	v13 =	vld [tilespmem:s19+$0x0];
	[tilespmem:s17+$0xFFFFFFF0] =	vst v19;
	s17 =	smov.u32 s19  }
0x14d: {  	[tilespmem:s17+$0xFFFFFF90] =	vst v16;
	v8 =	vmul.f32 v14, v9;
	v62 =	vld [tilespmem:s17+$0xFFFFFFF0]  }
0x14e: {  	[tilespmem:s17+$0xFFFFFFA0] =	vst v15;
	v11 =	vmul.f32 v11, v9  }
0x14f: {  	[tilespmem:s17+$0xFFFFFFB0] =	vst v8;
	v8 =	vmul.f32 v12, v9  }
0x150: {  	[tilespmem:s17+$0xFFFFFFC0] =	vst v11;
	v10 =	vmul.f32 v10, v9  }
0x151: {  	[tilespmem:s17+$0xFFFFFFD0] =	vst v8;
	v8 =	vmul.f32 v13, v9  }
0x152: {  	[tilespmem:s17+$0xFFFFFFE0] =	vst v10;
	v63 =	vmul.f32 v62, v9  }
0x153: {  	[tilespmem:s17+$0x0] =	vst v8  }
0x154: {  	[tilespmem:s17+$0xFFFFFFF0] =	vst v63  }
0x155: {  	[spmem:s3] =	stream.indirect.scatter.add.f32 [tilespmem:s24], [sflag:$0x3], $0x80, s16, s29, $0xb8;
	[tilespmem:$0x18078] =	vst v63  }
0x156: {  	s15 =	sadd.s32 $0x1, s15;
	_ =	swait.ge [sflag:s25], $0x4000  }
0x157: {  	p0 =	sne.s32 s15, $0x4;
	[sflag:s25] =	ssyncset.done $0x0  }
.Ltmp9:
0x158: {  	[sflag:s25] =	ssyncadd.s32 $0xFFFFC000;
	(pc) =	sbr.rel @p0 .LBB2_5-.Ltmp9, $4  }
0x159: {  	[spmem:s4] =	stream.indirect.scatter.add.f32 [tilespmem:s26], [sflag:$0x3], $0x1, s16, s29, $0xb8;
	[tilespmem:$0x18078] =	vst v63  }
0x15a: {  	_ =	swait.ge [sflag:s25], $0x80  }
0x15b: {  	[sflag:s25] =	ssyncset.done $0x0  }
0x15c: {  	[sflag:s25] =	ssyncadd.s32 $0xFFFFFF80  }
0x15d: {  	s12 =	sadd.s32 $0x1, s12  }
0x15e: {  	p0 =	sne.s32 s12, $0x14  }
.Ltmp10:
0x15f: {  	_ = 	snop;
	(pc) =	sbr.rel @p0 .LBB2_4-.Ltmp10, $1  }
0x160: {  	_ =	sdelay $0x3  }
0x161: {  	s11 =	stileid.u32  }
0x162: {  	s11 =	sshll.u32 s11, $0x6  }
0x163: {  	[bflag:$0x0] =	sbarrier.arrive $0xFFFF;
	s12 =	sshrl.u32 s10, $0x3;
	s11 =	sor.u32 $0x1C03, s11  }
0x164: {  	[hbm:s21], [sflag:s11] =	dma.local [spmem:s12], $0x2710  }
0x165: {  	s5 =	sadd.s32 $0x1, s5;
	_ =	swait.ge [sflag:s25], $0x2710  }
0x166: {  	p0 =	sne.s32 s5, s23;
	[sflag:s25] =	ssyncset.done $0x0  }
.Ltmp11:
0x167: {  	s19 =	sshrl.u32 s14, $0x3;
	[sflag:s25] =	ssyncadd.s32 $0xFFFFD8F0;
	(pc) =	sbr.rel @p0 .LBB2_1-.Ltmp11, $4  }
0x168: {  	[hbm:s22], [sflag:s11] =	dma.local [spmem:s19], $0x4F  }
0x169: {  	_ =	swait.ge [sflag:s25], $0x4F  }
0x16a: {  	[sflag:s25] =	ssyncset.done $0x0  }
0x16b: {  	[sflag:s25] =	ssyncadd.s32 $0xFFFFFFB1  }
0x16c: {  	_ =	sfence.sel $0x180000  }
0x16d: {  	[bflag:$0x0] =	sbarrier.arrive $0xFFFF  }
0x16e: {  	_ =	strace $0x90000047  }
0x16f: {  	s0 =	stileid.u32;
	[bflag:$0x2] =	sbarrier.arrive $0xFFFF  }
0x170: {  	p0 =	sne.s32 s0, $0x0;
	s0 =	rddreg [dreg:$0x4]  }
0x171: {  	s0 =	sadd.s32 @!p0 $0x100000, s0  }
0x172: {  	[sflag:s0] =	ssyncadd.tile.s32 @!p0 $0x1;
	_ =	shalt  }
.Lfunc_end2:
_tile_overlayer_lowered:
.L_overlay_start_2:
0x173: {  	(tag) =	ssettag $0x2  }
0x174: {  	s0 =	rddreg [dreg:$0x0];
	s2 =	stileid.u32  }
0x175: {  	s1 =	rddreg [dreg:$0x1];
	p0 =	sne.s32 s2, $0x0  }
0x176: {  	s3 =	rddreg [dreg:$0x2];
	[bflag:$0x3] =	sbarrier.arrive $0xFFFF;
	s2 =	simm.s32 @!p0 $0x1C03  }
0x177: {  	[timem:s3], [sflag:s2] =	dma.local @!p0 [hbm:s0], s1  }
0x178: {  	s0 =	simm.s32 @!p0 $0x3  }
0x179: {  	_ =	swait.ge @!p0 [sflag:s0], s1  }
0x17a: {  	s1 =	ssub.s32 @!p0 $0x0, s1;
	[sflag:s0] =	ssyncset.done @!p0 $0x0  }
0x17b: {  	[sflag:s0] =	ssyncadd.s32 @!p0 s1  }
0x17c: {  	[bflag:$0x3] =	sbarrier.arrive $0xFFFF  }
0x17d: {  	_ =	shalt  }

</sc_bundles>
